<compile_context>
chip_gen: v7x
topology: tpu7x:2x2x1
jax: 0.10.2.dev20260603
libtpu: 0.0.44.dev20260713+nightly
codegen_flags: <defaults>
</compile_context>

<pallas_src>
import numpy as np

import jax
import jax.numpy as jnp
from jax import lax
from jax.experimental import pallas as pl
from jax.experimental.pallas import tpu as pltpu
from jax.experimental.pallas import tpu_sc as plsc

_L = 12
_F = 2
_BASE_RES = 32
_N = 131072
_LOG2_T = 19
_TMAX = 2 ** _LOG2_T
_MASK = _TMAX - 1
_P1 = np.int32(2654435761 - 2 ** 32)
_P2 = np.int32(805459861)

_RESS = [int(_BASE_RES * (2 ** l)) for l in range(_L)]
_SIZES = [min((r + 1) ** 3, _TMAX) for r in _RESS]
_OFFS = [0]
for _s in _SIZES:
    _OFFS.append(_OFFS[-1] + _s)
_TOTAL = _OFFS[_L]
_N_DENSE = 2

_NC = 2
_NS = 16
_NW = _NC * _NS
_PTS_PER_W = _N // _NW
_CHUNKS = _PTS_PER_W // 16
_NSLOT = 4 * _L
_COLS = 4 * _L * _F


def _splat(s):
    return jnp.broadcast_to(jnp.asarray(s, jnp.int32), (16,))


def _corner_vectors(u0, u1, u2, resf):
    pis = []
    fr = []
    for u in (u0, u1, u2):
        pos = u * resf
        pi = pos.astype(jnp.int32)
        pis.append(pi)
        fr.append(pos - pi.astype(jnp.float32))
    return pis, fr


def _weights8(fr):
    f0, f1, f2 = fr
    g0 = 1.0 - f0
    g1 = 1.0 - f1
    g2 = 1.0 - f2
    a = [g1 * g2, f1 * g2, g1 * f2, f1 * f2]
    ws = []
    for c in range(8):
        d0 = (c >> 0) & 1
        d1 = (c >> 1) & 1
        d2 = (c >> 2) & 1
        ws.append((f0 if d0 else g0) * a[d1 + 2 * d2])
    return ws


def _body(xyzt_hbm, t0, t1, t2, t3, out_hbm,
          xyzt_v, ibuf, wbuf, rows, obuf, sem):
    tables = (t0, t1, t2, t3)
    wid = lax.axis_index("s") * _NC + lax.axis_index("c")
    base = wid * _PTS_PER_W

    pltpu.sync_copy(xyzt_hbm.at[pl.ds(base * 4, _PTS_PER_W * 4)], xyzt_v)

    lanes = lax.iota(jnp.int32, 16)
    lanes4 = lanes * 4
    lanes96 = lanes * _COLS

    _HALF = _NSLOT * 128

    def chunk_body(g, carry):
        row0 = g * 16
        pbase = lanes4 + row0 * 4
        xv = plsc.load_gather(xyzt_v, [pbase])
        yv = plsc.load_gather(xyzt_v, [pbase + 1])
        zv = plsc.load_gather(xyzt_v, [pbase + 2])
        tv = plsc.load_gather(xyzt_v, [pbase + 3])
        ts = (tv * 2.0 - 1.0) * 0.9
        ux = (xv + 1.0) * 0.5
        uy = (yv + 1.0) * 0.5
        uz = (zv + 1.0) * 0.5
        ut = (ts + 1.0) * 0.5

        plane_coords = ((ux, uy, uz), (ux, uy, ut), (uy, uz, ut), (ux, uz, ut))

        def emit(s, widx_list, w_list):
            ib = _splat(s * 128) + lanes
            for c in range(8):
                plsc.store_scatter(ibuf, [ib + (c * 16)], widx_list[c])
                plsc.store_scatter(ibuf, [ib + (c * 16 + _HALF)],
                                   widx_list[c] + 1)
                plsc.store_scatter(wbuf, [ib + (c * 16)], w_list[c])

        for p in range(4):
            u0, u1, u2 = plane_coords[p]
            table = tables[p]
            for l in range(_N_DENSE):
                res = _RESS[l]
                r1 = res + 1
                pis, fr = _corner_vectors(u0, u1, u2, float(res))
                bidx = (pis[0] + pis[1] * r1 + pis[2] * (r1 * r1)
                        + _OFFS[l]) * 2
                idxs = []
                for c in range(8):
                    d0 = (c >> 0) & 1
                    d1 = (c >> 1) & 1
                    d2 = (c >> 2) & 1
                    idxs.append(bidx + 2 * (d0 + d1 * r1 + d2 * r1 * r1))
                s = p * _L + l
                emit(s, idxs, _weights8(fr))

            def hbody(l, c2, p=p, u0=u0, u1=u1, u2=u2, table=table):
                res = lax.shift_left(jnp.int32(_BASE_RES), l)
                resf = res.astype(jnp.float32)
                pis, fr = _corner_vectors(u0, u1, u2, resf)
                k1 = pis[1] * _P1
                k2 = pis[2] * _P2
                off2 = 2 * (l * _TMAX + np.int32(_OFFS[2] - 2 * _TMAX))
                idxs = []
                for c in range(8):
                    d0 = (c >> 0) & 1
                    d1 = (c >> 1) & 1
                    d2 = (c >> 2) & 1
                    h0 = pis[0] + d0 if d0 else pis[0]
                    h1 = k1 + _P1 if d1 else k1
                    h2 = k2 + _P2 if d2 else k2
                    h = lax.bitwise_xor(lax.bitwise_xor(h0, h1), h2)
                    m = lax.bitwise_and(h, jnp.int32(_MASK))
                    idxs.append(m * 2 + off2)
                s = p * _L + l
                emit(s, idxs, _weights8(fr))
                return c2

            lax.fori_loop(_N_DENSE, _L, hbody, 0)

        _Q = 12 * 128
        for p in range(4):
            for h in range(2):
                o = h * _HALF + p * _Q
                pltpu.async_copy(tables[p].at[ibuf.at[pl.ds(o, _Q)]],
                                 rows.at[pl.ds(o, _Q)], sem)

        _Q2 = 12 * 128
        def dbody(i, c2):
            pltpu.make_async_copy(t0.at[ibuf.at[pl.ds(0, _Q2)]],
                                  rows.at[pl.ds(0, _Q2)], sem).wait()
            return c2

        lax.fori_loop(0, 8, dbody, 0)

        def abody(s, c2):
            rb = _splat(s * 128) + lanes
            acc0 = jnp.zeros((16,), jnp.float32)
            acc1 = jnp.zeros((16,), jnp.float32)
            for c in range(8):
                w = plsc.load_gather(wbuf, [rb + (c * 16)])
                f0 = plsc.load_gather(rows, [rb + (c * 16)])
                f1 = plsc.load_gather(rows, [rb + (c * 16 + _HALF)])
                acc0 = acc0 + w * f0
                acc1 = acc1 + w * f1
            ob = lanes96 + _splat(s * 2)
            plsc.store_scatter(obuf, [ob], acc0)
            plsc.store_scatter(obuf, [ob + 1], acc1)
            return c2

        lax.fori_loop(0, _NSLOT, abody, 0)

        pltpu.sync_copy(obuf,
                        out_hbm.at[pl.ds((base + row0) * _COLS, 16 * _COLS)])
        return carry

    lax.fori_loop(0, _CHUNKS, chunk_body, 0)


@jax.jit
def _encode(xyzt, t0, t1, t2, t3):
    mesh = plsc.VectorSubcoreMesh(core_axis_name="c", subcore_axis_name="s")
    fn = pl.kernel(
        _body,
        out_type=jax.ShapeDtypeStruct((_N * _COLS,), jnp.float32),
        mesh=mesh,
        compiler_params=pltpu.CompilerParams(needs_layout_passes=False),
        scratch_types=[
            pltpu.VMEM((_PTS_PER_W * 4,), jnp.float32),
            pltpu.VMEM((_NSLOT * 256,), jnp.int32),
            pltpu.VMEM((_NSLOT * 128,), jnp.float32),
            pltpu.VMEM((_NSLOT * 256,), jnp.float32),
            pltpu.VMEM((16 * _COLS,), jnp.float32),
            pltpu.SemaphoreType.DMA,
        ],
    )
    out = fn(xyzt.reshape(-1), t0.reshape(-1), t1.reshape(-1),
             t2.reshape(-1), t3.reshape(-1))
    return out.reshape(_N, _COLS)


def kernel(xyzt, xyz_table, xyt_table, yzt_table, xzt_table):
    return _encode(xyzt, xyz_table, xyt_table, yzt_table, xzt_table)

# --- scband reference (transcript-rebuilt; emitter-appended) ---
"""Pipeline reference for scband-earth4-d-80221399154779 (READ-ONLY COPY).

The authoritative reference and input builder live on the scoring server;
editing this copy changes nothing except your own understanding.
"""

import jax, jax.numpy as jnp
import numpy as np

L = 12
F = 2
LOG2_T = 19
TMAX = 2 ** LOG2_T
BASE_RES = 32
N = 131072
P1 = 2654435761
P2 = 805459861

def _level_meta():
    sizes = []
    ress = []
    for l in range(L):
        res = int(BASE_RES * (2 ** l))
        dense = (res + 1) ** 3
        sizes.append(min(dense, TMAX))
        ress.append(res)
    offs = np.concatenate([[0], np.cumsum(sizes)]).astype(np.int64)
    return ress, sizes, offs

RESS, SIZES, OFFS = _level_meta()
TOTAL = int(OFFS[-1])

def _hash_encode(x, table):
    # x: [N, 3] in [-1, 1]; map to [0, 1] (size=1.0)
    x01 = (x + 1.0) * 0.5
    n = x.shape[0]
    feats = []
    for l in range(L):
        res = RESS[l]
        size = SIZES[l]
        off = int(OFFS[l])
        pos = x01 * res
        pf = jnp.floor(pos)
        frac = pos - pf
        pi = pf.astype(jnp.int32)
        out = jnp.zeros((n, F), jnp.float32)
        for c in range(8):
            d0 = (c >> 0) & 1
            d1 = (c >> 1) & 1
            d2 = (c >> 2) & 1
            cp0 = pi[:, 0] + d0
            cp1 = pi[:, 1] + d1
            cp2 = pi[:, 2] + d2
            w0 = frac[:, 0] if d0 else 1.0 - frac[:, 0]
            w1 = frac[:, 1] if d1 else 1.0 - frac[:, 1]
            w2 = frac[:, 2] if d2 else 1.0 - frac[:, 2]
            w = (w0 * w1 * w2)[:, None]
            if size == (res + 1) ** 3:
                idx = cp0 + cp1 * (res + 1) + cp2 * (res + 1) * (res + 1)
            else:
                h = (cp0.astype(jnp.uint32) * jnp.uint32(1)) ^ (cp1.astype(jnp.uint32) * jnp.uint32(P1)) ^ (cp2.astype(jnp.uint32) * jnp.uint32(P2))
                idx = (h % jnp.uint32(size)).astype(jnp.int32)
            out = out + w * jnp.take(table, off + idx, axis=0)
        feats.append(out)
    return jnp.concatenate(feats, axis=-1)

def setup_inputs(seed: int = 0):
    key = jax.random.key(seed)
    k0, k1, k2, k3, k4 = jax.random.split(key, 5)
    xyzt = jax.random.uniform(k0, (N, 4), dtype=jnp.float32)
    scale = 1e-4
    xyz_table = jax.random.uniform(k1, (TOTAL, F), dtype=jnp.float32, minval=-1.0, maxval=1.0) * scale
    xyt_table = jax.random.uniform(k2, (TOTAL, F), dtype=jnp.float32, minval=-1.0, maxval=1.0) * scale
    yzt_table = jax.random.uniform(k3, (TOTAL, F), dtype=jnp.float32, minval=-1.0, maxval=1.0) * scale
    xzt_table = jax.random.uniform(k4, (TOTAL, F), dtype=jnp.float32, minval=-1.0, maxval=1.0) * scale
    return {"xyzt": xyzt, "xyz_table": xyz_table, "xyt_table": xyt_table, "yzt_table": yzt_table, "xzt_table": xzt_table}

def reference(xyzt, xyz_table, xyt_table, yzt_table, xzt_table):
    xyz = xyzt[..., :3]
    t_scaled = (xyzt[..., 3:] * 2.0 - 1.0) * 0.9
    spatial = _hash_encode(xyz, xyz_table)
    xyt = jnp.concatenate([xyzt[..., 0:2], t_scaled], axis=-1)
    yzt = jnp.concatenate([xyzt[..., 1:3], t_scaled], axis=-1)
    xzt = jnp.concatenate([xyzt[..., 0:1], xyzt[..., 2:3], t_scaled], axis=-1)
    f_xyt = _hash_encode(xyt, xyt_table)
    f_yzt = _hash_encode(yzt, yzt_table)
    f_xzt = _hash_encode(xzt, xzt_table)
    return jnp.concatenate([spatial, f_xyt, f_yzt, f_xzt], axis=-1)

if __name__ == "__main__":
    import jax
    _d = setup_inputs()
    print(jax.jit(kernel)(*tuple(_d.values())))

</pallas_src>

<mosaic_0001>
#map = affine_map<(d0, d1) -> (0)>
module attributes {stable_mosaic.version = 14 : i64} {
  func.func @_body(%arg0: i32, %arg1: i32, %arg2: memref<524288xf32, #tpu.memory_space<hbm>>, %arg3: memref<11106884xf32, #tpu.memory_space<hbm>>, %arg4: memref<11106884xf32, #tpu.memory_space<hbm>>, %arg5: memref<11106884xf32, #tpu.memory_space<hbm>>, %arg6: memref<11106884xf32, #tpu.memory_space<hbm>>, %arg7: memref<12582912xf32, #tpu.memory_space<hbm>>, %arg8: memref<16384xf32, #tpu.memory_space<vmem>>, %arg9: memref<12288xi32, #tpu.memory_space<vmem>>, %arg10: memref<6144xf32, #tpu.memory_space<vmem>>, %arg11: memref<12288xf32, #tpu.memory_space<vmem>>, %arg12: memref<1536xf32, #tpu.memory_space<vmem>>, %arg13: memref<!tpu.dma_semaphore, #tpu.memory_space<semaphore_mem>>) attributes {dimension_semantics = [#tpu.dimension_semantics<core_parallel>, #tpu.dimension_semantics<subcore_parallel>], iteration_bounds = array<i64: 2, 16>, scalar_prefetch = 0 : i64, scratch_operands = 6 : i64, tpu.core_type = #tpu.core_type<sc_vector_subcore>, window_params = [{transform_indices = #map}, {transform_indices = #map}, {transform_indices = #map}, {transform_indices = #map}, {transform_indices = #map}, {transform_indices = #map}]} {
    %mul3A = arith.constant 2 : i32
    %mul3A_0 = arith.muli %arg1, %mul3A : i32
    %add3A = arith.addi %mul3A_0, %arg0 : i32
    %mul3A_1 = arith.constant 4096 : i32
    %mul3A_2 = arith.muli %add3A, %mul3A_1 : i32
    %mul3A_3 = arith.constant 4 : i32
    %mul3A_4 = arith.muli %mul3A_2, %mul3A_3 : i32
    "tpu.region"() ({
      %run_scoped3A = tpu.sem_alloc : memref<!tpu.dma_semaphore, #tpu.memory_space<semaphore_mem>>
      %dma_start3A = tpu.memref_slice %arg2[%mul3A_4] : memref<524288xf32, #tpu.memory_space<hbm>> -> memref<16384xf32, #tpu.memory_space<hbm>>
      %dma_start3A_16 = tpu.memref_slice %arg2[%mul3A_4] : memref<524288xf32, #tpu.memory_space<hbm>> -> memref<16384xf32, #tpu.memory_space<hbm>>
      tpu.enqueue_dma source(%dma_start3A_16 : memref<16384xf32, #tpu.memory_space<hbm>>) target(%arg8 : memref<16384xf32, #tpu.memory_space<vmem>>) target_semaphore(%run_scoped3A : memref<!tpu.dma_semaphore, #tpu.memory_space<semaphore_mem>>)
      %dma_wait3A = tpu.memref_slice %arg2[%mul3A_4] : memref<524288xf32, #tpu.memory_space<hbm>> -> memref<16384xf32, #tpu.memory_space<hbm>>
      %dma_wait3A_17 = tpu.memref_slice %arg2[%mul3A_4] : memref<524288xf32, #tpu.memory_space<hbm>> -> memref<16384xf32, #tpu.memory_space<hbm>>
      tpu.wait_dma2 semaphore(%run_scoped3A : memref<!tpu.dma_semaphore, #tpu.memory_space<semaphore_mem>>) src(%dma_wait3A_17 : memref<16384xf32, #tpu.memory_space<hbm>>) dst(%arg8 : memref<16384xf32, #tpu.memory_space<vmem>>)
      tpu.yield
    }) : () -> ()
    %iota3A = tpu.iota {dimensions = array<i32: 0>} : vector<16xi32>
    %mul3A_5 = arith.constant 4 : i32
    %mul3A_6 = vector.broadcast %mul3A_5 : i32 to vector<16xi32>
    %mul3A_7 = arith.muli %iota3A, %mul3A_6 : vector<16xi32>
    %mul3A_8 = arith.constant 96 : i32
    %mul3A_9 = vector.broadcast %mul3A_8 : i32 to vector<16xi32>
    %mul3A_10 = arith.muli %iota3A, %mul3A_9 : vector<16xi32>
    %scan3A = arith.constant 0 : i32
    %scan3A_11 = arith.constant 0 : i32
    %scan3A_12 = arith.constant 256 : i32
    %scan3A_13 = arith.addi %scan3A_11, %scan3A_12 : i32
    %scan3A_14 = arith.constant 1 : i32
    scf.for %scan3A_16 = %scan3A_11 to %scan3A_13 step %scan3A_14  : i32 {
      %mul3A_17 = arith.constant 16 : i32
      %mul3A_18 = arith.muli %scan3A_16, %mul3A_17 : i32
      %mul3A_19 = arith.constant 4 : i32
      %mul3A_20 = arith.muli %mul3A_18, %mul3A_19 : i32
      %add3A_21 = vector.broadcast %mul3A_20 : i32 to vector<16xi32>
      %add3A_22 = arith.addi %mul3A_7, %add3A_21 : vector<16xi32>
      %gather3A = tpu.vector_load_idx %arg8[%add3A_22] : memref<16384xf32, #tpu.memory_space<vmem>>[vector<16xi32>], vector<16xf32>,
      %add3A_23 = arith.constant 1 : i32
      %add3A_24 = vector.broadcast %add3A_23 : i32 to vector<16xi32>
      %add3A_25 = arith.addi %add3A_22, %add3A_24 : vector<16xi32>
      %gather3A_26 = tpu.vector_load_idx %arg8[%add3A_25] : memref<16384xf32, #tpu.memory_space<vmem>>[vector<16xi32>], vector<16xf32>,
      %add3A_27 = arith.constant 2 : i32
      %add3A_28 = vector.broadcast %add3A_27 : i32 to vector<16xi32>
      %add3A_29 = arith.addi %add3A_22, %add3A_28 : vector<16xi32>
      %gather3A_30 = tpu.vector_load_idx %arg8[%add3A_29] : memref<16384xf32, #tpu.memory_space<vmem>>[vector<16xi32>], vector<16xf32>,
      %add3A_31 = arith.constant 3 : i32
      %add3A_32 = vector.broadcast %add3A_31 : i32 to vector<16xi32>
      %add3A_33 = arith.addi %add3A_22, %add3A_32 : vector<16xi32>
      %gather3A_34 = tpu.vector_load_idx %arg8[%add3A_33] : memref<16384xf32, #tpu.memory_space<vmem>>[vector<16xi32>], vector<16xf32>,
      %mul3A_35 = arith.constant 2.000000e+00 : f32
      %mul3A_36 = vector.broadcast %mul3A_35 : f32 to vector<16xf32>
      %mul3A_37 = arith.mulf %gather3A_34, %mul3A_36 : vector<16xf32>
      %sub3A = arith.constant 1.000000e+00 : f32
      %sub3A_38 = vector.broadcast %sub3A : f32 to vector<16xf32>
      %sub3A_39 = arith.subf %mul3A_37, %sub3A_38 : vector<16xf32>
      %mul3A_40 = arith.constant 0.899999976 : f32
      %mul3A_41 = vector.broadcast %mul3A_40 : f32 to vector<16xf32>
      %mul3A_42 = arith.mulf %sub3A_39, %mul3A_41 : vector<16xf32>
      %add3A_43 = arith.constant 1.000000e+00 : f32
      %add3A_44 = vector.broadcast %add3A_43 : f32 to vector<16xf32>
      %add3A_45 = arith.addf %gather3A, %add3A_44 : vector<16xf32>
      %mul3A_46 = arith.constant 5.000000e-01 : f32
      %mul3A_47 = vector.broadcast %mul3A_46 : f32 to vector<16xf32>
      %mul3A_48 = arith.mulf %add3A_45, %mul3A_47 : vector<16xf32>
      %add3A_49 = arith.constant 1.000000e+00 : f32
      %add3A_50 = vector.broadcast %add3A_49 : f32 to vector<16xf32>
      %add3A_51 = arith.addf %gather3A_26, %add3A_50 : vector<16xf32>
      %mul3A_52 = arith.constant 5.000000e-01 : f32
      %mul3A_53 = vector.broadcast %mul3A_52 : f32 to vector<16xf32>
      %mul3A_54 = arith.mulf %add3A_51, %mul3A_53 : vector<16xf32>
      %add3A_55 = arith.constant 1.000000e+00 : f32
      %add3A_56 = vector.broadcast %add3A_55 : f32 to vector<16xf32>
      %add3A_57 = arith.addf %gather3A_30, %add3A_56 : vector<16xf32>
      %mul3A_58 = arith.constant 5.000000e-01 : f32
      %mul3A_59 = vector.broadcast %mul3A_58 : f32 to vector<16xf32>
      %mul3A_60 = arith.mulf %add3A_57, %mul3A_59 : vector<16xf32>
      %add3A_61 = arith.constant 1.000000e+00 : f32
      %add3A_62 = vector.broadcast %add3A_61 : f32 to vector<16xf32>
      %add3A_63 = arith.addf %mul3A_42, %add3A_62 : vector<16xf32>
      %mul3A_64 = arith.constant 5.000000e-01 : f32
      %mul3A_65 = vector.broadcast %mul3A_64 : f32 to vector<16xf32>
      %mul3A_66 = arith.mulf %add3A_63, %mul3A_65 : vector<16xf32>
      %mul3A_67 = arith.constant 3.200000e+01 : f32
      %mul3A_68 = vector.broadcast %mul3A_67 : f32 to vector<16xf32>
      %mul3A_69 = arith.mulf %mul3A_48, %mul3A_68 : vector<16xf32>
      %convert_element_type3A = arith.fptosi %mul3A_69 : vector<16xf32> to vector<16xi32>
      %convert_element_type3A_70 = arith.sitofp %convert_element_type3A : vector<16xi32> to vector<16xf32>
      %sub3A_71 = arith.subf %mul3A_69, %convert_element_type3A_70 : vector<16xf32>
      %mul3A_72 = arith.constant 3.200000e+01 : f32
      %mul3A_73 = vector.broadcast %mul3A_72 : f32 to vector<16xf32>
      %mul3A_74 = arith.mulf %mul3A_54, %mul3A_73 : vector<16xf32>
      %convert_element_type3A_75 = arith.fptosi %mul3A_74 : vector<16xf32> to vector<16xi32>
      %convert_element_type3A_76 = arith.sitofp %convert_element_type3A_75 : vector<16xi32> to vector<16xf32>
      %sub3A_77 = arith.subf %mul3A_74, %convert_element_type3A_76 : vector<16xf32>
      %mul3A_78 = arith.constant 3.200000e+01 : f32
      %mul3A_79 = vector.broadcast %mul3A_78 : f32 to vector<16xf32>
      %mul3A_80 = arith.mulf %mul3A_60, %mul3A_79 : vector<16xf32>
      %convert_element_type3A_81 = arith.fptosi %mul3A_80 : vector<16xf32> to vector<16xi32>
      %convert_element_type3A_82 = arith.sitofp %convert_element_type3A_81 : vector<16xi32> to vector<16xf32>
      %sub3A_83 = arith.subf %mul3A_80, %convert_element_type3A_82 : vector<16xf32>
      %mul3A_84 = arith.constant 33 : i32
      %mul3A_85 = vector.broadcast %mul3A_84 : i32 to vector<16xi32>
      %mul3A_86 = arith.muli %convert_element_type3A_75, %mul3A_85 : vector<16xi32>
      %add3A_87 = arith.addi %convert_element_type3A, %mul3A_86 : vector<16xi32>
      %mul3A_88 = arith.constant 1089 : i32
      %mul3A_89 = vector.broadcast %mul3A_88 : i32 to vector<16xi32>
      %mul3A_90 = arith.muli %convert_element_type3A_81, %mul3A_89 : vector<16xi32>
      %add3A_91 = arith.addi %add3A_87, %mul3A_90 : vector<16xi32>
      %add3A_92 = arith.constant 0 : i32
      %add3A_93 = vector.broadcast %add3A_92 : i32 to vector<16xi32>
      %add3A_94 = arith.addi %add3A_91, %add3A_93 : vector<16xi32>
      %mul3A_95 = arith.constant 2 : i32
      %mul3A_96 = vector.broadcast %mul3A_95 : i32 to vector<16xi32>
      %mul3A_97 = arith.muli %add3A_94, %mul3A_96 : vector<16xi32>
      %add3A_98 = arith.constant 0 : i32
      %add3A_99 = vector.broadcast %add3A_98 : i32 to vector<16xi32>
      %add3A_100 = arith.addi %mul3A_97, %add3A_99 : vector<16xi32>
      %add3A_101 = arith.constant 2 : i32
      %add3A_102 = vector.broadcast %add3A_101 : i32 to vector<16xi32>
      %add3A_103 = arith.addi %mul3A_97, %add3A_102 : vector<16xi32>
      %add3A_104 = arith.constant 66 : i32
      %add3A_105 = vector.broadcast %add3A_104 : i32 to vector<16xi32>
      %add3A_106 = arith.addi %mul3A_97, %add3A_105 : vector<16xi32>
      %add3A_107 = arith.constant 68 : i32
      %add3A_108 = vector.broadcast %add3A_107 : i32 to vector<16xi32>
      %add3A_109 = arith.addi %mul3A_97, %add3A_108 : vector<16xi32>
      %add3A_110 = arith.constant 2178 : i32
      %add3A_111 = vector.broadcast %add3A_110 : i32 to vector<16xi32>
      %add3A_112 = arith.addi %mul3A_97, %add3A_111 : vector<16xi32>
      %add3A_113 = arith.constant 2180 : i32
      %add3A_114 = vector.broadcast %add3A_113 : i32 to vector<16xi32>
      %add3A_115 = arith.addi %mul3A_97, %add3A_114 : vector<16xi32>
      %add3A_116 = arith.constant 2244 : i32
      %add3A_117 = vector.broadcast %add3A_116 : i32 to vector<16xi32>
      %add3A_118 = arith.addi %mul3A_97, %add3A_117 : vector<16xi32>
      %add3A_119 = arith.constant 2246 : i32
      %add3A_120 = vector.broadcast %add3A_119 : i32 to vector<16xi32>
      %add3A_121 = arith.addi %mul3A_97, %add3A_120 : vector<16xi32>
      %sub3A_122 = arith.constant 1.000000e+00 : f32
      %sub3A_123 = vector.broadcast %sub3A_122 : f32 to vector<16xf32>
      %sub3A_124 = arith.subf %sub3A_123, %sub3A_71 : vector<16xf32>
      %sub3A_125 = arith.constant 1.000000e+00 : f32
      %sub3A_126 = vector.broadcast %sub3A_125 : f32 to vector<16xf32>
      %sub3A_127 = arith.subf %sub3A_126, %sub3A_77 : vector<16xf32>
      %sub3A_128 = arith.constant 1.000000e+00 : f32
      %sub3A_129 = vector.broadcast %sub3A_128 : f32 to vector<16xf32>
      %sub3A_130 = arith.subf %sub3A_129, %sub3A_83 : vector<16xf32>
      %mul3A_131 = arith.mulf %sub3A_127, %sub3A_130 : vector<16xf32>
      %mul3A_132 = arith.mulf %sub3A_77, %sub3A_130 : vector<16xf32>
      %mul3A_133 = arith.mulf %sub3A_127, %sub3A_83 : vector<16xf32>
      %mul3A_134 = arith.mulf %sub3A_77, %sub3A_83 : vector<16xf32>
      %mul3A_135 = arith.mulf %sub3A_124, %mul3A_131 : vector<16xf32>
      %mul3A_136 = arith.mulf %sub3A_71, %mul3A_131 : vector<16xf32>
      %mul3A_137 = arith.mulf %sub3A_124, %mul3A_132 : vector<16xf32>
      %mul3A_138 = arith.mulf %sub3A_71, %mul3A_132 : vector<16xf32>
      %mul3A_139 = arith.mulf %sub3A_124, %mul3A_133 : vector<16xf32>
      %mul3A_140 = arith.mulf %sub3A_71, %mul3A_133 : vector<16xf32>
      %mul3A_141 = arith.mulf %sub3A_124, %mul3A_134 : vector<16xf32>
      %mul3A_142 = arith.mulf %sub3A_71, %mul3A_134 : vector<16xf32>
      %broadcast_in_dim3A = arith.constant 0 : i32
      %broadcast_in_dim3A_143 = vector.broadcast %broadcast_in_dim3A : i32 to vector<16xi32>
      %add3A_144 = arith.addi %broadcast_in_dim3A_143, %iota3A : vector<16xi32>
      %add3A_145 = arith.constant 0 : i32
      %add3A_146 = vector.broadcast %add3A_145 : i32 to vector<16xi32>
      %add3A_147 = arith.addi %add3A_144, %add3A_146 : vector<16xi32>
      tpu.vector_store_idx %arg9[%add3A_147], %add3A_100 : memref<12288xi32, #tpu.memory_space<vmem>>[vector<16xi32>], vector<16xi32>,
      %add3A_148 = arith.constant 6144 : i32
      %add3A_149 = vector.broadcast %add3A_148 : i32 to vector<16xi32>
      %add3A_150 = arith.addi %add3A_144, %add3A_149 : vector<16xi32>
      %add3A_151 = arith.constant 1 : i32
      %add3A_152 = vector.broadcast %add3A_151 : i32 to vector<16xi32>
      %add3A_153 = arith.addi %add3A_100, %add3A_152 : vector<16xi32>
      tpu.vector_store_idx %arg9[%add3A_150], %add3A_153 : memref<12288xi32, #tpu.memory_space<vmem>>[vector<16xi32>], vector<16xi32>,
      %add3A_154 = arith.constant 0 : i32
      %add3A_155 = vector.broadcast %add3A_154 : i32 to vector<16xi32>
      %add3A_156 = arith.addi %add3A_144, %add3A_155 : vector<16xi32>
      tpu.vector_store_idx %arg10[%add3A_156], %mul3A_135 : memref<6144xf32, #tpu.memory_space<vmem>>[vector<16xi32>], vector<16xf32>,
      %add3A_157 = arith.constant 16 : i32
      %add3A_158 = vector.broadcast %add3A_157 : i32 to vector<16xi32>
      %add3A_159 = arith.addi %add3A_144, %add3A_158 : vector<16xi32>
      tpu.vector_store_idx %arg9[%add3A_159], %add3A_103 : memref<12288xi32, #tpu.memory_space<vmem>>[vector<16xi32>], vector<16xi32>,
      %add3A_160 = arith.constant 6160 : i32
      %add3A_161 = vector.broadcast %add3A_160 : i32 to vector<16xi32>
      %add3A_162 = arith.addi %add3A_144, %add3A_161 : vector<16xi32>
      %add3A_163 = arith.constant 1 : i32
      %add3A_164 = vector.broadcast %add3A_163 : i32 to vector<16xi32>
      %add3A_165 = arith.addi %add3A_103, %add3A_164 : vector<16xi32>
      tpu.vector_store_idx %arg9[%add3A_162], %add3A_165 : memref<12288xi32, #tpu.memory_space<vmem>>[vector<16xi32>], vector<16xi32>,
      %add3A_166 = arith.constant 16 : i32
      %add3A_167 = vector.broadcast %add3A_166 : i32 to vector<16xi32>
      %add3A_168 = arith.addi %add3A_144, %add3A_167 : vector<16xi32>
      tpu.vector_store_idx %arg10[%add3A_168], %mul3A_136 : memref<6144xf32, #tpu.memory_space<vmem>>[vector<16xi32>], vector<16xf32>,
      %add3A_169 = arith.constant 32 : i32
      %add3A_170 = vector.broadcast %add3A_169 : i32 to vector<16xi32>
      %add3A_171 = arith.addi %add3A_144, %add3A_170 : vector<16xi32>
      tpu.vector_store_idx %arg9[%add3A_171], %add3A_106 : memref<12288xi32, #tpu.memory_space<vmem>>[vector<16xi32>], vector<16xi32>,
      %add3A_172 = arith.constant 6176 : i32
      %add3A_173 = vector.broadcast %add3A_172 : i32 to vector<16xi32>
      %add3A_174 = arith.addi %add3A_144, %add3A_173 : vector<16xi32>
      %add3A_175 = arith.constant 1 : i32
      %add3A_176 = vector.broadcast %add3A_175 : i32 to vector<16xi32>
      %add3A_177 = arith.addi %add3A_106, %add3A_176 : vector<16xi32>
      tpu.vector_store_idx %arg9[%add3A_174], %add3A_177 : memref<12288xi32, #tpu.memory_space<vmem>>[vector<16xi32>], vector<16xi32>,
      %add3A_178 = arith.constant 32 : i32
      %add3A_179 = vector.broadcast %add3A_178 : i32 to vector<16xi32>
      %add3A_180 = arith.addi %add3A_144, %add3A_179 : vector<16xi32>
      tpu.vector_store_idx %arg10[%add3A_180], %mul3A_137 : memref<6144xf32, #tpu.memory_space<vmem>>[vector<16xi32>], vector<16xf32>,
      %add3A_181 = arith.constant 48 : i32
      %add3A_182 = vector.broadcast %add3A_181 : i32 to vector<16xi32>
      %add3A_183 = arith.addi %add3A_144, %add3A_182 : vector<16xi32>
      tpu.vector_store_idx %arg9[%add3A_183], %add3A_109 : memref<12288xi32, #tpu.memory_space<vmem>>[vector<16xi32>], vector<16xi32>,
      %add3A_184 = arith.constant 6192 : i32
      %add3A_185 = vector.broadcast %add3A_184 : i32 to vector<16xi32>
      %add3A_186 = arith.addi %add3A_144, %add3A_185 : vector<16xi32>
      %add3A_187 = arith.constant 1 : i32
      %add3A_188 = vector.broadcast %add3A_187 : i32 to vector<16xi32>
      %add3A_189 = arith.addi %add3A_109, %add3A_188 : vector<16xi32>
      tpu.vector_store_idx %arg9[%add3A_186], %add3A_189 : memref<12288xi32, #tpu.memory_space<vmem>>[vector<16xi32>], vector<16xi32>,
      %add3A_190 = arith.constant 48 : i32
      %add3A_191 = vector.broadcast %add3A_190 : i32 to vector<16xi32>
      %add3A_192 = arith.addi %add3A_144, %add3A_191 : vector<16xi32>
      tpu.vector_store_idx %arg10[%add3A_192], %mul3A_138 : memref<6144xf32, #tpu.memory_space<vmem>>[vector<16xi32>], vector<16xf32>,
      %add3A_193 = arith.constant 64 : i32
      %add3A_194 = vector.broadcast %add3A_193 : i32 to vector<16xi32>
      %add3A_195 = arith.addi %add3A_144, %add3A_194 : vector<16xi32>
      tpu.vector_store_idx %arg9[%add3A_195], %add3A_112 : memref<12288xi32, #tpu.memory_space<vmem>>[vector<16xi32>], vector<16xi32>,
      %add3A_196 = arith.constant 6208 : i32
      %add3A_197 = vector.broadcast %add3A_196 : i32 to vector<16xi32>
      %add3A_198 = arith.addi %add3A_144, %add3A_197 : vector<16xi32>
      %add3A_199 = arith.constant 1 : i32
      %add3A_200 = vector.broadcast %add3A_199 : i32 to vector<16xi32>
      %add3A_201 = arith.addi %add3A_112, %add3A_200 : vector<16xi32>
      tpu.vector_store_idx %arg9[%add3A_198], %add3A_201 : memref<12288xi32, #tpu.memory_space<vmem>>[vector<16xi32>], vector<16xi32>,
      %add3A_202 = arith.constant 64 : i32
      %add3A_203 = vector.broadcast %add3A_202 : i32 to vector<16xi32>
      %add3A_204 = arith.addi %add3A_144, %add3A_203 : vector<16xi32>
      tpu.vector_store_idx %arg10[%add3A_204], %mul3A_139 : memref<6144xf32, #tpu.memory_space<vmem>>[vector<16xi32>], vector<16xf32>,
      %add3A_205 = arith.constant 80 : i32
      %add3A_206 = vector.broadcast %add3A_205 : i32 to vector<16xi32>
      %add3A_207 = arith.addi %add3A_144, %add3A_206 : vector<16xi32>
      tpu.vector_store_idx %arg9[%add3A_207], %add3A_115 : memref<12288xi32, #tpu.memory_space<vmem>>[vector<16xi32>], vector<16xi32>,
      %add3A_208 = arith.constant 6224 : i32
      %add3A_209 = vector.broadcast %add3A_208 : i32 to vector<16xi32>
      %add3A_210 = arith.addi %add3A_144, %add3A_209 : vector<16xi32>
      %add3A_211 = arith.constant 1 : i32
      %add3A_212 = vector.broadcast %add3A_211 : i32 to vector<16xi32>
      %add3A_213 = arith.addi %add3A_115, %add3A_212 : vector<16xi32>
      tpu.vector_store_idx %arg9[%add3A_210], %add3A_213 : memref<12288xi32, #tpu.memory_space<vmem>>[vector<16xi32>], vector<16xi32>,
      %add3A_214 = arith.constant 80 : i32
      %add3A_215 = vector.broadcast %add3A_214 : i32 to vector<16xi32>
      %add3A_216 = arith.addi %add3A_144, %add3A_215 : vector<16xi32>
      tpu.vector_store_idx %arg10[%add3A_216], %mul3A_140 : memref<6144xf32, #tpu.memory_space<vmem>>[vector<16xi32>], vector<16xf32>,
      %add3A_217 = arith.constant 96 : i32
      %add3A_218 = vector.broadcast %add3A_217 : i32 to vector<16xi32>
      %add3A_219 = arith.addi %add3A_144, %add3A_218 : vector<16xi32>
      tpu.vector_store_idx %arg9[%add3A_219], %add3A_118 : memref<12288xi32, #tpu.memory_space<vmem>>[vector<16xi32>], vector<16xi32>,
      %add3A_220 = arith.constant 6240 : i32
      %add3A_221 = vector.broadcast %add3A_220 : i32 to vector<16xi32>
      %add3A_222 = arith.addi %add3A_144, %add3A_221 : vector<16xi32>
      %add3A_223 = arith.constant 1 : i32
      %add3A_224 = vector.broadcast %add3A_223 : i32 to vector<16xi32>
      %add3A_225 = arith.addi %add3A_118, %add3A_224 : vector<16xi32>
      tpu.vector_store_idx %arg9[%add3A_222], %add3A_225 : memref<12288xi32, #tpu.memory_space<vmem>>[vector<16xi32>], vector<16xi32>,
      %add3A_226 = arith.constant 96 : i32
      %add3A_227 = vector.broadcast %add3A_226 : i32 to vector<16xi32>
      %add3A_228 = arith.addi %add3A_144, %add3A_227 : vector<16xi32>
      tpu.vector_store_idx %arg10[%add3A_228], %mul3A_141 : memref<6144xf32, #tpu.memory_space<vmem>>[vector<16xi32>], vector<16xf32>,
      %add3A_229 = arith.constant 112 : i32
      %add3A_230 = vector.broadcast %add3A_229 : i32 to vector<16xi32>
      %add3A_231 = arith.addi %add3A_144, %add3A_230 : vector<16xi32>
      tpu.vector_store_idx %arg9[%add3A_231], %add3A_121 : memref<12288xi32, #tpu.memory_space<vmem>>[vector<16xi32>], vector<16xi32>,
      %add3A_232 = arith.constant 6256 : i32
      %add3A_233 = vector.broadcast %add3A_232 : i32 to vector<16xi32>
      %add3A_234 = arith.addi %add3A_144, %add3A_233 : vector<16xi32>
      %add3A_235 = arith.constant 1 : i32
      %add3A_236 = vector.broadcast %add3A_235 : i32 to vector<16xi32>
      %add3A_237 = arith.addi %add3A_121, %add3A_236 : vector<16xi32>
      tpu.vector_store_idx %arg9[%add3A_234], %add3A_237 : memref<12288xi32, #tpu.memory_space<vmem>>[vector<16xi32>], vector<16xi32>,
      %add3A_238 = arith.constant 112 : i32
      %add3A_239 = vector.broadcast %add3A_238 : i32 to vector<16xi32>
      %add3A_240 = arith.addi %add3A_144, %add3A_239 : vector<16xi32>
      tpu.vector_store_idx %arg10[%add3A_240], %mul3A_142 : memref<6144xf32, #tpu.memory_space<vmem>>[vector<16xi32>], vector<16xf32>,
      %mul3A_241 = arith.constant 6.400000e+01 : f32
      %mul3A_242 = vector.broadcast %mul3A_241 : f32 to vector<16xf32>
      %mul3A_243 = arith.mulf %mul3A_48, %mul3A_242 : vector<16xf32>
      %convert_element_type3A_244 = arith.fptosi %mul3A_243 : vector<16xf32> to vector<16xi32>
      %convert_element_type3A_245 = arith.sitofp %convert_element_type3A_244 : vector<16xi32> to vector<16xf32>
      %sub3A_246 = arith.subf %mul3A_243, %convert_element_type3A_245 : vector<16xf32>
      %mul3A_247 = arith.constant 6.400000e+01 : f32
      %mul3A_248 = vector.broadcast %mul3A_247 : f32 to vector<16xf32>
      %mul3A_249 = arith.mulf %mul3A_54, %mul3A_248 : vector<16xf32>
      %convert_element_type3A_250 = arith.fptosi %mul3A_249 : vector<16xf32> to vector<16xi32>
      %convert_element_type3A_251 = arith.sitofp %convert_element_type3A_250 : vector<16xi32> to vector<16xf32>
      %sub3A_252 = arith.subf %mul3A_249, %convert_element_type3A_251 : vector<16xf32>
      %mul3A_253 = arith.constant 6.400000e+01 : f32
      %mul3A_254 = vector.broadcast %mul3A_253 : f32 to vector<16xf32>
      %mul3A_255 = arith.mulf %mul3A_60, %mul3A_254 : vector<16xf32>
      %convert_element_type3A_256 = arith.fptosi %mul3A_255 : vector<16xf32> to vector<16xi32>
      %convert_element_type3A_257 = arith.sitofp %convert_element_type3A_256 : vector<16xi32> to vector<16xf32>
      %sub3A_258 = arith.subf %mul3A_255, %convert_element_type3A_257 : vector<16xf32>
      %mul3A_259 = arith.constant 65 : i32
      %mul3A_260 = vector.broadcast %mul3A_259 : i32 to vector<16xi32>
      %mul3A_261 = arith.muli %convert_element_type3A_250, %mul3A_260 : vector<16xi32>
      %add3A_262 = arith.addi %convert_element_type3A_244, %mul3A_261 : vector<16xi32>
      %mul3A_263 = arith.constant 4225 : i32
      %mul3A_264 = vector.broadcast %mul3A_263 : i32 to vector<16xi32>
      %mul3A_265 = arith.muli %convert_element_type3A_256, %mul3A_264 : vector<16xi32>
      %add3A_266 = arith.addi %add3A_262, %mul3A_265 : vector<16xi32>
      %add3A_267 = arith.constant 35937 : i32
      %add3A_268 = vector.broadcast %add3A_267 : i32 to vector<16xi32>
      %add3A_269 = arith.addi %add3A_266, %add3A_268 : vector<16xi32>
      %mul3A_270 = arith.constant 2 : i32
      %mul3A_271 = vector.broadcast %mul3A_270 : i32 to vector<16xi32>
      %mul3A_272 = arith.muli %add3A_269, %mul3A_271 : vector<16xi32>
      %add3A_273 = arith.constant 0 : i32
      %add3A_274 = vector.broadcast %add3A_273 : i32 to vector<16xi32>
      %add3A_275 = arith.addi %mul3A_272, %add3A_274 : vector<16xi32>
      %add3A_276 = arith.constant 2 : i32
      %add3A_277 = vector.broadcast %add3A_276 : i32 to vector<16xi32>
      %add3A_278 = arith.addi %mul3A_272, %add3A_277 : vector<16xi32>
      %add3A_279 = arith.constant 130 : i32
      %add3A_280 = vector.broadcast %add3A_279 : i32 to vector<16xi32>
      %add3A_281 = arith.addi %mul3A_272, %add3A_280 : vector<16xi32>
      %add3A_282 = arith.constant 132 : i32
      %add3A_283 = vector.broadcast %add3A_282 : i32 to vector<16xi32>
      %add3A_284 = arith.addi %mul3A_272, %add3A_283 : vector<16xi32>
      %add3A_285 = arith.constant 8450 : i32
      %add3A_286 = vector.broadcast %add3A_285 : i32 to vector<16xi32>
      %add3A_287 = arith.addi %mul3A_272, %add3A_286 : vector<16xi32>
      %add3A_288 = arith.constant 8452 : i32
      %add3A_289 = vector.broadcast %add3A_288 : i32 to vector<16xi32>
      %add3A_290 = arith.addi %mul3A_272, %add3A_289 : vector<16xi32>
      %add3A_291 = arith.constant 8580 : i32
      %add3A_292 = vector.broadcast %add3A_291 : i32 to vector<16xi32>
      %add3A_293 = arith.addi %mul3A_272, %add3A_292 : vector<16xi32>
      %add3A_294 = arith.constant 8582 : i32
      %add3A_295 = vector.broadcast %add3A_294 : i32 to vector<16xi32>
      %add3A_296 = arith.addi %mul3A_272, %add3A_295 : vector<16xi32>
      %sub3A_297 = arith.constant 1.000000e+00 : f32
      %sub3A_298 = vector.broadcast %sub3A_297 : f32 to vector<16xf32>
      %sub3A_299 = arith.subf %sub3A_298, %sub3A_246 : vector<16xf32>
      %sub3A_300 = arith.constant 1.000000e+00 : f32
      %sub3A_301 = vector.broadcast %sub3A_300 : f32 to vector<16xf32>
      %sub3A_302 = arith.subf %sub3A_301, %sub3A_252 : vector<16xf32>
      %sub3A_303 = arith.constant 1.000000e+00 : f32
      %sub3A_304 = vector.broadcast %sub3A_303 : f32 to vector<16xf32>
      %sub3A_305 = arith.subf %sub3A_304, %sub3A_258 : vector<16xf32>
      %mul3A_306 = arith.mulf %sub3A_302, %sub3A_305 : vector<16xf32>
      %mul3A_307 = arith.mulf %sub3A_252, %sub3A_305 : vector<16xf32>
      %mul3A_308 = arith.mulf %sub3A_302, %sub3A_258 : vector<16xf32>
      %mul3A_309 = arith.mulf %sub3A_252, %sub3A_258 : vector<16xf32>
      %mul3A_310 = arith.mulf %sub3A_299, %mul3A_306 : vector<16xf32>
      %mul3A_311 = arith.mulf %sub3A_246, %mul3A_306 : vector<16xf32>
      %mul3A_312 = arith.mulf %sub3A_299, %mul3A_307 : vector<16xf32>
      %mul3A_313 = arith.mulf %sub3A_246, %mul3A_307 : vector<16xf32>
      %mul3A_314 = arith.mulf %sub3A_299, %mul3A_308 : vector<16xf32>
      %mul3A_315 = arith.mulf %sub3A_246, %mul3A_308 : vector<16xf32>
      %mul3A_316 = arith.mulf %sub3A_299, %mul3A_309 : vector<16xf32>
      %mul3A_317 = arith.mulf %sub3A_246, %mul3A_309 : vector<16xf32>
      %broadcast_in_dim3A_318 = arith.constant 128 : i32
      %broadcast_in_dim3A_319 = vector.broadcast %broadcast_in_dim3A_318 : i32 to vector<16xi32>
      %add3A_320 = arith.addi %broadcast_in_dim3A_319, %iota3A : vector<16xi32>
      %add3A_321 = arith.constant 0 : i32
      %add3A_322 = vector.broadcast %add3A_321 : i32 to vector<16xi32>
      %add3A_323 = arith.addi %add3A_320, %add3A_322 : vector<16xi32>
      tpu.vector_store_idx %arg9[%add3A_323], %add3A_275 : memref<12288xi32, #tpu.memory_space<vmem>>[vector<16xi32>], vector<16xi32>,
      %add3A_324 = arith.constant 6144 : i32
      %add3A_325 = vector.broadcast %add3A_324 : i32 to vector<16xi32>
      %add3A_326 = arith.addi %add3A_320, %add3A_325 : vector<16xi32>
      %add3A_327 = arith.constant 1 : i32
      %add3A_328 = vector.broadcast %add3A_327 : i32 to vector<16xi32>
      %add3A_329 = arith.addi %add3A_275, %add3A_328 : vector<16xi32>
      tpu.vector_store_idx %arg9[%add3A_326], %add3A_329 : memref<12288xi32, #tpu.memory_space<vmem>>[vector<16xi32>], vector<16xi32>,
      %add3A_330 = arith.constant 0 : i32
      %add3A_331 = vector.broadcast %add3A_330 : i32 to vector<16xi32>
      %add3A_332 = arith.addi %add3A_320, %add3A_331 : vector<16xi32>
      tpu.vector_store_idx %arg10[%add3A_332], %mul3A_310 : memref<6144xf32, #tpu.memory_space<vmem>>[vector<16xi32>], vector<16xf32>,
      %add3A_333 = arith.constant 16 : i32
      %add3A_334 = vector.broadcast %add3A_333 : i32 to vector<16xi32>
      %add3A_335 = arith.addi %add3A_320, %add3A_334 : vector<16xi32>
      tpu.vector_store_idx %arg9[%add3A_335], %add3A_278 : memref<12288xi32, #tpu.memory_space<vmem>>[vector<16xi32>], vector<16xi32>,
      %add3A_336 = arith.constant 6160 : i32
      %add3A_337 = vector.broadcast %add3A_336 : i32 to vector<16xi32>
      %add3A_338 = arith.addi %add3A_320, %add3A_337 : vector<16xi32>
      %add3A_339 = arith.constant 1 : i32
      %add3A_340 = vector.broadcast %add3A_339 : i32 to vector<16xi32>
      %add3A_341 = arith.addi %add3A_278, %add3A_340 : vector<16xi32>
      tpu.vector_store_idx %arg9[%add3A_338], %add3A_341 : memref<12288xi32, #tpu.memory_space<vmem>>[vector<16xi32>], vector<16xi32>,
      %add3A_342 = arith.constant 16 : i32
      %add3A_343 = vector.broadcast %add3A_342 : i32 to vector<16xi32>
      %add3A_344 = arith.addi %add3A_320, %add3A_343 : vector<16xi32>
      tpu.vector_store_idx %arg10[%add3A_344], %mul3A_311 : memref<6144xf32, #tpu.memory_space<vmem>>[vector<16xi32>], vector<16xf32>,
      %add3A_345 = arith.constant 32 : i32
      %add3A_346 = vector.broadcast %add3A_345 : i32 to vector<16xi32>
      %add3A_347 = arith.addi %add3A_320, %add3A_346 : vector<16xi32>
      tpu.vector_store_idx %arg9[%add3A_347], %add3A_281 : memref<12288xi32, #tpu.memory_space<vmem>>[vector<16xi32>], vector<16xi32>,
      %add3A_348 = arith.constant 6176 : i32
      %add3A_349 = vector.broadcast %add3A_348 : i32 to vector<16xi32>
      %add3A_350 = arith.addi %add3A_320, %add3A_349 : vector<16xi32>
      %add3A_351 = arith.constant 1 : i32
      %add3A_352 = vector.broadcast %add3A_351 : i32 to vector<16xi32>
      %add3A_353 = arith.addi %add3A_281, %add3A_352 : vector<16xi32>
      tpu.vector_store_idx %arg9[%add3A_350], %add3A_353 : memref<12288xi32, #tpu.memory_space<vmem>>[vector<16xi32>], vector<16xi32>,
      %add3A_354 = arith.constant 32 : i32
      %add3A_355 = vector.broadcast %add3A_354 : i32 to vector<16xi32>
      %add3A_356 = arith.addi %add3A_320, %add3A_355 : vector<16xi32>
      tpu.vector_store_idx %arg10[%add3A_356], %mul3A_312 : memref<6144xf32, #tpu.memory_space<vmem>>[vector<16xi32>], vector<16xf32>,
      %add3A_357 = arith.constant 48 : i32
      %add3A_358 = vector.broadcast %add3A_357 : i32 to vector<16xi32>
      %add3A_359 = arith.addi %add3A_320, %add3A_358 : vector<16xi32>
      tpu.vector_store_idx %arg9[%add3A_359], %add3A_284 : memref<12288xi32, #tpu.memory_space<vmem>>[vector<16xi32>], vector<16xi32>,
      %add3A_360 = arith.constant 6192 : i32
      %add3A_361 = vector.broadcast %add3A_360 : i32 to vector<16xi32>
      %add3A_362 = arith.addi %add3A_320, %add3A_361 : vector<16xi32>
      %add3A_363 = arith.constant 1 : i32
      %add3A_364 = vector.broadcast %add3A_363 : i32 to vector<16xi32>
      %add3A_365 = arith.addi %add3A_284, %add3A_364 : vector<16xi32>
      tpu.vector_store_idx %arg9[%add3A_362], %add3A_365 : memref<12288xi32, #tpu.memory_space<vmem>>[vector<16xi32>], vector<16xi32>,
      %add3A_366 = arith.constant 48 : i32
      %add3A_367 = vector.broadcast %add3A_366 : i32 to vector<16xi32>
      %add3A_368 = arith.addi %add3A_320, %add3A_367 : vector<16xi32>
      tpu.vector_store_idx %arg10[%add3A_368], %mul3A_313 : memref<6144xf32, #tpu.memory_space<vmem>>[vector<16xi32>], vector<16xf32>,
      %add3A_369 = arith.constant 64 : i32
      %add3A_370 = vector.broadcast %add3A_369 : i32 to vector<16xi32>
      %add3A_371 = arith.addi %add3A_320, %add3A_370 : vector<16xi32>
      tpu.vector_store_idx %arg9[%add3A_371], %add3A_287 : memref<12288xi32, #tpu.memory_space<vmem>>[vector<16xi32>], vector<16xi32>,
      %add3A_372 = arith.constant 6208 : i32
      %add3A_373 = vector.broadcast %add3A_372 : i32 to vector<16xi32>
      %add3A_374 = arith.addi %add3A_320, %add3A_373 : vector<16xi32>
      %add3A_375 = arith.constant 1 : i32
      %add3A_376 = vector.broadcast %add3A_375 : i32 to vector<16xi32>
      %add3A_377 = arith.addi %add3A_287, %add3A_376 : vector<16xi32>
      tpu.vector_store_idx %arg9[%add3A_374], %add3A_377 : memref<12288xi32, #tpu.memory_space<vmem>>[vector<16xi32>], vector<16xi32>,
      %add3A_378 = arith.constant 64 : i32
      %add3A_379 = vector.broadcast %add3A_378 : i32 to vector<16xi32>
      %add3A_380 = arith.addi %add3A_320, %add3A_379 : vector<16xi32>
      tpu.vector_store_idx %arg10[%add3A_380], %mul3A_314 : memref<6144xf32, #tpu.memory_space<vmem>>[vector<16xi32>], vector<16xf32>,
      %add3A_381 = arith.constant 80 : i32
      %add3A_382 = vector.broadcast %add3A_381 : i32 to vector<16xi32>
      %add3A_383 = arith.addi %add3A_320, %add3A_382 : vector<16xi32>
      tpu.vector_store_idx %arg9[%add3A_383], %add3A_290 : memref<12288xi32, #tpu.memory_space<vmem>>[vector<16xi32>], vector<16xi32>,
      %add3A_384 = arith.constant 6224 : i32
      %add3A_385 = vector.broadcast %add3A_384 : i32 to vector<16xi32>
      %add3A_386 = arith.addi %add3A_320, %add3A_385 : vector<16xi32>
      %add3A_387 = arith.constant 1 : i32
      %add3A_388 = vector.broadcast %add3A_387 : i32 to vector<16xi32>
      %add3A_389 = arith.addi %add3A_290, %add3A_388 : vector<16xi32>
      tpu.vector_store_idx %arg9[%add3A_386], %add3A_389 : memref<12288xi32, #tpu.memory_space<vmem>>[vector<16xi32>], vector<16xi32>,
      %add3A_390 = arith.constant 80 : i32
      %add3A_391 = vector.broadcast %add3A_390 : i32 to vector<16xi32>
      %add3A_392 = arith.addi %add3A_320, %add3A_391 : vector<16xi32>
      tpu.vector_store_idx %arg10[%add3A_392], %mul3A_315 : memref<6144xf32, #tpu.memory_space<vmem>>[vector<16xi32>], vector<16xf32>,
      %add3A_393 = arith.constant 96 : i32
      %add3A_394 = vector.broadcast %add3A_393 : i32 to vector<16xi32>
      %add3A_395 = arith.addi %add3A_320, %add3A_394 : vector<16xi32>
      tpu.vector_store_idx %arg9[%add3A_395], %add3A_293 : memref<12288xi32, #tpu.memory_space<vmem>>[vector<16xi32>], vector<16xi32>,
      %add3A_396 = arith.constant 6240 : i32
      %add3A_397 = vector.broadcast %add3A_396 : i32 to vector<16xi32>
      %add3A_398 = arith.addi %add3A_320, %add3A_397 : vector<16xi32>
      %add3A_399 = arith.constant 1 : i32
      %add3A_400 = vector.broadcast %add3A_399 : i32 to vector<16xi32>
      %add3A_401 = arith.addi %add3A_293, %add3A_400 : vector<16xi32>
      tpu.vector_store_idx %arg9[%add3A_398], %add3A_401 : memref<12288xi32, #tpu.memory_space<vmem>>[vector<16xi32>], vector<16xi32>,
      %add3A_402 = arith.constant 96 : i32
      %add3A_403 = vector.broadcast %add3A_402 : i32 to vector<16xi32>
      %add3A_404 = arith.addi %add3A_320, %add3A_403 : vector<16xi32>
      tpu.vector_store_idx %arg10[%add3A_404], %mul3A_316 : memref<6144xf32, #tpu.memory_space<vmem>>[vector<16xi32>], vector<16xf32>,
      %add3A_405 = arith.constant 112 : i32
      %add3A_406 = vector.broadcast %add3A_405 : i32 to vector<16xi32>
      %add3A_407 = arith.addi %add3A_320, %add3A_406 : vector<16xi32>
      tpu.vector_store_idx %arg9[%add3A_407], %add3A_296 : memref<12288xi32, #tpu.memory_space<vmem>>[vector<16xi32>], vector<16xi32>,
      %add3A_408 = arith.constant 6256 : i32
      %add3A_409 = vector.broadcast %add3A_408 : i32 to vector<16xi32>
      %add3A_410 = arith.addi %add3A_320, %add3A_409 : vector<16xi32>
      %add3A_411 = arith.constant 1 : i32
      %add3A_412 = vector.broadcast %add3A_411 : i32 to vector<16xi32>
      %add3A_413 = arith.addi %add3A_296, %add3A_412 : vector<16xi32>
      tpu.vector_store_idx %arg9[%add3A_410], %add3A_413 : memref<12288xi32, #tpu.memory_space<vmem>>[vector<16xi32>], vector<16xi32>,
      %add3A_414 = arith.constant 112 : i32
      %add3A_415 = vector.broadcast %add3A_414 : i32 to vector<16xi32>
      %add3A_416 = arith.addi %add3A_320, %add3A_415 : vector<16xi32>
      tpu.vector_store_idx %arg10[%add3A_416], %mul3A_317 : memref<6144xf32, #tpu.memory_space<vmem>>[vector<16xi32>], vector<16xf32>,
      %scan3A_417 = arith.constant 0 : i32
      %scan3A_418 = arith.constant 2 : i32
      %scan3A_419 = arith.constant 10 : i32
      %scan3A_420 = arith.addi %scan3A_418, %scan3A_419 : i32
      %scan3A_421 = arith.constant 1 : i32
      scf.for %scan3A_1559 = %scan3A_418 to %scan3A_420 step %scan3A_421  : i32 {
        %shift_left3A = arith.constant 32 : i32
        %shift_left3A_1560 = arith.shli %shift_left3A, %scan3A_1559 : i32
        %convert_element_type3A_1561 = arith.sitofp %shift_left3A_1560 : i32 to f32
        %mul3A_1562 = vector.broadcast %convert_element_type3A_1561 : f32 to vector<16xf32>
        %mul3A_1563 = arith.mulf %mul3A_48, %mul3A_1562 : vector<16xf32>
        %convert_element_type3A_1564 = arith.fptosi %mul3A_1563 : vector<16xf32> to vector<16xi32>
        %convert_element_type3A_1565 = arith.sitofp %convert_element_type3A_1564 : vector<16xi32> to vector<16xf32>
        %sub3A_1566 = arith.subf %mul3A_1563, %convert_element_type3A_1565 : vector<16xf32>
        %mul3A_1567 = vector.broadcast %convert_element_type3A_1561 : f32 to vector<16xf32>
        %mul3A_1568 = arith.mulf %mul3A_54, %mul3A_1567 : vector<16xf32>
        %convert_element_type3A_1569 = arith.fptosi %mul3A_1568 : vector<16xf32> to vector<16xi32>
        %convert_element_type3A_1570 = arith.sitofp %convert_element_type3A_1569 : vector<16xi32> to vector<16xf32>
        %sub3A_1571 = arith.subf %mul3A_1568, %convert_element_type3A_1570 : vector<16xf32>
        %mul3A_1572 = vector.broadcast %convert_element_type3A_1561 : f32 to vector<16xf32>
        %mul3A_1573 = arith.mulf %mul3A_60, %mul3A_1572 : vector<16xf32>
        %convert_element_type3A_1574 = arith.fptosi %mul3A_1573 : vector<16xf32> to vector<16xi32>
        %convert_element_type3A_1575 = arith.sitofp %convert_element_type3A_1574 : vector<16xi32> to vector<16xf32>
        %sub3A_1576 = arith.subf %mul3A_1573, %convert_element_type3A_1575 : vector<16xf32>
        %mul3A_1577 = arith.constant -1640531535 : i32
        %mul3A_1578 = vector.broadcast %mul3A_1577 : i32 to vector<16xi32>
        %mul3A_1579 = arith.muli %convert_element_type3A_1569, %mul3A_1578 : vector<16xi32>
        %mul3A_1580 = arith.constant 805459861 : i32
        %mul3A_1581 = vector.broadcast %mul3A_1580 : i32 to vector<16xi32>
        %mul3A_1582 = arith.muli %convert_element_type3A_1574, %mul3A_1581 : vector<16xi32>
        %mul3A_1583 = arith.constant 524288 : i32
        %mul3A_1584 = arith.muli %scan3A_1559, %mul3A_1583 : i32
        %add3A_1585 = arith.constant -738014 : i32
        %add3A_1586 = arith.addi %mul3A_1584, %add3A_1585 : i32
        %mul3A_1587 = arith.constant 2 : i32
        %mul3A_1588 = arith.muli %mul3A_1587, %add3A_1586 : i32
        %xor3A = arith.xori %convert_element_type3A_1564, %mul3A_1579 : vector<16xi32>
        %xor3A_1589 = arith.xori %xor3A, %mul3A_1582 : vector<16xi32>
        %and3A = arith.constant 524287 : i32
        %and3A_1590 = vector.broadcast %and3A : i32 to vector<16xi32>
        %and3A_1591 = arith.andi %xor3A_1589, %and3A_1590 : vector<16xi32>
        %mul3A_1592 = arith.constant 2 : i32
        %mul3A_1593 = vector.broadcast %mul3A_1592 : i32 to vector<16xi32>
        %mul3A_1594 = arith.muli %and3A_1591, %mul3A_1593 : vector<16xi32>
        %add3A_1595 = vector.broadcast %mul3A_1588 : i32 to vector<16xi32>
        %add3A_1596 = arith.addi %mul3A_1594, %add3A_1595 : vector<16xi32>
        %add3A_1597 = arith.constant 1 : i32
        %add3A_1598 = vector.broadcast %add3A_1597 : i32 to vector<16xi32>
        %add3A_1599 = arith.addi %convert_element_type3A_1564, %add3A_1598 : vector<16xi32>
        %xor3A_1600 = arith.xori %add3A_1599, %mul3A_1579 : vector<16xi32>
        %xor3A_1601 = arith.xori %xor3A_1600, %mul3A_1582 : vector<16xi32>
        %and3A_1602 = arith.constant 524287 : i32
        %and3A_1603 = vector.broadcast %and3A_1602 : i32 to vector<16xi32>
        %and3A_1604 = arith.andi %xor3A_1601, %and3A_1603 : vector<16xi32>
        %mul3A_1605 = arith.constant 2 : i32
        %mul3A_1606 = vector.broadcast %mul3A_1605 : i32 to vector<16xi32>
        %mul3A_1607 = arith.muli %and3A_1604, %mul3A_1606 : vector<16xi32>
        %add3A_1608 = vector.broadcast %mul3A_1588 : i32 to vector<16xi32>
        %add3A_1609 = arith.addi %mul3A_1607, %add3A_1608 : vector<16xi32>
        %add3A_1610 = arith.constant -1640531535 : i32
        %add3A_1611 = vector.broadcast %add3A_1610 : i32 to vector<16xi32>
        %add3A_1612 = arith.addi %mul3A_1579, %add3A_1611 : vector<16xi32>
        %xor3A_1613 = arith.xori %convert_element_type3A_1564, %add3A_1612 : vector<16xi32>
        %xor3A_1614 = arith.xori %xor3A_1613, %mul3A_1582 : vector<16xi32>
        %and3A_1615 = arith.constant 524287 : i32
        %and3A_1616 = vector.broadcast %and3A_1615 : i32 to vector<16xi32>
        %and3A_1617 = arith.andi %xor3A_1614, %and3A_1616 : vector<16xi32>
        %mul3A_1618 = arith.constant 2 : i32
        %mul3A_1619 = vector.broadcast %mul3A_1618 : i32 to vector<16xi32>
        %mul3A_1620 = arith.muli %and3A_1617, %mul3A_1619 : vector<16xi32>
        %add3A_1621 = vector.broadcast %mul3A_1588 : i32 to vector<16xi32>
        %add3A_1622 = arith.addi %mul3A_1620, %add3A_1621 : vector<16xi32>
        %add3A_1623 = arith.constant 1 : i32
        %add3A_1624 = vector.broadcast %add3A_1623 : i32 to vector<16xi32>
        %add3A_1625 = arith.addi %convert_element_type3A_1564, %add3A_1624 : vector<16xi32>
        %add3A_1626 = arith.constant -1640531535 : i32
        %add3A_1627 = vector.broadcast %add3A_1626 : i32 to vector<16xi32>
        %add3A_1628 = arith.addi %mul3A_1579, %add3A_1627 : vector<16xi32>
        %xor3A_1629 = arith.xori %add3A_1625, %add3A_1628 : vector<16xi32>
        %xor3A_1630 = arith.xori %xor3A_1629, %mul3A_1582 : vector<16xi32>
        %and3A_1631 = arith.constant 524287 : i32
        %and3A_1632 = vector.broadcast %and3A_1631 : i32 to vector<16xi32>
        %and3A_1633 = arith.andi %xor3A_1630, %and3A_1632 : vector<16xi32>
        %mul3A_1634 = arith.constant 2 : i32
        %mul3A_1635 = vector.broadcast %mul3A_1634 : i32 to vector<16xi32>
        %mul3A_1636 = arith.muli %and3A_1633, %mul3A_1635 : vector<16xi32>
        %add3A_1637 = vector.broadcast %mul3A_1588 : i32 to vector<16xi32>
        %add3A_1638 = arith.addi %mul3A_1636, %add3A_1637 : vector<16xi32>
        %add3A_1639 = arith.constant 805459861 : i32
        %add3A_1640 = vector.broadcast %add3A_1639 : i32 to vector<16xi32>
        %add3A_1641 = arith.addi %mul3A_1582, %add3A_1640 : vector<16xi32>
        %xor3A_1642 = arith.xori %convert_element_type3A_1564, %mul3A_1579 : vector<16xi32>
        %xor3A_1643 = arith.xori %xor3A_1642, %add3A_1641 : vector<16xi32>
        %and3A_1644 = arith.constant 524287 : i32
        %and3A_1645 = vector.broadcast %and3A_1644 : i32 to vector<16xi32>
        %and3A_1646 = arith.andi %xor3A_1643, %and3A_1645 : vector<16xi32>
        %mul3A_1647 = arith.constant 2 : i32
        %mul3A_1648 = vector.broadcast %mul3A_1647 : i32 to vector<16xi32>
        %mul3A_1649 = arith.muli %and3A_1646, %mul3A_1648 : vector<16xi32>
        %add3A_1650 = vector.broadcast %mul3A_1588 : i32 to vector<16xi32>
        %add3A_1651 = arith.addi %mul3A_1649, %add3A_1650 : vector<16xi32>
        %add3A_1652 = arith.constant 1 : i32
        %add3A_1653 = vector.broadcast %add3A_1652 : i32 to vector<16xi32>
        %add3A_1654 = arith.addi %convert_element_type3A_1564, %add3A_1653 : vector<16xi32>
        %add3A_1655 = arith.constant 805459861 : i32
        %add3A_1656 = vector.broadcast %add3A_1655 : i32 to vector<16xi32>
        %add3A_1657 = arith.addi %mul3A_1582, %add3A_1656 : vector<16xi32>
        %xor3A_1658 = arith.xori %add3A_1654, %mul3A_1579 : vector<16xi32>
        %xor3A_1659 = arith.xori %xor3A_1658, %add3A_1657 : vector<16xi32>
        %and3A_1660 = arith.constant 524287 : i32
        %and3A_1661 = vector.broadcast %and3A_1660 : i32 to vector<16xi32>
        %and3A_1662 = arith.andi %xor3A_1659, %and3A_1661 : vector<16xi32>
        %mul3A_1663 = arith.constant 2 : i32
        %mul3A_1664 = vector.broadcast %mul3A_1663 : i32 to vector<16xi32>
        %mul3A_1665 = arith.muli %and3A_1662, %mul3A_1664 : vector<16xi32>
        %add3A_1666 = vector.broadcast %mul3A_1588 : i32 to vector<16xi32>
        %add3A_1667 = arith.addi %mul3A_1665, %add3A_1666 : vector<16xi32>
        %add3A_1668 = arith.constant -1640531535 : i32
        %add3A_1669 = vector.broadcast %add3A_1668 : i32 to vector<16xi32>
        %add3A_1670 = arith.addi %mul3A_1579, %add3A_1669 : vector<16xi32>
        %add3A_1671 = arith.constant 805459861 : i32
        %add3A_1672 = vector.broadcast %add3A_1671 : i32 to vector<16xi32>
        %add3A_1673 = arith.addi %mul3A_1582, %add3A_1672 : vector<16xi32>
        %xor3A_1674 = arith.xori %convert_element_type3A_1564, %add3A_1670 : vector<16xi32>
        %xor3A_1675 = arith.xori %xor3A_1674, %add3A_1673 : vector<16xi32>
        %and3A_1676 = arith.constant 524287 : i32
        %and3A_1677 = vector.broadcast %and3A_1676 : i32 to vector<16xi32>
        %and3A_1678 = arith.andi %xor3A_1675, %and3A_1677 : vector<16xi32>
        %mul3A_1679 = arith.constant 2 : i32
        %mul3A_1680 = vector.broadcast %mul3A_1679 : i32 to vector<16xi32>
        %mul3A_1681 = arith.muli %and3A_1678, %mul3A_1680 : vector<16xi32>
        %add3A_1682 = vector.broadcast %mul3A_1588 : i32 to vector<16xi32>
        %add3A_1683 = arith.addi %mul3A_1681, %add3A_1682 : vector<16xi32>
        %add3A_1684 = arith.constant 1 : i32
        %add3A_1685 = vector.broadcast %add3A_1684 : i32 to vector<16xi32>
        %add3A_1686 = arith.addi %convert_element_type3A_1564, %add3A_1685 : vector<16xi32>
        %add3A_1687 = arith.constant -1640531535 : i32
        %add3A_1688 = vector.broadcast %add3A_1687 : i32 to vector<16xi32>
        %add3A_1689 = arith.addi %mul3A_1579, %add3A_1688 : vector<16xi32>
        %add3A_1690 = arith.constant 805459861 : i32
        %add3A_1691 = vector.broadcast %add3A_1690 : i32 to vector<16xi32>
        %add3A_1692 = arith.addi %mul3A_1582, %add3A_1691 : vector<16xi32>
        %xor3A_1693 = arith.xori %add3A_1686, %add3A_1689 : vector<16xi32>
        %xor3A_1694 = arith.xori %xor3A_1693, %add3A_1692 : vector<16xi32>
        %and3A_1695 = arith.constant 524287 : i32
        %and3A_1696 = vector.broadcast %and3A_1695 : i32 to vector<16xi32>
        %and3A_1697 = arith.andi %xor3A_1694, %and3A_1696 : vector<16xi32>
        %mul3A_1698 = arith.constant 2 : i32
        %mul3A_1699 = vector.broadcast %mul3A_1698 : i32 to vector<16xi32>
        %mul3A_1700 = arith.muli %and3A_1697, %mul3A_1699 : vector<16xi32>
        %add3A_1701 = vector.broadcast %mul3A_1588 : i32 to vector<16xi32>
        %add3A_1702 = arith.addi %mul3A_1700, %add3A_1701 : vector<16xi32>
        %add3A_1703 = arith.constant 0 : i32
        %add3A_1704 = arith.addi %add3A_1703, %scan3A_1559 : i32
        %sub3A_1705 = arith.constant 1.000000e+00 : f32
        %sub3A_1706 = vector.broadcast %sub3A_1705 : f32 to vector<16xf32>
        %sub3A_1707 = arith.subf %sub3A_1706, %sub3A_1566 : vector<16xf32>
        %sub3A_1708 = arith.constant 1.000000e+00 : f32
        %sub3A_1709 = vector.broadcast %sub3A_1708 : f32 to vector<16xf32>
        %sub3A_1710 = arith.subf %sub3A_1709, %sub3A_1571 : vector<16xf32>
        %sub3A_1711 = arith.constant 1.000000e+00 : f32
        %sub3A_1712 = vector.broadcast %sub3A_1711 : f32 to vector<16xf32>
        %sub3A_1713 = arith.subf %sub3A_1712, %sub3A_1576 : vector<16xf32>
        %mul3A_1714 = arith.mulf %sub3A_1710, %sub3A_1713 : vector<16xf32>
        %mul3A_1715 = arith.mulf %sub3A_1571, %sub3A_1713 : vector<16xf32>
        %mul3A_1716 = arith.mulf %sub3A_1710, %sub3A_1576 : vector<16xf32>
        %mul3A_1717 = arith.mulf %sub3A_1571, %sub3A_1576 : vector<16xf32>
        %mul3A_1718 = arith.mulf %sub3A_1707, %mul3A_1714 : vector<16xf32>
        %mul3A_1719 = arith.mulf %sub3A_1566, %mul3A_1714 : vector<16xf32>
        %mul3A_1720 = arith.mulf %sub3A_1707, %mul3A_1715 : vector<16xf32>
        %mul3A_1721 = arith.mulf %sub3A_1566, %mul3A_1715 : vector<16xf32>
        %mul3A_1722 = arith.mulf %sub3A_1707, %mul3A_1716 : vector<16xf32>
        %mul3A_1723 = arith.mulf %sub3A_1566, %mul3A_1716 : vector<16xf32>
        %mul3A_1724 = arith.mulf %sub3A_1707, %mul3A_1717 : vector<16xf32>
        %mul3A_1725 = arith.mulf %sub3A_1566, %mul3A_1717 : vector<16xf32>
        %mul3A_1726 = arith.constant 128 : i32
        %mul3A_1727 = arith.muli %add3A_1704, %mul3A_1726 : i32
        %broadcast_in_dim3A_1728 = vector.broadcast %mul3A_1727 : i32 to vector<16xi32>
        %add3A_1729 = arith.addi %broadcast_in_dim3A_1728, %iota3A : vector<16xi32>
        %add3A_1730 = arith.constant 0 : i32
        %add3A_1731 = vector.broadcast %add3A_1730 : i32 to vector<16xi32>
        %add3A_1732 = arith.addi %add3A_1729, %add3A_1731 : vector<16xi32>
        tpu.vector_store_idx %arg9[%add3A_1732], %add3A_1596 : memref<12288xi32, #tpu.memory_space<vmem>>[vector<16xi32>], vector<16xi32>,
        %add3A_1733 = arith.constant 6144 : i32
        %add3A_1734 = vector.broadcast %add3A_1733 : i32 to vector<16xi32>
        %add3A_1735 = arith.addi %add3A_1729, %add3A_1734 : vector<16xi32>
        %add3A_1736 = arith.constant 1 : i32
        %add3A_1737 = vector.broadcast %add3A_1736 : i32 to vector<16xi32>
        %add3A_1738 = arith.addi %add3A_1596, %add3A_1737 : vector<16xi32>
        tpu.vector_store_idx %arg9[%add3A_1735], %add3A_1738 : memref<12288xi32, #tpu.memory_space<vmem>>[vector<16xi32>], vector<16xi32>,
        %add3A_1739 = arith.constant 0 : i32
        %add3A_1740 = vector.broadcast %add3A_1739 : i32 to vector<16xi32>
        %add3A_1741 = arith.addi %add3A_1729, %add3A_1740 : vector<16xi32>
        tpu.vector_store_idx %arg10[%add3A_1741], %mul3A_1718 : memref<6144xf32, #tpu.memory_space<vmem>>[vector<16xi32>], vector<16xf32>,
        %add3A_1742 = arith.constant 16 : i32
        %add3A_1743 = vector.broadcast %add3A_1742 : i32 to vector<16xi32>
        %add3A_1744 = arith.addi %add3A_1729, %add3A_1743 : vector<16xi32>
        tpu.vector_store_idx %arg9[%add3A_1744], %add3A_1609 : memref<12288xi32, #tpu.memory_space<vmem>>[vector<16xi32>], vector<16xi32>,
        %add3A_1745 = arith.constant 6160 : i32
        %add3A_1746 = vector.broadcast %add3A_1745 : i32 to vector<16xi32>
        %add3A_1747 = arith.addi %add3A_1729, %add3A_1746 : vector<16xi32>
        %add3A_1748 = arith.constant 1 : i32
        %add3A_1749 = vector.broadcast %add3A_1748 : i32 to vector<16xi32>
        %add3A_1750 = arith.addi %add3A_1609, %add3A_1749 : vector<16xi32>
        tpu.vector_store_idx %arg9[%add3A_1747], %add3A_1750 : memref<12288xi32, #tpu.memory_space<vmem>>[vector<16xi32>], vector<16xi32>,
        %add3A_1751 = arith.constant 16 : i32
        %add3A_1752 = vector.broadcast %add3A_1751 : i32 to vector<16xi32>
        %add3A_1753 = arith.addi %add3A_1729, %add3A_1752 : vector<16xi32>
        tpu.vector_store_idx %arg10[%add3A_1753], %mul3A_1719 : memref<6144xf32, #tpu.memory_space<vmem>>[vector<16xi32>], vector<16xf32>,
        %add3A_1754 = arith.constant 32 : i32
        %add3A_1755 = vector.broadcast %add3A_1754 : i32 to vector<16xi32>
        %add3A_1756 = arith.addi %add3A_1729, %add3A_1755 : vector<16xi32>
        tpu.vector_store_idx %arg9[%add3A_1756], %add3A_1622 : memref<12288xi32, #tpu.memory_space<vmem>>[vector<16xi32>], vector<16xi32>,
        %add3A_1757 = arith.constant 6176 : i32
        %add3A_1758 = vector.broadcast %add3A_1757 : i32 to vector<16xi32>
        %add3A_1759 = arith.addi %add3A_1729, %add3A_1758 : vector<16xi32>
        %add3A_1760 = arith.constant 1 : i32
        %add3A_1761 = vector.broadcast %add3A_1760 : i32 to vector<16xi32>
        %add3A_1762 = arith.addi %add3A_1622, %add3A_1761 : vector<16xi32>
        tpu.vector_store_idx %arg9[%add3A_1759], %add3A_1762 : memref<12288xi32, #tpu.memory_space<vmem>>[vector<16xi32>], vector<16xi32>,
        %add3A_1763 = arith.constant 32 : i32
        %add3A_1764 = vector.broadcast %add3A_1763 : i32 to vector<16xi32>
        %add3A_1765 = arith.addi %add3A_1729, %add3A_1764 : vector<16xi32>
        tpu.vector_store_idx %arg10[%add3A_1765], %mul3A_1720 : memref<6144xf32, #tpu.memory_space<vmem>>[vector<16xi32>], vector<16xf32>,
        %add3A_1766 = arith.constant 48 : i32
        %add3A_1767 = vector.broadcast %add3A_1766 : i32 to vector<16xi32>
        %add3A_1768 = arith.addi %add3A_1729, %add3A_1767 : vector<16xi32>
        tpu.vector_store_idx %arg9[%add3A_1768], %add3A_1638 : memref<12288xi32, #tpu.memory_space<vmem>>[vector<16xi32>], vector<16xi32>,
        %add3A_1769 = arith.constant 6192 : i32
        %add3A_1770 = vector.broadcast %add3A_1769 : i32 to vector<16xi32>
        %add3A_1771 = arith.addi %add3A_1729, %add3A_1770 : vector<16xi32>
        %add3A_1772 = arith.constant 1 : i32
        %add3A_1773 = vector.broadcast %add3A_1772 : i32 to vector<16xi32>
        %add3A_1774 = arith.addi %add3A_1638, %add3A_1773 : vector<16xi32>
        tpu.vector_store_idx %arg9[%add3A_1771], %add3A_1774 : memref<12288xi32, #tpu.memory_space<vmem>>[vector<16xi32>], vector<16xi32>,
        %add3A_1775 = arith.constant 48 : i32
        %add3A_1776 = vector.broadcast %add3A_1775 : i32 to vector<16xi32>
        %add3A_1777 = arith.addi %add3A_1729, %add3A_1776 : vector<16xi32>
        tpu.vector_store_idx %arg10[%add3A_1777], %mul3A_1721 : memref<6144xf32, #tpu.memory_space<vmem>>[vector<16xi32>], vector<16xf32>,
        %add3A_1778 = arith.constant 64 : i32
        %add3A_1779 = vector.broadcast %add3A_1778 : i32 to vector<16xi32>
        %add3A_1780 = arith.addi %add3A_1729, %add3A_1779 : vector<16xi32>
        tpu.vector_store_idx %arg9[%add3A_1780], %add3A_1651 : memref<12288xi32, #tpu.memory_space<vmem>>[vector<16xi32>], vector<16xi32>,
        %add3A_1781 = arith.constant 6208 : i32
        %add3A_1782 = vector.broadcast %add3A_1781 : i32 to vector<16xi32>
        %add3A_1783 = arith.addi %add3A_1729, %add3A_1782 : vector<16xi32>
        %add3A_1784 = arith.constant 1 : i32
        %add3A_1785 = vector.broadcast %add3A_1784 : i32 to vector<16xi32>
        %add3A_1786 = arith.addi %add3A_1651, %add3A_1785 : vector<16xi32>
        tpu.vector_store_idx %arg9[%add3A_1783], %add3A_1786 : memref<12288xi32, #tpu.memory_space<vmem>>[vector<16xi32>], vector<16xi32>,
        %add3A_1787 = arith.constant 64 : i32
        %add3A_1788 = vector.broadcast %add3A_1787 : i32 to vector<16xi32>
        %add3A_1789 = arith.addi %add3A_1729, %add3A_1788 : vector<16xi32>
        tpu.vector_store_idx %arg10[%add3A_1789], %mul3A_1722 : memref<6144xf32, #tpu.memory_space<vmem>>[vector<16xi32>], vector<16xf32>,
        %add3A_1790 = arith.constant 80 : i32
        %add3A_1791 = vector.broadcast %add3A_1790 : i32 to vector<16xi32>
        %add3A_1792 = arith.addi %add3A_1729, %add3A_1791 : vector<16xi32>
        tpu.vector_store_idx %arg9[%add3A_1792], %add3A_1667 : memref<12288xi32, #tpu.memory_space<vmem>>[vector<16xi32>], vector<16xi32>,
        %add3A_1793 = arith.constant 6224 : i32
        %add3A_1794 = vector.broadcast %add3A_1793 : i32 to vector<16xi32>
        %add3A_1795 = arith.addi %add3A_1729, %add3A_1794 : vector<16xi32>
        %add3A_1796 = arith.constant 1 : i32
        %add3A_1797 = vector.broadcast %add3A_1796 : i32 to vector<16xi32>
        %add3A_1798 = arith.addi %add3A_1667, %add3A_1797 : vector<16xi32>
        tpu.vector_store_idx %arg9[%add3A_1795], %add3A_1798 : memref<12288xi32, #tpu.memory_space<vmem>>[vector<16xi32>], vector<16xi32>,
        %add3A_1799 = arith.constant 80 : i32
        %add3A_1800 = vector.broadcast %add3A_1799 : i32 to vector<16xi32>
        %add3A_1801 = arith.addi %add3A_1729, %add3A_1800 : vector<16xi32>
        tpu.vector_store_idx %arg10[%add3A_1801], %mul3A_1723 : memref<6144xf32, #tpu.memory_space<vmem>>[vector<16xi32>], vector<16xf32>,
        %add3A_1802 = arith.constant 96 : i32
        %add3A_1803 = vector.broadcast %add3A_1802 : i32 to vector<16xi32>
        %add3A_1804 = arith.addi %add3A_1729, %add3A_1803 : vector<16xi32>
        tpu.vector_store_idx %arg9[%add3A_1804], %add3A_1683 : memref<12288xi32, #tpu.memory_space<vmem>>[vector<16xi32>], vector<16xi32>,
        %add3A_1805 = arith.constant 6240 : i32
        %add3A_1806 = vector.broadcast %add3A_1805 : i32 to vector<16xi32>
        %add3A_1807 = arith.addi %add3A_1729, %add3A_1806 : vector<16xi32>
        %add3A_1808 = arith.constant 1 : i32
        %add3A_1809 = vector.broadcast %add3A_1808 : i32 to vector<16xi32>
        %add3A_1810 = arith.addi %add3A_1683, %add3A_1809 : vector<16xi32>
        tpu.vector_store_idx %arg9[%add3A_1807], %add3A_1810 : memref<12288xi32, #tpu.memory_space<vmem>>[vector<16xi32>], vector<16xi32>,
        %add3A_1811 = arith.constant 96 : i32
        %add3A_1812 = vector.broadcast %add3A_1811 : i32 to vector<16xi32>
        %add3A_1813 = arith.addi %add3A_1729, %add3A_1812 : vector<16xi32>
        tpu.vector_store_idx %arg10[%add3A_1813], %mul3A_1724 : memref<6144xf32, #tpu.memory_space<vmem>>[vector<16xi32>], vector<16xf32>,
        %add3A_1814 = arith.constant 112 : i32
        %add3A_1815 = vector.broadcast %add3A_1814 : i32 to vector<16xi32>
        %add3A_1816 = arith.addi %add3A_1729, %add3A_1815 : vector<16xi32>
        tpu.vector_store_idx %arg9[%add3A_1816], %add3A_1702 : memref<12288xi32, #tpu.memory_space<vmem>>[vector<16xi32>], vector<16xi32>,
        %add3A_1817 = arith.constant 6256 : i32
        %add3A_1818 = vector.broadcast %add3A_1817 : i32 to vector<16xi32>
        %add3A_1819 = arith.addi %add3A_1729, %add3A_1818 : vector<16xi32>
        %add3A_1820 = arith.constant 1 : i32
        %add3A_1821 = vector.broadcast %add3A_1820 : i32 to vector<16xi32>
        %add3A_1822 = arith.addi %add3A_1702, %add3A_1821 : vector<16xi32>
        tpu.vector_store_idx %arg9[%add3A_1819], %add3A_1822 : memref<12288xi32, #tpu.memory_space<vmem>>[vector<16xi32>], vector<16xi32>,
        %add3A_1823 = arith.constant 112 : i32
        %add3A_1824 = vector.broadcast %add3A_1823 : i32 to vector<16xi32>
        %add3A_1825 = arith.addi %add3A_1729, %add3A_1824 : vector<16xi32>
        tpu.vector_store_idx %arg10[%add3A_1825], %mul3A_1725 : memref<6144xf32, #tpu.memory_space<vmem>>[vector<16xi32>], vector<16xf32>,
      }
      %scan3A_422 = arith.constant 10 : i32
      %mul3A_423 = arith.constant 3.200000e+01 : f32
      %mul3A_424 = vector.broadcast %mul3A_423 : f32 to vector<16xf32>
      %mul3A_425 = arith.mulf %mul3A_48, %mul3A_424 : vector<16xf32>
      %convert_element_type3A_426 = arith.fptosi %mul3A_425 : vector<16xf32> to vector<16xi32>
      %convert_element_type3A_427 = arith.sitofp %convert_element_type3A_426 : vector<16xi32> to vector<16xf32>
      %sub3A_428 = arith.subf %mul3A_425, %convert_element_type3A_427 : vector<16xf32>
      %mul3A_429 = arith.constant 3.200000e+01 : f32
      %mul3A_430 = vector.broadcast %mul3A_429 : f32 to vector<16xf32>
      %mul3A_431 = arith.mulf %mul3A_54, %mul3A_430 : vector<16xf32>
      %convert_element_type3A_432 = arith.fptosi %mul3A_431 : vector<16xf32> to vector<16xi32>
      %convert_element_type3A_433 = arith.sitofp %convert_element_type3A_432 : vector<16xi32> to vector<16xf32>
      %sub3A_434 = arith.subf %mul3A_431, %convert_element_type3A_433 : vector<16xf32>
      %mul3A_435 = arith.constant 3.200000e+01 : f32
      %mul3A_436 = vector.broadcast %mul3A_435 : f32 to vector<16xf32>
      %mul3A_437 = arith.mulf %mul3A_66, %mul3A_436 : vector<16xf32>
      %convert_element_type3A_438 = arith.fptosi %mul3A_437 : vector<16xf32> to vector<16xi32>
      %convert_element_type3A_439 = arith.sitofp %convert_element_type3A_438 : vector<16xi32> to vector<16xf32>
      %sub3A_440 = arith.subf %mul3A_437, %convert_element_type3A_439 : vector<16xf32>
      %mul3A_441 = arith.constant 33 : i32
      %mul3A_442 = vector.broadcast %mul3A_441 : i32 to vector<16xi32>
      %mul3A_443 = arith.muli %convert_element_type3A_432, %mul3A_442 : vector<16xi32>
      %add3A_444 = arith.addi %convert_element_type3A_426, %mul3A_443 : vector<16xi32>
      %mul3A_445 = arith.constant 1089 : i32
      %mul3A_446 = vector.broadcast %mul3A_445 : i32 to vector<16xi32>
      %mul3A_447 = arith.muli %convert_element_type3A_438, %mul3A_446 : vector<16xi32>
      %add3A_448 = arith.addi %add3A_444, %mul3A_447 : vector<16xi32>
      %add3A_449 = arith.constant 0 : i32
      %add3A_450 = vector.broadcast %add3A_449 : i32 to vector<16xi32>
      %add3A_451 = arith.addi %add3A_448, %add3A_450 : vector<16xi32>
      %mul3A_452 = arith.constant 2 : i32
      %mul3A_453 = vector.broadcast %mul3A_452 : i32 to vector<16xi32>
      %mul3A_454 = arith.muli %add3A_451, %mul3A_453 : vector<16xi32>
      %add3A_455 = arith.constant 0 : i32
      %add3A_456 = vector.broadcast %add3A_455 : i32 to vector<16xi32>
      %add3A_457 = arith.addi %mul3A_454, %add3A_456 : vector<16xi32>
      %add3A_458 = arith.constant 2 : i32
      %add3A_459 = vector.broadcast %add3A_458 : i32 to vector<16xi32>
      %add3A_460 = arith.addi %mul3A_454, %add3A_459 : vector<16xi32>
      %add3A_461 = arith.constant 66 : i32
      %add3A_462 = vector.broadcast %add3A_461 : i32 to vector<16xi32>
      %add3A_463 = arith.addi %mul3A_454, %add3A_462 : vector<16xi32>
      %add3A_464 = arith.constant 68 : i32
      %add3A_465 = vector.broadcast %add3A_464 : i32 to vector<16xi32>
      %add3A_466 = arith.addi %mul3A_454, %add3A_465 : vector<16xi32>
      %add3A_467 = arith.constant 2178 : i32
      %add3A_468 = vector.broadcast %add3A_467 : i32 to vector<16xi32>
      %add3A_469 = arith.addi %mul3A_454, %add3A_468 : vector<16xi32>
      %add3A_470 = arith.constant 2180 : i32
      %add3A_471 = vector.broadcast %add3A_470 : i32 to vector<16xi32>
      %add3A_472 = arith.addi %mul3A_454, %add3A_471 : vector<16xi32>
      %add3A_473 = arith.constant 2244 : i32
      %add3A_474 = vector.broadcast %add3A_473 : i32 to vector<16xi32>
      %add3A_475 = arith.addi %mul3A_454, %add3A_474 : vector<16xi32>
      %add3A_476 = arith.constant 2246 : i32
      %add3A_477 = vector.broadcast %add3A_476 : i32 to vector<16xi32>
      %add3A_478 = arith.addi %mul3A_454, %add3A_477 : vector<16xi32>
      %sub3A_479 = arith.constant 1.000000e+00 : f32
      %sub3A_480 = vector.broadcast %sub3A_479 : f32 to vector<16xf32>
      %sub3A_481 = arith.subf %sub3A_480, %sub3A_428 : vector<16xf32>
      %sub3A_482 = arith.constant 1.000000e+00 : f32
      %sub3A_483 = vector.broadcast %sub3A_482 : f32 to vector<16xf32>
      %sub3A_484 = arith.subf %sub3A_483, %sub3A_434 : vector<16xf32>
      %sub3A_485 = arith.constant 1.000000e+00 : f32
      %sub3A_486 = vector.broadcast %sub3A_485 : f32 to vector<16xf32>
      %sub3A_487 = arith.subf %sub3A_486, %sub3A_440 : vector<16xf32>
      %mul3A_488 = arith.mulf %sub3A_484, %sub3A_487 : vector<16xf32>
      %mul3A_489 = arith.mulf %sub3A_434, %sub3A_487 : vector<16xf32>
      %mul3A_490 = arith.mulf %sub3A_484, %sub3A_440 : vector<16xf32>
      %mul3A_491 = arith.mulf %sub3A_434, %sub3A_440 : vector<16xf32>
      %mul3A_492 = arith.mulf %sub3A_481, %mul3A_488 : vector<16xf32>
      %mul3A_493 = arith.mulf %sub3A_428, %mul3A_488 : vector<16xf32>
      %mul3A_494 = arith.mulf %sub3A_481, %mul3A_489 : vector<16xf32>
      %mul3A_495 = arith.mulf %sub3A_428, %mul3A_489 : vector<16xf32>
      %mul3A_496 = arith.mulf %sub3A_481, %mul3A_490 : vector<16xf32>
      %mul3A_497 = arith.mulf %sub3A_428, %mul3A_490 : vector<16xf32>
      %mul3A_498 = arith.mulf %sub3A_481, %mul3A_491 : vector<16xf32>
      %mul3A_499 = arith.mulf %sub3A_428, %mul3A_491 : vector<16xf32>
      %broadcast_in_dim3A_500 = arith.constant 1536 : i32
      %broadcast_in_dim3A_501 = vector.broadcast %broadcast_in_dim3A_500 : i32 to vector<16xi32>
      %add3A_502 = arith.addi %broadcast_in_dim3A_501, %iota3A : vector<16xi32>
      %add3A_503 = arith.constant 0 : i32
      %add3A_504 = vector.broadcast %add3A_503 : i32 to vector<16xi32>
      %add3A_505 = arith.addi %add3A_502, %add3A_504 : vector<16xi32>
      tpu.vector_store_idx %arg9[%add3A_505], %add3A_457 : memref<12288xi32, #tpu.memory_space<vmem>>[vector<16xi32>], vector<16xi32>,
      %add3A_506 = arith.constant 6144 : i32
      %add3A_507 = vector.broadcast %add3A_506 : i32 to vector<16xi32>
      %add3A_508 = arith.addi %add3A_502, %add3A_507 : vector<16xi32>
      %add3A_509 = arith.constant 1 : i32
      %add3A_510 = vector.broadcast %add3A_509 : i32 to vector<16xi32>
      %add3A_511 = arith.addi %add3A_457, %add3A_510 : vector<16xi32>
      tpu.vector_store_idx %arg9[%add3A_508], %add3A_511 : memref<12288xi32, #tpu.memory_space<vmem>>[vector<16xi32>], vector<16xi32>,
      %add3A_512 = arith.constant 0 : i32
      %add3A_513 = vector.broadcast %add3A_512 : i32 to vector<16xi32>
      %add3A_514 = arith.addi %add3A_502, %add3A_513 : vector<16xi32>
      tpu.vector_store_idx %arg10[%add3A_514], %mul3A_492 : memref<6144xf32, #tpu.memory_space<vmem>>[vector<16xi32>], vector<16xf32>,
      %add3A_515 = arith.constant 16 : i32
      %add3A_516 = vector.broadcast %add3A_515 : i32 to vector<16xi32>
      %add3A_517 = arith.addi %add3A_502, %add3A_516 : vector<16xi32>
      tpu.vector_store_idx %arg9[%add3A_517], %add3A_460 : memref<12288xi32, #tpu.memory_space<vmem>>[vector<16xi32>], vector<16xi32>,
      %add3A_518 = arith.constant 6160 : i32
      %add3A_519 = vector.broadcast %add3A_518 : i32 to vector<16xi32>
      %add3A_520 = arith.addi %add3A_502, %add3A_519 : vector<16xi32>
      %add3A_521 = arith.constant 1 : i32
      %add3A_522 = vector.broadcast %add3A_521 : i32 to vector<16xi32>
      %add3A_523 = arith.addi %add3A_460, %add3A_522 : vector<16xi32>
      tpu.vector_store_idx %arg9[%add3A_520], %add3A_523 : memref<12288xi32, #tpu.memory_space<vmem>>[vector<16xi32>], vector<16xi32>,
      %add3A_524 = arith.constant 16 : i32
      %add3A_525 = vector.broadcast %add3A_524 : i32 to vector<16xi32>
      %add3A_526 = arith.addi %add3A_502, %add3A_525 : vector<16xi32>
      tpu.vector_store_idx %arg10[%add3A_526], %mul3A_493 : memref<6144xf32, #tpu.memory_space<vmem>>[vector<16xi32>], vector<16xf32>,
      %add3A_527 = arith.constant 32 : i32
      %add3A_528 = vector.broadcast %add3A_527 : i32 to vector<16xi32>
      %add3A_529 = arith.addi %add3A_502, %add3A_528 : vector<16xi32>
      tpu.vector_store_idx %arg9[%add3A_529], %add3A_463 : memref<12288xi32, #tpu.memory_space<vmem>>[vector<16xi32>], vector<16xi32>,
      %add3A_530 = arith.constant 6176 : i32
      %add3A_531 = vector.broadcast %add3A_530 : i32 to vector<16xi32>
      %add3A_532 = arith.addi %add3A_502, %add3A_531 : vector<16xi32>
      %add3A_533 = arith.constant 1 : i32
      %add3A_534 = vector.broadcast %add3A_533 : i32 to vector<16xi32>
      %add3A_535 = arith.addi %add3A_463, %add3A_534 : vector<16xi32>
      tpu.vector_store_idx %arg9[%add3A_532], %add3A_535 : memref<12288xi32, #tpu.memory_space<vmem>>[vector<16xi32>], vector<16xi32>,
      %add3A_536 = arith.constant 32 : i32
      %add3A_537 = vector.broadcast %add3A_536 : i32 to vector<16xi32>
      %add3A_538 = arith.addi %add3A_502, %add3A_537 : vector<16xi32>
      tpu.vector_store_idx %arg10[%add3A_538], %mul3A_494 : memref<6144xf32, #tpu.memory_space<vmem>>[vector<16xi32>], vector<16xf32>,
      %add3A_539 = arith.constant 48 : i32
      %add3A_540 = vector.broadcast %add3A_539 : i32 to vector<16xi32>
      %add3A_541 = arith.addi %add3A_502, %add3A_540 : vector<16xi32>
      tpu.vector_store_idx %arg9[%add3A_541], %add3A_466 : memref<12288xi32, #tpu.memory_space<vmem>>[vector<16xi32>], vector<16xi32>,
      %add3A_542 = arith.constant 6192 : i32
      %add3A_543 = vector.broadcast %add3A_542 : i32 to vector<16xi32>
      %add3A_544 = arith.addi %add3A_502, %add3A_543 : vector<16xi32>
      %add3A_545 = arith.constant 1 : i32
      %add3A_546 = vector.broadcast %add3A_545 : i32 to vector<16xi32>
      %add3A_547 = arith.addi %add3A_466, %add3A_546 : vector<16xi32>
      tpu.vector_store_idx %arg9[%add3A_544], %add3A_547 : memref<12288xi32, #tpu.memory_space<vmem>>[vector<16xi32>], vector<16xi32>,
      %add3A_548 = arith.constant 48 : i32
      %add3A_549 = vector.broadcast %add3A_548 : i32 to vector<16xi32>
      %add3A_550 = arith.addi %add3A_502, %add3A_549 : vector<16xi32>
      tpu.vector_store_idx %arg10[%add3A_550], %mul3A_495 : memref<6144xf32, #tpu.memory_space<vmem>>[vector<16xi32>], vector<16xf32>,
      %add3A_551 = arith.constant 64 : i32
      %add3A_552 = vector.broadcast %add3A_551 : i32 to vector<16xi32>
      %add3A_553 = arith.addi %add3A_502, %add3A_552 : vector<16xi32>
      tpu.vector_store_idx %arg9[%add3A_553], %add3A_469 : memref<12288xi32, #tpu.memory_space<vmem>>[vector<16xi32>], vector<16xi32>,
      %add3A_554 = arith.constant 6208 : i32
      %add3A_555 = vector.broadcast %add3A_554 : i32 to vector<16xi32>
      %add3A_556 = arith.addi %add3A_502, %add3A_555 : vector<16xi32>
      %add3A_557 = arith.constant 1 : i32
      %add3A_558 = vector.broadcast %add3A_557 : i32 to vector<16xi32>
      %add3A_559 = arith.addi %add3A_469, %add3A_558 : vector<16xi32>
      tpu.vector_store_idx %arg9[%add3A_556], %add3A_559 : memref<12288xi32, #tpu.memory_space<vmem>>[vector<16xi32>], vector<16xi32>,
      %add3A_560 = arith.constant 64 : i32
      %add3A_561 = vector.broadcast %add3A_560 : i32 to vector<16xi32>
      %add3A_562 = arith.addi %add3A_502, %add3A_561 : vector<16xi32>
      tpu.vector_store_idx %arg10[%add3A_562], %mul3A_496 : memref<6144xf32, #tpu.memory_space<vmem>>[vector<16xi32>], vector<16xf32>,
      %add3A_563 = arith.constant 80 : i32
      %add3A_564 = vector.broadcast %add3A_563 : i32 to vector<16xi32>
      %add3A_565 = arith.addi %add3A_502, %add3A_564 : vector<16xi32>
      tpu.vector_store_idx %arg9[%add3A_565], %add3A_472 : memref<12288xi32, #tpu.memory_space<vmem>>[vector<16xi32>], vector<16xi32>,
      %add3A_566 = arith.constant 6224 : i32
      %add3A_567 = vector.broadcast %add3A_566 : i32 to vector<16xi32>
      %add3A_568 = arith.addi %add3A_502, %add3A_567 : vector<16xi32>
      %add3A_569 = arith.constant 1 : i32
      %add3A_570 = vector.broadcast %add3A_569 : i32 to vector<16xi32>
      %add3A_571 = arith.addi %add3A_472, %add3A_570 : vector<16xi32>
      tpu.vector_store_idx %arg9[%add3A_568], %add3A_571 : memref<12288xi32, #tpu.memory_space<vmem>>[vector<16xi32>], vector<16xi32>,
      %add3A_572 = arith.constant 80 : i32
      %add3A_573 = vector.broadcast %add3A_572 : i32 to vector<16xi32>
      %add3A_574 = arith.addi %add3A_502, %add3A_573 : vector<16xi32>
      tpu.vector_store_idx %arg10[%add3A_574], %mul3A_497 : memref<6144xf32, #tpu.memory_space<vmem>>[vector<16xi32>], vector<16xf32>,
      %add3A_575 = arith.constant 96 : i32
      %add3A_576 = vector.broadcast %add3A_575 : i32 to vector<16xi32>
      %add3A_577 = arith.addi %add3A_502, %add3A_576 : vector<16xi32>
      tpu.vector_store_idx %arg9[%add3A_577], %add3A_475 : memref<12288xi32, #tpu.memory_space<vmem>>[vector<16xi32>], vector<16xi32>,
      %add3A_578 = arith.constant 6240 : i32
      %add3A_579 = vector.broadcast %add3A_578 : i32 to vector<16xi32>
      %add3A_580 = arith.addi %add3A_502, %add3A_579 : vector<16xi32>
      %add3A_581 = arith.constant 1 : i32
      %add3A_582 = vector.broadcast %add3A_581 : i32 to vector<16xi32>
      %add3A_583 = arith.addi %add3A_475, %add3A_582 : vector<16xi32>
      tpu.vector_store_idx %arg9[%add3A_580], %add3A_583 : memref<12288xi32, #tpu.memory_space<vmem>>[vector<16xi32>], vector<16xi32>,
      %add3A_584 = arith.constant 96 : i32
      %add3A_585 = vector.broadcast %add3A_584 : i32 to vector<16xi32>
      %add3A_586 = arith.addi %add3A_502, %add3A_585 : vector<16xi32>
      tpu.vector_store_idx %arg10[%add3A_586], %mul3A_498 : memref<6144xf32, #tpu.memory_space<vmem>>[vector<16xi32>], vector<16xf32>,
      %add3A_587 = arith.constant 112 : i32
      %add3A_588 = vector.broadcast %add3A_587 : i32 to vector<16xi32>
      %add3A_589 = arith.addi %add3A_502, %add3A_588 : vector<16xi32>
      tpu.vector_store_idx %arg9[%add3A_589], %add3A_478 : memref<12288xi32, #tpu.memory_space<vmem>>[vector<16xi32>], vector<16xi32>,
      %add3A_590 = arith.constant 6256 : i32
      %add3A_591 = vector.broadcast %add3A_590 : i32 to vector<16xi32>
      %add3A_592 = arith.addi %add3A_502, %add3A_591 : vector<16xi32>
      %add3A_593 = arith.constant 1 : i32
      %add3A_594 = vector.broadcast %add3A_593 : i32 to vector<16xi32>
      %add3A_595 = arith.addi %add3A_478, %add3A_594 : vector<16xi32>
      tpu.vector_store_idx %arg9[%add3A_592], %add3A_595 : memref<12288xi32, #tpu.memory_space<vmem>>[vector<16xi32>], vector<16xi32>,
      %add3A_596 = arith.constant 112 : i32
      %add3A_597 = vector.broadcast %add3A_596 : i32 to vector<16xi32>
      %add3A_598 = arith.addi %add3A_502, %add3A_597 : vector<16xi32>
      tpu.vector_store_idx %arg10[%add3A_598], %mul3A_499 : memref<6144xf32, #tpu.memory_space<vmem>>[vector<16xi32>], vector<16xf32>,
      %mul3A_599 = arith.constant 6.400000e+01 : f32
      %mul3A_600 = vector.broadcast %mul3A_599 : f32 to vector<16xf32>
      %mul3A_601 = arith.mulf %mul3A_48, %mul3A_600 : vector<16xf32>
      %convert_element_type3A_602 = arith.fptosi %mul3A_601 : vector<16xf32> to vector<16xi32>
      %convert_element_type3A_603 = arith.sitofp %convert_element_type3A_602 : vector<16xi32> to vector<16xf32>
      %sub3A_604 = arith.subf %mul3A_601, %convert_element_type3A_603 : vector<16xf32>
      %mul3A_605 = arith.constant 6.400000e+01 : f32
      %mul3A_606 = vector.broadcast %mul3A_605 : f32 to vector<16xf32>
      %mul3A_607 = arith.mulf %mul3A_54, %mul3A_606 : vector<16xf32>
      %convert_element_type3A_608 = arith.fptosi %mul3A_607 : vector<16xf32> to vector<16xi32>
      %convert_element_type3A_609 = arith.sitofp %convert_element_type3A_608 : vector<16xi32> to vector<16xf32>
      %sub3A_610 = arith.subf %mul3A_607, %convert_element_type3A_609 : vector<16xf32>
      %mul3A_611 = arith.constant 6.400000e+01 : f32
      %mul3A_612 = vector.broadcast %mul3A_611 : f32 to vector<16xf32>
      %mul3A_613 = arith.mulf %mul3A_66, %mul3A_612 : vector<16xf32>
      %convert_element_type3A_614 = arith.fptosi %mul3A_613 : vector<16xf32> to vector<16xi32>
      %convert_element_type3A_615 = arith.sitofp %convert_element_type3A_614 : vector<16xi32> to vector<16xf32>
      %sub3A_616 = arith.subf %mul3A_613, %convert_element_type3A_615 : vector<16xf32>
      %mul3A_617 = arith.constant 65 : i32
      %mul3A_618 = vector.broadcast %mul3A_617 : i32 to vector<16xi32>
      %mul3A_619 = arith.muli %convert_element_type3A_608, %mul3A_618 : vector<16xi32>
      %add3A_620 = arith.addi %convert_element_type3A_602, %mul3A_619 : vector<16xi32>
      %mul3A_621 = arith.constant 4225 : i32
      %mul3A_622 = vector.broadcast %mul3A_621 : i32 to vector<16xi32>
      %mul3A_623 = arith.muli %convert_element_type3A_614, %mul3A_622 : vector<16xi32>
      %add3A_624 = arith.addi %add3A_620, %mul3A_623 : vector<16xi32>
      %add3A_625 = arith.constant 35937 : i32
      %add3A_626 = vector.broadcast %add3A_625 : i32 to vector<16xi32>
      %add3A_627 = arith.addi %add3A_624, %add3A_626 : vector<16xi32>
      %mul3A_628 = arith.constant 2 : i32
      %mul3A_629 = vector.broadcast %mul3A_628 : i32 to vector<16xi32>
      %mul3A_630 = arith.muli %add3A_627, %mul3A_629 : vector<16xi32>
      %add3A_631 = arith.constant 0 : i32
      %add3A_632 = vector.broadcast %add3A_631 : i32 to vector<16xi32>
      %add3A_633 = arith.addi %mul3A_630, %add3A_632 : vector<16xi32>
      %add3A_634 = arith.constant 2 : i32
      %add3A_635 = vector.broadcast %add3A_634 : i32 to vector<16xi32>
      %add3A_636 = arith.addi %mul3A_630, %add3A_635 : vector<16xi32>
      %add3A_637 = arith.constant 130 : i32
      %add3A_638 = vector.broadcast %add3A_637 : i32 to vector<16xi32>
      %add3A_639 = arith.addi %mul3A_630, %add3A_638 : vector<16xi32>
      %add3A_640 = arith.constant 132 : i32
      %add3A_641 = vector.broadcast %add3A_640 : i32 to vector<16xi32>
      %add3A_642 = arith.addi %mul3A_630, %add3A_641 : vector<16xi32>
      %add3A_643 = arith.constant 8450 : i32
      %add3A_644 = vector.broadcast %add3A_643 : i32 to vector<16xi32>
      %add3A_645 = arith.addi %mul3A_630, %add3A_644 : vector<16xi32>
      %add3A_646 = arith.constant 8452 : i32
      %add3A_647 = vector.broadcast %add3A_646 : i32 to vector<16xi32>
      %add3A_648 = arith.addi %mul3A_630, %add3A_647 : vector<16xi32>
      %add3A_649 = arith.constant 8580 : i32
      %add3A_650 = vector.broadcast %add3A_649 : i32 to vector<16xi32>
      %add3A_651 = arith.addi %mul3A_630, %add3A_650 : vector<16xi32>
      %add3A_652 = arith.constant 8582 : i32
      %add3A_653 = vector.broadcast %add3A_652 : i32 to vector<16xi32>
      %add3A_654 = arith.addi %mul3A_630, %add3A_653 : vector<16xi32>
      %sub3A_655 = arith.constant 1.000000e+00 : f32
      %sub3A_656 = vector.broadcast %sub3A_655 : f32 to vector<16xf32>
      %sub3A_657 = arith.subf %sub3A_656, %sub3A_604 : vector<16xf32>
      %sub3A_658 = arith.constant 1.000000e+00 : f32
      %sub3A_659 = vector.broadcast %sub3A_658 : f32 to vector<16xf32>
      %sub3A_660 = arith.subf %sub3A_659, %sub3A_610 : vector<16xf32>
      %sub3A_661 = arith.constant 1.000000e+00 : f32
      %sub3A_662 = vector.broadcast %sub3A_661 : f32 to vector<16xf32>
      %sub3A_663 = arith.subf %sub3A_662, %sub3A_616 : vector<16xf32>
      %mul3A_664 = arith.mulf %sub3A_660, %sub3A_663 : vector<16xf32>
      %mul3A_665 = arith.mulf %sub3A_610, %sub3A_663 : vector<16xf32>
      %mul3A_666 = arith.mulf %sub3A_660, %sub3A_616 : vector<16xf32>
      %mul3A_667 = arith.mulf %sub3A_610, %sub3A_616 : vector<16xf32>
      %mul3A_668 = arith.mulf %sub3A_657, %mul3A_664 : vector<16xf32>
      %mul3A_669 = arith.mulf %sub3A_604, %mul3A_664 : vector<16xf32>
      %mul3A_670 = arith.mulf %sub3A_657, %mul3A_665 : vector<16xf32>
      %mul3A_671 = arith.mulf %sub3A_604, %mul3A_665 : vector<16xf32>
      %mul3A_672 = arith.mulf %sub3A_657, %mul3A_666 : vector<16xf32>
      %mul3A_673 = arith.mulf %sub3A_604, %mul3A_666 : vector<16xf32>
      %mul3A_674 = arith.mulf %sub3A_657, %mul3A_667 : vector<16xf32>
      %mul3A_675 = arith.mulf %sub3A_604, %mul3A_667 : vector<16xf32>
      %broadcast_in_dim3A_676 = arith.constant 1664 : i32
      %broadcast_in_dim3A_677 = vector.broadcast %broadcast_in_dim3A_676 : i32 to vector<16xi32>
      %add3A_678 = arith.addi %broadcast_in_dim3A_677, %iota3A : vector<16xi32>
      %add3A_679 = arith.constant 0 : i32
      %add3A_680 = vector.broadcast %add3A_679 : i32 to vector<16xi32>
      %add3A_681 = arith.addi %add3A_678, %add3A_680 : vector<16xi32>
      tpu.vector_store_idx %arg9[%add3A_681], %add3A_633 : memref<12288xi32, #tpu.memory_space<vmem>>[vector<16xi32>], vector<16xi32>,
      %add3A_682 = arith.constant 6144 : i32
      %add3A_683 = vector.broadcast %add3A_682 : i32 to vector<16xi32>
      %add3A_684 = arith.addi %add3A_678, %add3A_683 : vector<16xi32>
      %add3A_685 = arith.constant 1 : i32
      %add3A_686 = vector.broadcast %add3A_685 : i32 to vector<16xi32>
      %add3A_687 = arith.addi %add3A_633, %add3A_686 : vector<16xi32>
      tpu.vector_store_idx %arg9[%add3A_684], %add3A_687 : memref<12288xi32, #tpu.memory_space<vmem>>[vector<16xi32>], vector<16xi32>,
      %add3A_688 = arith.constant 0 : i32
      %add3A_689 = vector.broadcast %add3A_688 : i32 to vector<16xi32>
      %add3A_690 = arith.addi %add3A_678, %add3A_689 : vector<16xi32>
      tpu.vector_store_idx %arg10[%add3A_690], %mul3A_668 : memref<6144xf32, #tpu.memory_space<vmem>>[vector<16xi32>], vector<16xf32>,
      %add3A_691 = arith.constant 16 : i32
      %add3A_692 = vector.broadcast %add3A_691 : i32 to vector<16xi32>
      %add3A_693 = arith.addi %add3A_678, %add3A_692 : vector<16xi32>
      tpu.vector_store_idx %arg9[%add3A_693], %add3A_636 : memref<12288xi32, #tpu.memory_space<vmem>>[vector<16xi32>], vector<16xi32>,
      %add3A_694 = arith.constant 6160 : i32
      %add3A_695 = vector.broadcast %add3A_694 : i32 to vector<16xi32>
      %add3A_696 = arith.addi %add3A_678, %add3A_695 : vector<16xi32>
      %add3A_697 = arith.constant 1 : i32
      %add3A_698 = vector.broadcast %add3A_697 : i32 to vector<16xi32>
      %add3A_699 = arith.addi %add3A_636, %add3A_698 : vector<16xi32>
      tpu.vector_store_idx %arg9[%add3A_696], %add3A_699 : memref<12288xi32, #tpu.memory_space<vmem>>[vector<16xi32>], vector<16xi32>,
      %add3A_700 = arith.constant 16 : i32
      %add3A_701 = vector.broadcast %add3A_700 : i32 to vector<16xi32>
      %add3A_702 = arith.addi %add3A_678, %add3A_701 : vector<16xi32>
      tpu.vector_store_idx %arg10[%add3A_702], %mul3A_669 : memref<6144xf32, #tpu.memory_space<vmem>>[vector<16xi32>], vector<16xf32>,
      %add3A_703 = arith.constant 32 : i32
      %add3A_704 = vector.broadcast %add3A_703 : i32 to vector<16xi32>
      %add3A_705 = arith.addi %add3A_678, %add3A_704 : vector<16xi32>
      tpu.vector_store_idx %arg9[%add3A_705], %add3A_639 : memref<12288xi32, #tpu.memory_space<vmem>>[vector<16xi32>], vector<16xi32>,
      %add3A_706 = arith.constant 6176 : i32
      %add3A_707 = vector.broadcast %add3A_706 : i32 to vector<16xi32>
      %add3A_708 = arith.addi %add3A_678, %add3A_707 : vector<16xi32>
      %add3A_709 = arith.constant 1 : i32
      %add3A_710 = vector.broadcast %add3A_709 : i32 to vector<16xi32>
      %add3A_711 = arith.addi %add3A_639, %add3A_710 : vector<16xi32>
      tpu.vector_store_idx %arg9[%add3A_708], %add3A_711 : memref<12288xi32, #tpu.memory_space<vmem>>[vector<16xi32>], vector<16xi32>,
      %add3A_712 = arith.constant 32 : i32
      %add3A_713 = vector.broadcast %add3A_712 : i32 to vector<16xi32>
      %add3A_714 = arith.addi %add3A_678, %add3A_713 : vector<16xi32>
      tpu.vector_store_idx %arg10[%add3A_714], %mul3A_670 : memref<6144xf32, #tpu.memory_space<vmem>>[vector<16xi32>], vector<16xf32>,
      %add3A_715 = arith.constant 48 : i32
      %add3A_716 = vector.broadcast %add3A_715 : i32 to vector<16xi32>
      %add3A_717 = arith.addi %add3A_678, %add3A_716 : vector<16xi32>
      tpu.vector_store_idx %arg9[%add3A_717], %add3A_642 : memref<12288xi32, #tpu.memory_space<vmem>>[vector<16xi32>], vector<16xi32>,
      %add3A_718 = arith.constant 6192 : i32
      %add3A_719 = vector.broadcast %add3A_718 : i32 to vector<16xi32>
      %add3A_720 = arith.addi %add3A_678, %add3A_719 : vector<16xi32>
      %add3A_721 = arith.constant 1 : i32
      %add3A_722 = vector.broadcast %add3A_721 : i32 to vector<16xi32>
      %add3A_723 = arith.addi %add3A_642, %add3A_722 : vector<16xi32>
      tpu.vector_store_idx %arg9[%add3A_720], %add3A_723 : memref<12288xi32, #tpu.memory_space<vmem>>[vector<16xi32>], vector<16xi32>,
      %add3A_724 = arith.constant 48 : i32
      %add3A_725 = vector.broadcast %add3A_724 : i32 to vector<16xi32>
      %add3A_726 = arith.addi %add3A_678, %add3A_725 : vector<16xi32>
      tpu.vector_store_idx %arg10[%add3A_726], %mul3A_671 : memref<6144xf32, #tpu.memory_space<vmem>>[vector<16xi32>], vector<16xf32>,
      %add3A_727 = arith.constant 64 : i32
      %add3A_728 = vector.broadcast %add3A_727 : i32 to vector<16xi32>
      %add3A_729 = arith.addi %add3A_678, %add3A_728 : vector<16xi32>
      tpu.vector_store_idx %arg9[%add3A_729], %add3A_645 : memref<12288xi32, #tpu.memory_space<vmem>>[vector<16xi32>], vector<16xi32>,
      %add3A_730 = arith.constant 6208 : i32
      %add3A_731 = vector.broadcast %add3A_730 : i32 to vector<16xi32>
      %add3A_732 = arith.addi %add3A_678, %add3A_731 : vector<16xi32>
      %add3A_733 = arith.constant 1 : i32
      %add3A_734 = vector.broadcast %add3A_733 : i32 to vector<16xi32>
      %add3A_735 = arith.addi %add3A_645, %add3A_734 : vector<16xi32>
      tpu.vector_store_idx %arg9[%add3A_732], %add3A_735 : memref<12288xi32, #tpu.memory_space<vmem>>[vector<16xi32>], vector<16xi32>,
      %add3A_736 = arith.constant 64 : i32
      %add3A_737 = vector.broadcast %add3A_736 : i32 to vector<16xi32>
      %add3A_738 = arith.addi %add3A_678, %add3A_737 : vector<16xi32>
      tpu.vector_store_idx %arg10[%add3A_738], %mul3A_672 : memref<6144xf32, #tpu.memory_space<vmem>>[vector<16xi32>], vector<16xf32>,
      %add3A_739 = arith.constant 80 : i32
      %add3A_740 = vector.broadcast %add3A_739 : i32 to vector<16xi32>
      %add3A_741 = arith.addi %add3A_678, %add3A_740 : vector<16xi32>
      tpu.vector_store_idx %arg9[%add3A_741], %add3A_648 : memref<12288xi32, #tpu.memory_space<vmem>>[vector<16xi32>], vector<16xi32>,
      %add3A_742 = arith.constant 6224 : i32
      %add3A_743 = vector.broadcast %add3A_742 : i32 to vector<16xi32>
      %add3A_744 = arith.addi %add3A_678, %add3A_743 : vector<16xi32>
      %add3A_745 = arith.constant 1 : i32
      %add3A_746 = vector.broadcast %add3A_745 : i32 to vector<16xi32>
      %add3A_747 = arith.addi %add3A_648, %add3A_746 : vector<16xi32>
      tpu.vector_store_idx %arg9[%add3A_744], %add3A_747 : memref<12288xi32, #tpu.memory_space<vmem>>[vector<16xi32>], vector<16xi32>,
      %add3A_748 = arith.constant 80 : i32
      %add3A_749 = vector.broadcast %add3A_748 : i32 to vector<16xi32>
      %add3A_750 = arith.addi %add3A_678, %add3A_749 : vector<16xi32>
      tpu.vector_store_idx %arg10[%add3A_750], %mul3A_673 : memref<6144xf32, #tpu.memory_space<vmem>>[vector<16xi32>], vector<16xf32>,
      %add3A_751 = arith.constant 96 : i32
      %add3A_752 = vector.broadcast %add3A_751 : i32 to vector<16xi32>
      %add3A_753 = arith.addi %add3A_678, %add3A_752 : vector<16xi32>
      tpu.vector_store_idx %arg9[%add3A_753], %add3A_651 : memref<12288xi32, #tpu.memory_space<vmem>>[vector<16xi32>], vector<16xi32>,
      %add3A_754 = arith.constant 6240 : i32
      %add3A_755 = vector.broadcast %add3A_754 : i32 to vector<16xi32>
      %add3A_756 = arith.addi %add3A_678, %add3A_755 : vector<16xi32>
      %add3A_757 = arith.constant 1 : i32
      %add3A_758 = vector.broadcast %add3A_757 : i32 to vector<16xi32>
      %add3A_759 = arith.addi %add3A_651, %add3A_758 : vector<16xi32>
      tpu.vector_store_idx %arg9[%add3A_756], %add3A_759 : memref<12288xi32, #tpu.memory_space<vmem>>[vector<16xi32>], vector<16xi32>,
      %add3A_760 = arith.constant 96 : i32
      %add3A_761 = vector.broadcast %add3A_760 : i32 to vector<16xi32>
      %add3A_762 = arith.addi %add3A_678, %add3A_761 : vector<16xi32>
      tpu.vector_store_idx %arg10[%add3A_762], %mul3A_674 : memref<6144xf32, #tpu.memory_space<vmem>>[vector<16xi32>], vector<16xf32>,
      %add3A_763 = arith.constant 112 : i32
      %add3A_764 = vector.broadcast %add3A_763 : i32 to vector<16xi32>
      %add3A_765 = arith.addi %add3A_678, %add3A_764 : vector<16xi32>
      tpu.vector_store_idx %arg9[%add3A_765], %add3A_654 : memref<12288xi32, #tpu.memory_space<vmem>>[vector<16xi32>], vector<16xi32>,
      %add3A_766 = arith.constant 6256 : i32
      %add3A_767 = vector.broadcast %add3A_766 : i32 to vector<16xi32>
      %add3A_768 = arith.addi %add3A_678, %add3A_767 : vector<16xi32>
      %add3A_769 = arith.constant 1 : i32
      %add3A_770 = vector.broadcast %add3A_769 : i32 to vector<16xi32>
      %add3A_771 = arith.addi %add3A_654, %add3A_770 : vector<16xi32>
      tpu.vector_store_idx %arg9[%add3A_768], %add3A_771 : memref<12288xi32, #tpu.memory_space<vmem>>[vector<16xi32>], vector<16xi32>,
      %add3A_772 = arith.constant 112 : i32
      %add3A_773 = vector.broadcast %add3A_772 : i32 to vector<16xi32>
      %add3A_774 = arith.addi %add3A_678, %add3A_773 : vector<16xi32>
      tpu.vector_store_idx %arg10[%add3A_774], %mul3A_675 : memref<6144xf32, #tpu.memory_space<vmem>>[vector<16xi32>], vector<16xf32>,
      %scan3A_775 = arith.constant 0 : i32
      %scan3A_776 = arith.constant 2 : i32
      %scan3A_777 = arith.constant 10 : i32
      %scan3A_778 = arith.addi %scan3A_776, %scan3A_777 : i32
      %scan3A_779 = arith.constant 1 : i32
      scf.for %scan3A_1559 = %scan3A_776 to %scan3A_778 step %scan3A_779  : i32 {
        %shift_left3A = arith.constant 32 : i32
        %shift_left3A_1560 = arith.shli %shift_left3A, %scan3A_1559 : i32
        %convert_element_type3A_1561 = arith.sitofp %shift_left3A_1560 : i32 to f32
        %mul3A_1562 = vector.broadcast %convert_element_type3A_1561 : f32 to vector<16xf32>
        %mul3A_1563 = arith.mulf %mul3A_48, %mul3A_1562 : vector<16xf32>
        %convert_element_type3A_1564 = arith.fptosi %mul3A_1563 : vector<16xf32> to vector<16xi32>
        %convert_element_type3A_1565 = arith.sitofp %convert_element_type3A_1564 : vector<16xi32> to vector<16xf32>
        %sub3A_1566 = arith.subf %mul3A_1563, %convert_element_type3A_1565 : vector<16xf32>
        %mul3A_1567 = vector.broadcast %convert_element_type3A_1561 : f32 to vector<16xf32>
        %mul3A_1568 = arith.mulf %mul3A_54, %mul3A_1567 : vector<16xf32>
        %convert_element_type3A_1569 = arith.fptosi %mul3A_1568 : vector<16xf32> to vector<16xi32>
        %convert_element_type3A_1570 = arith.sitofp %convert_element_type3A_1569 : vector<16xi32> to vector<16xf32>
        %sub3A_1571 = arith.subf %mul3A_1568, %convert_element_type3A_1570 : vector<16xf32>
        %mul3A_1572 = vector.broadcast %convert_element_type3A_1561 : f32 to vector<16xf32>
        %mul3A_1573 = arith.mulf %mul3A_66, %mul3A_1572 : vector<16xf32>
        %convert_element_type3A_1574 = arith.fptosi %mul3A_1573 : vector<16xf32> to vector<16xi32>
        %convert_element_type3A_1575 = arith.sitofp %convert_element_type3A_1574 : vector<16xi32> to vector<16xf32>
        %sub3A_1576 = arith.subf %mul3A_1573, %convert_element_type3A_1575 : vector<16xf32>
        %mul3A_1577 = arith.constant -1640531535 : i32
        %mul3A_1578 = vector.broadcast %mul3A_1577 : i32 to vector<16xi32>
        %mul3A_1579 = arith.muli %convert_element_type3A_1569, %mul3A_1578 : vector<16xi32>
        %mul3A_1580 = arith.constant 805459861 : i32
        %mul3A_1581 = vector.broadcast %mul3A_1580 : i32 to vector<16xi32>
        %mul3A_1582 = arith.muli %convert_element_type3A_1574, %mul3A_1581 : vector<16xi32>
        %mul3A_1583 = arith.constant 524288 : i32
        %mul3A_1584 = arith.muli %scan3A_1559, %mul3A_1583 : i32
        %add3A_1585 = arith.constant -738014 : i32
        %add3A_1586 = arith.addi %mul3A_1584, %add3A_1585 : i32
        %mul3A_1587 = arith.constant 2 : i32
        %mul3A_1588 = arith.muli %mul3A_1587, %add3A_1586 : i32
        %xor3A = arith.xori %convert_element_type3A_1564, %mul3A_1579 : vector<16xi32>
        %xor3A_1589 = arith.xori %xor3A, %mul3A_1582 : vector<16xi32>
        %and3A = arith.constant 524287 : i32
        %and3A_1590 = vector.broadcast %and3A : i32 to vector<16xi32>
        %and3A_1591 = arith.andi %xor3A_1589, %and3A_1590 : vector<16xi32>
        %mul3A_1592 = arith.constant 2 : i32
        %mul3A_1593 = vector.broadcast %mul3A_1592 : i32 to vector<16xi32>
        %mul3A_1594 = arith.muli %and3A_1591, %mul3A_1593 : vector<16xi32>
        %add3A_1595 = vector.broadcast %mul3A_1588 : i32 to vector<16xi32>
        %add3A_1596 = arith.addi %mul3A_1594, %add3A_1595 : vector<16xi32>
        %add3A_1597 = arith.constant 1 : i32
        %add3A_1598 = vector.broadcast %add3A_1597 : i32 to vector<16xi32>
        %add3A_1599 = arith.addi %convert_element_type3A_1564, %add3A_1598 : vector<16xi32>
        %xor3A_1600 = arith.xori %add3A_1599, %mul3A_1579 : vector<16xi32>
        %xor3A_1601 = arith.xori %xor3A_1600, %mul3A_1582 : vector<16xi32>
        %and3A_1602 = arith.constant 524287 : i32
        %and3A_1603 = vector.broadcast %and3A_1602 : i32 to vector<16xi32>
        %and3A_1604 = arith.andi %xor3A_1601, %and3A_1603 : vector<16xi32>
        %mul3A_1605 = arith.constant 2 : i32
        %mul3A_1606 = vector.broadcast %mul3A_1605 : i32 to vector<16xi32>
        %mul3A_1607 = arith.muli %and3A_1604, %mul3A_1606 : vector<16xi32>
        %add3A_1608 = vector.broadcast %mul3A_1588 : i32 to vector<16xi32>
        %add3A_1609 = arith.addi %mul3A_1607, %add3A_1608 : vector<16xi32>
        %add3A_1610 = arith.constant -1640531535 : i32
        %add3A_1611 = vector.broadcast %add3A_1610 : i32 to vector<16xi32>
        %add3A_1612 = arith.addi %mul3A_1579, %add3A_1611 : vector<16xi32>
        %xor3A_1613 = arith.xori %convert_element_type3A_1564, %add3A_1612 : vector<16xi32>
        %xor3A_1614 = arith.xori %xor3A_1613, %mul3A_1582 : vector<16xi32>
        %and3A_1615 = arith.constant 524287 : i32
        %and3A_1616 = vector.broadcast %and3A_1615 : i32 to vector<16xi32>
        %and3A_1617 = arith.andi %xor3A_1614, %and3A_1616 : vector<16xi32>
        %mul3A_1618 = arith.constant 2 : i32
        %mul3A_1619 = vector.broadcast %mul3A_1618 : i32 to vector<16xi32>
        %mul3A_1620 = arith.muli %and3A_1617, %mul3A_1619 : vector<16xi32>
        %add3A_1621 = vector.broadcast %mul3A_1588 : i32 to vector<16xi32>
        %add3A_1622 = arith.addi %mul3A_1620, %add3A_1621 : vector<16xi32>
        %add3A_1623 = arith.constant 1 : i32
        %add3A_1624 = vector.broadcast %add3A_1623 : i32 to vector<16xi32>
        %add3A_1625 = arith.addi %convert_element_type3A_1564, %add3A_1624 : vector<16xi32>
        %add3A_1626 = arith.constant -1640531535 : i32
        %add3A_1627 = vector.broadcast %add3A_1626 : i32 to vector<16xi32>
        %add3A_1628 = arith.addi %mul3A_1579, %add3A_1627 : vector<16xi32>
        %xor3A_1629 = arith.xori %add3A_1625, %add3A_1628 : vector<16xi32>
        %xor3A_1630 = arith.xori %xor3A_1629, %mul3A_1582 : vector<16xi32>
        %and3A_1631 = arith.constant 524287 : i32
        %and3A_1632 = vector.broadcast %and3A_1631 : i32 to vector<16xi32>
        %and3A_1633 = arith.andi %xor3A_1630, %and3A_1632 : vector<16xi32>
        %mul3A_1634 = arith.constant 2 : i32
        %mul3A_1635 = vector.broadcast %mul3A_1634 : i32 to vector<16xi32>
        %mul3A_1636 = arith.muli %and3A_1633, %mul3A_1635 : vector<16xi32>
        %add3A_1637 = vector.broadcast %mul3A_1588 : i32 to vector<16xi32>
        %add3A_1638 = arith.addi %mul3A_1636, %add3A_1637 : vector<16xi32>
        %add3A_1639 = arith.constant 805459861 : i32
        %add3A_1640 = vector.broadcast %add3A_1639 : i32 to vector<16xi32>
        %add3A_1641 = arith.addi %mul3A_1582, %add3A_1640 : vector<16xi32>
        %xor3A_1642 = arith.xori %convert_element_type3A_1564, %mul3A_1579 : vector<16xi32>
        %xor3A_1643 = arith.xori %xor3A_1642, %add3A_1641 : vector<16xi32>
        %and3A_1644 = arith.constant 524287 : i32
        %and3A_1645 = vector.broadcast %and3A_1644 : i32 to vector<16xi32>
        %and3A_1646 = arith.andi %xor3A_1643, %and3A_1645 : vector<16xi32>
        %mul3A_1647 = arith.constant 2 : i32
        %mul3A_1648 = vector.broadcast %mul3A_1647 : i32 to vector<16xi32>
        %mul3A_1649 = arith.muli %and3A_1646, %mul3A_1648 : vector<16xi32>
        %add3A_1650 = vector.broadcast %mul3A_1588 : i32 to vector<16xi32>
        %add3A_1651 = arith.addi %mul3A_1649, %add3A_1650 : vector<16xi32>
        %add3A_1652 = arith.constant 1 : i32
        %add3A_1653 = vector.broadcast %add3A_1652 : i32 to vector<16xi32>
        %add3A_1654 = arith.addi %convert_element_type3A_1564, %add3A_1653 : vector<16xi32>
        %add3A_1655 = arith.constant 805459861 : i32
        %add3A_1656 = vector.broadcast %add3A_1655 : i32 to vector<16xi32>
        %add3A_1657 = arith.addi %mul3A_1582, %add3A_1656 : vector<16xi32>
        %xor3A_1658 = arith.xori %add3A_1654, %mul3A_1579 : vector<16xi32>
        %xor3A_1659 = arith.xori %xor3A_1658, %add3A_1657 : vector<16xi32>
        %and3A_1660 = arith.constant 524287 : i32
        %and3A_1661 = vector.broadcast %and3A_1660 : i32 to vector<16xi32>
        %and3A_1662 = arith.andi %xor3A_1659, %and3A_1661 : vector<16xi32>
        %mul3A_1663 = arith.constant 2 : i32
        %mul3A_1664 = vector.broadcast %mul3A_1663 : i32 to vector<16xi32>
        %mul3A_1665 = arith.muli %and3A_1662, %mul3A_1664 : vector<16xi32>
        %add3A_1666 = vector.broadcast %mul3A_1588 : i32 to vector<16xi32>
        %add3A_1667 = arith.addi %mul3A_1665, %add3A_1666 : vector<16xi32>
        %add3A_1668 = arith.constant -1640531535 : i32
        %add3A_1669 = vector.broadcast %add3A_1668 : i32 to vector<16xi32>
        %add3A_1670 = arith.addi %mul3A_1579, %add3A_1669 : vector<16xi32>
        %add3A_1671 = arith.constant 805459861 : i32
        %add3A_1672 = vector.broadcast %add3A_1671 : i32 to vector<16xi32>
        %add3A_1673 = arith.addi %mul3A_1582, %add3A_1672 : vector<16xi32>
        %xor3A_1674 = arith.xori %convert_element_type3A_1564, %add3A_1670 : vector<16xi32>
        %xor3A_1675 = arith.xori %xor3A_1674, %add3A_1673 : vector<16xi32>
        %and3A_1676 = arith.constant 524287 : i32
        %and3A_1677 = vector.broadcast %and3A_1676 : i32 to vector<16xi32>
        %and3A_1678 = arith.andi %xor3A_1675, %and3A_1677 : vector<16xi32>
        %mul3A_1679 = arith.constant 2 : i32
        %mul3A_1680 = vector.broadcast %mul3A_1679 : i32 to vector<16xi32>
        %mul3A_1681 = arith.muli %and3A_1678, %mul3A_1680 : vector<16xi32>
        %add3A_1682 = vector.broadcast %mul3A_1588 : i32 to vector<16xi32>
        %add3A_1683 = arith.addi %mul3A_1681, %add3A_1682 : vector<16xi32>
        %add3A_1684 = arith.constant 1 : i32
        %add3A_1685 = vector.broadcast %add3A_1684 : i32 to vector<16xi32>
        %add3A_1686 = arith.addi %convert_element_type3A_1564, %add3A_1685 : vector<16xi32>
        %add3A_1687 = arith.constant -1640531535 : i32
        %add3A_1688 = vector.broadcast %add3A_1687 : i32 to vector<16xi32>
        %add3A_1689 = arith.addi %mul3A_1579, %add3A_1688 : vector<16xi32>
        %add3A_1690 = arith.constant 805459861 : i32
        %add3A_1691 = vector.broadcast %add3A_1690 : i32 to vector<16xi32>
        %add3A_1692 = arith.addi %mul3A_1582, %add3A_1691 : vector<16xi32>
        %xor3A_1693 = arith.xori %add3A_1686, %add3A_1689 : vector<16xi32>
        %xor3A_1694 = arith.xori %xor3A_1693, %add3A_1692 : vector<16xi32>
        %and3A_1695 = arith.constant 524287 : i32
        %and3A_1696 = vector.broadcast %and3A_1695 : i32 to vector<16xi32>
        %and3A_1697 = arith.andi %xor3A_1694, %and3A_1696 : vector<16xi32>
        %mul3A_1698 = arith.constant 2 : i32
        %mul3A_1699 = vector.broadcast %mul3A_1698 : i32 to vector<16xi32>
        %mul3A_1700 = arith.muli %and3A_1697, %mul3A_1699 : vector<16xi32>
        %add3A_1701 = vector.broadcast %mul3A_1588 : i32 to vector<16xi32>
        %add3A_1702 = arith.addi %mul3A_1700, %add3A_1701 : vector<16xi32>
        %add3A_1703 = arith.constant 12 : i32
        %add3A_1704 = arith.addi %add3A_1703, %scan3A_1559 : i32
        %sub3A_1705 = arith.constant 1.000000e+00 : f32
        %sub3A_1706 = vector.broadcast %sub3A_1705 : f32 to vector<16xf32>
        %sub3A_1707 = arith.subf %sub3A_1706, %sub3A_1566 : vector<16xf32>
        %sub3A_1708 = arith.constant 1.000000e+00 : f32
        %sub3A_1709 = vector.broadcast %sub3A_1708 : f32 to vector<16xf32>
        %sub3A_1710 = arith.subf %sub3A_1709, %sub3A_1571 : vector<16xf32>
        %sub3A_1711 = arith.constant 1.000000e+00 : f32
        %sub3A_1712 = vector.broadcast %sub3A_1711 : f32 to vector<16xf32>
        %sub3A_1713 = arith.subf %sub3A_1712, %sub3A_1576 : vector<16xf32>
        %mul3A_1714 = arith.mulf %sub3A_1710, %sub3A_1713 : vector<16xf32>
        %mul3A_1715 = arith.mulf %sub3A_1571, %sub3A_1713 : vector<16xf32>
        %mul3A_1716 = arith.mulf %sub3A_1710, %sub3A_1576 : vector<16xf32>
        %mul3A_1717 = arith.mulf %sub3A_1571, %sub3A_1576 : vector<16xf32>
        %mul3A_1718 = arith.mulf %sub3A_1707, %mul3A_1714 : vector<16xf32>
        %mul3A_1719 = arith.mulf %sub3A_1566, %mul3A_1714 : vector<16xf32>
        %mul3A_1720 = arith.mulf %sub3A_1707, %mul3A_1715 : vector<16xf32>
        %mul3A_1721 = arith.mulf %sub3A_1566, %mul3A_1715 : vector<16xf32>
        %mul3A_1722 = arith.mulf %sub3A_1707, %mul3A_1716 : vector<16xf32>
        %mul3A_1723 = arith.mulf %sub3A_1566, %mul3A_1716 : vector<16xf32>
        %mul3A_1724 = arith.mulf %sub3A_1707, %mul3A_1717 : vector<16xf32>
        %mul3A_1725 = arith.mulf %sub3A_1566, %mul3A_1717 : vector<16xf32>
        %mul3A_1726 = arith.constant 128 : i32
        %mul3A_1727 = arith.muli %add3A_1704, %mul3A_1726 : i32
        %broadcast_in_dim3A_1728 = vector.broadcast %mul3A_1727 : i32 to vector<16xi32>
        %add3A_1729 = arith.addi %broadcast_in_dim3A_1728, %iota3A : vector<16xi32>
        %add3A_1730 = arith.constant 0 : i32
        %add3A_1731 = vector.broadcast %add3A_1730 : i32 to vector<16xi32>
        %add3A_1732 = arith.addi %add3A_1729, %add3A_1731 : vector<16xi32>
        tpu.vector_store_idx %arg9[%add3A_1732], %add3A_1596 : memref<12288xi32, #tpu.memory_space<vmem>>[vector<16xi32>], vector<16xi32>,
        %add3A_1733 = arith.constant 6144 : i32
        %add3A_1734 = vector.broadcast %add3A_1733 : i32 to vector<16xi32>
        %add3A_1735 = arith.addi %add3A_1729, %add3A_1734 : vector<16xi32>
        %add3A_1736 = arith.constant 1 : i32
        %add3A_1737 = vector.broadcast %add3A_1736 : i32 to vector<16xi32>
        %add3A_1738 = arith.addi %add3A_1596, %add3A_1737 : vector<16xi32>
        tpu.vector_store_idx %arg9[%add3A_1735], %add3A_1738 : memref<12288xi32, #tpu.memory_space<vmem>>[vector<16xi32>], vector<16xi32>,
        %add3A_1739 = arith.constant 0 : i32
        %add3A_1740 = vector.broadcast %add3A_1739 : i32 to vector<16xi32>
        %add3A_1741 = arith.addi %add3A_1729, %add3A_1740 : vector<16xi32>
        tpu.vector_store_idx %arg10[%add3A_1741], %mul3A_1718 : memref<6144xf32, #tpu.memory_space<vmem>>[vector<16xi32>], vector<16xf32>,
        %add3A_1742 = arith.constant 16 : i32
        %add3A_1743 = vector.broadcast %add3A_1742 : i32 to vector<16xi32>
        %add3A_1744 = arith.addi %add3A_1729, %add3A_1743 : vector<16xi32>
        tpu.vector_store_idx %arg9[%add3A_1744], %add3A_1609 : memref<12288xi32, #tpu.memory_space<vmem>>[vector<16xi32>], vector<16xi32>,
        %add3A_1745 = arith.constant 6160 : i32
        %add3A_1746 = vector.broadcast %add3A_1745 : i32 to vector<16xi32>
        %add3A_1747 = arith.addi %add3A_1729, %add3A_1746 : vector<16xi32>
        %add3A_1748 = arith.constant 1 : i32
        %add3A_1749 = vector.broadcast %add3A_1748 : i32 to vector<16xi32>
        %add3A_1750 = arith.addi %add3A_1609, %add3A_1749 : vector<16xi32>
        tpu.vector_store_idx %arg9[%add3A_1747], %add3A_1750 : memref<12288xi32, #tpu.memory_space<vmem>>[vector<16xi32>], vector<16xi32>,
        %add3A_1751 = arith.constant 16 : i32
        %add3A_1752 = vector.broadcast %add3A_1751 : i32 to vector<16xi32>
        %add3A_1753 = arith.addi %add3A_1729, %add3A_1752 : vector<16xi32>
        tpu.vector_store_idx %arg10[%add3A_1753], %mul3A_1719 : memref<6144xf32, #tpu.memory_space<vmem>>[vector<16xi32>], vector<16xf32>,
        %add3A_1754 = arith.constant 32 : i32
        %add3A_1755 = vector.broadcast %add3A_1754 : i32 to vector<16xi32>
        %add3A_1756 = arith.addi %add3A_1729, %add3A_1755 : vector<16xi32>
        tpu.vector_store_idx %arg9[%add3A_1756], %add3A_1622 : memref<12288xi32, #tpu.memory_space<vmem>>[vector<16xi32>], vector<16xi32>,
        %add3A_1757 = arith.constant 6176 : i32
        %add3A_1758 = vector.broadcast %add3A_1757 : i32 to vector<16xi32>
        %add3A_1759 = arith.addi %add3A_1729, %add3A_1758 : vector<16xi32>
        %add3A_1760 = arith.constant 1 : i32
        %add3A_1761 = vector.broadcast %add3A_1760 : i32 to vector<16xi32>
        %add3A_1762 = arith.addi %add3A_1622, %add3A_1761 : vector<16xi32>
        tpu.vector_store_idx %arg9[%add3A_1759], %add3A_1762 : memref<12288xi32, #tpu.memory_space<vmem>>[vector<16xi32>], vector<16xi32>,
        %add3A_1763 = arith.constant 32 : i32
        %add3A_1764 = vector.broadcast %add3A_1763 : i32 to vector<16xi32>
        %add3A_1765 = arith.addi %add3A_1729, %add3A_1764 : vector<16xi32>
        tpu.vector_store_idx %arg10[%add3A_1765], %mul3A_1720 : memref<6144xf32, #tpu.memory_space<vmem>>[vector<16xi32>], vector<16xf32>,
        %add3A_1766 = arith.constant 48 : i32
        %add3A_1767 = vector.broadcast %add3A_1766 : i32 to vector<16xi32>
        %add3A_1768 = arith.addi %add3A_1729, %add3A_1767 : vector<16xi32>
        tpu.vector_store_idx %arg9[%add3A_1768], %add3A_1638 : memref<12288xi32, #tpu.memory_space<vmem>>[vector<16xi32>], vector<16xi32>,
        %add3A_1769 = arith.constant 6192 : i32
        %add3A_1770 = vector.broadcast %add3A_1769 : i32 to vector<16xi32>
        %add3A_1771 = arith.addi %add3A_1729, %add3A_1770 : vector<16xi32>
        %add3A_1772 = arith.constant 1 : i32
        %add3A_1773 = vector.broadcast %add3A_1772 : i32 to vector<16xi32>
        %add3A_1774 = arith.addi %add3A_1638, %add3A_1773 : vector<16xi32>
        tpu.vector_store_idx %arg9[%add3A_1771], %add3A_1774 : memref<12288xi32, #tpu.memory_space<vmem>>[vector<16xi32>], vector<16xi32>,
        %add3A_1775 = arith.constant 48 : i32
        %add3A_1776 = vector.broadcast %add3A_1775 : i32 to vector<16xi32>
        %add3A_1777 = arith.addi %add3A_1729, %add3A_1776 : vector<16xi32>
        tpu.vector_store_idx %arg10[%add3A_1777], %mul3A_1721 : memref<6144xf32, #tpu.memory_space<vmem>>[vector<16xi32>], vector<16xf32>,
        %add3A_1778 = arith.constant 64 : i32
        %add3A_1779 = vector.broadcast %add3A_1778 : i32 to vector<16xi32>
        %add3A_1780 = arith.addi %add3A_1729, %add3A_1779 : vector<16xi32>
        tpu.vector_store_idx %arg9[%add3A_1780], %add3A_1651 : memref<12288xi32, #tpu.memory_space<vmem>>[vector<16xi32>], vector<16xi32>,
        %add3A_1781 = arith.constant 6208 : i32
        %add3A_1782 = vector.broadcast %add3A_1781 : i32 to vector<16xi32>
        %add3A_1783 = arith.addi %add3A_1729, %add3A_1782 : vector<16xi32>
        %add3A_1784 = arith.constant 1 : i32
        %add3A_1785 = vector.broadcast %add3A_1784 : i32 to vector<16xi32>
        %add3A_1786 = arith.addi %add3A_1651, %add3A_1785 : vector<16xi32>
        tpu.vector_store_idx %arg9[%add3A_1783], %add3A_1786 : memref<12288xi32, #tpu.memory_space<vmem>>[vector<16xi32>], vector<16xi32>,
        %add3A_1787 = arith.constant 64 : i32
        %add3A_1788 = vector.broadcast %add3A_1787 : i32 to vector<16xi32>
        %add3A_1789 = arith.addi %add3A_1729, %add3A_1788 : vector<16xi32>
        tpu.vector_store_idx %arg10[%add3A_1789], %mul3A_1722 : memref<6144xf32, #tpu.memory_space<vmem>>[vector<16xi32>], vector<16xf32>,
        %add3A_1790 = arith.constant 80 : i32
        %add3A_1791 = vector.broadcast %add3A_1790 : i32 to vector<16xi32>
        %add3A_1792 = arith.addi %add3A_1729, %add3A_1791 : vector<16xi32>
        tpu.vector_store_idx %arg9[%add3A_1792], %add3A_1667 : memref<12288xi32, #tpu.memory_space<vmem>>[vector<16xi32>], vector<16xi32>,
        %add3A_1793 = arith.constant 6224 : i32
        %add3A_1794 = vector.broadcast %add3A_1793 : i32 to vector<16xi32>
        %add3A_1795 = arith.addi %add3A_1729, %add3A_1794 : vector<16xi32>
        %add3A_1796 = arith.constant 1 : i32
        %add3A_1797 = vector.broadcast %add3A_1796 : i32 to vector<16xi32>
        %add3A_1798 = arith.addi %add3A_1667, %add3A_1797 : vector<16xi32>
        tpu.vector_store_idx %arg9[%add3A_1795], %add3A_1798 : memref<12288xi32, #tpu.memory_space<vmem>>[vector<16xi32>], vector<16xi32>,
        %add3A_1799 = arith.constant 80 : i32
        %add3A_1800 = vector.broadcast %add3A_1799 : i32 to vector<16xi32>
        %add3A_1801 = arith.addi %add3A_1729, %add3A_1800 : vector<16xi32>
        tpu.vector_store_idx %arg10[%add3A_1801], %mul3A_1723 : memref<6144xf32, #tpu.memory_space<vmem>>[vector<16xi32>], vector<16xf32>,
        %add3A_1802 = arith.constant 96 : i32
        %add3A_1803 = vector.broadcast %add3A_1802 : i32 to vector<16xi32>
        %add3A_1804 = arith.addi %add3A_1729, %add3A_1803 : vector<16xi32>
        tpu.vector_store_idx %arg9[%add3A_1804], %add3A_1683 : memref<12288xi32, #tpu.memory_space<vmem>>[vector<16xi32>], vector<16xi32>,
        %add3A_1805 = arith.constant 6240 : i32
        %add3A_1806 = vector.broadcast %add3A_1805 : i32 to vector<16xi32>
        %add3A_1807 = arith.addi %add3A_1729, %add3A_1806 : vector<16xi32>
        %add3A_1808 = arith.constant 1 : i32
        %add3A_1809 = vector.broadcast %add3A_1808 : i32 to vector<16xi32>
        %add3A_1810 = arith.addi %add3A_1683, %add3A_1809 : vector<16xi32>
        tpu.vector_store_idx %arg9[%add3A_1807], %add3A_1810 : memref<12288xi32, #tpu.memory_space<vmem>>[vector<16xi32>], vector<16xi32>,
        %add3A_1811 = arith.constant 96 : i32
        %add3A_1812 = vector.broadcast %add3A_1811 : i32 to vector<16xi32>
        %add3A_1813 = arith.addi %add3A_1729, %add3A_1812 : vector<16xi32>
        tpu.vector_store_idx %arg10[%add3A_1813], %mul3A_1724 : memref<6144xf32, #tpu.memory_space<vmem>>[vector<16xi32>], vector<16xf32>,
        %add3A_1814 = arith.constant 112 : i32
        %add3A_1815 = vector.broadcast %add3A_1814 : i32 to vector<16xi32>
        %add3A_1816 = arith.addi %add3A_1729, %add3A_1815 : vector<16xi32>
        tpu.vector_store_idx %arg9[%add3A_1816], %add3A_1702 : memref<12288xi32, #tpu.memory_space<vmem>>[vector<16xi32>], vector<16xi32>,
        %add3A_1817 = arith.constant 6256 : i32
        %add3A_1818 = vector.broadcast %add3A_1817 : i32 to vector<16xi32>
        %add3A_1819 = arith.addi %add3A_1729, %add3A_1818 : vector<16xi32>
        %add3A_1820 = arith.constant 1 : i32
        %add3A_1821 = vector.broadcast %add3A_1820 : i32 to vector<16xi32>
        %add3A_1822 = arith.addi %add3A_1702, %add3A_1821 : vector<16xi32>
        tpu.vector_store_idx %arg9[%add3A_1819], %add3A_1822 : memref<12288xi32, #tpu.memory_space<vmem>>[vector<16xi32>], vector<16xi32>,
        %add3A_1823 = arith.constant 112 : i32
        %add3A_1824 = vector.broadcast %add3A_1823 : i32 to vector<16xi32>
        %add3A_1825 = arith.addi %add3A_1729, %add3A_1824 : vector<16xi32>
        tpu.vector_store_idx %arg10[%add3A_1825], %mul3A_1725 : memref<6144xf32, #tpu.memory_space<vmem>>[vector<16xi32>], vector<16xf32>,
      }
      %scan3A_780 = arith.constant 10 : i32
      %mul3A_781 = arith.constant 3.200000e+01 : f32
      %mul3A_782 = vector.broadcast %mul3A_781 : f32 to vector<16xf32>
      %mul3A_783 = arith.mulf %mul3A_54, %mul3A_782 : vector<16xf32>
      %convert_element_type3A_784 = arith.fptosi %mul3A_783 : vector<16xf32> to vector<16xi32>
      %convert_element_type3A_785 = arith.sitofp %convert_element_type3A_784 : vector<16xi32> to vector<16xf32>
      %sub3A_786 = arith.subf %mul3A_783, %convert_element_type3A_785 : vector<16xf32>
      %mul3A_787 = arith.constant 3.200000e+01 : f32
      %mul3A_788 = vector.broadcast %mul3A_787 : f32 to vector<16xf32>
      %mul3A_789 = arith.mulf %mul3A_60, %mul3A_788 : vector<16xf32>
      %convert_element_type3A_790 = arith.fptosi %mul3A_789 : vector<16xf32> to vector<16xi32>
      %convert_element_type3A_791 = arith.sitofp %convert_element_type3A_790 : vector<16xi32> to vector<16xf32>
      %sub3A_792 = arith.subf %mul3A_789, %convert_element_type3A_791 : vector<16xf32>
      %mul3A_793 = arith.constant 3.200000e+01 : f32
      %mul3A_794 = vector.broadcast %mul3A_793 : f32 to vector<16xf32>
      %mul3A_795 = arith.mulf %mul3A_66, %mul3A_794 : vector<16xf32>
      %convert_element_type3A_796 = arith.fptosi %mul3A_795 : vector<16xf32> to vector<16xi32>
      %convert_element_type3A_797 = arith.sitofp %convert_element_type3A_796 : vector<16xi32> to vector<16xf32>
      %sub3A_798 = arith.subf %mul3A_795, %convert_element_type3A_797 : vector<16xf32>
      %mul3A_799 = arith.constant 33 : i32
      %mul3A_800 = vector.broadcast %mul3A_799 : i32 to vector<16xi32>
      %mul3A_801 = arith.muli %convert_element_type3A_790, %mul3A_800 : vector<16xi32>
      %add3A_802 = arith.addi %convert_element_type3A_784, %mul3A_801 : vector<16xi32>
      %mul3A_803 = arith.constant 1089 : i32
      %mul3A_804 = vector.broadcast %mul3A_803 : i32 to vector<16xi32>
      %mul3A_805 = arith.muli %convert_element_type3A_796, %mul3A_804 : vector<16xi32>
      %add3A_806 = arith.addi %add3A_802, %mul3A_805 : vector<16xi32>
      %add3A_807 = arith.constant 0 : i32
      %add3A_808 = vector.broadcast %add3A_807 : i32 to vector<16xi32>
      %add3A_809 = arith.addi %add3A_806, %add3A_808 : vector<16xi32>
      %mul3A_810 = arith.constant 2 : i32
      %mul3A_811 = vector.broadcast %mul3A_810 : i32 to vector<16xi32>
      %mul3A_812 = arith.muli %add3A_809, %mul3A_811 : vector<16xi32>
      %add3A_813 = arith.constant 0 : i32
      %add3A_814 = vector.broadcast %add3A_813 : i32 to vector<16xi32>
      %add3A_815 = arith.addi %mul3A_812, %add3A_814 : vector<16xi32>
      %add3A_816 = arith.constant 2 : i32
      %add3A_817 = vector.broadcast %add3A_816 : i32 to vector<16xi32>
      %add3A_818 = arith.addi %mul3A_812, %add3A_817 : vector<16xi32>
      %add3A_819 = arith.constant 66 : i32
      %add3A_820 = vector.broadcast %add3A_819 : i32 to vector<16xi32>
      %add3A_821 = arith.addi %mul3A_812, %add3A_820 : vector<16xi32>
      %add3A_822 = arith.constant 68 : i32
      %add3A_823 = vector.broadcast %add3A_822 : i32 to vector<16xi32>
      %add3A_824 = arith.addi %mul3A_812, %add3A_823 : vector<16xi32>
      %add3A_825 = arith.constant 2178 : i32
      %add3A_826 = vector.broadcast %add3A_825 : i32 to vector<16xi32>
      %add3A_827 = arith.addi %mul3A_812, %add3A_826 : vector<16xi32>
      %add3A_828 = arith.constant 2180 : i32
      %add3A_829 = vector.broadcast %add3A_828 : i32 to vector<16xi32>
      %add3A_830 = arith.addi %mul3A_812, %add3A_829 : vector<16xi32>
      %add3A_831 = arith.constant 2244 : i32
      %add3A_832 = vector.broadcast %add3A_831 : i32 to vector<16xi32>
      %add3A_833 = arith.addi %mul3A_812, %add3A_832 : vector<16xi32>
      %add3A_834 = arith.constant 2246 : i32
      %add3A_835 = vector.broadcast %add3A_834 : i32 to vector<16xi32>
      %add3A_836 = arith.addi %mul3A_812, %add3A_835 : vector<16xi32>
      %sub3A_837 = arith.constant 1.000000e+00 : f32
      %sub3A_838 = vector.broadcast %sub3A_837 : f32 to vector<16xf32>
      %sub3A_839 = arith.subf %sub3A_838, %sub3A_786 : vector<16xf32>
      %sub3A_840 = arith.constant 1.000000e+00 : f32
      %sub3A_841 = vector.broadcast %sub3A_840 : f32 to vector<16xf32>
      %sub3A_842 = arith.subf %sub3A_841, %sub3A_792 : vector<16xf32>
      %sub3A_843 = arith.constant 1.000000e+00 : f32
      %sub3A_844 = vector.broadcast %sub3A_843 : f32 to vector<16xf32>
      %sub3A_845 = arith.subf %sub3A_844, %sub3A_798 : vector<16xf32>
      %mul3A_846 = arith.mulf %sub3A_842, %sub3A_845 : vector<16xf32>
      %mul3A_847 = arith.mulf %sub3A_792, %sub3A_845 : vector<16xf32>
      %mul3A_848 = arith.mulf %sub3A_842, %sub3A_798 : vector<16xf32>
      %mul3A_849 = arith.mulf %sub3A_792, %sub3A_798 : vector<16xf32>
      %mul3A_850 = arith.mulf %sub3A_839, %mul3A_846 : vector<16xf32>
      %mul3A_851 = arith.mulf %sub3A_786, %mul3A_846 : vector<16xf32>
      %mul3A_852 = arith.mulf %sub3A_839, %mul3A_847 : vector<16xf32>
      %mul3A_853 = arith.mulf %sub3A_786, %mul3A_847 : vector<16xf32>
      %mul3A_854 = arith.mulf %sub3A_839, %mul3A_848 : vector<16xf32>
      %mul3A_855 = arith.mulf %sub3A_786, %mul3A_848 : vector<16xf32>
      %mul3A_856 = arith.mulf %sub3A_839, %mul3A_849 : vector<16xf32>
      %mul3A_857 = arith.mulf %sub3A_786, %mul3A_849 : vector<16xf32>
      %broadcast_in_dim3A_858 = arith.constant 3072 : i32
      %broadcast_in_dim3A_859 = vector.broadcast %broadcast_in_dim3A_858 : i32 to vector<16xi32>
      %add3A_860 = arith.addi %broadcast_in_dim3A_859, %iota3A : vector<16xi32>
      %add3A_861 = arith.constant 0 : i32
      %add3A_862 = vector.broadcast %add3A_861 : i32 to vector<16xi32>
      %add3A_863 = arith.addi %add3A_860, %add3A_862 : vector<16xi32>
      tpu.vector_store_idx %arg9[%add3A_863], %add3A_815 : memref<12288xi32, #tpu.memory_space<vmem>>[vector<16xi32>], vector<16xi32>,
      %add3A_864 = arith.constant 6144 : i32
      %add3A_865 = vector.broadcast %add3A_864 : i32 to vector<16xi32>
      %add3A_866 = arith.addi %add3A_860, %add3A_865 : vector<16xi32>
      %add3A_867 = arith.constant 1 : i32
      %add3A_868 = vector.broadcast %add3A_867 : i32 to vector<16xi32>
      %add3A_869 = arith.addi %add3A_815, %add3A_868 : vector<16xi32>
      tpu.vector_store_idx %arg9[%add3A_866], %add3A_869 : memref<12288xi32, #tpu.memory_space<vmem>>[vector<16xi32>], vector<16xi32>,
      %add3A_870 = arith.constant 0 : i32
      %add3A_871 = vector.broadcast %add3A_870 : i32 to vector<16xi32>
      %add3A_872 = arith.addi %add3A_860, %add3A_871 : vector<16xi32>
      tpu.vector_store_idx %arg10[%add3A_872], %mul3A_850 : memref<6144xf32, #tpu.memory_space<vmem>>[vector<16xi32>], vector<16xf32>,
      %add3A_873 = arith.constant 16 : i32
      %add3A_874 = vector.broadcast %add3A_873 : i32 to vector<16xi32>
      %add3A_875 = arith.addi %add3A_860, %add3A_874 : vector<16xi32>
      tpu.vector_store_idx %arg9[%add3A_875], %add3A_818 : memref<12288xi32, #tpu.memory_space<vmem>>[vector<16xi32>], vector<16xi32>,
      %add3A_876 = arith.constant 6160 : i32
      %add3A_877 = vector.broadcast %add3A_876 : i32 to vector<16xi32>
      %add3A_878 = arith.addi %add3A_860, %add3A_877 : vector<16xi32>
      %add3A_879 = arith.constant 1 : i32
      %add3A_880 = vector.broadcast %add3A_879 : i32 to vector<16xi32>
      %add3A_881 = arith.addi %add3A_818, %add3A_880 : vector<16xi32>
      tpu.vector_store_idx %arg9[%add3A_878], %add3A_881 : memref<12288xi32, #tpu.memory_space<vmem>>[vector<16xi32>], vector<16xi32>,
      %add3A_882 = arith.constant 16 : i32
      %add3A_883 = vector.broadcast %add3A_882 : i32 to vector<16xi32>
      %add3A_884 = arith.addi %add3A_860, %add3A_883 : vector<16xi32>
      tpu.vector_store_idx %arg10[%add3A_884], %mul3A_851 : memref<6144xf32, #tpu.memory_space<vmem>>[vector<16xi32>], vector<16xf32>,
      %add3A_885 = arith.constant 32 : i32
      %add3A_886 = vector.broadcast %add3A_885 : i32 to vector<16xi32>
      %add3A_887 = arith.addi %add3A_860, %add3A_886 : vector<16xi32>
      tpu.vector_store_idx %arg9[%add3A_887], %add3A_821 : memref<12288xi32, #tpu.memory_space<vmem>>[vector<16xi32>], vector<16xi32>,
      %add3A_888 = arith.constant 6176 : i32
      %add3A_889 = vector.broadcast %add3A_888 : i32 to vector<16xi32>
      %add3A_890 = arith.addi %add3A_860, %add3A_889 : vector<16xi32>
      %add3A_891 = arith.constant 1 : i32
      %add3A_892 = vector.broadcast %add3A_891 : i32 to vector<16xi32>
      %add3A_893 = arith.addi %add3A_821, %add3A_892 : vector<16xi32>
      tpu.vector_store_idx %arg9[%add3A_890], %add3A_893 : memref<12288xi32, #tpu.memory_space<vmem>>[vector<16xi32>], vector<16xi32>,
      %add3A_894 = arith.constant 32 : i32
      %add3A_895 = vector.broadcast %add3A_894 : i32 to vector<16xi32>
      %add3A_896 = arith.addi %add3A_860, %add3A_895 : vector<16xi32>
      tpu.vector_store_idx %arg10[%add3A_896], %mul3A_852 : memref<6144xf32, #tpu.memory_space<vmem>>[vector<16xi32>], vector<16xf32>,
      %add3A_897 = arith.constant 48 : i32
      %add3A_898 = vector.broadcast %add3A_897 : i32 to vector<16xi32>
      %add3A_899 = arith.addi %add3A_860, %add3A_898 : vector<16xi32>
      tpu.vector_store_idx %arg9[%add3A_899], %add3A_824 : memref<12288xi32, #tpu.memory_space<vmem>>[vector<16xi32>], vector<16xi32>,
      %add3A_900 = arith.constant 6192 : i32
      %add3A_901 = vector.broadcast %add3A_900 : i32 to vector<16xi32>
      %add3A_902 = arith.addi %add3A_860, %add3A_901 : vector<16xi32>
      %add3A_903 = arith.constant 1 : i32
      %add3A_904 = vector.broadcast %add3A_903 : i32 to vector<16xi32>
      %add3A_905 = arith.addi %add3A_824, %add3A_904 : vector<16xi32>
      tpu.vector_store_idx %arg9[%add3A_902], %add3A_905 : memref<12288xi32, #tpu.memory_space<vmem>>[vector<16xi32>], vector<16xi32>,
      %add3A_906 = arith.constant 48 : i32
      %add3A_907 = vector.broadcast %add3A_906 : i32 to vector<16xi32>
      %add3A_908 = arith.addi %add3A_860, %add3A_907 : vector<16xi32>
      tpu.vector_store_idx %arg10[%add3A_908], %mul3A_853 : memref<6144xf32, #tpu.memory_space<vmem>>[vector<16xi32>], vector<16xf32>,
      %add3A_909 = arith.constant 64 : i32
      %add3A_910 = vector.broadcast %add3A_909 : i32 to vector<16xi32>
      %add3A_911 = arith.addi %add3A_860, %add3A_910 : vector<16xi32>
      tpu.vector_store_idx %arg9[%add3A_911], %add3A_827 : memref<12288xi32, #tpu.memory_space<vmem>>[vector<16xi32>], vector<16xi32>,
      %add3A_912 = arith.constant 6208 : i32
      %add3A_913 = vector.broadcast %add3A_912 : i32 to vector<16xi32>
      %add3A_914 = arith.addi %add3A_860, %add3A_913 : vector<16xi32>
      %add3A_915 = arith.constant 1 : i32
      %add3A_916 = vector.broadcast %add3A_915 : i32 to vector<16xi32>
      %add3A_917 = arith.addi %add3A_827, %add3A_916 : vector<16xi32>
      tpu.vector_store_idx %arg9[%add3A_914], %add3A_917 : memref<12288xi32, #tpu.memory_space<vmem>>[vector<16xi32>], vector<16xi32>,
      %add3A_918 = arith.constant 64 : i32
      %add3A_919 = vector.broadcast %add3A_918 : i32 to vector<16xi32>
      %add3A_920 = arith.addi %add3A_860, %add3A_919 : vector<16xi32>
      tpu.vector_store_idx %arg10[%add3A_920], %mul3A_854 : memref<6144xf32, #tpu.memory_space<vmem>>[vector<16xi32>], vector<16xf32>,
      %add3A_921 = arith.constant 80 : i32
      %add3A_922 = vector.broadcast %add3A_921 : i32 to vector<16xi32>
      %add3A_923 = arith.addi %add3A_860, %add3A_922 : vector<16xi32>
      tpu.vector_store_idx %arg9[%add3A_923], %add3A_830 : memref<12288xi32, #tpu.memory_space<vmem>>[vector<16xi32>], vector<16xi32>,
      %add3A_924 = arith.constant 6224 : i32
      %add3A_925 = vector.broadcast %add3A_924 : i32 to vector<16xi32>
      %add3A_926 = arith.addi %add3A_860, %add3A_925 : vector<16xi32>
      %add3A_927 = arith.constant 1 : i32
      %add3A_928 = vector.broadcast %add3A_927 : i32 to vector<16xi32>
      %add3A_929 = arith.addi %add3A_830, %add3A_928 : vector<16xi32>
      tpu.vector_store_idx %arg9[%add3A_926], %add3A_929 : memref<12288xi32, #tpu.memory_space<vmem>>[vector<16xi32>], vector<16xi32>,
      %add3A_930 = arith.constant 80 : i32
      %add3A_931 = vector.broadcast %add3A_930 : i32 to vector<16xi32>
      %add3A_932 = arith.addi %add3A_860, %add3A_931 : vector<16xi32>
      tpu.vector_store_idx %arg10[%add3A_932], %mul3A_855 : memref<6144xf32, #tpu.memory_space<vmem>>[vector<16xi32>], vector<16xf32>,
      %add3A_933 = arith.constant 96 : i32
      %add3A_934 = vector.broadcast %add3A_933 : i32 to vector<16xi32>
      %add3A_935 = arith.addi %add3A_860, %add3A_934 : vector<16xi32>
      tpu.vector_store_idx %arg9[%add3A_935], %add3A_833 : memref<12288xi32, #tpu.memory_space<vmem>>[vector<16xi32>], vector<16xi32>,
      %add3A_936 = arith.constant 6240 : i32
      %add3A_937 = vector.broadcast %add3A_936 : i32 to vector<16xi32>
      %add3A_938 = arith.addi %add3A_860, %add3A_937 : vector<16xi32>
      %add3A_939 = arith.constant 1 : i32
      %add3A_940 = vector.broadcast %add3A_939 : i32 to vector<16xi32>
      %add3A_941 = arith.addi %add3A_833, %add3A_940 : vector<16xi32>
      tpu.vector_store_idx %arg9[%add3A_938], %add3A_941 : memref<12288xi32, #tpu.memory_space<vmem>>[vector<16xi32>], vector<16xi32>,
      %add3A_942 = arith.constant 96 : i32
      %add3A_943 = vector.broadcast %add3A_942 : i32 to vector<16xi32>
      %add3A_944 = arith.addi %add3A_860, %add3A_943 : vector<16xi32>
      tpu.vector_store_idx %arg10[%add3A_944], %mul3A_856 : memref<6144xf32, #tpu.memory_space<vmem>>[vector<16xi32>], vector<16xf32>,
      %add3A_945 = arith.constant 112 : i32
      %add3A_946 = vector.broadcast %add3A_945 : i32 to vector<16xi32>
      %add3A_947 = arith.addi %add3A_860, %add3A_946 : vector<16xi32>
      tpu.vector_store_idx %arg9[%add3A_947], %add3A_836 : memref<12288xi32, #tpu.memory_space<vmem>>[vector<16xi32>], vector<16xi32>,
      %add3A_948 = arith.constant 6256 : i32
      %add3A_949 = vector.broadcast %add3A_948 : i32 to vector<16xi32>
      %add3A_950 = arith.addi %add3A_860, %add3A_949 : vector<16xi32>
      %add3A_951 = arith.constant 1 : i32
      %add3A_952 = vector.broadcast %add3A_951 : i32 to vector<16xi32>
      %add3A_953 = arith.addi %add3A_836, %add3A_952 : vector<16xi32>
      tpu.vector_store_idx %arg9[%add3A_950], %add3A_953 : memref<12288xi32, #tpu.memory_space<vmem>>[vector<16xi32>], vector<16xi32>,
      %add3A_954 = arith.constant 112 : i32
      %add3A_955 = vector.broadcast %add3A_954 : i32 to vector<16xi32>
      %add3A_956 = arith.addi %add3A_860, %add3A_955 : vector<16xi32>
      tpu.vector_store_idx %arg10[%add3A_956], %mul3A_857 : memref<6144xf32, #tpu.memory_space<vmem>>[vector<16xi32>], vector<16xf32>,
      %mul3A_957 = arith.constant 6.400000e+01 : f32
      %mul3A_958 = vector.broadcast %mul3A_957 : f32 to vector<16xf32>
      %mul3A_959 = arith.mulf %mul3A_54, %mul3A_958 : vector<16xf32>
      %convert_element_type3A_960 = arith.fptosi %mul3A_959 : vector<16xf32> to vector<16xi32>
      %convert_element_type3A_961 = arith.sitofp %convert_element_type3A_960 : vector<16xi32> to vector<16xf32>
      %sub3A_962 = arith.subf %mul3A_959, %convert_element_type3A_961 : vector<16xf32>
      %mul3A_963 = arith.constant 6.400000e+01 : f32
      %mul3A_964 = vector.broadcast %mul3A_963 : f32 to vector<16xf32>
      %mul3A_965 = arith.mulf %mul3A_60, %mul3A_964 : vector<16xf32>
      %convert_element_type3A_966 = arith.fptosi %mul3A_965 : vector<16xf32> to vector<16xi32>
      %convert_element_type3A_967 = arith.sitofp %convert_element_type3A_966 : vector<16xi32> to vector<16xf32>
      %sub3A_968 = arith.subf %mul3A_965, %convert_element_type3A_967 : vector<16xf32>
      %mul3A_969 = arith.constant 6.400000e+01 : f32
      %mul3A_970 = vector.broadcast %mul3A_969 : f32 to vector<16xf32>
      %mul3A_971 = arith.mulf %mul3A_66, %mul3A_970 : vector<16xf32>
      %convert_element_type3A_972 = arith.fptosi %mul3A_971 : vector<16xf32> to vector<16xi32>
      %convert_element_type3A_973 = arith.sitofp %convert_element_type3A_972 : vector<16xi32> to vector<16xf32>
      %sub3A_974 = arith.subf %mul3A_971, %convert_element_type3A_973 : vector<16xf32>
      %mul3A_975 = arith.constant 65 : i32
      %mul3A_976 = vector.broadcast %mul3A_975 : i32 to vector<16xi32>
      %mul3A_977 = arith.muli %convert_element_type3A_966, %mul3A_976 : vector<16xi32>
      %add3A_978 = arith.addi %convert_element_type3A_960, %mul3A_977 : vector<16xi32>
      %mul3A_979 = arith.constant 4225 : i32
      %mul3A_980 = vector.broadcast %mul3A_979 : i32 to vector<16xi32>
      %mul3A_981 = arith.muli %convert_element_type3A_972, %mul3A_980 : vector<16xi32>
      %add3A_982 = arith.addi %add3A_978, %mul3A_981 : vector<16xi32>
      %add3A_983 = arith.constant 35937 : i32
      %add3A_984 = vector.broadcast %add3A_983 : i32 to vector<16xi32>
      %add3A_985 = arith.addi %add3A_982, %add3A_984 : vector<16xi32>
      %mul3A_986 = arith.constant 2 : i32
      %mul3A_987 = vector.broadcast %mul3A_986 : i32 to vector<16xi32>
      %mul3A_988 = arith.muli %add3A_985, %mul3A_987 : vector<16xi32>
      %add3A_989 = arith.constant 0 : i32
      %add3A_990 = vector.broadcast %add3A_989 : i32 to vector<16xi32>
      %add3A_991 = arith.addi %mul3A_988, %add3A_990 : vector<16xi32>
      %add3A_992 = arith.constant 2 : i32
      %add3A_993 = vector.broadcast %add3A_992 : i32 to vector<16xi32>
      %add3A_994 = arith.addi %mul3A_988, %add3A_993 : vector<16xi32>
      %add3A_995 = arith.constant 130 : i32
      %add3A_996 = vector.broadcast %add3A_995 : i32 to vector<16xi32>
      %add3A_997 = arith.addi %mul3A_988, %add3A_996 : vector<16xi32>
      %add3A_998 = arith.constant 132 : i32
      %add3A_999 = vector.broadcast %add3A_998 : i32 to vector<16xi32>
      %add3A_1000 = arith.addi %mul3A_988, %add3A_999 : vector<16xi32>
      %add3A_1001 = arith.constant 8450 : i32
      %add3A_1002 = vector.broadcast %add3A_1001 : i32 to vector<16xi32>
      %add3A_1003 = arith.addi %mul3A_988, %add3A_1002 : vector<16xi32>
      %add3A_1004 = arith.constant 8452 : i32
      %add3A_1005 = vector.broadcast %add3A_1004 : i32 to vector<16xi32>
      %add3A_1006 = arith.addi %mul3A_988, %add3A_1005 : vector<16xi32>
      %add3A_1007 = arith.constant 8580 : i32
      %add3A_1008 = vector.broadcast %add3A_1007 : i32 to vector<16xi32>
      %add3A_1009 = arith.addi %mul3A_988, %add3A_1008 : vector<16xi32>
      %add3A_1010 = arith.constant 8582 : i32
      %add3A_1011 = vector.broadcast %add3A_1010 : i32 to vector<16xi32>
      %add3A_1012 = arith.addi %mul3A_988, %add3A_1011 : vector<16xi32>
      %sub3A_1013 = arith.constant 1.000000e+00 : f32
      %sub3A_1014 = vector.broadcast %sub3A_1013 : f32 to vector<16xf32>
      %sub3A_1015 = arith.subf %sub3A_1014, %sub3A_962 : vector<16xf32>
      %sub3A_1016 = arith.constant 1.000000e+00 : f32
      %sub3A_1017 = vector.broadcast %sub3A_1016 : f32 to vector<16xf32>
      %sub3A_1018 = arith.subf %sub3A_1017, %sub3A_968 : vector<16xf32>
      %sub3A_1019 = arith.constant 1.000000e+00 : f32
      %sub3A_1020 = vector.broadcast %sub3A_1019 : f32 to vector<16xf32>
      %sub3A_1021 = arith.subf %sub3A_1020, %sub3A_974 : vector<16xf32>
      %mul3A_1022 = arith.mulf %sub3A_1018, %sub3A_1021 : vector<16xf32>
      %mul3A_1023 = arith.mulf %sub3A_968, %sub3A_1021 : vector<16xf32>
      %mul3A_1024 = arith.mulf %sub3A_1018, %sub3A_974 : vector<16xf32>
      %mul3A_1025 = arith.mulf %sub3A_968, %sub3A_974 : vector<16xf32>
      %mul3A_1026 = arith.mulf %sub3A_1015, %mul3A_1022 : vector<16xf32>
      %mul3A_1027 = arith.mulf %sub3A_962, %mul3A_1022 : vector<16xf32>
      %mul3A_1028 = arith.mulf %sub3A_1015, %mul3A_1023 : vector<16xf32>
      %mul3A_1029 = arith.mulf %sub3A_962, %mul3A_1023 : vector<16xf32>
      %mul3A_1030 = arith.mulf %sub3A_1015, %mul3A_1024 : vector<16xf32>
      %mul3A_1031 = arith.mulf %sub3A_962, %mul3A_1024 : vector<16xf32>
      %mul3A_1032 = arith.mulf %sub3A_1015, %mul3A_1025 : vector<16xf32>
      %mul3A_1033 = arith.mulf %sub3A_962, %mul3A_1025 : vector<16xf32>
      %broadcast_in_dim3A_1034 = arith.constant 3200 : i32
      %broadcast_in_dim3A_1035 = vector.broadcast %broadcast_in_dim3A_1034 : i32 to vector<16xi32>
      %add3A_1036 = arith.addi %broadcast_in_dim3A_1035, %iota3A : vector<16xi32>
      %add3A_1037 = arith.constant 0 : i32
      %add3A_1038 = vector.broadcast %add3A_1037 : i32 to vector<16xi32>
      %add3A_1039 = arith.addi %add3A_1036, %add3A_1038 : vector<16xi32>
      tpu.vector_store_idx %arg9[%add3A_1039], %add3A_991 : memref<12288xi32, #tpu.memory_space<vmem>>[vector<16xi32>], vector<16xi32>,
      %add3A_1040 = arith.constant 6144 : i32
      %add3A_1041 = vector.broadcast %add3A_1040 : i32 to vector<16xi32>
      %add3A_1042 = arith.addi %add3A_1036, %add3A_1041 : vector<16xi32>
      %add3A_1043 = arith.constant 1 : i32
      %add3A_1044 = vector.broadcast %add3A_1043 : i32 to vector<16xi32>
      %add3A_1045 = arith.addi %add3A_991, %add3A_1044 : vector<16xi32>
      tpu.vector_store_idx %arg9[%add3A_1042], %add3A_1045 : memref<12288xi32, #tpu.memory_space<vmem>>[vector<16xi32>], vector<16xi32>,
      %add3A_1046 = arith.constant 0 : i32
      %add3A_1047 = vector.broadcast %add3A_1046 : i32 to vector<16xi32>
      %add3A_1048 = arith.addi %add3A_1036, %add3A_1047 : vector<16xi32>
      tpu.vector_store_idx %arg10[%add3A_1048], %mul3A_1026 : memref<6144xf32, #tpu.memory_space<vmem>>[vector<16xi32>], vector<16xf32>,
      %add3A_1049 = arith.constant 16 : i32
      %add3A_1050 = vector.broadcast %add3A_1049 : i32 to vector<16xi32>
      %add3A_1051 = arith.addi %add3A_1036, %add3A_1050 : vector<16xi32>
      tpu.vector_store_idx %arg9[%add3A_1051], %add3A_994 : memref<12288xi32, #tpu.memory_space<vmem>>[vector<16xi32>], vector<16xi32>,
      %add3A_1052 = arith.constant 6160 : i32
      %add3A_1053 = vector.broadcast %add3A_1052 : i32 to vector<16xi32>
      %add3A_1054 = arith.addi %add3A_1036, %add3A_1053 : vector<16xi32>
      %add3A_1055 = arith.constant 1 : i32
      %add3A_1056 = vector.broadcast %add3A_1055 : i32 to vector<16xi32>
      %add3A_1057 = arith.addi %add3A_994, %add3A_1056 : vector<16xi32>
      tpu.vector_store_idx %arg9[%add3A_1054], %add3A_1057 : memref<12288xi32, #tpu.memory_space<vmem>>[vector<16xi32>], vector<16xi32>,
      %add3A_1058 = arith.constant 16 : i32
      %add3A_1059 = vector.broadcast %add3A_1058 : i32 to vector<16xi32>
      %add3A_1060 = arith.addi %add3A_1036, %add3A_1059 : vector<16xi32>
      tpu.vector_store_idx %arg10[%add3A_1060], %mul3A_1027 : memref<6144xf32, #tpu.memory_space<vmem>>[vector<16xi32>], vector<16xf32>,
      %add3A_1061 = arith.constant 32 : i32
      %add3A_1062 = vector.broadcast %add3A_1061 : i32 to vector<16xi32>
      %add3A_1063 = arith.addi %add3A_1036, %add3A_1062 : vector<16xi32>
      tpu.vector_store_idx %arg9[%add3A_1063], %add3A_997 : memref<12288xi32, #tpu.memory_space<vmem>>[vector<16xi32>], vector<16xi32>,
      %add3A_1064 = arith.constant 6176 : i32
      %add3A_1065 = vector.broadcast %add3A_1064 : i32 to vector<16xi32>
      %add3A_1066 = arith.addi %add3A_1036, %add3A_1065 : vector<16xi32>
      %add3A_1067 = arith.constant 1 : i32
      %add3A_1068 = vector.broadcast %add3A_1067 : i32 to vector<16xi32>
      %add3A_1069 = arith.addi %add3A_997, %add3A_1068 : vector<16xi32>
      tpu.vector_store_idx %arg9[%add3A_1066], %add3A_1069 : memref<12288xi32, #tpu.memory_space<vmem>>[vector<16xi32>], vector<16xi32>,
      %add3A_1070 = arith.constant 32 : i32
      %add3A_1071 = vector.broadcast %add3A_1070 : i32 to vector<16xi32>
      %add3A_1072 = arith.addi %add3A_1036, %add3A_1071 : vector<16xi32>
      tpu.vector_store_idx %arg10[%add3A_1072], %mul3A_1028 : memref<6144xf32, #tpu.memory_space<vmem>>[vector<16xi32>], vector<16xf32>,
      %add3A_1073 = arith.constant 48 : i32
      %add3A_1074 = vector.broadcast %add3A_1073 : i32 to vector<16xi32>
      %add3A_1075 = arith.addi %add3A_1036, %add3A_1074 : vector<16xi32>
      tpu.vector_store_idx %arg9[%add3A_1075], %add3A_1000 : memref<12288xi32, #tpu.memory_space<vmem>>[vector<16xi32>], vector<16xi32>,
      %add3A_1076 = arith.constant 6192 : i32
      %add3A_1077 = vector.broadcast %add3A_1076 : i32 to vector<16xi32>
      %add3A_1078 = arith.addi %add3A_1036, %add3A_1077 : vector<16xi32>
      %add3A_1079 = arith.constant 1 : i32
      %add3A_1080 = vector.broadcast %add3A_1079 : i32 to vector<16xi32>
      %add3A_1081 = arith.addi %add3A_1000, %add3A_1080 : vector<16xi32>
      tpu.vector_store_idx %arg9[%add3A_1078], %add3A_1081 : memref<12288xi32, #tpu.memory_space<vmem>>[vector<16xi32>], vector<16xi32>,
      %add3A_1082 = arith.constant 48 : i32
      %add3A_1083 = vector.broadcast %add3A_1082 : i32 to vector<16xi32>
      %add3A_1084 = arith.addi %add3A_1036, %add3A_1083 : vector<16xi32>
      tpu.vector_store_idx %arg10[%add3A_1084], %mul3A_1029 : memref<6144xf32, #tpu.memory_space<vmem>>[vector<16xi32>], vector<16xf32>,
      %add3A_1085 = arith.constant 64 : i32
      %add3A_1086 = vector.broadcast %add3A_1085 : i32 to vector<16xi32>
      %add3A_1087 = arith.addi %add3A_1036, %add3A_1086 : vector<16xi32>
      tpu.vector_store_idx %arg9[%add3A_1087], %add3A_1003 : memref<12288xi32, #tpu.memory_space<vmem>>[vector<16xi32>], vector<16xi32>,
      %add3A_1088 = arith.constant 6208 : i32
      %add3A_1089 = vector.broadcast %add3A_1088 : i32 to vector<16xi32>
      %add3A_1090 = arith.addi %add3A_1036, %add3A_1089 : vector<16xi32>
      %add3A_1091 = arith.constant 1 : i32
      %add3A_1092 = vector.broadcast %add3A_1091 : i32 to vector<16xi32>
      %add3A_1093 = arith.addi %add3A_1003, %add3A_1092 : vector<16xi32>
      tpu.vector_store_idx %arg9[%add3A_1090], %add3A_1093 : memref<12288xi32, #tpu.memory_space<vmem>>[vector<16xi32>], vector<16xi32>,
      %add3A_1094 = arith.constant 64 : i32
      %add3A_1095 = vector.broadcast %add3A_1094 : i32 to vector<16xi32>
      %add3A_1096 = arith.addi %add3A_1036, %add3A_1095 : vector<16xi32>
      tpu.vector_store_idx %arg10[%add3A_1096], %mul3A_1030 : memref<6144xf32, #tpu.memory_space<vmem>>[vector<16xi32>], vector<16xf32>,
      %add3A_1097 = arith.constant 80 : i32
      %add3A_1098 = vector.broadcast %add3A_1097 : i32 to vector<16xi32>
      %add3A_1099 = arith.addi %add3A_1036, %add3A_1098 : vector<16xi32>
      tpu.vector_store_idx %arg9[%add3A_1099], %add3A_1006 : memref<12288xi32, #tpu.memory_space<vmem>>[vector<16xi32>], vector<16xi32>,
      %add3A_1100 = arith.constant 6224 : i32
      %add3A_1101 = vector.broadcast %add3A_1100 : i32 to vector<16xi32>
      %add3A_1102 = arith.addi %add3A_1036, %add3A_1101 : vector<16xi32>
      %add3A_1103 = arith.constant 1 : i32
      %add3A_1104 = vector.broadcast %add3A_1103 : i32 to vector<16xi32>
      %add3A_1105 = arith.addi %add3A_1006, %add3A_1104 : vector<16xi32>
      tpu.vector_store_idx %arg9[%add3A_1102], %add3A_1105 : memref<12288xi32, #tpu.memory_space<vmem>>[vector<16xi32>], vector<16xi32>,
      %add3A_1106 = arith.constant 80 : i32
      %add3A_1107 = vector.broadcast %add3A_1106 : i32 to vector<16xi32>
      %add3A_1108 = arith.addi %add3A_1036, %add3A_1107 : vector<16xi32>
      tpu.vector_store_idx %arg10[%add3A_1108], %mul3A_1031 : memref<6144xf32, #tpu.memory_space<vmem>>[vector<16xi32>], vector<16xf32>,
      %add3A_1109 = arith.constant 96 : i32
      %add3A_1110 = vector.broadcast %add3A_1109 : i32 to vector<16xi32>
      %add3A_1111 = arith.addi %add3A_1036, %add3A_1110 : vector<16xi32>
      tpu.vector_store_idx %arg9[%add3A_1111], %add3A_1009 : memref<12288xi32, #tpu.memory_space<vmem>>[vector<16xi32>], vector<16xi32>,
      %add3A_1112 = arith.constant 6240 : i32
      %add3A_1113 = vector.broadcast %add3A_1112 : i32 to vector<16xi32>
      %add3A_1114 = arith.addi %add3A_1036, %add3A_1113 : vector<16xi32>
      %add3A_1115 = arith.constant 1 : i32
      %add3A_1116 = vector.broadcast %add3A_1115 : i32 to vector<16xi32>
      %add3A_1117 = arith.addi %add3A_1009, %add3A_1116 : vector<16xi32>
      tpu.vector_store_idx %arg9[%add3A_1114], %add3A_1117 : memref<12288xi32, #tpu.memory_space<vmem>>[vector<16xi32>], vector<16xi32>,
      %add3A_1118 = arith.constant 96 : i32
      %add3A_1119 = vector.broadcast %add3A_1118 : i32 to vector<16xi32>
      %add3A_1120 = arith.addi %add3A_1036, %add3A_1119 : vector<16xi32>
      tpu.vector_store_idx %arg10[%add3A_1120], %mul3A_1032 : memref<6144xf32, #tpu.memory_space<vmem>>[vector<16xi32>], vector<16xf32>,
      %add3A_1121 = arith.constant 112 : i32
      %add3A_1122 = vector.broadcast %add3A_1121 : i32 to vector<16xi32>
      %add3A_1123 = arith.addi %add3A_1036, %add3A_1122 : vector<16xi32>
      tpu.vector_store_idx %arg9[%add3A_1123], %add3A_1012 : memref<12288xi32, #tpu.memory_space<vmem>>[vector<16xi32>], vector<16xi32>,
      %add3A_1124 = arith.constant 6256 : i32
      %add3A_1125 = vector.broadcast %add3A_1124 : i32 to vector<16xi32>
      %add3A_1126 = arith.addi %add3A_1036, %add3A_1125 : vector<16xi32>
      %add3A_1127 = arith.constant 1 : i32
      %add3A_1128 = vector.broadcast %add3A_1127 : i32 to vector<16xi32>
      %add3A_1129 = arith.addi %add3A_1012, %add3A_1128 : vector<16xi32>
      tpu.vector_store_idx %arg9[%add3A_1126], %add3A_1129 : memref<12288xi32, #tpu.memory_space<vmem>>[vector<16xi32>], vector<16xi32>,
      %add3A_1130 = arith.constant 112 : i32
      %add3A_1131 = vector.broadcast %add3A_1130 : i32 to vector<16xi32>
      %add3A_1132 = arith.addi %add3A_1036, %add3A_1131 : vector<16xi32>
      tpu.vector_store_idx %arg10[%add3A_1132], %mul3A_1033 : memref<6144xf32, #tpu.memory_space<vmem>>[vector<16xi32>], vector<16xf32>,
      %scan3A_1133 = arith.constant 0 : i32
      %scan3A_1134 = arith.constant 2 : i32
      %scan3A_1135 = arith.constant 10 : i32
      %scan3A_1136 = arith.addi %scan3A_1134, %scan3A_1135 : i32
      %scan3A_1137 = arith.constant 1 : i32
      scf.for %scan3A_1559 = %scan3A_1134 to %scan3A_1136 step %scan3A_1137  : i32 {
        %shift_left3A = arith.constant 32 : i32
        %shift_left3A_1560 = arith.shli %shift_left3A, %scan3A_1559 : i32
        %convert_element_type3A_1561 = arith.sitofp %shift_left3A_1560 : i32 to f32
        %mul3A_1562 = vector.broadcast %convert_element_type3A_1561 : f32 to vector<16xf32>
        %mul3A_1563 = arith.mulf %mul3A_54, %mul3A_1562 : vector<16xf32>
        %convert_element_type3A_1564 = arith.fptosi %mul3A_1563 : vector<16xf32> to vector<16xi32>
        %convert_element_type3A_1565 = arith.sitofp %convert_element_type3A_1564 : vector<16xi32> to vector<16xf32>
        %sub3A_1566 = arith.subf %mul3A_1563, %convert_element_type3A_1565 : vector<16xf32>
        %mul3A_1567 = vector.broadcast %convert_element_type3A_1561 : f32 to vector<16xf32>
        %mul3A_1568 = arith.mulf %mul3A_60, %mul3A_1567 : vector<16xf32>
        %convert_element_type3A_1569 = arith.fptosi %mul3A_1568 : vector<16xf32> to vector<16xi32>
        %convert_element_type3A_1570 = arith.sitofp %convert_element_type3A_1569 : vector<16xi32> to vector<16xf32>
        %sub3A_1571 = arith.subf %mul3A_1568, %convert_element_type3A_1570 : vector<16xf32>
        %mul3A_1572 = vector.broadcast %convert_element_type3A_1561 : f32 to vector<16xf32>
        %mul3A_1573 = arith.mulf %mul3A_66, %mul3A_1572 : vector<16xf32>
        %convert_element_type3A_1574 = arith.fptosi %mul3A_1573 : vector<16xf32> to vector<16xi32>
        %convert_element_type3A_1575 = arith.sitofp %convert_element_type3A_1574 : vector<16xi32> to vector<16xf32>
        %sub3A_1576 = arith.subf %mul3A_1573, %convert_element_type3A_1575 : vector<16xf32>
        %mul3A_1577 = arith.constant -1640531535 : i32
        %mul3A_1578 = vector.broadcast %mul3A_1577 : i32 to vector<16xi32>
        %mul3A_1579 = arith.muli %convert_element_type3A_1569, %mul3A_1578 : vector<16xi32>
        %mul3A_1580 = arith.constant 805459861 : i32
        %mul3A_1581 = vector.broadcast %mul3A_1580 : i32 to vector<16xi32>
        %mul3A_1582 = arith.muli %convert_element_type3A_1574, %mul3A_1581 : vector<16xi32>
        %mul3A_1583 = arith.constant 524288 : i32
        %mul3A_1584 = arith.muli %scan3A_1559, %mul3A_1583 : i32
        %add3A_1585 = arith.constant -738014 : i32
        %add3A_1586 = arith.addi %mul3A_1584, %add3A_1585 : i32
        %mul3A_1587 = arith.constant 2 : i32
        %mul3A_1588 = arith.muli %mul3A_1587, %add3A_1586 : i32
        %xor3A = arith.xori %convert_element_type3A_1564, %mul3A_1579 : vector<16xi32>
        %xor3A_1589 = arith.xori %xor3A, %mul3A_1582 : vector<16xi32>
        %and3A = arith.constant 524287 : i32
        %and3A_1590 = vector.broadcast %and3A : i32 to vector<16xi32>
        %and3A_1591 = arith.andi %xor3A_1589, %and3A_1590 : vector<16xi32>
        %mul3A_1592 = arith.constant 2 : i32
        %mul3A_1593 = vector.broadcast %mul3A_1592 : i32 to vector<16xi32>
        %mul3A_1594 = arith.muli %and3A_1591, %mul3A_1593 : vector<16xi32>
        %add3A_1595 = vector.broadcast %mul3A_1588 : i32 to vector<16xi32>
        %add3A_1596 = arith.addi %mul3A_1594, %add3A_1595 : vector<16xi32>
        %add3A_1597 = arith.constant 1 : i32
        %add3A_1598 = vector.broadcast %add3A_1597 : i32 to vector<16xi32>
        %add3A_1599 = arith.addi %convert_element_type3A_1564, %add3A_1598 : vector<16xi32>
        %xor3A_1600 = arith.xori %add3A_1599, %mul3A_1579 : vector<16xi32>
        %xor3A_1601 = arith.xori %xor3A_1600, %mul3A_1582 : vector<16xi32>
        %and3A_1602 = arith.constant 524287 : i32
        %and3A_1603 = vector.broadcast %and3A_1602 : i32 to vector<16xi32>
        %and3A_1604 = arith.andi %xor3A_1601, %and3A_1603 : vector<16xi32>
        %mul3A_1605 = arith.constant 2 : i32
        %mul3A_1606 = vector.broadcast %mul3A_1605 : i32 to vector<16xi32>
        %mul3A_1607 = arith.muli %and3A_1604, %mul3A_1606 : vector<16xi32>
        %add3A_1608 = vector.broadcast %mul3A_1588 : i32 to vector<16xi32>
        %add3A_1609 = arith.addi %mul3A_1607, %add3A_1608 : vector<16xi32>
        %add3A_1610 = arith.constant -1640531535 : i32
        %add3A_1611 = vector.broadcast %add3A_1610 : i32 to vector<16xi32>
        %add3A_1612 = arith.addi %mul3A_1579, %add3A_1611 : vector<16xi32>
        %xor3A_1613 = arith.xori %convert_element_type3A_1564, %add3A_1612 : vector<16xi32>
        %xor3A_1614 = arith.xori %xor3A_1613, %mul3A_1582 : vector<16xi32>
        %and3A_1615 = arith.constant 524287 : i32
        %and3A_1616 = vector.broadcast %and3A_1615 : i32 to vector<16xi32>
        %and3A_1617 = arith.andi %xor3A_1614, %and3A_1616 : vector<16xi32>
        %mul3A_1618 = arith.constant 2 : i32
        %mul3A_1619 = vector.broadcast %mul3A_1618 : i32 to vector<16xi32>
        %mul3A_1620 = arith.muli %and3A_1617, %mul3A_1619 : vector<16xi32>
        %add3A_1621 = vector.broadcast %mul3A_1588 : i32 to vector<16xi32>
        %add3A_1622 = arith.addi %mul3A_1620, %add3A_1621 : vector<16xi32>
        %add3A_1623 = arith.constant 1 : i32
        %add3A_1624 = vector.broadcast %add3A_1623 : i32 to vector<16xi32>
        %add3A_1625 = arith.addi %convert_element_type3A_1564, %add3A_1624 : vector<16xi32>
        %add3A_1626 = arith.constant -1640531535 : i32
        %add3A_1627 = vector.broadcast %add3A_1626 : i32 to vector<16xi32>
        %add3A_1628 = arith.addi %mul3A_1579, %add3A_1627 : vector<16xi32>
        %xor3A_1629 = arith.xori %add3A_1625, %add3A_1628 : vector<16xi32>
        %xor3A_1630 = arith.xori %xor3A_1629, %mul3A_1582 : vector<16xi32>
        %and3A_1631 = arith.constant 524287 : i32
        %and3A_1632 = vector.broadcast %and3A_1631 : i32 to vector<16xi32>
        %and3A_1633 = arith.andi %xor3A_1630, %and3A_1632 : vector<16xi32>
        %mul3A_1634 = arith.constant 2 : i32
        %mul3A_1635 = vector.broadcast %mul3A_1634 : i32 to vector<16xi32>
        %mul3A_1636 = arith.muli %and3A_1633, %mul3A_1635 : vector<16xi32>
        %add3A_1637 = vector.broadcast %mul3A_1588 : i32 to vector<16xi32>
        %add3A_1638 = arith.addi %mul3A_1636, %add3A_1637 : vector<16xi32>
        %add3A_1639 = arith.constant 805459861 : i32
        %add3A_1640 = vector.broadcast %add3A_1639 : i32 to vector<16xi32>
        %add3A_1641 = arith.addi %mul3A_1582, %add3A_1640 : vector<16xi32>
        %xor3A_1642 = arith.xori %convert_element_type3A_1564, %mul3A_1579 : vector<16xi32>
        %xor3A_1643 = arith.xori %xor3A_1642, %add3A_1641 : vector<16xi32>
        %and3A_1644 = arith.constant 524287 : i32
        %and3A_1645 = vector.broadcast %and3A_1644 : i32 to vector<16xi32>
        %and3A_1646 = arith.andi %xor3A_1643, %and3A_1645 : vector<16xi32>
        %mul3A_1647 = arith.constant 2 : i32
        %mul3A_1648 = vector.broadcast %mul3A_1647 : i32 to vector<16xi32>
        %mul3A_1649 = arith.muli %and3A_1646, %mul3A_1648 : vector<16xi32>
        %add3A_1650 = vector.broadcast %mul3A_1588 : i32 to vector<16xi32>
        %add3A_1651 = arith.addi %mul3A_1649, %add3A_1650 : vector<16xi32>
        %add3A_1652 = arith.constant 1 : i32
        %add3A_1653 = vector.broadcast %add3A_1652 : i32 to vector<16xi32>
        %add3A_1654 = arith.addi %convert_element_type3A_1564, %add3A_1653 : vector<16xi32>
        %add3A_1655 = arith.constant 805459861 : i32
        %add3A_1656 = vector.broadcast %add3A_1655 : i32 to vector<16xi32>
        %add3A_1657 = arith.addi %mul3A_1582, %add3A_1656 : vector<16xi32>
        %xor3A_1658 = arith.xori %add3A_1654, %mul3A_1579 : vector<16xi32>
        %xor3A_1659 = arith.xori %xor3A_1658, %add3A_1657 : vector<16xi32>
        %and3A_1660 = arith.constant 524287 : i32
        %and3A_1661 = vector.broadcast %and3A_1660 : i32 to vector<16xi32>
        %and3A_1662 = arith.andi %xor3A_1659, %and3A_1661 : vector<16xi32>
        %mul3A_1663 = arith.constant 2 : i32
        %mul3A_1664 = vector.broadcast %mul3A_1663 : i32 to vector<16xi32>
        %mul3A_1665 = arith.muli %and3A_1662, %mul3A_1664 : vector<16xi32>
        %add3A_1666 = vector.broadcast %mul3A_1588 : i32 to vector<16xi32>
        %add3A_1667 = arith.addi %mul3A_1665, %add3A_1666 : vector<16xi32>
        %add3A_1668 = arith.constant -1640531535 : i32
        %add3A_1669 = vector.broadcast %add3A_1668 : i32 to vector<16xi32>
        %add3A_1670 = arith.addi %mul3A_1579, %add3A_1669 : vector<16xi32>
        %add3A_1671 = arith.constant 805459861 : i32
        %add3A_1672 = vector.broadcast %add3A_1671 : i32 to vector<16xi32>
        %add3A_1673 = arith.addi %mul3A_1582, %add3A_1672 : vector<16xi32>
        %xor3A_1674 = arith.xori %convert_element_type3A_1564, %add3A_1670 : vector<16xi32>
        %xor3A_1675 = arith.xori %xor3A_1674, %add3A_1673 : vector<16xi32>
        %and3A_1676 = arith.constant 524287 : i32
        %and3A_1677 = vector.broadcast %and3A_1676 : i32 to vector<16xi32>
        %and3A_1678 = arith.andi %xor3A_1675, %and3A_1677 : vector<16xi32>
        %mul3A_1679 = arith.constant 2 : i32
        %mul3A_1680 = vector.broadcast %mul3A_1679 : i32 to vector<16xi32>
        %mul3A_1681 = arith.muli %and3A_1678, %mul3A_1680 : vector<16xi32>
        %add3A_1682 = vector.broadcast %mul3A_1588 : i32 to vector<16xi32>
        %add3A_1683 = arith.addi %mul3A_1681, %add3A_1682 : vector<16xi32>
        %add3A_1684 = arith.constant 1 : i32
        %add3A_1685 = vector.broadcast %add3A_1684 : i32 to vector<16xi32>
        %add3A_1686 = arith.addi %convert_element_type3A_1564, %add3A_1685 : vector<16xi32>
        %add3A_1687 = arith.constant -1640531535 : i32
        %add3A_1688 = vector.broadcast %add3A_1687 : i32 to vector<16xi32>
        %add3A_1689 = arith.addi %mul3A_1579, %add3A_1688 : vector<16xi32>
        %add3A_1690 = arith.constant 805459861 : i32
        %add3A_1691 = vector.broadcast %add3A_1690 : i32 to vector<16xi32>
        %add3A_1692 = arith.addi %mul3A_1582, %add3A_1691 : vector<16xi32>
        %xor3A_1693 = arith.xori %add3A_1686, %add3A_1689 : vector<16xi32>
        %xor3A_1694 = arith.xori %xor3A_1693, %add3A_1692 : vector<16xi32>
        %and3A_1695 = arith.constant 524287 : i32
        %and3A_1696 = vector.broadcast %and3A_1695 : i32 to vector<16xi32>
        %and3A_1697 = arith.andi %xor3A_1694, %and3A_1696 : vector<16xi32>
        %mul3A_1698 = arith.constant 2 : i32
        %mul3A_1699 = vector.broadcast %mul3A_1698 : i32 to vector<16xi32>
        %mul3A_1700 = arith.muli %and3A_1697, %mul3A_1699 : vector<16xi32>
        %add3A_1701 = vector.broadcast %mul3A_1588 : i32 to vector<16xi32>
        %add3A_1702 = arith.addi %mul3A_1700, %add3A_1701 : vector<16xi32>
        %add3A_1703 = arith.constant 24 : i32
        %add3A_1704 = arith.addi %add3A_1703, %scan3A_1559 : i32
        %sub3A_1705 = arith.constant 1.000000e+00 : f32
        %sub3A_1706 = vector.broadcast %sub3A_1705 : f32 to vector<16xf32>
        %sub3A_1707 = arith.subf %sub3A_1706, %sub3A_1566 : vector<16xf32>
        %sub3A_1708 = arith.constant 1.000000e+00 : f32
        %sub3A_1709 = vector.broadcast %sub3A_1708 : f32 to vector<16xf32>
        %sub3A_1710 = arith.subf %sub3A_1709, %sub3A_1571 : vector<16xf32>
        %sub3A_1711 = arith.constant 1.000000e+00 : f32
        %sub3A_1712 = vector.broadcast %sub3A_1711 : f32 to vector<16xf32>
        %sub3A_1713 = arith.subf %sub3A_1712, %sub3A_1576 : vector<16xf32>
        %mul3A_1714 = arith.mulf %sub3A_1710, %sub3A_1713 : vector<16xf32>
        %mul3A_1715 = arith.mulf %sub3A_1571, %sub3A_1713 : vector<16xf32>
        %mul3A_1716 = arith.mulf %sub3A_1710, %sub3A_1576 : vector<16xf32>
        %mul3A_1717 = arith.mulf %sub3A_1571, %sub3A_1576 : vector<16xf32>
        %mul3A_1718 = arith.mulf %sub3A_1707, %mul3A_1714 : vector<16xf32>
        %mul3A_1719 = arith.mulf %sub3A_1566, %mul3A_1714 : vector<16xf32>
        %mul3A_1720 = arith.mulf %sub3A_1707, %mul3A_1715 : vector<16xf32>
        %mul3A_1721 = arith.mulf %sub3A_1566, %mul3A_1715 : vector<16xf32>
        %mul3A_1722 = arith.mulf %sub3A_1707, %mul3A_1716 : vector<16xf32>
        %mul3A_1723 = arith.mulf %sub3A_1566, %mul3A_1716 : vector<16xf32>
        %mul3A_1724 = arith.mulf %sub3A_1707, %mul3A_1717 : vector<16xf32>
        %mul3A_1725 = arith.mulf %sub3A_1566, %mul3A_1717 : vector<16xf32>
        %mul3A_1726 = arith.constant 128 : i32
        %mul3A_1727 = arith.muli %add3A_1704, %mul3A_1726 : i32
        %broadcast_in_dim3A_1728 = vector.broadcast %mul3A_1727 : i32 to vector<16xi32>
        %add3A_1729 = arith.addi %broadcast_in_dim3A_1728, %iota3A : vector<16xi32>
        %add3A_1730 = arith.constant 0 : i32
        %add3A_1731 = vector.broadcast %add3A_1730 : i32 to vector<16xi32>
        %add3A_1732 = arith.addi %add3A_1729, %add3A_1731 : vector<16xi32>
        tpu.vector_store_idx %arg9[%add3A_1732], %add3A_1596 : memref<12288xi32, #tpu.memory_space<vmem>>[vector<16xi32>], vector<16xi32>,
        %add3A_1733 = arith.constant 6144 : i32
        %add3A_1734 = vector.broadcast %add3A_1733 : i32 to vector<16xi32>
        %add3A_1735 = arith.addi %add3A_1729, %add3A_1734 : vector<16xi32>
        %add3A_1736 = arith.constant 1 : i32
        %add3A_1737 = vector.broadcast %add3A_1736 : i32 to vector<16xi32>
        %add3A_1738 = arith.addi %add3A_1596, %add3A_1737 : vector<16xi32>
        tpu.vector_store_idx %arg9[%add3A_1735], %add3A_1738 : memref<12288xi32, #tpu.memory_space<vmem>>[vector<16xi32>], vector<16xi32>,
        %add3A_1739 = arith.constant 0 : i32
        %add3A_1740 = vector.broadcast %add3A_1739 : i32 to vector<16xi32>
        %add3A_1741 = arith.addi %add3A_1729, %add3A_1740 : vector<16xi32>
        tpu.vector_store_idx %arg10[%add3A_1741], %mul3A_1718 : memref<6144xf32, #tpu.memory_space<vmem>>[vector<16xi32>], vector<16xf32>,
        %add3A_1742 = arith.constant 16 : i32
        %add3A_1743 = vector.broadcast %add3A_1742 : i32 to vector<16xi32>
        %add3A_1744 = arith.addi %add3A_1729, %add3A_1743 : vector<16xi32>
        tpu.vector_store_idx %arg9[%add3A_1744], %add3A_1609 : memref<12288xi32, #tpu.memory_space<vmem>>[vector<16xi32>], vector<16xi32>,
        %add3A_1745 = arith.constant 6160 : i32
        %add3A_1746 = vector.broadcast %add3A_1745 : i32 to vector<16xi32>
        %add3A_1747 = arith.addi %add3A_1729, %add3A_1746 : vector<16xi32>
        %add3A_1748 = arith.constant 1 : i32
        %add3A_1749 = vector.broadcast %add3A_1748 : i32 to vector<16xi32>
        %add3A_1750 = arith.addi %add3A_1609, %add3A_1749 : vector<16xi32>
        tpu.vector_store_idx %arg9[%add3A_1747], %add3A_1750 : memref<12288xi32, #tpu.memory_space<vmem>>[vector<16xi32>], vector<16xi32>,
        %add3A_1751 = arith.constant 16 : i32
        %add3A_1752 = vector.broadcast %add3A_1751 : i32 to vector<16xi32>
        %add3A_1753 = arith.addi %add3A_1729, %add3A_1752 : vector<16xi32>
        tpu.vector_store_idx %arg10[%add3A_1753], %mul3A_1719 : memref<6144xf32, #tpu.memory_space<vmem>>[vector<16xi32>], vector<16xf32>,
        %add3A_1754 = arith.constant 32 : i32
        %add3A_1755 = vector.broadcast %add3A_1754 : i32 to vector<16xi32>
        %add3A_1756 = arith.addi %add3A_1729, %add3A_1755 : vector<16xi32>
        tpu.vector_store_idx %arg9[%add3A_1756], %add3A_1622 : memref<12288xi32, #tpu.memory_space<vmem>>[vector<16xi32>], vector<16xi32>,
        %add3A_1757 = arith.constant 6176 : i32
        %add3A_1758 = vector.broadcast %add3A_1757 : i32 to vector<16xi32>
        %add3A_1759 = arith.addi %add3A_1729, %add3A_1758 : vector<16xi32>
        %add3A_1760 = arith.constant 1 : i32
        %add3A_1761 = vector.broadcast %add3A_1760 : i32 to vector<16xi32>
        %add3A_1762 = arith.addi %add3A_1622, %add3A_1761 : vector<16xi32>
        tpu.vector_store_idx %arg9[%add3A_1759], %add3A_1762 : memref<12288xi32, #tpu.memory_space<vmem>>[vector<16xi32>], vector<16xi32>,
        %add3A_1763 = arith.constant 32 : i32
        %add3A_1764 = vector.broadcast %add3A_1763 : i32 to vector<16xi32>
        %add3A_1765 = arith.addi %add3A_1729, %add3A_1764 : vector<16xi32>
        tpu.vector_store_idx %arg10[%add3A_1765], %mul3A_1720 : memref<6144xf32, #tpu.memory_space<vmem>>[vector<16xi32>], vector<16xf32>,
        %add3A_1766 = arith.constant 48 : i32
        %add3A_1767 = vector.broadcast %add3A_1766 : i32 to vector<16xi32>
        %add3A_1768 = arith.addi %add3A_1729, %add3A_1767 : vector<16xi32>
        tpu.vector_store_idx %arg9[%add3A_1768], %add3A_1638 : memref<12288xi32, #tpu.memory_space<vmem>>[vector<16xi32>], vector<16xi32>,
        %add3A_1769 = arith.constant 6192 : i32
        %add3A_1770 = vector.broadcast %add3A_1769 : i32 to vector<16xi32>
        %add3A_1771 = arith.addi %add3A_1729, %add3A_1770 : vector<16xi32>
        %add3A_1772 = arith.constant 1 : i32
        %add3A_1773 = vector.broadcast %add3A_1772 : i32 to vector<16xi32>
        %add3A_1774 = arith.addi %add3A_1638, %add3A_1773 : vector<16xi32>
        tpu.vector_store_idx %arg9[%add3A_1771], %add3A_1774 : memref<12288xi32, #tpu.memory_space<vmem>>[vector<16xi32>], vector<16xi32>,
        %add3A_1775 = arith.constant 48 : i32
        %add3A_1776 = vector.broadcast %add3A_1775 : i32 to vector<16xi32>
        %add3A_1777 = arith.addi %add3A_1729, %add3A_1776 : vector<16xi32>
        tpu.vector_store_idx %arg10[%add3A_1777], %mul3A_1721 : memref<6144xf32, #tpu.memory_space<vmem>>[vector<16xi32>], vector<16xf32>,
        %add3A_1778 = arith.constant 64 : i32
        %add3A_1779 = vector.broadcast %add3A_1778 : i32 to vector<16xi32>
        %add3A_1780 = arith.addi %add3A_1729, %add3A_1779 : vector<16xi32>
        tpu.vector_store_idx %arg9[%add3A_1780], %add3A_1651 : memref<12288xi32, #tpu.memory_space<vmem>>[vector<16xi32>], vector<16xi32>,
        %add3A_1781 = arith.constant 6208 : i32
        %add3A_1782 = vector.broadcast %add3A_1781 : i32 to vector<16xi32>
        %add3A_1783 = arith.addi %add3A_1729, %add3A_1782 : vector<16xi32>
        %add3A_1784 = arith.constant 1 : i32
        %add3A_1785 = vector.broadcast %add3A_1784 : i32 to vector<16xi32>
        %add3A_1786 = arith.addi %add3A_1651, %add3A_1785 : vector<16xi32>
        tpu.vector_store_idx %arg9[%add3A_1783], %add3A_1786 : memref<12288xi32, #tpu.memory_space<vmem>>[vector<16xi32>], vector<16xi32>,
        %add3A_1787 = arith.constant 64 : i32
        %add3A_1788 = vector.broadcast %add3A_1787 : i32 to vector<16xi32>
        %add3A_1789 = arith.addi %add3A_1729, %add3A_1788 : vector<16xi32>
        tpu.vector_store_idx %arg10[%add3A_1789], %mul3A_1722 : memref<6144xf32, #tpu.memory_space<vmem>>[vector<16xi32>], vector<16xf32>,
        %add3A_1790 = arith.constant 80 : i32
        %add3A_1791 = vector.broadcast %add3A_1790 : i32 to vector<16xi32>
        %add3A_1792 = arith.addi %add3A_1729, %add3A_1791 : vector<16xi32>
        tpu.vector_store_idx %arg9[%add3A_1792], %add3A_1667 : memref<12288xi32, #tpu.memory_space<vmem>>[vector<16xi32>], vector<16xi32>,
        %add3A_1793 = arith.constant 6224 : i32
        %add3A_1794 = vector.broadcast %add3A_1793 : i32 to vector<16xi32>
        %add3A_1795 = arith.addi %add3A_1729, %add3A_1794 : vector<16xi32>
        %add3A_1796 = arith.constant 1 : i32
        %add3A_1797 = vector.broadcast %add3A_1796 : i32 to vector<16xi32>
        %add3A_1798 = arith.addi %add3A_1667, %add3A_1797 : vector<16xi32>
        tpu.vector_store_idx %arg9[%add3A_1795], %add3A_1798 : memref<12288xi32, #tpu.memory_space<vmem>>[vector<16xi32>], vector<16xi32>,
        %add3A_1799 = arith.constant 80 : i32
        %add3A_1800 = vector.broadcast %add3A_1799 : i32 to vector<16xi32>
        %add3A_1801 = arith.addi %add3A_1729, %add3A_1800 : vector<16xi32>
        tpu.vector_store_idx %arg10[%add3A_1801], %mul3A_1723 : memref<6144xf32, #tpu.memory_space<vmem>>[vector<16xi32>], vector<16xf32>,
        %add3A_1802 = arith.constant 96 : i32
        %add3A_1803 = vector.broadcast %add3A_1802 : i32 to vector<16xi32>
        %add3A_1804 = arith.addi %add3A_1729, %add3A_1803 : vector<16xi32>
        tpu.vector_store_idx %arg9[%add3A_1804], %add3A_1683 : memref<12288xi32, #tpu.memory_space<vmem>>[vector<16xi32>], vector<16xi32>,
        %add3A_1805 = arith.constant 6240 : i32
        %add3A_1806 = vector.broadcast %add3A_1805 : i32 to vector<16xi32>
        %add3A_1807 = arith.addi %add3A_1729, %add3A_1806 : vector<16xi32>
        %add3A_1808 = arith.constant 1 : i32
        %add3A_1809 = vector.broadcast %add3A_1808 : i32 to vector<16xi32>
        %add3A_1810 = arith.addi %add3A_1683, %add3A_1809 : vector<16xi32>
        tpu.vector_store_idx %arg9[%add3A_1807], %add3A_1810 : memref<12288xi32, #tpu.memory_space<vmem>>[vector<16xi32>], vector<16xi32>,
        %add3A_1811 = arith.constant 96 : i32
        %add3A_1812 = vector.broadcast %add3A_1811 : i32 to vector<16xi32>
        %add3A_1813 = arith.addi %add3A_1729, %add3A_1812 : vector<16xi32>
        tpu.vector_store_idx %arg10[%add3A_1813], %mul3A_1724 : memref<6144xf32, #tpu.memory_space<vmem>>[vector<16xi32>], vector<16xf32>,
        %add3A_1814 = arith.constant 112 : i32
        %add3A_1815 = vector.broadcast %add3A_1814 : i32 to vector<16xi32>
        %add3A_1816 = arith.addi %add3A_1729, %add3A_1815 : vector<16xi32>
        tpu.vector_store_idx %arg9[%add3A_1816], %add3A_1702 : memref<12288xi32, #tpu.memory_space<vmem>>[vector<16xi32>], vector<16xi32>,
        %add3A_1817 = arith.constant 6256 : i32
        %add3A_1818 = vector.broadcast %add3A_1817 : i32 to vector<16xi32>
        %add3A_1819 = arith.addi %add3A_1729, %add3A_1818 : vector<16xi32>
        %add3A_1820 = arith.constant 1 : i32
        %add3A_1821 = vector.broadcast %add3A_1820 : i32 to vector<16xi32>
        %add3A_1822 = arith.addi %add3A_1702, %add3A_1821 : vector<16xi32>
        tpu.vector_store_idx %arg9[%add3A_1819], %add3A_1822 : memref<12288xi32, #tpu.memory_space<vmem>>[vector<16xi32>], vector<16xi32>,
        %add3A_1823 = arith.constant 112 : i32
        %add3A_1824 = vector.broadcast %add3A_1823 : i32 to vector<16xi32>
        %add3A_1825 = arith.addi %add3A_1729, %add3A_1824 : vector<16xi32>
        tpu.vector_store_idx %arg10[%add3A_1825], %mul3A_1725 : memref<6144xf32, #tpu.memory_space<vmem>>[vector<16xi32>], vector<16xf32>,
      }
      %scan3A_1138 = arith.constant 10 : i32
      %mul3A_1139 = arith.constant 3.200000e+01 : f32
      %mul3A_1140 = vector.broadcast %mul3A_1139 : f32 to vector<16xf32>
      %mul3A_1141 = arith.mulf %mul3A_48, %mul3A_1140 : vector<16xf32>
      %convert_element_type3A_1142 = arith.fptosi %mul3A_1141 : vector<16xf32> to vector<16xi32>
      %convert_element_type3A_1143 = arith.sitofp %convert_element_type3A_1142 : vector<16xi32> to vector<16xf32>
      %sub3A_1144 = arith.subf %mul3A_1141, %convert_element_type3A_1143 : vector<16xf32>
      %mul3A_1145 = arith.constant 3.200000e+01 : f32
      %mul3A_1146 = vector.broadcast %mul3A_1145 : f32 to vector<16xf32>
      %mul3A_1147 = arith.mulf %mul3A_60, %mul3A_1146 : vector<16xf32>
      %convert_element_type3A_1148 = arith.fptosi %mul3A_1147 : vector<16xf32> to vector<16xi32>
      %convert_element_type3A_1149 = arith.sitofp %convert_element_type3A_1148 : vector<16xi32> to vector<16xf32>
      %sub3A_1150 = arith.subf %mul3A_1147, %convert_element_type3A_1149 : vector<16xf32>
      %mul3A_1151 = arith.constant 3.200000e+01 : f32
      %mul3A_1152 = vector.broadcast %mul3A_1151 : f32 to vector<16xf32>
      %mul3A_1153 = arith.mulf %mul3A_66, %mul3A_1152 : vector<16xf32>
      %convert_element_type3A_1154 = arith.fptosi %mul3A_1153 : vector<16xf32> to vector<16xi32>
      %convert_element_type3A_1155 = arith.sitofp %convert_element_type3A_1154 : vector<16xi32> to vector<16xf32>
      %sub3A_1156 = arith.subf %mul3A_1153, %convert_element_type3A_1155 : vector<16xf32>
      %mul3A_1157 = arith.constant 33 : i32
      %mul3A_1158 = vector.broadcast %mul3A_1157 : i32 to vector<16xi32>
      %mul3A_1159 = arith.muli %convert_element_type3A_1148, %mul3A_1158 : vector<16xi32>
      %add3A_1160 = arith.addi %convert_element_type3A_1142, %mul3A_1159 : vector<16xi32>
      %mul3A_1161 = arith.constant 1089 : i32
      %mul3A_1162 = vector.broadcast %mul3A_1161 : i32 to vector<16xi32>
      %mul3A_1163 = arith.muli %convert_element_type3A_1154, %mul3A_1162 : vector<16xi32>
      %add3A_1164 = arith.addi %add3A_1160, %mul3A_1163 : vector<16xi32>
      %add3A_1165 = arith.constant 0 : i32
      %add3A_1166 = vector.broadcast %add3A_1165 : i32 to vector<16xi32>
      %add3A_1167 = arith.addi %add3A_1164, %add3A_1166 : vector<16xi32>
      %mul3A_1168 = arith.constant 2 : i32
      %mul3A_1169 = vector.broadcast %mul3A_1168 : i32 to vector<16xi32>
      %mul3A_1170 = arith.muli %add3A_1167, %mul3A_1169 : vector<16xi32>
      %add3A_1171 = arith.constant 0 : i32
      %add3A_1172 = vector.broadcast %add3A_1171 : i32 to vector<16xi32>
      %add3A_1173 = arith.addi %mul3A_1170, %add3A_1172 : vector<16xi32>
      %add3A_1174 = arith.constant 2 : i32
      %add3A_1175 = vector.broadcast %add3A_1174 : i32 to vector<16xi32>
      %add3A_1176 = arith.addi %mul3A_1170, %add3A_1175 : vector<16xi32>
      %add3A_1177 = arith.constant 66 : i32
      %add3A_1178 = vector.broadcast %add3A_1177 : i32 to vector<16xi32>
      %add3A_1179 = arith.addi %mul3A_1170, %add3A_1178 : vector<16xi32>
      %add3A_1180 = arith.constant 68 : i32
      %add3A_1181 = vector.broadcast %add3A_1180 : i32 to vector<16xi32>
      %add3A_1182 = arith.addi %mul3A_1170, %add3A_1181 : vector<16xi32>
      %add3A_1183 = arith.constant 2178 : i32
      %add3A_1184 = vector.broadcast %add3A_1183 : i32 to vector<16xi32>
      %add3A_1185 = arith.addi %mul3A_1170, %add3A_1184 : vector<16xi32>
      %add3A_1186 = arith.constant 2180 : i32
      %add3A_1187 = vector.broadcast %add3A_1186 : i32 to vector<16xi32>
      %add3A_1188 = arith.addi %mul3A_1170, %add3A_1187 : vector<16xi32>
      %add3A_1189 = arith.constant 2244 : i32
      %add3A_1190 = vector.broadcast %add3A_1189 : i32 to vector<16xi32>
      %add3A_1191 = arith.addi %mul3A_1170, %add3A_1190 : vector<16xi32>
      %add3A_1192 = arith.constant 2246 : i32
      %add3A_1193 = vector.broadcast %add3A_1192 : i32 to vector<16xi32>
      %add3A_1194 = arith.addi %mul3A_1170, %add3A_1193 : vector<16xi32>
      %sub3A_1195 = arith.constant 1.000000e+00 : f32
      %sub3A_1196 = vector.broadcast %sub3A_1195 : f32 to vector<16xf32>
      %sub3A_1197 = arith.subf %sub3A_1196, %sub3A_1144 : vector<16xf32>
      %sub3A_1198 = arith.constant 1.000000e+00 : f32
      %sub3A_1199 = vector.broadcast %sub3A_1198 : f32 to vector<16xf32>
      %sub3A_1200 = arith.subf %sub3A_1199, %sub3A_1150 : vector<16xf32>
      %sub3A_1201 = arith.constant 1.000000e+00 : f32
      %sub3A_1202 = vector.broadcast %sub3A_1201 : f32 to vector<16xf32>
      %sub3A_1203 = arith.subf %sub3A_1202, %sub3A_1156 : vector<16xf32>
      %mul3A_1204 = arith.mulf %sub3A_1200, %sub3A_1203 : vector<16xf32>
      %mul3A_1205 = arith.mulf %sub3A_1150, %sub3A_1203 : vector<16xf32>
      %mul3A_1206 = arith.mulf %sub3A_1200, %sub3A_1156 : vector<16xf32>
      %mul3A_1207 = arith.mulf %sub3A_1150, %sub3A_1156 : vector<16xf32>
      %mul3A_1208 = arith.mulf %sub3A_1197, %mul3A_1204 : vector<16xf32>
      %mul3A_1209 = arith.mulf %sub3A_1144, %mul3A_1204 : vector<16xf32>
      %mul3A_1210 = arith.mulf %sub3A_1197, %mul3A_1205 : vector<16xf32>
      %mul3A_1211 = arith.mulf %sub3A_1144, %mul3A_1205 : vector<16xf32>
      %mul3A_1212 = arith.mulf %sub3A_1197, %mul3A_1206 : vector<16xf32>
      %mul3A_1213 = arith.mulf %sub3A_1144, %mul3A_1206 : vector<16xf32>
      %mul3A_1214 = arith.mulf %sub3A_1197, %mul3A_1207 : vector<16xf32>
      %mul3A_1215 = arith.mulf %sub3A_1144, %mul3A_1207 : vector<16xf32>
      %broadcast_in_dim3A_1216 = arith.constant 4608 : i32
      %broadcast_in_dim3A_1217 = vector.broadcast %broadcast_in_dim3A_1216 : i32 to vector<16xi32>
      %add3A_1218 = arith.addi %broadcast_in_dim3A_1217, %iota3A : vector<16xi32>
      %add3A_1219 = arith.constant 0 : i32
      %add3A_1220 = vector.broadcast %add3A_1219 : i32 to vector<16xi32>
      %add3A_1221 = arith.addi %add3A_1218, %add3A_1220 : vector<16xi32>
      tpu.vector_store_idx %arg9[%add3A_1221], %add3A_1173 : memref<12288xi32, #tpu.memory_space<vmem>>[vector<16xi32>], vector<16xi32>,
      %add3A_1222 = arith.constant 6144 : i32
      %add3A_1223 = vector.broadcast %add3A_1222 : i32 to vector<16xi32>
      %add3A_1224 = arith.addi %add3A_1218, %add3A_1223 : vector<16xi32>
      %add3A_1225 = arith.constant 1 : i32
      %add3A_1226 = vector.broadcast %add3A_1225 : i32 to vector<16xi32>
      %add3A_1227 = arith.addi %add3A_1173, %add3A_1226 : vector<16xi32>
      tpu.vector_store_idx %arg9[%add3A_1224], %add3A_1227 : memref<12288xi32, #tpu.memory_space<vmem>>[vector<16xi32>], vector<16xi32>,
      %add3A_1228 = arith.constant 0 : i32
      %add3A_1229 = vector.broadcast %add3A_1228 : i32 to vector<16xi32>
      %add3A_1230 = arith.addi %add3A_1218, %add3A_1229 : vector<16xi32>
      tpu.vector_store_idx %arg10[%add3A_1230], %mul3A_1208 : memref<6144xf32, #tpu.memory_space<vmem>>[vector<16xi32>], vector<16xf32>,
      %add3A_1231 = arith.constant 16 : i32
      %add3A_1232 = vector.broadcast %add3A_1231 : i32 to vector<16xi32>
      %add3A_1233 = arith.addi %add3A_1218, %add3A_1232 : vector<16xi32>
      tpu.vector_store_idx %arg9[%add3A_1233], %add3A_1176 : memref<12288xi32, #tpu.memory_space<vmem>>[vector<16xi32>], vector<16xi32>,
      %add3A_1234 = arith.constant 6160 : i32
      %add3A_1235 = vector.broadcast %add3A_1234 : i32 to vector<16xi32>
      %add3A_1236 = arith.addi %add3A_1218, %add3A_1235 : vector<16xi32>
      %add3A_1237 = arith.constant 1 : i32
      %add3A_1238 = vector.broadcast %add3A_1237 : i32 to vector<16xi32>
      %add3A_1239 = arith.addi %add3A_1176, %add3A_1238 : vector<16xi32>
      tpu.vector_store_idx %arg9[%add3A_1236], %add3A_1239 : memref<12288xi32, #tpu.memory_space<vmem>>[vector<16xi32>], vector<16xi32>,
      %add3A_1240 = arith.constant 16 : i32
      %add3A_1241 = vector.broadcast %add3A_1240 : i32 to vector<16xi32>
      %add3A_1242 = arith.addi %add3A_1218, %add3A_1241 : vector<16xi32>
      tpu.vector_store_idx %arg10[%add3A_1242], %mul3A_1209 : memref<6144xf32, #tpu.memory_space<vmem>>[vector<16xi32>], vector<16xf32>,
      %add3A_1243 = arith.constant 32 : i32
      %add3A_1244 = vector.broadcast %add3A_1243 : i32 to vector<16xi32>
      %add3A_1245 = arith.addi %add3A_1218, %add3A_1244 : vector<16xi32>
      tpu.vector_store_idx %arg9[%add3A_1245], %add3A_1179 : memref<12288xi32, #tpu.memory_space<vmem>>[vector<16xi32>], vector<16xi32>,
      %add3A_1246 = arith.constant 6176 : i32
      %add3A_1247 = vector.broadcast %add3A_1246 : i32 to vector<16xi32>
      %add3A_1248 = arith.addi %add3A_1218, %add3A_1247 : vector<16xi32>
      %add3A_1249 = arith.constant 1 : i32
      %add3A_1250 = vector.broadcast %add3A_1249 : i32 to vector<16xi32>
      %add3A_1251 = arith.addi %add3A_1179, %add3A_1250 : vector<16xi32>
      tpu.vector_store_idx %arg9[%add3A_1248], %add3A_1251 : memref<12288xi32, #tpu.memory_space<vmem>>[vector<16xi32>], vector<16xi32>,
      %add3A_1252 = arith.constant 32 : i32
      %add3A_1253 = vector.broadcast %add3A_1252 : i32 to vector<16xi32>
      %add3A_1254 = arith.addi %add3A_1218, %add3A_1253 : vector<16xi32>
      tpu.vector_store_idx %arg10[%add3A_1254], %mul3A_1210 : memref<6144xf32, #tpu.memory_space<vmem>>[vector<16xi32>], vector<16xf32>,
      %add3A_1255 = arith.constant 48 : i32
      %add3A_1256 = vector.broadcast %add3A_1255 : i32 to vector<16xi32>
      %add3A_1257 = arith.addi %add3A_1218, %add3A_1256 : vector<16xi32>
      tpu.vector_store_idx %arg9[%add3A_1257], %add3A_1182 : memref<12288xi32, #tpu.memory_space<vmem>>[vector<16xi32>], vector<16xi32>,
      %add3A_1258 = arith.constant 6192 : i32
      %add3A_1259 = vector.broadcast %add3A_1258 : i32 to vector<16xi32>
      %add3A_1260 = arith.addi %add3A_1218, %add3A_1259 : vector<16xi32>
      %add3A_1261 = arith.constant 1 : i32
      %add3A_1262 = vector.broadcast %add3A_1261 : i32 to vector<16xi32>
      %add3A_1263 = arith.addi %add3A_1182, %add3A_1262 : vector<16xi32>
      tpu.vector_store_idx %arg9[%add3A_1260], %add3A_1263 : memref<12288xi32, #tpu.memory_space<vmem>>[vector<16xi32>], vector<16xi32>,
      %add3A_1264 = arith.constant 48 : i32
      %add3A_1265 = vector.broadcast %add3A_1264 : i32 to vector<16xi32>
      %add3A_1266 = arith.addi %add3A_1218, %add3A_1265 : vector<16xi32>
      tpu.vector_store_idx %arg10[%add3A_1266], %mul3A_1211 : memref<6144xf32, #tpu.memory_space<vmem>>[vector<16xi32>], vector<16xf32>,
      %add3A_1267 = arith.constant 64 : i32
      %add3A_1268 = vector.broadcast %add3A_1267 : i32 to vector<16xi32>
      %add3A_1269 = arith.addi %add3A_1218, %add3A_1268 : vector<16xi32>
      tpu.vector_store_idx %arg9[%add3A_1269], %add3A_1185 : memref<12288xi32, #tpu.memory_space<vmem>>[vector<16xi32>], vector<16xi32>,
      %add3A_1270 = arith.constant 6208 : i32
      %add3A_1271 = vector.broadcast %add3A_1270 : i32 to vector<16xi32>
      %add3A_1272 = arith.addi %add3A_1218, %add3A_1271 : vector<16xi32>
      %add3A_1273 = arith.constant 1 : i32
      %add3A_1274 = vector.broadcast %add3A_1273 : i32 to vector<16xi32>
      %add3A_1275 = arith.addi %add3A_1185, %add3A_1274 : vector<16xi32>
      tpu.vector_store_idx %arg9[%add3A_1272], %add3A_1275 : memref<12288xi32, #tpu.memory_space<vmem>>[vector<16xi32>], vector<16xi32>,
      %add3A_1276 = arith.constant 64 : i32
      %add3A_1277 = vector.broadcast %add3A_1276 : i32 to vector<16xi32>
      %add3A_1278 = arith.addi %add3A_1218, %add3A_1277 : vector<16xi32>
      tpu.vector_store_idx %arg10[%add3A_1278], %mul3A_1212 : memref<6144xf32, #tpu.memory_space<vmem>>[vector<16xi32>], vector<16xf32>,
      %add3A_1279 = arith.constant 80 : i32
      %add3A_1280 = vector.broadcast %add3A_1279 : i32 to vector<16xi32>
      %add3A_1281 = arith.addi %add3A_1218, %add3A_1280 : vector<16xi32>
      tpu.vector_store_idx %arg9[%add3A_1281], %add3A_1188 : memref<12288xi32, #tpu.memory_space<vmem>>[vector<16xi32>], vector<16xi32>,
      %add3A_1282 = arith.constant 6224 : i32
      %add3A_1283 = vector.broadcast %add3A_1282 : i32 to vector<16xi32>
      %add3A_1284 = arith.addi %add3A_1218, %add3A_1283 : vector<16xi32>
      %add3A_1285 = arith.constant 1 : i32
      %add3A_1286 = vector.broadcast %add3A_1285 : i32 to vector<16xi32>
      %add3A_1287 = arith.addi %add3A_1188, %add3A_1286 : vector<16xi32>
      tpu.vector_store_idx %arg9[%add3A_1284], %add3A_1287 : memref<12288xi32, #tpu.memory_space<vmem>>[vector<16xi32>], vector<16xi32>,
      %add3A_1288 = arith.constant 80 : i32
      %add3A_1289 = vector.broadcast %add3A_1288 : i32 to vector<16xi32>
      %add3A_1290 = arith.addi %add3A_1218, %add3A_1289 : vector<16xi32>
      tpu.vector_store_idx %arg10[%add3A_1290], %mul3A_1213 : memref<6144xf32, #tpu.memory_space<vmem>>[vector<16xi32>], vector<16xf32>,
      %add3A_1291 = arith.constant 96 : i32
      %add3A_1292 = vector.broadcast %add3A_1291 : i32 to vector<16xi32>
      %add3A_1293 = arith.addi %add3A_1218, %add3A_1292 : vector<16xi32>
      tpu.vector_store_idx %arg9[%add3A_1293], %add3A_1191 : memref<12288xi32, #tpu.memory_space<vmem>>[vector<16xi32>], vector<16xi32>,
      %add3A_1294 = arith.constant 6240 : i32
      %add3A_1295 = vector.broadcast %add3A_1294 : i32 to vector<16xi32>
      %add3A_1296 = arith.addi %add3A_1218, %add3A_1295 : vector<16xi32>
      %add3A_1297 = arith.constant 1 : i32
      %add3A_1298 = vector.broadcast %add3A_1297 : i32 to vector<16xi32>
      %add3A_1299 = arith.addi %add3A_1191, %add3A_1298 : vector<16xi32>
      tpu.vector_store_idx %arg9[%add3A_1296], %add3A_1299 : memref<12288xi32, #tpu.memory_space<vmem>>[vector<16xi32>], vector<16xi32>,
      %add3A_1300 = arith.constant 96 : i32
      %add3A_1301 = vector.broadcast %add3A_1300 : i32 to vector<16xi32>
      %add3A_1302 = arith.addi %add3A_1218, %add3A_1301 : vector<16xi32>
      tpu.vector_store_idx %arg10[%add3A_1302], %mul3A_1214 : memref<6144xf32, #tpu.memory_space<vmem>>[vector<16xi32>], vector<16xf32>,
      %add3A_1303 = arith.constant 112 : i32
      %add3A_1304 = vector.broadcast %add3A_1303 : i32 to vector<16xi32>
      %add3A_1305 = arith.addi %add3A_1218, %add3A_1304 : vector<16xi32>
      tpu.vector_store_idx %arg9[%add3A_1305], %add3A_1194 : memref<12288xi32, #tpu.memory_space<vmem>>[vector<16xi32>], vector<16xi32>,
      %add3A_1306 = arith.constant 6256 : i32
      %add3A_1307 = vector.broadcast %add3A_1306 : i32 to vector<16xi32>
      %add3A_1308 = arith.addi %add3A_1218, %add3A_1307 : vector<16xi32>
      %add3A_1309 = arith.constant 1 : i32
      %add3A_1310 = vector.broadcast %add3A_1309 : i32 to vector<16xi32>
      %add3A_1311 = arith.addi %add3A_1194, %add3A_1310 : vector<16xi32>
      tpu.vector_store_idx %arg9[%add3A_1308], %add3A_1311 : memref<12288xi32, #tpu.memory_space<vmem>>[vector<16xi32>], vector<16xi32>,
      %add3A_1312 = arith.constant 112 : i32
      %add3A_1313 = vector.broadcast %add3A_1312 : i32 to vector<16xi32>
      %add3A_1314 = arith.addi %add3A_1218, %add3A_1313 : vector<16xi32>
      tpu.vector_store_idx %arg10[%add3A_1314], %mul3A_1215 : memref<6144xf32, #tpu.memory_space<vmem>>[vector<16xi32>], vector<16xf32>,
      %mul3A_1315 = arith.constant 6.400000e+01 : f32
      %mul3A_1316 = vector.broadcast %mul3A_1315 : f32 to vector<16xf32>
      %mul3A_1317 = arith.mulf %mul3A_48, %mul3A_1316 : vector<16xf32>
      %convert_element_type3A_1318 = arith.fptosi %mul3A_1317 : vector<16xf32> to vector<16xi32>
      %convert_element_type3A_1319 = arith.sitofp %convert_element_type3A_1318 : vector<16xi32> to vector<16xf32>
      %sub3A_1320 = arith.subf %mul3A_1317, %convert_element_type3A_1319 : vector<16xf32>
      %mul3A_1321 = arith.constant 6.400000e+01 : f32
      %mul3A_1322 = vector.broadcast %mul3A_1321 : f32 to vector<16xf32>
      %mul3A_1323 = arith.mulf %mul3A_60, %mul3A_1322 : vector<16xf32>
      %convert_element_type3A_1324 = arith.fptosi %mul3A_1323 : vector<16xf32> to vector<16xi32>
      %convert_element_type3A_1325 = arith.sitofp %convert_element_type3A_1324 : vector<16xi32> to vector<16xf32>
      %sub3A_1326 = arith.subf %mul3A_1323, %convert_element_type3A_1325 : vector<16xf32>
      %mul3A_1327 = arith.constant 6.400000e+01 : f32
      %mul3A_1328 = vector.broadcast %mul3A_1327 : f32 to vector<16xf32>
      %mul3A_1329 = arith.mulf %mul3A_66, %mul3A_1328 : vector<16xf32>
      %convert_element_type3A_1330 = arith.fptosi %mul3A_1329 : vector<16xf32> to vector<16xi32>
      %convert_element_type3A_1331 = arith.sitofp %convert_element_type3A_1330 : vector<16xi32> to vector<16xf32>
      %sub3A_1332 = arith.subf %mul3A_1329, %convert_element_type3A_1331 : vector<16xf32>
      %mul3A_1333 = arith.constant 65 : i32
      %mul3A_1334 = vector.broadcast %mul3A_1333 : i32 to vector<16xi32>
      %mul3A_1335 = arith.muli %convert_element_type3A_1324, %mul3A_1334 : vector<16xi32>
      %add3A_1336 = arith.addi %convert_element_type3A_1318, %mul3A_1335 : vector<16xi32>
      %mul3A_1337 = arith.constant 4225 : i32
      %mul3A_1338 = vector.broadcast %mul3A_1337 : i32 to vector<16xi32>
      %mul3A_1339 = arith.muli %convert_element_type3A_1330, %mul3A_1338 : vector<16xi32>
      %add3A_1340 = arith.addi %add3A_1336, %mul3A_1339 : vector<16xi32>
      %add3A_1341 = arith.constant 35937 : i32
      %add3A_1342 = vector.broadcast %add3A_1341 : i32 to vector<16xi32>
      %add3A_1343 = arith.addi %add3A_1340, %add3A_1342 : vector<16xi32>
      %mul3A_1344 = arith.constant 2 : i32
      %mul3A_1345 = vector.broadcast %mul3A_1344 : i32 to vector<16xi32>
      %mul3A_1346 = arith.muli %add3A_1343, %mul3A_1345 : vector<16xi32>
      %add3A_1347 = arith.constant 0 : i32
      %add3A_1348 = vector.broadcast %add3A_1347 : i32 to vector<16xi32>
      %add3A_1349 = arith.addi %mul3A_1346, %add3A_1348 : vector<16xi32>
      %add3A_1350 = arith.constant 2 : i32
      %add3A_1351 = vector.broadcast %add3A_1350 : i32 to vector<16xi32>
      %add3A_1352 = arith.addi %mul3A_1346, %add3A_1351 : vector<16xi32>
      %add3A_1353 = arith.constant 130 : i32
      %add3A_1354 = vector.broadcast %add3A_1353 : i32 to vector<16xi32>
      %add3A_1355 = arith.addi %mul3A_1346, %add3A_1354 : vector<16xi32>
      %add3A_1356 = arith.constant 132 : i32
      %add3A_1357 = vector.broadcast %add3A_1356 : i32 to vector<16xi32>
      %add3A_1358 = arith.addi %mul3A_1346, %add3A_1357 : vector<16xi32>
      %add3A_1359 = arith.constant 8450 : i32
      %add3A_1360 = vector.broadcast %add3A_1359 : i32 to vector<16xi32>
      %add3A_1361 = arith.addi %mul3A_1346, %add3A_1360 : vector<16xi32>
      %add3A_1362 = arith.constant 8452 : i32
      %add3A_1363 = vector.broadcast %add3A_1362 : i32 to vector<16xi32>
      %add3A_1364 = arith.addi %mul3A_1346, %add3A_1363 : vector<16xi32>
      %add3A_1365 = arith.constant 8580 : i32
      %add3A_1366 = vector.broadcast %add3A_1365 : i32 to vector<16xi32>
      %add3A_1367 = arith.addi %mul3A_1346, %add3A_1366 : vector<16xi32>
      %add3A_1368 = arith.constant 8582 : i32
      %add3A_1369 = vector.broadcast %add3A_1368 : i32 to vector<16xi32>
      %add3A_1370 = arith.addi %mul3A_1346, %add3A_1369 : vector<16xi32>
      %sub3A_1371 = arith.constant 1.000000e+00 : f32
      %sub3A_1372 = vector.broadcast %sub3A_1371 : f32 to vector<16xf32>
      %sub3A_1373 = arith.subf %sub3A_1372, %sub3A_1320 : vector<16xf32>
      %sub3A_1374 = arith.constant 1.000000e+00 : f32
      %sub3A_1375 = vector.broadcast %sub3A_1374 : f32 to vector<16xf32>
      %sub3A_1376 = arith.subf %sub3A_1375, %sub3A_1326 : vector<16xf32>
      %sub3A_1377 = arith.constant 1.000000e+00 : f32
      %sub3A_1378 = vector.broadcast %sub3A_1377 : f32 to vector<16xf32>
      %sub3A_1379 = arith.subf %sub3A_1378, %sub3A_1332 : vector<16xf32>
      %mul3A_1380 = arith.mulf %sub3A_1376, %sub3A_1379 : vector<16xf32>
      %mul3A_1381 = arith.mulf %sub3A_1326, %sub3A_1379 : vector<16xf32>
      %mul3A_1382 = arith.mulf %sub3A_1376, %sub3A_1332 : vector<16xf32>
      %mul3A_1383 = arith.mulf %sub3A_1326, %sub3A_1332 : vector<16xf32>
      %mul3A_1384 = arith.mulf %sub3A_1373, %mul3A_1380 : vector<16xf32>
      %mul3A_1385 = arith.mulf %sub3A_1320, %mul3A_1380 : vector<16xf32>
      %mul3A_1386 = arith.mulf %sub3A_1373, %mul3A_1381 : vector<16xf32>
      %mul3A_1387 = arith.mulf %sub3A_1320, %mul3A_1381 : vector<16xf32>
      %mul3A_1388 = arith.mulf %sub3A_1373, %mul3A_1382 : vector<16xf32>
      %mul3A_1389 = arith.mulf %sub3A_1320, %mul3A_1382 : vector<16xf32>
      %mul3A_1390 = arith.mulf %sub3A_1373, %mul3A_1383 : vector<16xf32>
      %mul3A_1391 = arith.mulf %sub3A_1320, %mul3A_1383 : vector<16xf32>
      %broadcast_in_dim3A_1392 = arith.constant 4736 : i32
      %broadcast_in_dim3A_1393 = vector.broadcast %broadcast_in_dim3A_1392 : i32 to vector<16xi32>
      %add3A_1394 = arith.addi %broadcast_in_dim3A_1393, %iota3A : vector<16xi32>
      %add3A_1395 = arith.constant 0 : i32
      %add3A_1396 = vector.broadcast %add3A_1395 : i32 to vector<16xi32>
      %add3A_1397 = arith.addi %add3A_1394, %add3A_1396 : vector<16xi32>
      tpu.vector_store_idx %arg9[%add3A_1397], %add3A_1349 : memref<12288xi32, #tpu.memory_space<vmem>>[vector<16xi32>], vector<16xi32>,
      %add3A_1398 = arith.constant 6144 : i32
      %add3A_1399 = vector.broadcast %add3A_1398 : i32 to vector<16xi32>
      %add3A_1400 = arith.addi %add3A_1394, %add3A_1399 : vector<16xi32>
      %add3A_1401 = arith.constant 1 : i32
      %add3A_1402 = vector.broadcast %add3A_1401 : i32 to vector<16xi32>
      %add3A_1403 = arith.addi %add3A_1349, %add3A_1402 : vector<16xi32>
      tpu.vector_store_idx %arg9[%add3A_1400], %add3A_1403 : memref<12288xi32, #tpu.memory_space<vmem>>[vector<16xi32>], vector<16xi32>,
      %add3A_1404 = arith.constant 0 : i32
      %add3A_1405 = vector.broadcast %add3A_1404 : i32 to vector<16xi32>
      %add3A_1406 = arith.addi %add3A_1394, %add3A_1405 : vector<16xi32>
      tpu.vector_store_idx %arg10[%add3A_1406], %mul3A_1384 : memref<6144xf32, #tpu.memory_space<vmem>>[vector<16xi32>], vector<16xf32>,
      %add3A_1407 = arith.constant 16 : i32
      %add3A_1408 = vector.broadcast %add3A_1407 : i32 to vector<16xi32>
      %add3A_1409 = arith.addi %add3A_1394, %add3A_1408 : vector<16xi32>
      tpu.vector_store_idx %arg9[%add3A_1409], %add3A_1352 : memref<12288xi32, #tpu.memory_space<vmem>>[vector<16xi32>], vector<16xi32>,
      %add3A_1410 = arith.constant 6160 : i32
      %add3A_1411 = vector.broadcast %add3A_1410 : i32 to vector<16xi32>
      %add3A_1412 = arith.addi %add3A_1394, %add3A_1411 : vector<16xi32>
      %add3A_1413 = arith.constant 1 : i32
      %add3A_1414 = vector.broadcast %add3A_1413 : i32 to vector<16xi32>
      %add3A_1415 = arith.addi %add3A_1352, %add3A_1414 : vector<16xi32>
      tpu.vector_store_idx %arg9[%add3A_1412], %add3A_1415 : memref<12288xi32, #tpu.memory_space<vmem>>[vector<16xi32>], vector<16xi32>,
      %add3A_1416 = arith.constant 16 : i32
      %add3A_1417 = vector.broadcast %add3A_1416 : i32 to vector<16xi32>
      %add3A_1418 = arith.addi %add3A_1394, %add3A_1417 : vector<16xi32>
      tpu.vector_store_idx %arg10[%add3A_1418], %mul3A_1385 : memref<6144xf32, #tpu.memory_space<vmem>>[vector<16xi32>], vector<16xf32>,
      %add3A_1419 = arith.constant 32 : i32
      %add3A_1420 = vector.broadcast %add3A_1419 : i32 to vector<16xi32>
      %add3A_1421 = arith.addi %add3A_1394, %add3A_1420 : vector<16xi32>
      tpu.vector_store_idx %arg9[%add3A_1421], %add3A_1355 : memref<12288xi32, #tpu.memory_space<vmem>>[vector<16xi32>], vector<16xi32>,
      %add3A_1422 = arith.constant 6176 : i32
      %add3A_1423 = vector.broadcast %add3A_1422 : i32 to vector<16xi32>
      %add3A_1424 = arith.addi %add3A_1394, %add3A_1423 : vector<16xi32>
      %add3A_1425 = arith.constant 1 : i32
      %add3A_1426 = vector.broadcast %add3A_1425 : i32 to vector<16xi32>
      %add3A_1427 = arith.addi %add3A_1355, %add3A_1426 : vector<16xi32>
      tpu.vector_store_idx %arg9[%add3A_1424], %add3A_1427 : memref<12288xi32, #tpu.memory_space<vmem>>[vector<16xi32>], vector<16xi32>,
      %add3A_1428 = arith.constant 32 : i32
      %add3A_1429 = vector.broadcast %add3A_1428 : i32 to vector<16xi32>
      %add3A_1430 = arith.addi %add3A_1394, %add3A_1429 : vector<16xi32>
      tpu.vector_store_idx %arg10[%add3A_1430], %mul3A_1386 : memref<6144xf32, #tpu.memory_space<vmem>>[vector<16xi32>], vector<16xf32>,
      %add3A_1431 = arith.constant 48 : i32
      %add3A_1432 = vector.broadcast %add3A_1431 : i32 to vector<16xi32>
      %add3A_1433 = arith.addi %add3A_1394, %add3A_1432 : vector<16xi32>
      tpu.vector_store_idx %arg9[%add3A_1433], %add3A_1358 : memref<12288xi32, #tpu.memory_space<vmem>>[vector<16xi32>], vector<16xi32>,
      %add3A_1434 = arith.constant 6192 : i32
      %add3A_1435 = vector.broadcast %add3A_1434 : i32 to vector<16xi32>
      %add3A_1436 = arith.addi %add3A_1394, %add3A_1435 : vector<16xi32>
      %add3A_1437 = arith.constant 1 : i32
      %add3A_1438 = vector.broadcast %add3A_1437 : i32 to vector<16xi32>
      %add3A_1439 = arith.addi %add3A_1358, %add3A_1438 : vector<16xi32>
      tpu.vector_store_idx %arg9[%add3A_1436], %add3A_1439 : memref<12288xi32, #tpu.memory_space<vmem>>[vector<16xi32>], vector<16xi32>,
      %add3A_1440 = arith.constant 48 : i32
      %add3A_1441 = vector.broadcast %add3A_1440 : i32 to vector<16xi32>
      %add3A_1442 = arith.addi %add3A_1394, %add3A_1441 : vector<16xi32>
      tpu.vector_store_idx %arg10[%add3A_1442], %mul3A_1387 : memref<6144xf32, #tpu.memory_space<vmem>>[vector<16xi32>], vector<16xf32>,
      %add3A_1443 = arith.constant 64 : i32
      %add3A_1444 = vector.broadcast %add3A_1443 : i32 to vector<16xi32>
      %add3A_1445 = arith.addi %add3A_1394, %add3A_1444 : vector<16xi32>
      tpu.vector_store_idx %arg9[%add3A_1445], %add3A_1361 : memref<12288xi32, #tpu.memory_space<vmem>>[vector<16xi32>], vector<16xi32>,
      %add3A_1446 = arith.constant 6208 : i32
      %add3A_1447 = vector.broadcast %add3A_1446 : i32 to vector<16xi32>
      %add3A_1448 = arith.addi %add3A_1394, %add3A_1447 : vector<16xi32>
      %add3A_1449 = arith.constant 1 : i32
      %add3A_1450 = vector.broadcast %add3A_1449 : i32 to vector<16xi32>
      %add3A_1451 = arith.addi %add3A_1361, %add3A_1450 : vector<16xi32>
      tpu.vector_store_idx %arg9[%add3A_1448], %add3A_1451 : memref<12288xi32, #tpu.memory_space<vmem>>[vector<16xi32>], vector<16xi32>,
      %add3A_1452 = arith.constant 64 : i32
      %add3A_1453 = vector.broadcast %add3A_1452 : i32 to vector<16xi32>
      %add3A_1454 = arith.addi %add3A_1394, %add3A_1453 : vector<16xi32>
      tpu.vector_store_idx %arg10[%add3A_1454], %mul3A_1388 : memref<6144xf32, #tpu.memory_space<vmem>>[vector<16xi32>], vector<16xf32>,
      %add3A_1455 = arith.constant 80 : i32
      %add3A_1456 = vector.broadcast %add3A_1455 : i32 to vector<16xi32>
      %add3A_1457 = arith.addi %add3A_1394, %add3A_1456 : vector<16xi32>
      tpu.vector_store_idx %arg9[%add3A_1457], %add3A_1364 : memref<12288xi32, #tpu.memory_space<vmem>>[vector<16xi32>], vector<16xi32>,
      %add3A_1458 = arith.constant 6224 : i32
      %add3A_1459 = vector.broadcast %add3A_1458 : i32 to vector<16xi32>
      %add3A_1460 = arith.addi %add3A_1394, %add3A_1459 : vector<16xi32>
      %add3A_1461 = arith.constant 1 : i32
      %add3A_1462 = vector.broadcast %add3A_1461 : i32 to vector<16xi32>
      %add3A_1463 = arith.addi %add3A_1364, %add3A_1462 : vector<16xi32>
      tpu.vector_store_idx %arg9[%add3A_1460], %add3A_1463 : memref<12288xi32, #tpu.memory_space<vmem>>[vector<16xi32>], vector<16xi32>,
      %add3A_1464 = arith.constant 80 : i32
      %add3A_1465 = vector.broadcast %add3A_1464 : i32 to vector<16xi32>
      %add3A_1466 = arith.addi %add3A_1394, %add3A_1465 : vector<16xi32>
      tpu.vector_store_idx %arg10[%add3A_1466], %mul3A_1389 : memref<6144xf32, #tpu.memory_space<vmem>>[vector<16xi32>], vector<16xf32>,
      %add3A_1467 = arith.constant 96 : i32
      %add3A_1468 = vector.broadcast %add3A_1467 : i32 to vector<16xi32>
      %add3A_1469 = arith.addi %add3A_1394, %add3A_1468 : vector<16xi32>
      tpu.vector_store_idx %arg9[%add3A_1469], %add3A_1367 : memref<12288xi32, #tpu.memory_space<vmem>>[vector<16xi32>], vector<16xi32>,
      %add3A_1470 = arith.constant 6240 : i32
      %add3A_1471 = vector.broadcast %add3A_1470 : i32 to vector<16xi32>
      %add3A_1472 = arith.addi %add3A_1394, %add3A_1471 : vector<16xi32>
      %add3A_1473 = arith.constant 1 : i32
      %add3A_1474 = vector.broadcast %add3A_1473 : i32 to vector<16xi32>
      %add3A_1475 = arith.addi %add3A_1367, %add3A_1474 : vector<16xi32>
      tpu.vector_store_idx %arg9[%add3A_1472], %add3A_1475 : memref<12288xi32, #tpu.memory_space<vmem>>[vector<16xi32>], vector<16xi32>,
      %add3A_1476 = arith.constant 96 : i32
      %add3A_1477 = vector.broadcast %add3A_1476 : i32 to vector<16xi32>
      %add3A_1478 = arith.addi %add3A_1394, %add3A_1477 : vector<16xi32>
      tpu.vector_store_idx %arg10[%add3A_1478], %mul3A_1390 : memref<6144xf32, #tpu.memory_space<vmem>>[vector<16xi32>], vector<16xf32>,
      %add3A_1479 = arith.constant 112 : i32
      %add3A_1480 = vector.broadcast %add3A_1479 : i32 to vector<16xi32>
      %add3A_1481 = arith.addi %add3A_1394, %add3A_1480 : vector<16xi32>
      tpu.vector_store_idx %arg9[%add3A_1481], %add3A_1370 : memref<12288xi32, #tpu.memory_space<vmem>>[vector<16xi32>], vector<16xi32>,
      %add3A_1482 = arith.constant 6256 : i32
      %add3A_1483 = vector.broadcast %add3A_1482 : i32 to vector<16xi32>
      %add3A_1484 = arith.addi %add3A_1394, %add3A_1483 : vector<16xi32>
      %add3A_1485 = arith.constant 1 : i32
      %add3A_1486 = vector.broadcast %add3A_1485 : i32 to vector<16xi32>
      %add3A_1487 = arith.addi %add3A_1370, %add3A_1486 : vector<16xi32>
      tpu.vector_store_idx %arg9[%add3A_1484], %add3A_1487 : memref<12288xi32, #tpu.memory_space<vmem>>[vector<16xi32>], vector<16xi32>,
      %add3A_1488 = arith.constant 112 : i32
      %add3A_1489 = vector.broadcast %add3A_1488 : i32 to vector<16xi32>
      %add3A_1490 = arith.addi %add3A_1394, %add3A_1489 : vector<16xi32>
      tpu.vector_store_idx %arg10[%add3A_1490], %mul3A_1391 : memref<6144xf32, #tpu.memory_space<vmem>>[vector<16xi32>], vector<16xf32>,
      %scan3A_1491 = arith.constant 0 : i32
      %scan3A_1492 = arith.constant 2 : i32
      %scan3A_1493 = arith.constant 10 : i32
      %scan3A_1494 = arith.addi %scan3A_1492, %scan3A_1493 : i32
      %scan3A_1495 = arith.constant 1 : i32
      scf.for %scan3A_1559 = %scan3A_1492 to %scan3A_1494 step %scan3A_1495  : i32 {
        %shift_left3A = arith.constant 32 : i32
        %shift_left3A_1560 = arith.shli %shift_left3A, %scan3A_1559 : i32
        %convert_element_type3A_1561 = arith.sitofp %shift_left3A_1560 : i32 to f32
        %mul3A_1562 = vector.broadcast %convert_element_type3A_1561 : f32 to vector<16xf32>
        %mul3A_1563 = arith.mulf %mul3A_48, %mul3A_1562 : vector<16xf32>
        %convert_element_type3A_1564 = arith.fptosi %mul3A_1563 : vector<16xf32> to vector<16xi32>
        %convert_element_type3A_1565 = arith.sitofp %convert_element_type3A_1564 : vector<16xi32> to vector<16xf32>
        %sub3A_1566 = arith.subf %mul3A_1563, %convert_element_type3A_1565 : vector<16xf32>
        %mul3A_1567 = vector.broadcast %convert_element_type3A_1561 : f32 to vector<16xf32>
        %mul3A_1568 = arith.mulf %mul3A_60, %mul3A_1567 : vector<16xf32>
        %convert_element_type3A_1569 = arith.fptosi %mul3A_1568 : vector<16xf32> to vector<16xi32>
        %convert_element_type3A_1570 = arith.sitofp %convert_element_type3A_1569 : vector<16xi32> to vector<16xf32>
        %sub3A_1571 = arith.subf %mul3A_1568, %convert_element_type3A_1570 : vector<16xf32>
        %mul3A_1572 = vector.broadcast %convert_element_type3A_1561 : f32 to vector<16xf32>
        %mul3A_1573 = arith.mulf %mul3A_66, %mul3A_1572 : vector<16xf32>
        %convert_element_type3A_1574 = arith.fptosi %mul3A_1573 : vector<16xf32> to vector<16xi32>
        %convert_element_type3A_1575 = arith.sitofp %convert_element_type3A_1574 : vector<16xi32> to vector<16xf32>
        %sub3A_1576 = arith.subf %mul3A_1573, %convert_element_type3A_1575 : vector<16xf32>
        %mul3A_1577 = arith.constant -1640531535 : i32
        %mul3A_1578 = vector.broadcast %mul3A_1577 : i32 to vector<16xi32>
        %mul3A_1579 = arith.muli %convert_element_type3A_1569, %mul3A_1578 : vector<16xi32>
        %mul3A_1580 = arith.constant 805459861 : i32
        %mul3A_1581 = vector.broadcast %mul3A_1580 : i32 to vector<16xi32>
        %mul3A_1582 = arith.muli %convert_element_type3A_1574, %mul3A_1581 : vector<16xi32>
        %mul3A_1583 = arith.constant 524288 : i32
        %mul3A_1584 = arith.muli %scan3A_1559, %mul3A_1583 : i32
        %add3A_1585 = arith.constant -738014 : i32
        %add3A_1586 = arith.addi %mul3A_1584, %add3A_1585 : i32
        %mul3A_1587 = arith.constant 2 : i32
        %mul3A_1588 = arith.muli %mul3A_1587, %add3A_1586 : i32
        %xor3A = arith.xori %convert_element_type3A_1564, %mul3A_1579 : vector<16xi32>
        %xor3A_1589 = arith.xori %xor3A, %mul3A_1582 : vector<16xi32>
        %and3A = arith.constant 524287 : i32
        %and3A_1590 = vector.broadcast %and3A : i32 to vector<16xi32>
        %and3A_1591 = arith.andi %xor3A_1589, %and3A_1590 : vector<16xi32>
        %mul3A_1592 = arith.constant 2 : i32
        %mul3A_1593 = vector.broadcast %mul3A_1592 : i32 to vector<16xi32>
        %mul3A_1594 = arith.muli %and3A_1591, %mul3A_1593 : vector<16xi32>
        %add3A_1595 = vector.broadcast %mul3A_1588 : i32 to vector<16xi32>
        %add3A_1596 = arith.addi %mul3A_1594, %add3A_1595 : vector<16xi32>
        %add3A_1597 = arith.constant 1 : i32
        %add3A_1598 = vector.broadcast %add3A_1597 : i32 to vector<16xi32>
        %add3A_1599 = arith.addi %convert_element_type3A_1564, %add3A_1598 : vector<16xi32>
        %xor3A_1600 = arith.xori %add3A_1599, %mul3A_1579 : vector<16xi32>
        %xor3A_1601 = arith.xori %xor3A_1600, %mul3A_1582 : vector<16xi32>
        %and3A_1602 = arith.constant 524287 : i32
        %and3A_1603 = vector.broadcast %and3A_1602 : i32 to vector<16xi32>
        %and3A_1604 = arith.andi %xor3A_1601, %and3A_1603 : vector<16xi32>
        %mul3A_1605 = arith.constant 2 : i32
        %mul3A_1606 = vector.broadcast %mul3A_1605 : i32 to vector<16xi32>
        %mul3A_1607 = arith.muli %and3A_1604, %mul3A_1606 : vector<16xi32>
        %add3A_1608 = vector.broadcast %mul3A_1588 : i32 to vector<16xi32>
        %add3A_1609 = arith.addi %mul3A_1607, %add3A_1608 : vector<16xi32>
        %add3A_1610 = arith.constant -1640531535 : i32
        %add3A_1611 = vector.broadcast %add3A_1610 : i32 to vector<16xi32>
        %add3A_1612 = arith.addi %mul3A_1579, %add3A_1611 : vector<16xi32>
        %xor3A_1613 = arith.xori %convert_element_type3A_1564, %add3A_1612 : vector<16xi32>
        %xor3A_1614 = arith.xori %xor3A_1613, %mul3A_1582 : vector<16xi32>
        %and3A_1615 = arith.constant 524287 : i32
        %and3A_1616 = vector.broadcast %and3A_1615 : i32 to vector<16xi32>
        %and3A_1617 = arith.andi %xor3A_1614, %and3A_1616 : vector<16xi32>
        %mul3A_1618 = arith.constant 2 : i32
        %mul3A_1619 = vector.broadcast %mul3A_1618 : i32 to vector<16xi32>
        %mul3A_1620 = arith.muli %and3A_1617, %mul3A_1619 : vector<16xi32>
        %add3A_1621 = vector.broadcast %mul3A_1588 : i32 to vector<16xi32>
        %add3A_1622 = arith.addi %mul3A_1620, %add3A_1621 : vector<16xi32>
        %add3A_1623 = arith.constant 1 : i32
        %add3A_1624 = vector.broadcast %add3A_1623 : i32 to vector<16xi32>
        %add3A_1625 = arith.addi %convert_element_type3A_1564, %add3A_1624 : vector<16xi32>
        %add3A_1626 = arith.constant -1640531535 : i32
        %add3A_1627 = vector.broadcast %add3A_1626 : i32 to vector<16xi32>
        %add3A_1628 = arith.addi %mul3A_1579, %add3A_1627 : vector<16xi32>
        %xor3A_1629 = arith.xori %add3A_1625, %add3A_1628 : vector<16xi32>
        %xor3A_1630 = arith.xori %xor3A_1629, %mul3A_1582 : vector<16xi32>
        %and3A_1631 = arith.constant 524287 : i32
        %and3A_1632 = vector.broadcast %and3A_1631 : i32 to vector<16xi32>
        %and3A_1633 = arith.andi %xor3A_1630, %and3A_1632 : vector<16xi32>
        %mul3A_1634 = arith.constant 2 : i32
        %mul3A_1635 = vector.broadcast %mul3A_1634 : i32 to vector<16xi32>
        %mul3A_1636 = arith.muli %and3A_1633, %mul3A_1635 : vector<16xi32>
        %add3A_1637 = vector.broadcast %mul3A_1588 : i32 to vector<16xi32>
        %add3A_1638 = arith.addi %mul3A_1636, %add3A_1637 : vector<16xi32>
        %add3A_1639 = arith.constant 805459861 : i32
        %add3A_1640 = vector.broadcast %add3A_1639 : i32 to vector<16xi32>
        %add3A_1641 = arith.addi %mul3A_1582, %add3A_1640 : vector<16xi32>
        %xor3A_1642 = arith.xori %convert_element_type3A_1564, %mul3A_1579 : vector<16xi32>
        %xor3A_1643 = arith.xori %xor3A_1642, %add3A_1641 : vector<16xi32>
        %and3A_1644 = arith.constant 524287 : i32
        %and3A_1645 = vector.broadcast %and3A_1644 : i32 to vector<16xi32>
        %and3A_1646 = arith.andi %xor3A_1643, %and3A_1645 : vector<16xi32>
        %mul3A_1647 = arith.constant 2 : i32
        %mul3A_1648 = vector.broadcast %mul3A_1647 : i32 to vector<16xi32>
        %mul3A_1649 = arith.muli %and3A_1646, %mul3A_1648 : vector<16xi32>
        %add3A_1650 = vector.broadcast %mul3A_1588 : i32 to vector<16xi32>
        %add3A_1651 = arith.addi %mul3A_1649, %add3A_1650 : vector<16xi32>
        %add3A_1652 = arith.constant 1 : i32
        %add3A_1653 = vector.broadcast %add3A_1652 : i32 to vector<16xi32>
        %add3A_1654 = arith.addi %convert_element_type3A_1564, %add3A_1653 : vector<16xi32>
        %add3A_1655 = arith.constant 805459861 : i32
        %add3A_1656 = vector.broadcast %add3A_1655 : i32 to vector<16xi32>
        %add3A_1657 = arith.addi %mul3A_1582, %add3A_1656 : vector<16xi32>
        %xor3A_1658 = arith.xori %add3A_1654, %mul3A_1579 : vector<16xi32>
        %xor3A_1659 = arith.xori %xor3A_1658, %add3A_1657 : vector<16xi32>
        %and3A_1660 = arith.constant 524287 : i32
        %and3A_1661 = vector.broadcast %and3A_1660 : i32 to vector<16xi32>
        %and3A_1662 = arith.andi %xor3A_1659, %and3A_1661 : vector<16xi32>
        %mul3A_1663 = arith.constant 2 : i32
        %mul3A_1664 = vector.broadcast %mul3A_1663 : i32 to vector<16xi32>
        %mul3A_1665 = arith.muli %and3A_1662, %mul3A_1664 : vector<16xi32>
        %add3A_1666 = vector.broadcast %mul3A_1588 : i32 to vector<16xi32>
        %add3A_1667 = arith.addi %mul3A_1665, %add3A_1666 : vector<16xi32>
        %add3A_1668 = arith.constant -1640531535 : i32
        %add3A_1669 = vector.broadcast %add3A_1668 : i32 to vector<16xi32>
        %add3A_1670 = arith.addi %mul3A_1579, %add3A_1669 : vector<16xi32>
        %add3A_1671 = arith.constant 805459861 : i32
        %add3A_1672 = vector.broadcast %add3A_1671 : i32 to vector<16xi32>
        %add3A_1673 = arith.addi %mul3A_1582, %add3A_1672 : vector<16xi32>
        %xor3A_1674 = arith.xori %convert_element_type3A_1564, %add3A_1670 : vector<16xi32>
        %xor3A_1675 = arith.xori %xor3A_1674, %add3A_1673 : vector<16xi32>
        %and3A_1676 = arith.constant 524287 : i32
        %and3A_1677 = vector.broadcast %and3A_1676 : i32 to vector<16xi32>
        %and3A_1678 = arith.andi %xor3A_1675, %and3A_1677 : vector<16xi32>
        %mul3A_1679 = arith.constant 2 : i32
        %mul3A_1680 = vector.broadcast %mul3A_1679 : i32 to vector<16xi32>
        %mul3A_1681 = arith.muli %and3A_1678, %mul3A_1680 : vector<16xi32>
        %add3A_1682 = vector.broadcast %mul3A_1588 : i32 to vector<16xi32>
        %add3A_1683 = arith.addi %mul3A_1681, %add3A_1682 : vector<16xi32>
        %add3A_1684 = arith.constant 1 : i32
        %add3A_1685 = vector.broadcast %add3A_1684 : i32 to vector<16xi32>
        %add3A_1686 = arith.addi %convert_element_type3A_1564, %add3A_1685 : vector<16xi32>
        %add3A_1687 = arith.constant -1640531535 : i32
        %add3A_1688 = vector.broadcast %add3A_1687 : i32 to vector<16xi32>
        %add3A_1689 = arith.addi %mul3A_1579, %add3A_1688 : vector<16xi32>
        %add3A_1690 = arith.constant 805459861 : i32
        %add3A_1691 = vector.broadcast %add3A_1690 : i32 to vector<16xi32>
        %add3A_1692 = arith.addi %mul3A_1582, %add3A_1691 : vector<16xi32>
        %xor3A_1693 = arith.xori %add3A_1686, %add3A_1689 : vector<16xi32>
        %xor3A_1694 = arith.xori %xor3A_1693, %add3A_1692 : vector<16xi32>
        %and3A_1695 = arith.constant 524287 : i32
        %and3A_1696 = vector.broadcast %and3A_1695 : i32 to vector<16xi32>
        %and3A_1697 = arith.andi %xor3A_1694, %and3A_1696 : vector<16xi32>
        %mul3A_1698 = arith.constant 2 : i32
        %mul3A_1699 = vector.broadcast %mul3A_1698 : i32 to vector<16xi32>
        %mul3A_1700 = arith.muli %and3A_1697, %mul3A_1699 : vector<16xi32>
        %add3A_1701 = vector.broadcast %mul3A_1588 : i32 to vector<16xi32>
        %add3A_1702 = arith.addi %mul3A_1700, %add3A_1701 : vector<16xi32>
        %add3A_1703 = arith.constant 36 : i32
        %add3A_1704 = arith.addi %add3A_1703, %scan3A_1559 : i32
        %sub3A_1705 = arith.constant 1.000000e+00 : f32
        %sub3A_1706 = vector.broadcast %sub3A_1705 : f32 to vector<16xf32>
        %sub3A_1707 = arith.subf %sub3A_1706, %sub3A_1566 : vector<16xf32>
        %sub3A_1708 = arith.constant 1.000000e+00 : f32
        %sub3A_1709 = vector.broadcast %sub3A_1708 : f32 to vector<16xf32>
        %sub3A_1710 = arith.subf %sub3A_1709, %sub3A_1571 : vector<16xf32>
        %sub3A_1711 = arith.constant 1.000000e+00 : f32
        %sub3A_1712 = vector.broadcast %sub3A_1711 : f32 to vector<16xf32>
        %sub3A_1713 = arith.subf %sub3A_1712, %sub3A_1576 : vector<16xf32>
        %mul3A_1714 = arith.mulf %sub3A_1710, %sub3A_1713 : vector<16xf32>
        %mul3A_1715 = arith.mulf %sub3A_1571, %sub3A_1713 : vector<16xf32>
        %mul3A_1716 = arith.mulf %sub3A_1710, %sub3A_1576 : vector<16xf32>
        %mul3A_1717 = arith.mulf %sub3A_1571, %sub3A_1576 : vector<16xf32>
        %mul3A_1718 = arith.mulf %sub3A_1707, %mul3A_1714 : vector<16xf32>
        %mul3A_1719 = arith.mulf %sub3A_1566, %mul3A_1714 : vector<16xf32>
        %mul3A_1720 = arith.mulf %sub3A_1707, %mul3A_1715 : vector<16xf32>
        %mul3A_1721 = arith.mulf %sub3A_1566, %mul3A_1715 : vector<16xf32>
        %mul3A_1722 = arith.mulf %sub3A_1707, %mul3A_1716 : vector<16xf32>
        %mul3A_1723 = arith.mulf %sub3A_1566, %mul3A_1716 : vector<16xf32>
        %mul3A_1724 = arith.mulf %sub3A_1707, %mul3A_1717 : vector<16xf32>
        %mul3A_1725 = arith.mulf %sub3A_1566, %mul3A_1717 : vector<16xf32>
        %mul3A_1726 = arith.constant 128 : i32
        %mul3A_1727 = arith.muli %add3A_1704, %mul3A_1726 : i32
        %broadcast_in_dim3A_1728 = vector.broadcast %mul3A_1727 : i32 to vector<16xi32>
        %add3A_1729 = arith.addi %broadcast_in_dim3A_1728, %iota3A : vector<16xi32>
        %add3A_1730 = arith.constant 0 : i32
        %add3A_1731 = vector.broadcast %add3A_1730 : i32 to vector<16xi32>
        %add3A_1732 = arith.addi %add3A_1729, %add3A_1731 : vector<16xi32>
        tpu.vector_store_idx %arg9[%add3A_1732], %add3A_1596 : memref<12288xi32, #tpu.memory_space<vmem>>[vector<16xi32>], vector<16xi32>,
        %add3A_1733 = arith.constant 6144 : i32
        %add3A_1734 = vector.broadcast %add3A_1733 : i32 to vector<16xi32>
        %add3A_1735 = arith.addi %add3A_1729, %add3A_1734 : vector<16xi32>
        %add3A_1736 = arith.constant 1 : i32
        %add3A_1737 = vector.broadcast %add3A_1736 : i32 to vector<16xi32>
        %add3A_1738 = arith.addi %add3A_1596, %add3A_1737 : vector<16xi32>
        tpu.vector_store_idx %arg9[%add3A_1735], %add3A_1738 : memref<12288xi32, #tpu.memory_space<vmem>>[vector<16xi32>], vector<16xi32>,
        %add3A_1739 = arith.constant 0 : i32
        %add3A_1740 = vector.broadcast %add3A_1739 : i32 to vector<16xi32>
        %add3A_1741 = arith.addi %add3A_1729, %add3A_1740 : vector<16xi32>
        tpu.vector_store_idx %arg10[%add3A_1741], %mul3A_1718 : memref<6144xf32, #tpu.memory_space<vmem>>[vector<16xi32>], vector<16xf32>,
        %add3A_1742 = arith.constant 16 : i32
        %add3A_1743 = vector.broadcast %add3A_1742 : i32 to vector<16xi32>
        %add3A_1744 = arith.addi %add3A_1729, %add3A_1743 : vector<16xi32>
        tpu.vector_store_idx %arg9[%add3A_1744], %add3A_1609 : memref<12288xi32, #tpu.memory_space<vmem>>[vector<16xi32>], vector<16xi32>,
        %add3A_1745 = arith.constant 6160 : i32
        %add3A_1746 = vector.broadcast %add3A_1745 : i32 to vector<16xi32>
        %add3A_1747 = arith.addi %add3A_1729, %add3A_1746 : vector<16xi32>
        %add3A_1748 = arith.constant 1 : i32
        %add3A_1749 = vector.broadcast %add3A_1748 : i32 to vector<16xi32>
        %add3A_1750 = arith.addi %add3A_1609, %add3A_1749 : vector<16xi32>
        tpu.vector_store_idx %arg9[%add3A_1747], %add3A_1750 : memref<12288xi32, #tpu.memory_space<vmem>>[vector<16xi32>], vector<16xi32>,
        %add3A_1751 = arith.constant 16 : i32
        %add3A_1752 = vector.broadcast %add3A_1751 : i32 to vector<16xi32>
        %add3A_1753 = arith.addi %add3A_1729, %add3A_1752 : vector<16xi32>
        tpu.vector_store_idx %arg10[%add3A_1753], %mul3A_1719 : memref<6144xf32, #tpu.memory_space<vmem>>[vector<16xi32>], vector<16xf32>,
        %add3A_1754 = arith.constant 32 : i32
        %add3A_1755 = vector.broadcast %add3A_1754 : i32 to vector<16xi32>
        %add3A_1756 = arith.addi %add3A_1729, %add3A_1755 : vector<16xi32>
        tpu.vector_store_idx %arg9[%add3A_1756], %add3A_1622 : memref<12288xi32, #tpu.memory_space<vmem>>[vector<16xi32>], vector<16xi32>,
        %add3A_1757 = arith.constant 6176 : i32
        %add3A_1758 = vector.broadcast %add3A_1757 : i32 to vector<16xi32>
        %add3A_1759 = arith.addi %add3A_1729, %add3A_1758 : vector<16xi32>
        %add3A_1760 = arith.constant 1 : i32
        %add3A_1761 = vector.broadcast %add3A_1760 : i32 to vector<16xi32>
        %add3A_1762 = arith.addi %add3A_1622, %add3A_1761 : vector<16xi32>
        tpu.vector_store_idx %arg9[%add3A_1759], %add3A_1762 : memref<12288xi32, #tpu.memory_space<vmem>>[vector<16xi32>], vector<16xi32>,
        %add3A_1763 = arith.constant 32 : i32
        %add3A_1764 = vector.broadcast %add3A_1763 : i32 to vector<16xi32>
        %add3A_1765 = arith.addi %add3A_1729, %add3A_1764 : vector<16xi32>
        tpu.vector_store_idx %arg10[%add3A_1765], %mul3A_1720 : memref<6144xf32, #tpu.memory_space<vmem>>[vector<16xi32>], vector<16xf32>,
        %add3A_1766 = arith.constant 48 : i32
        %add3A_1767 = vector.broadcast %add3A_1766 : i32 to vector<16xi32>
        %add3A_1768 = arith.addi %add3A_1729, %add3A_1767 : vector<16xi32>
        tpu.vector_store_idx %arg9[%add3A_1768], %add3A_1638 : memref<12288xi32, #tpu.memory_space<vmem>>[vector<16xi32>], vector<16xi32>,
        %add3A_1769 = arith.constant 6192 : i32
        %add3A_1770 = vector.broadcast %add3A_1769 : i32 to vector<16xi32>
        %add3A_1771 = arith.addi %add3A_1729, %add3A_1770 : vector<16xi32>
        %add3A_1772 = arith.constant 1 : i32
        %add3A_1773 = vector.broadcast %add3A_1772 : i32 to vector<16xi32>
        %add3A_1774 = arith.addi %add3A_1638, %add3A_1773 : vector<16xi32>
        tpu.vector_store_idx %arg9[%add3A_1771], %add3A_1774 : memref<12288xi32, #tpu.memory_space<vmem>>[vector<16xi32>], vector<16xi32>,
        %add3A_1775 = arith.constant 48 : i32
        %add3A_1776 = vector.broadcast %add3A_1775 : i32 to vector<16xi32>
        %add3A_1777 = arith.addi %add3A_1729, %add3A_1776 : vector<16xi32>
        tpu.vector_store_idx %arg10[%add3A_1777], %mul3A_1721 : memref<6144xf32, #tpu.memory_space<vmem>>[vector<16xi32>], vector<16xf32>,
        %add3A_1778 = arith.constant 64 : i32
        %add3A_1779 = vector.broadcast %add3A_1778 : i32 to vector<16xi32>
        %add3A_1780 = arith.addi %add3A_1729, %add3A_1779 : vector<16xi32>
        tpu.vector_store_idx %arg9[%add3A_1780], %add3A_1651 : memref<12288xi32, #tpu.memory_space<vmem>>[vector<16xi32>], vector<16xi32>,
        %add3A_1781 = arith.constant 6208 : i32
        %add3A_1782 = vector.broadcast %add3A_1781 : i32 to vector<16xi32>
        %add3A_1783 = arith.addi %add3A_1729, %add3A_1782 : vector<16xi32>
        %add3A_1784 = arith.constant 1 : i32
        %add3A_1785 = vector.broadcast %add3A_1784 : i32 to vector<16xi32>
        %add3A_1786 = arith.addi %add3A_1651, %add3A_1785 : vector<16xi32>
        tpu.vector_store_idx %arg9[%add3A_1783], %add3A_1786 : memref<12288xi32, #tpu.memory_space<vmem>>[vector<16xi32>], vector<16xi32>,
        %add3A_1787 = arith.constant 64 : i32
        %add3A_1788 = vector.broadcast %add3A_1787 : i32 to vector<16xi32>
        %add3A_1789 = arith.addi %add3A_1729, %add3A_1788 : vector<16xi32>
        tpu.vector_store_idx %arg10[%add3A_1789], %mul3A_1722 : memref<6144xf32, #tpu.memory_space<vmem>>[vector<16xi32>], vector<16xf32>,
        %add3A_1790 = arith.constant 80 : i32
        %add3A_1791 = vector.broadcast %add3A_1790 : i32 to vector<16xi32>
        %add3A_1792 = arith.addi %add3A_1729, %add3A_1791 : vector<16xi32>
        tpu.vector_store_idx %arg9[%add3A_1792], %add3A_1667 : memref<12288xi32, #tpu.memory_space<vmem>>[vector<16xi32>], vector<16xi32>,
        %add3A_1793 = arith.constant 6224 : i32
        %add3A_1794 = vector.broadcast %add3A_1793 : i32 to vector<16xi32>
        %add3A_1795 = arith.addi %add3A_1729, %add3A_1794 : vector<16xi32>
        %add3A_1796 = arith.constant 1 : i32
        %add3A_1797 = vector.broadcast %add3A_1796 : i32 to vector<16xi32>
        %add3A_1798 = arith.addi %add3A_1667, %add3A_1797 : vector<16xi32>
        tpu.vector_store_idx %arg9[%add3A_1795], %add3A_1798 : memref<12288xi32, #tpu.memory_space<vmem>>[vector<16xi32>], vector<16xi32>,
        %add3A_1799 = arith.constant 80 : i32
        %add3A_1800 = vector.broadcast %add3A_1799 : i32 to vector<16xi32>
        %add3A_1801 = arith.addi %add3A_1729, %add3A_1800 : vector<16xi32>
        tpu.vector_store_idx %arg10[%add3A_1801], %mul3A_1723 : memref<6144xf32, #tpu.memory_space<vmem>>[vector<16xi32>], vector<16xf32>,
        %add3A_1802 = arith.constant 96 : i32
        %add3A_1803 = vector.broadcast %add3A_1802 : i32 to vector<16xi32>
        %add3A_1804 = arith.addi %add3A_1729, %add3A_1803 : vector<16xi32>
        tpu.vector_store_idx %arg9[%add3A_1804], %add3A_1683 : memref<12288xi32, #tpu.memory_space<vmem>>[vector<16xi32>], vector<16xi32>,
        %add3A_1805 = arith.constant 6240 : i32
        %add3A_1806 = vector.broadcast %add3A_1805 : i32 to vector<16xi32>
        %add3A_1807 = arith.addi %add3A_1729, %add3A_1806 : vector<16xi32>
        %add3A_1808 = arith.constant 1 : i32
        %add3A_1809 = vector.broadcast %add3A_1808 : i32 to vector<16xi32>
        %add3A_1810 = arith.addi %add3A_1683, %add3A_1809 : vector<16xi32>
        tpu.vector_store_idx %arg9[%add3A_1807], %add3A_1810 : memref<12288xi32, #tpu.memory_space<vmem>>[vector<16xi32>], vector<16xi32>,
        %add3A_1811 = arith.constant 96 : i32
        %add3A_1812 = vector.broadcast %add3A_1811 : i32 to vector<16xi32>
        %add3A_1813 = arith.addi %add3A_1729, %add3A_1812 : vector<16xi32>
        tpu.vector_store_idx %arg10[%add3A_1813], %mul3A_1724 : memref<6144xf32, #tpu.memory_space<vmem>>[vector<16xi32>], vector<16xf32>,
        %add3A_1814 = arith.constant 112 : i32
        %add3A_1815 = vector.broadcast %add3A_1814 : i32 to vector<16xi32>
        %add3A_1816 = arith.addi %add3A_1729, %add3A_1815 : vector<16xi32>
        tpu.vector_store_idx %arg9[%add3A_1816], %add3A_1702 : memref<12288xi32, #tpu.memory_space<vmem>>[vector<16xi32>], vector<16xi32>,
        %add3A_1817 = arith.constant 6256 : i32
        %add3A_1818 = vector.broadcast %add3A_1817 : i32 to vector<16xi32>
        %add3A_1819 = arith.addi %add3A_1729, %add3A_1818 : vector<16xi32>
        %add3A_1820 = arith.constant 1 : i32
        %add3A_1821 = vector.broadcast %add3A_1820 : i32 to vector<16xi32>
        %add3A_1822 = arith.addi %add3A_1702, %add3A_1821 : vector<16xi32>
        tpu.vector_store_idx %arg9[%add3A_1819], %add3A_1822 : memref<12288xi32, #tpu.memory_space<vmem>>[vector<16xi32>], vector<16xi32>,
        %add3A_1823 = arith.constant 112 : i32
        %add3A_1824 = vector.broadcast %add3A_1823 : i32 to vector<16xi32>
        %add3A_1825 = arith.addi %add3A_1729, %add3A_1824 : vector<16xi32>
        tpu.vector_store_idx %arg10[%add3A_1825], %mul3A_1725 : memref<6144xf32, #tpu.memory_space<vmem>>[vector<16xi32>], vector<16xf32>,
      }
      %scan3A_1496 = arith.constant 10 : i32
      %dma_start3A = arith.constant 0 : i32
      %dma_start3A_1497 = tpu.memref_slice %arg11[%dma_start3A] : memref<12288xf32, #tpu.memory_space<vmem>> -> memref<1536xf32, #tpu.memory_space<vmem>>
      %dma_start3A_1498 = arith.constant 0 : i32
      %dma_start3A_1499 = tpu.memref_slice %arg9[%dma_start3A_1498] : memref<12288xi32, #tpu.memory_space<vmem>> -> memref<1536xi32, #tpu.memory_space<vmem>>
      %dma_start3A_1500 = arith.constant 0 : i32
      %dma_start3A_1501 = tpu.memref_slice %arg3[%dma_start3A_1500] : memref<11106884xf32, #tpu.memory_space<hbm>> -> memref<11106884xf32, #tpu.memory_space<hbm>>
      tpu.enqueue_indirect_dma source(%dma_start3A_1501 : memref<11106884xf32, #tpu.memory_space<hbm>>) target(%dma_start3A_1497 : memref<1536xf32, #tpu.memory_space<vmem>>) offsets(%dma_start3A_1499 : memref<1536xi32, #tpu.memory_space<vmem>>) semaphore(%arg13 : memref<!tpu.dma_semaphore, #tpu.memory_space<semaphore_mem>>)
      %dma_start3A_1502 = arith.constant 6144 : i32
      %dma_start3A_1503 = tpu.memref_slice %arg11[%dma_start3A_1502] : memref<12288xf32, #tpu.memory_space<vmem>> -> memref<1536xf32, #tpu.memory_space<vmem>>
      %dma_start3A_1504 = arith.constant 6144 : i32
      %dma_start3A_1505 = tpu.memref_slice %arg9[%dma_start3A_1504] : memref<12288xi32, #tpu.memory_space<vmem>> -> memref<1536xi32, #tpu.memory_space<vmem>>
      %dma_start3A_1506 = arith.constant 0 : i32
      %dma_start3A_1507 = tpu.memref_slice %arg3[%dma_start3A_1506] : memref<11106884xf32, #tpu.memory_space<hbm>> -> memref<11106884xf32, #tpu.memory_space<hbm>>
      tpu.enqueue_indirect_dma source(%dma_start3A_1507 : memref<11106884xf32, #tpu.memory_space<hbm>>) target(%dma_start3A_1503 : memref<1536xf32, #tpu.memory_space<vmem>>) offsets(%dma_start3A_1505 : memref<1536xi32, #tpu.memory_space<vmem>>) semaphore(%arg13 : memref<!tpu.dma_semaphore, #tpu.memory_space<semaphore_mem>>)
      %dma_start3A_1508 = arith.constant 1536 : i32
      %dma_start3A_1509 = tpu.memref_slice %arg11[%dma_start3A_1508] : memref<12288xf32, #tpu.memory_space<vmem>> -> memref<1536xf32, #tpu.memory_space<vmem>>
      %dma_start3A_1510 = arith.constant 1536 : i32
      %dma_start3A_1511 = tpu.memref_slice %arg9[%dma_start3A_1510] : memref<12288xi32, #tpu.memory_space<vmem>> -> memref<1536xi32, #tpu.memory_space<vmem>>
      %dma_start3A_1512 = arith.constant 0 : i32
      %dma_start3A_1513 = tpu.memref_slice %arg4[%dma_start3A_1512] : memref<11106884xf32, #tpu.memory_space<hbm>> -> memref<11106884xf32, #tpu.memory_space<hbm>>
      tpu.enqueue_indirect_dma source(%dma_start3A_1513 : memref<11106884xf32, #tpu.memory_space<hbm>>) target(%dma_start3A_1509 : memref<1536xf32, #tpu.memory_space<vmem>>) offsets(%dma_start3A_1511 : memref<1536xi32, #tpu.memory_space<vmem>>) semaphore(%arg13 : memref<!tpu.dma_semaphore, #tpu.memory_space<semaphore_mem>>)
      %dma_start3A_1514 = arith.constant 7680 : i32
      %dma_start3A_1515 = tpu.memref_slice %arg11[%dma_start3A_1514] : memref<12288xf32, #tpu.memory_space<vmem>> -> memref<1536xf32, #tpu.memory_space<vmem>>
      %dma_start3A_1516 = arith.constant 7680 : i32
      %dma_start3A_1517 = tpu.memref_slice %arg9[%dma_start3A_1516] : memref<12288xi32, #tpu.memory_space<vmem>> -> memref<1536xi32, #tpu.memory_space<vmem>>
      %dma_start3A_1518 = arith.constant 0 : i32
      %dma_start3A_1519 = tpu.memref_slice %arg4[%dma_start3A_1518] : memref<11106884xf32, #tpu.memory_space<hbm>> -> memref<11106884xf32, #tpu.memory_space<hbm>>
      tpu.enqueue_indirect_dma source(%dma_start3A_1519 : memref<11106884xf32, #tpu.memory_space<hbm>>) target(%dma_start3A_1515 : memref<1536xf32, #tpu.memory_space<vmem>>) offsets(%dma_start3A_1517 : memref<1536xi32, #tpu.memory_space<vmem>>) semaphore(%arg13 : memref<!tpu.dma_semaphore, #tpu.memory_space<semaphore_mem>>)
      %dma_start3A_1520 = arith.constant 3072 : i32
      %dma_start3A_1521 = tpu.memref_slice %arg11[%dma_start3A_1520] : memref<12288xf32, #tpu.memory_space<vmem>> -> memref<1536xf32, #tpu.memory_space<vmem>>
      %dma_start3A_1522 = arith.constant 3072 : i32
      %dma_start3A_1523 = tpu.memref_slice %arg9[%dma_start3A_1522] : memref<12288xi32, #tpu.memory_space<vmem>> -> memref<1536xi32, #tpu.memory_space<vmem>>
      %dma_start3A_1524 = arith.constant 0 : i32
      %dma_start3A_1525 = tpu.memref_slice %arg5[%dma_start3A_1524] : memref<11106884xf32, #tpu.memory_space<hbm>> -> memref<11106884xf32, #tpu.memory_space<hbm>>
      tpu.enqueue_indirect_dma source(%dma_start3A_1525 : memref<11106884xf32, #tpu.memory_space<hbm>>) target(%dma_start3A_1521 : memref<1536xf32, #tpu.memory_space<vmem>>) offsets(%dma_start3A_1523 : memref<1536xi32, #tpu.memory_space<vmem>>) semaphore(%arg13 : memref<!tpu.dma_semaphore, #tpu.memory_space<semaphore_mem>>)
      %dma_start3A_1526 = arith.constant 9216 : i32
      %dma_start3A_1527 = tpu.memref_slice %arg11[%dma_start3A_1526] : memref<12288xf32, #tpu.memory_space<vmem>> -> memref<1536xf32, #tpu.memory_space<vmem>>
      %dma_start3A_1528 = arith.constant 9216 : i32
      %dma_start3A_1529 = tpu.memref_slice %arg9[%dma_start3A_1528] : memref<12288xi32, #tpu.memory_space<vmem>> -> memref<1536xi32, #tpu.memory_space<vmem>>
      %dma_start3A_1530 = arith.constant 0 : i32
      %dma_start3A_1531 = tpu.memref_slice %arg5[%dma_start3A_1530] : memref<11106884xf32, #tpu.memory_space<hbm>> -> memref<11106884xf32, #tpu.memory_space<hbm>>
      tpu.enqueue_indirect_dma source(%dma_start3A_1531 : memref<11106884xf32, #tpu.memory_space<hbm>>) target(%dma_start3A_1527 : memref<1536xf32, #tpu.memory_space<vmem>>) offsets(%dma_start3A_1529 : memref<1536xi32, #tpu.memory_space<vmem>>) semaphore(%arg13 : memref<!tpu.dma_semaphore, #tpu.memory_space<semaphore_mem>>)
      %dma_start3A_1532 = arith.constant 4608 : i32
      %dma_start3A_1533 = tpu.memref_slice %arg11[%dma_start3A_1532] : memref<12288xf32, #tpu.memory_space<vmem>> -> memref<1536xf32, #tpu.memory_space<vmem>>
      %dma_start3A_1534 = arith.constant 4608 : i32
      %dma_start3A_1535 = tpu.memref_slice %arg9[%dma_start3A_1534] : memref<12288xi32, #tpu.memory_space<vmem>> -> memref<1536xi32, #tpu.memory_space<vmem>>
      %dma_start3A_1536 = arith.constant 0 : i32
      %dma_start3A_1537 = tpu.memref_slice %arg6[%dma_start3A_1536] : memref<11106884xf32, #tpu.memory_space<hbm>> -> memref<11106884xf32, #tpu.memory_space<hbm>>
      tpu.enqueue_indirect_dma source(%dma_start3A_1537 : memref<11106884xf32, #tpu.memory_space<hbm>>) target(%dma_start3A_1533 : memref<1536xf32, #tpu.memory_space<vmem>>) offsets(%dma_start3A_1535 : memref<1536xi32, #tpu.memory_space<vmem>>) semaphore(%arg13 : memref<!tpu.dma_semaphore, #tpu.memory_space<semaphore_mem>>)
      %dma_start3A_1538 = arith.constant 10752 : i32
      %dma_start3A_1539 = tpu.memref_slice %arg11[%dma_start3A_1538] : memref<12288xf32, #tpu.memory_space<vmem>> -> memref<1536xf32, #tpu.memory_space<vmem>>
      %dma_start3A_1540 = arith.constant 10752 : i32
      %dma_start3A_1541 = tpu.memref_slice %arg9[%dma_start3A_1540] : memref<12288xi32, #tpu.memory_space<vmem>> -> memref<1536xi32, #tpu.memory_space<vmem>>
      %dma_start3A_1542 = arith.constant 0 : i32
      %dma_start3A_1543 = tpu.memref_slice %arg6[%dma_start3A_1542] : memref<11106884xf32, #tpu.memory_space<hbm>> -> memref<11106884xf32, #tpu.memory_space<hbm>>
      tpu.enqueue_indirect_dma source(%dma_start3A_1543 : memref<11106884xf32, #tpu.memory_space<hbm>>) target(%dma_start3A_1539 : memref<1536xf32, #tpu.memory_space<vmem>>) offsets(%dma_start3A_1541 : memref<1536xi32, #tpu.memory_space<vmem>>) semaphore(%arg13 : memref<!tpu.dma_semaphore, #tpu.memory_space<semaphore_mem>>)
      %scan3A_1544 = arith.constant 0 : i32
      %scan3A_1545 = arith.constant 0 : i32
      %scan3A_1546 = arith.constant 8 : i32
      %scan3A_1547 = arith.addi %scan3A_1545, %scan3A_1546 : i32
      %scan3A_1548 = arith.constant 1 : i32
      scf.for %scan3A_1559 = %scan3A_1545 to %scan3A_1547 step %scan3A_1548  : i32 {
        %dma_wait3A = arith.constant 0 : i32
        %dma_wait3A_1560 = tpu.memref_slice %arg11[%dma_wait3A] : memref<12288xf32, #tpu.memory_space<vmem>> -> memref<1536xf32, #tpu.memory_space<vmem>>
        %dma_wait3A_1561 = arith.constant 0 : i32
        %dma_wait3A_1562 = tpu.memref_slice %arg9[%dma_wait3A_1561] : memref<12288xi32, #tpu.memory_space<vmem>> -> memref<1536xi32, #tpu.memory_space<vmem>>
        %dma_wait3A_1563 = arith.constant 0 : i32
        %dma_wait3A_1564 = tpu.memref_slice %arg3[%dma_wait3A_1563] : memref<11106884xf32, #tpu.memory_space<hbm>> -> memref<11106884xf32, #tpu.memory_space<hbm>>
        tpu.wait_indirect_dma semaphore(%arg13 : memref<!tpu.dma_semaphore, #tpu.memory_space<semaphore_mem>>) src(%dma_wait3A_1564 : memref<11106884xf32, #tpu.memory_space<hbm>>) dst(%dma_wait3A_1560 : memref<1536xf32, #tpu.memory_space<vmem>>)
      }
      %scan3A_1549 = arith.constant 8 : i32
      %scan3A_1550 = arith.constant 0 : i32
      %scan3A_1551 = arith.constant 0 : i32
      %scan3A_1552 = arith.constant 48 : i32
      %scan3A_1553 = arith.addi %scan3A_1551, %scan3A_1552 : i32
      %scan3A_1554 = arith.constant 1 : i32
      scf.for %scan3A_1559 = %scan3A_1551 to %scan3A_1553 step %scan3A_1554  : i32 {
        %mul3A_1560 = arith.constant 128 : i32
        %mul3A_1561 = arith.muli %scan3A_1559, %mul3A_1560 : i32
        %broadcast_in_dim3A_1562 = vector.broadcast %mul3A_1561 : i32 to vector<16xi32>
        %add3A_1563 = arith.addi %broadcast_in_dim3A_1562, %iota3A : vector<16xi32>
        %broadcast_in_dim3A_1564 = arith.constant 0.000000e+00 : f32
        %broadcast_in_dim3A_1565 = vector.broadcast %broadcast_in_dim3A_1564 : f32 to vector<16xf32>
        %broadcast_in_dim3A_1566 = arith.constant 0.000000e+00 : f32
        %broadcast_in_dim3A_1567 = vector.broadcast %broadcast_in_dim3A_1566 : f32 to vector<16xf32>
        %add3A_1568 = arith.constant 0 : i32
        %add3A_1569 = vector.broadcast %add3A_1568 : i32 to vector<16xi32>
        %add3A_1570 = arith.addi %add3A_1563, %add3A_1569 : vector<16xi32>
        %gather3A_1571 = tpu.vector_load_idx %arg10[%add3A_1570] : memref<6144xf32, #tpu.memory_space<vmem>>[vector<16xi32>], vector<16xf32>,
        %add3A_1572 = arith.constant 0 : i32
        %add3A_1573 = vector.broadcast %add3A_1572 : i32 to vector<16xi32>
        %add3A_1574 = arith.addi %add3A_1563, %add3A_1573 : vector<16xi32>
        %gather3A_1575 = tpu.vector_load_idx %arg11[%add3A_1574] : memref<12288xf32, #tpu.memory_space<vmem>>[vector<16xi32>], vector<16xf32>,
        %add3A_1576 = arith.constant 6144 : i32
        %add3A_1577 = vector.broadcast %add3A_1576 : i32 to vector<16xi32>
        %add3A_1578 = arith.addi %add3A_1563, %add3A_1577 : vector<16xi32>
        %gather3A_1579 = tpu.vector_load_idx %arg11[%add3A_1578] : memref<12288xf32, #tpu.memory_space<vmem>>[vector<16xi32>], vector<16xf32>,
        %mul3A_1580 = arith.mulf %gather3A_1571, %gather3A_1575 : vector<16xf32>
        %add3A_1581 = arith.addf %broadcast_in_dim3A_1565, %mul3A_1580 : vector<16xf32>
        %mul3A_1582 = arith.mulf %gather3A_1571, %gather3A_1579 : vector<16xf32>
        %add3A_1583 = arith.addf %broadcast_in_dim3A_1567, %mul3A_1582 : vector<16xf32>
        %add3A_1584 = arith.constant 16 : i32
        %add3A_1585 = vector.broadcast %add3A_1584 : i32 to vector<16xi32>
        %add3A_1586 = arith.addi %add3A_1563, %add3A_1585 : vector<16xi32>
        %gather3A_1587 = tpu.vector_load_idx %arg10[%add3A_1586] : memref<6144xf32, #tpu.memory_space<vmem>>[vector<16xi32>], vector<16xf32>,
        %add3A_1588 = arith.constant 16 : i32
        %add3A_1589 = vector.broadcast %add3A_1588 : i32 to vector<16xi32>
        %add3A_1590 = arith.addi %add3A_1563, %add3A_1589 : vector<16xi32>
        %gather3A_1591 = tpu.vector_load_idx %arg11[%add3A_1590] : memref<12288xf32, #tpu.memory_space<vmem>>[vector<16xi32>], vector<16xf32>,
        %add3A_1592 = arith.constant 6160 : i32
        %add3A_1593 = vector.broadcast %add3A_1592 : i32 to vector<16xi32>
        %add3A_1594 = arith.addi %add3A_1563, %add3A_1593 : vector<16xi32>
        %gather3A_1595 = tpu.vector_load_idx %arg11[%add3A_1594] : memref<12288xf32, #tpu.memory_space<vmem>>[vector<16xi32>], vector<16xf32>,
        %mul3A_1596 = arith.mulf %gather3A_1587, %gather3A_1591 : vector<16xf32>
        %add3A_1597 = arith.addf %add3A_1581, %mul3A_1596 : vector<16xf32>
        %mul3A_1598 = arith.mulf %gather3A_1587, %gather3A_1595 : vector<16xf32>
        %add3A_1599 = arith.addf %add3A_1583, %mul3A_1598 : vector<16xf32>
        %add3A_1600 = arith.constant 32 : i32
        %add3A_1601 = vector.broadcast %add3A_1600 : i32 to vector<16xi32>
        %add3A_1602 = arith.addi %add3A_1563, %add3A_1601 : vector<16xi32>
        %gather3A_1603 = tpu.vector_load_idx %arg10[%add3A_1602] : memref<6144xf32, #tpu.memory_space<vmem>>[vector<16xi32>], vector<16xf32>,
        %add3A_1604 = arith.constant 32 : i32
        %add3A_1605 = vector.broadcast %add3A_1604 : i32 to vector<16xi32>
        %add3A_1606 = arith.addi %add3A_1563, %add3A_1605 : vector<16xi32>
        %gather3A_1607 = tpu.vector_load_idx %arg11[%add3A_1606] : memref<12288xf32, #tpu.memory_space<vmem>>[vector<16xi32>], vector<16xf32>,
        %add3A_1608 = arith.constant 6176 : i32
        %add3A_1609 = vector.broadcast %add3A_1608 : i32 to vector<16xi32>
        %add3A_1610 = arith.addi %add3A_1563, %add3A_1609 : vector<16xi32>
        %gather3A_1611 = tpu.vector_load_idx %arg11[%add3A_1610] : memref<12288xf32, #tpu.memory_space<vmem>>[vector<16xi32>], vector<16xf32>,
        %mul3A_1612 = arith.mulf %gather3A_1603, %gather3A_1607 : vector<16xf32>
        %add3A_1613 = arith.addf %add3A_1597, %mul3A_1612 : vector<16xf32>
        %mul3A_1614 = arith.mulf %gather3A_1603, %gather3A_1611 : vector<16xf32>
        %add3A_1615 = arith.addf %add3A_1599, %mul3A_1614 : vector<16xf32>
        %add3A_1616 = arith.constant 48 : i32
        %add3A_1617 = vector.broadcast %add3A_1616 : i32 to vector<16xi32>
        %add3A_1618 = arith.addi %add3A_1563, %add3A_1617 : vector<16xi32>
        %gather3A_1619 = tpu.vector_load_idx %arg10[%add3A_1618] : memref<6144xf32, #tpu.memory_space<vmem>>[vector<16xi32>], vector<16xf32>,
        %add3A_1620 = arith.constant 48 : i32
        %add3A_1621 = vector.broadcast %add3A_1620 : i32 to vector<16xi32>
        %add3A_1622 = arith.addi %add3A_1563, %add3A_1621 : vector<16xi32>
        %gather3A_1623 = tpu.vector_load_idx %arg11[%add3A_1622] : memref<12288xf32, #tpu.memory_space<vmem>>[vector<16xi32>], vector<16xf32>,
        %add3A_1624 = arith.constant 6192 : i32
        %add3A_1625 = vector.broadcast %add3A_1624 : i32 to vector<16xi32>
        %add3A_1626 = arith.addi %add3A_1563, %add3A_1625 : vector<16xi32>
        %gather3A_1627 = tpu.vector_load_idx %arg11[%add3A_1626] : memref<12288xf32, #tpu.memory_space<vmem>>[vector<16xi32>], vector<16xf32>,
        %mul3A_1628 = arith.mulf %gather3A_1619, %gather3A_1623 : vector<16xf32>
        %add3A_1629 = arith.addf %add3A_1613, %mul3A_1628 : vector<16xf32>
        %mul3A_1630 = arith.mulf %gather3A_1619, %gather3A_1627 : vector<16xf32>
        %add3A_1631 = arith.addf %add3A_1615, %mul3A_1630 : vector<16xf32>
        %add3A_1632 = arith.constant 64 : i32
        %add3A_1633 = vector.broadcast %add3A_1632 : i32 to vector<16xi32>
        %add3A_1634 = arith.addi %add3A_1563, %add3A_1633 : vector<16xi32>
        %gather3A_1635 = tpu.vector_load_idx %arg10[%add3A_1634] : memref<6144xf32, #tpu.memory_space<vmem>>[vector<16xi32>], vector<16xf32>,
        %add3A_1636 = arith.constant 64 : i32
        %add3A_1637 = vector.broadcast %add3A_1636 : i32 to vector<16xi32>
        %add3A_1638 = arith.addi %add3A_1563, %add3A_1637 : vector<16xi32>
        %gather3A_1639 = tpu.vector_load_idx %arg11[%add3A_1638] : memref<12288xf32, #tpu.memory_space<vmem>>[vector<16xi32>], vector<16xf32>,
        %add3A_1640 = arith.constant 6208 : i32
        %add3A_1641 = vector.broadcast %add3A_1640 : i32 to vector<16xi32>
        %add3A_1642 = arith.addi %add3A_1563, %add3A_1641 : vector<16xi32>
        %gather3A_1643 = tpu.vector_load_idx %arg11[%add3A_1642] : memref<12288xf32, #tpu.memory_space<vmem>>[vector<16xi32>], vector<16xf32>,
        %mul3A_1644 = arith.mulf %gather3A_1635, %gather3A_1639 : vector<16xf32>
        %add3A_1645 = arith.addf %add3A_1629, %mul3A_1644 : vector<16xf32>
        %mul3A_1646 = arith.mulf %gather3A_1635, %gather3A_1643 : vector<16xf32>
        %add3A_1647 = arith.addf %add3A_1631, %mul3A_1646 : vector<16xf32>
        %add3A_1648 = arith.constant 80 : i32
        %add3A_1649 = vector.broadcast %add3A_1648 : i32 to vector<16xi32>
        %add3A_1650 = arith.addi %add3A_1563, %add3A_1649 : vector<16xi32>
        %gather3A_1651 = tpu.vector_load_idx %arg10[%add3A_1650] : memref<6144xf32, #tpu.memory_space<vmem>>[vector<16xi32>], vector<16xf32>,
        %add3A_1652 = arith.constant 80 : i32
        %add3A_1653 = vector.broadcast %add3A_1652 : i32 to vector<16xi32>
        %add3A_1654 = arith.addi %add3A_1563, %add3A_1653 : vector<16xi32>
        %gather3A_1655 = tpu.vector_load_idx %arg11[%add3A_1654] : memref<12288xf32, #tpu.memory_space<vmem>>[vector<16xi32>], vector<16xf32>,
        %add3A_1656 = arith.constant 6224 : i32
        %add3A_1657 = vector.broadcast %add3A_1656 : i32 to vector<16xi32>
        %add3A_1658 = arith.addi %add3A_1563, %add3A_1657 : vector<16xi32>
        %gather3A_1659 = tpu.vector_load_idx %arg11[%add3A_1658] : memref<12288xf32, #tpu.memory_space<vmem>>[vector<16xi32>], vector<16xf32>,
        %mul3A_1660 = arith.mulf %gather3A_1651, %gather3A_1655 : vector<16xf32>
        %add3A_1661 = arith.addf %add3A_1645, %mul3A_1660 : vector<16xf32>
        %mul3A_1662 = arith.mulf %gather3A_1651, %gather3A_1659 : vector<16xf32>
        %add3A_1663 = arith.addf %add3A_1647, %mul3A_1662 : vector<16xf32>
        %add3A_1664 = arith.constant 96 : i32
        %add3A_1665 = vector.broadcast %add3A_1664 : i32 to vector<16xi32>
        %add3A_1666 = arith.addi %add3A_1563, %add3A_1665 : vector<16xi32>
        %gather3A_1667 = tpu.vector_load_idx %arg10[%add3A_1666] : memref<6144xf32, #tpu.memory_space<vmem>>[vector<16xi32>], vector<16xf32>,
        %add3A_1668 = arith.constant 96 : i32
        %add3A_1669 = vector.broadcast %add3A_1668 : i32 to vector<16xi32>
        %add3A_1670 = arith.addi %add3A_1563, %add3A_1669 : vector<16xi32>
        %gather3A_1671 = tpu.vector_load_idx %arg11[%add3A_1670] : memref<12288xf32, #tpu.memory_space<vmem>>[vector<16xi32>], vector<16xf32>,
        %add3A_1672 = arith.constant 6240 : i32
        %add3A_1673 = vector.broadcast %add3A_1672 : i32 to vector<16xi32>
        %add3A_1674 = arith.addi %add3A_1563, %add3A_1673 : vector<16xi32>
        %gather3A_1675 = tpu.vector_load_idx %arg11[%add3A_1674] : memref<12288xf32, #tpu.memory_space<vmem>>[vector<16xi32>], vector<16xf32>,
        %mul3A_1676 = arith.mulf %gather3A_1667, %gather3A_1671 : vector<16xf32>
        %add3A_1677 = arith.addf %add3A_1661, %mul3A_1676 : vector<16xf32>
        %mul3A_1678 = arith.mulf %gather3A_1667, %gather3A_1675 : vector<16xf32>
        %add3A_1679 = arith.addf %add3A_1663, %mul3A_1678 : vector<16xf32>
        %add3A_1680 = arith.constant 112 : i32
        %add3A_1681 = vector.broadcast %add3A_1680 : i32 to vector<16xi32>
        %add3A_1682 = arith.addi %add3A_1563, %add3A_1681 : vector<16xi32>
        %gather3A_1683 = tpu.vector_load_idx %arg10[%add3A_1682] : memref<6144xf32, #tpu.memory_space<vmem>>[vector<16xi32>], vector<16xf32>,
        %add3A_1684 = arith.constant 112 : i32
        %add3A_1685 = vector.broadcast %add3A_1684 : i32 to vector<16xi32>
        %add3A_1686 = arith.addi %add3A_1563, %add3A_1685 : vector<16xi32>
        %gather3A_1687 = tpu.vector_load_idx %arg11[%add3A_1686] : memref<12288xf32, #tpu.memory_space<vmem>>[vector<16xi32>], vector<16xf32>,
        %add3A_1688 = arith.constant 6256 : i32
        %add3A_1689 = vector.broadcast %add3A_1688 : i32 to vector<16xi32>
        %add3A_1690 = arith.addi %add3A_1563, %add3A_1689 : vector<16xi32>
        %gather3A_1691 = tpu.vector_load_idx %arg11[%add3A_1690] : memref<12288xf32, #tpu.memory_space<vmem>>[vector<16xi32>], vector<16xf32>,
        %mul3A_1692 = arith.mulf %gather3A_1683, %gather3A_1687 : vector<16xf32>
        %add3A_1693 = arith.addf %add3A_1677, %mul3A_1692 : vector<16xf32>
        %mul3A_1694 = arith.mulf %gather3A_1683, %gather3A_1691 : vector<16xf32>
        %add3A_1695 = arith.addf %add3A_1679, %mul3A_1694 : vector<16xf32>
        %mul3A_1696 = arith.constant 2 : i32
        %mul3A_1697 = arith.muli %scan3A_1559, %mul3A_1696 : i32
        %broadcast_in_dim3A_1698 = vector.broadcast %mul3A_1697 : i32 to vector<16xi32>
        %add3A_1699 = arith.addi %mul3A_10, %broadcast_in_dim3A_1698 : vector<16xi32>
        tpu.vector_store_idx %arg12[%add3A_1699], %add3A_1693 : memref<1536xf32, #tpu.memory_space<vmem>>[vector<16xi32>], vector<16xf32>,
        %add3A_1700 = arith.constant 1 : i32
        %add3A_1701 = vector.broadcast %add3A_1700 : i32 to vector<16xi32>
        %add3A_1702 = arith.addi %add3A_1699, %add3A_1701 : vector<16xi32>
        tpu.vector_store_idx %arg12[%add3A_1702], %add3A_1695 : memref<1536xf32, #tpu.memory_space<vmem>>[vector<16xi32>], vector<16xf32>,
      }
      %scan3A_1555 = arith.constant 48 : i32
      %add3A_1556 = arith.addi %mul3A_2, %mul3A_18 : i32
      %mul3A_1557 = arith.constant 96 : i32
      %mul3A_1558 = arith.muli %add3A_1556, %mul3A_1557 : i32
      "tpu.region"() ({
        %run_scoped3A = tpu.sem_alloc : memref<!tpu.dma_semaphore, #tpu.memory_space<semaphore_mem>>
        %dma_start3A_1559 = tpu.memref_slice %arg7[%mul3A_1558] : memref<12582912xf32, #tpu.memory_space<hbm>> -> memref<1536xf32, #tpu.memory_space<hbm>>
        %dma_start3A_1560 = tpu.memref_slice %arg7[%mul3A_1558] : memref<12582912xf32, #tpu.memory_space<hbm>> -> memref<1536xf32, #tpu.memory_space<hbm>>
        tpu.enqueue_dma source(%arg12 : memref<1536xf32, #tpu.memory_space<vmem>>) target(%dma_start3A_1560 : memref<1536xf32, #tpu.memory_space<hbm>>) target_semaphore(%run_scoped3A : memref<!tpu.dma_semaphore, #tpu.memory_space<semaphore_mem>>)
        %dma_wait3A = tpu.memref_slice %arg7[%mul3A_1558] : memref<12582912xf32, #tpu.memory_space<hbm>> -> memref<1536xf32, #tpu.memory_space<hbm>>
        %dma_wait3A_1561 = tpu.memref_slice %arg7[%mul3A_1558] : memref<12582912xf32, #tpu.memory_space<hbm>> -> memref<1536xf32, #tpu.memory_space<hbm>>
        tpu.wait_dma2 semaphore(%run_scoped3A : memref<!tpu.dma_semaphore, #tpu.memory_space<semaphore_mem>>) src(%arg12 : memref<1536xf32, #tpu.memory_space<vmem>>) dst(%dma_wait3A_1561 : memref<1536xf32, #tpu.memory_space<hbm>>)
        tpu.yield
      }) : () -> ()
    }
    %scan3A_15 = arith.constant 256 : i32
    return
  }
}

</mosaic_0001>

<sc_bundles>
// kernel: _encode.3.cloned.1.call-start
scs
__scs_entry_jumppad:
0x0: {  	(pc) =	sbr.rel $0x88, $3  }
0x1: {  	(tag) =	ssettag $0x0;
	lr =	simm.s32 $0x1  }
0x2: {  	[smem:$0x3F9C] =	sst lr;
	_ =	strace $0xD0000000  }
0x3: {  	_ = 	snop  }
0x4: {  	_ = 	snop  }
0x5: {  	_ = 	snop  }
0x6: {  	_ = 	snop  }
0x7: {  	_ = 	snop  }
__scs_overlays_trampoline_lowered:
0x8: {  	[smem:$0x3FAB] =	sst s0  }
0x9: {  	[smem:$0x3FAC] =	sst s1  }
0xa: {  	[smem:$0x3FAD] =	sst s2  }
0xb: {  	[smem:$0x3FAE] =	sst s3  }
0xc: {  	[smem:$0x3FAF] =	sst s4  }
0xd: {  	[smem:$0x3FB0] =	sst s5  }
0xe: {  	[smem:$0x3FB1] =	sst s6  }
0xf: {  	[smem:$0x3FB2] =	sst s7  }
0x10: {  	[smem:$0x3FB3] =	sst s8  }
0x11: {  	[smem:$0x3FB4] =	sst s9;
	s0 =	simm.s32 @!p0 $0x0  }
0x12: {  	s1 =	sld [smem:$0x3F9A];
	s0 =	simm.s32 @p0 $0x1  }
0x13: {  	[smem:$0x3FB5] =	sst s0;
	s0 =	simm.s32 @!p1 $0x0  }
0x14: {  	s2 =	sld [smem:$0x3F99];
	s0 =	simm.s32 @p1 $0x1  }
0x15: {  	[smem:$0x3FB6] =	sst s0;
	s0 =	simm.s32 @!p2 $0x0  }
0x16: {  	s3 =	sld [smem:$0x3FDB];
	s0 =	simm.s32 @p2 $0x1  }
0x17: {  	s4 =	simm.s32 $0x1BF5;
	[smem:$0x3FB8] =	sst s0  }
0x18: {  	s0 =	sld [smem:$0x3F9B];
	_ =	swait.ge [sflag:s4], $0x0  }
0x19: {  	s7 =	sld [smem:$0x3F9C]  }
0x1a: {  	s8 =	sadd.s32 $0xFFFFE003, lr  }
0x1b: {  	s9 =	sadd.s32 $0xFFFFFEF7, lr;
	s5 =	simm.s32 $0xFFFFFFFF;
	p2 =	slt.u32 s8, $0xFFFFF086  }
0x1c: {  	p1 =	slt.u32 s9, $0xF7A;
	s5 =	simm.s32 @!p2 $0x0  }
0x1d: {  	s5 =	simm.s32 @p1 $0x1;
	p0 =	seq.s32 s7, s2  }
0x1e: {  	s7 =	smul.u32 @!p0 $0xF7A, s2;
	p2 =	seq.s32 @!p0 s5, $0x0  }
0x1f: {  	s9 =	smul.u32 $0xF7A, s1;
	s8 =	simm.s32 @!p0 $0x1BF5;
	p2 =	por !p2, p0  }
0x20: {  	[sflag:s8] =	ssyncset.s32 @!p0 $0xFFFFF086;
	s6 =	sadd.s32 @!p0 s3, s7;
	s7 =	simm.s32 @!p0 $0x108  }
0x21: {  	s3 =	sadd.s32 s3, s9;
	s6 =	sadd.s32 @!p0 $0x88, s6;
	s7 =	simm.s32 @p2 $0x1082  }
0x22: {  	[simem:s7], [sflag:s8] =	dma.local @!p0 [hbm:s6], $0xF7A  }
0x23: {  	s9 =	sor.u32 $0xD0000000, s2;
	s6 =	simm.s32 $0x108;
	_ =	swait.ge @!p0 [sflag:s8], $0x0  }
0x24: {  	s3 =	sadd.s32 $0x88, s3;
	s6 =	simm.s32 @!p1 $0x1082;
	[sflag:s4] =	ssyncset.s32 $0xFFFFF086  }
0x25: {  	[simem:s6], [sflag:s4] =	dma.local [hbm:s3], $0xF7A  }
0x26: {  	[smem:$0x3F9C] =	sst s1;
	(tag) =	ssettag s2;
	_ =	strace s9  }
0x27: {  	s1 =	sld [smem:$0x3FAC]  }
0x28: {  	s2 =	sld [smem:$0x3FAD]  }
0x29: {  	s4 =	sld [smem:$0x3FAF]  }
0x2a: {  	p0 =	seq.s32 s5, $0x0;
	s5 =	sld [smem:$0x3FB0]  }
0x2b: {  	s6 =	sld [smem:$0x3FB1]  }
0x2c: {  	s7 =	sld [smem:$0x3FB2]  }
0x2d: {  	s3 =	simm.s32 $0x108;
	s8 =	sld [smem:$0x3FB3]  }
0x2e: {  	s3 =	simm.s32 @!p0 $0x1082;
	s9 =	sld [smem:$0x3FB4]  }
0x2f: {  	lr =	sadd.s32 s0, s3;
	s0 =	sld [smem:$0x3FAB]  }
0x30: {  	s3 =	sld [smem:$0x3FAE]  }
0x31: {  	[smem:$0x3FB7] =	sst s10  }
0x32: {  	s10 =	sld [smem:$0x3FB5];
	_ =	sdelay $0x3  }
0x33: {  	p0 =	seq.s32 s10, $0x1;
	s10 =	sld [smem:$0x3FB7];
	_ =	sdelay $0x3  }
0x34: {  	[smem:$0x3FB7] =	sst s10  }
0x35: {  	s10 =	sld [smem:$0x3FB6];
	_ =	sdelay $0x3  }
0x36: {  	p1 =	seq.s32 s10, $0x1;
	s10 =	sld [smem:$0x3FB7];
	_ =	sdelay $0x3  }
0x37: {  	[smem:$0x3FB7] =	sst s10  }
0x38: {  	s10 =	sld [smem:$0x3FB8]  }
0x39: {  	_ = 	snop;
	(pc) =	sbr.ind lr, $3  }
0x3a: {  	_ = 	snop  }
0x3b: {  	_ = 	snop  }
0x3c: {  	p2 =	seq.s32 s10, $0x1;
	s10 =	sld [smem:$0x3FB7]  }
0x3d: {  	_ =	shalt  }
0x3e: {  	_ =	shalt  }
0x3f: {  	_ =	shalt  }
0x40: {  	_ =	shalt  }
0x41: {  	_ =	shalt  }
0x42: {  	_ =	shalt  }
0x43: {  	_ =	shalt  }
0x44: {  	_ =	shalt  }
0x45: {  	_ =	shalt  }
0x46: {  	_ =	shalt  }
0x47: {  	_ =	shalt  }
0x48: {  	_ =	shalt  }
0x49: {  	_ =	shalt  }
0x4a: {  	_ =	shalt  }
0x4b: {  	_ =	shalt  }
0x4c: {  	_ =	shalt  }
0x4d: {  	_ =	shalt  }
0x4e: {  	_ =	shalt  }
0x4f: {  	_ =	shalt  }
0x50: {  	_ =	shalt  }
0x51: {  	_ =	shalt  }
0x52: {  	_ =	shalt  }
0x53: {  	_ =	shalt  }
0x54: {  	_ =	shalt  }
0x55: {  	_ =	shalt  }
0x56: {  	_ =	shalt  }
0x57: {  	_ =	shalt  }
0x58: {  	_ =	shalt  }
0x59: {  	_ =	shalt  }
0x5a: {  	_ =	shalt  }
0x5b: {  	_ =	shalt  }
0x5c: {  	_ =	shalt  }
0x5d: {  	_ =	shalt  }
0x5e: {  	_ =	shalt  }
0x5f: {  	_ =	shalt  }
0x60: {  	_ =	shalt  }
0x61: {  	_ =	shalt  }
0x62: {  	_ =	shalt  }
0x63: {  	_ =	shalt  }
0x64: {  	_ =	shalt  }
0x65: {  	_ =	shalt  }
0x66: {  	_ =	shalt  }
0x67: {  	_ =	shalt  }
0x68: {  	_ =	shalt  }
0x69: {  	_ =	shalt  }
0x6a: {  	_ =	shalt  }
0x6b: {  	_ =	shalt  }
0x6c: {  	_ =	shalt  }
0x6d: {  	_ =	shalt  }
0x6e: {  	_ =	shalt  }
0x6f: {  	_ =	shalt  }
0x70: {  	_ =	shalt  }
0x71: {  	_ =	shalt  }
0x72: {  	_ =	shalt  }
0x73: {  	_ =	shalt  }
0x74: {  	_ =	shalt  }
0x75: {  	_ =	shalt  }
0x76: {  	_ =	shalt  }
0x77: {  	_ =	shalt  }
0x78: {  	_ =	shalt  }
0x79: {  	_ =	shalt  }
0x7a: {  	_ =	shalt  }
0x7b: {  	_ =	shalt  }
0x7c: {  	_ =	shalt  }
0x7d: {  	_ =	shalt  }
0x7e: {  	_ =	shalt  }
0x7f: {  	_ =	shalt  }
0x80: {  	_ =	shalt  }
0x81: {  	_ =	shalt  }
0x82: {  	_ =	shalt  }
0x83: {  	_ =	shalt  }
0x84: {  	_ =	shalt  }
0x85: {  	_ =	shalt  }
0x86: {  	_ =	shalt  }
0x87: {  	_ =	shalt  }
.Lfunc_end0:
.L_simem_size_0:
called_computation.1_lowered:
.L_overlay_start_0:
0x88: {  	s2 =	sld [smem:$0x3FD9]  }
0x89: {  	s3 =	sld [smem:$0x3FFE];
	_ =	sdelay $0x1  }
0x8a: {  	s1 =	srdreg.scid  }
0x8b: {  	s0 =	sand.u32 $0x1, s1  }
0x8c: {  	s17 =	sshll.u32 s0, $0xA;
	s2 =	sadd.s32 s3, s2  }
0x8d: {  	s2 =	sadd.s32 s2, s17  }
0x8e: {  	[smem:$0x3FC3] =	sst s2  }
0x8f: {  	_ = 	snop  }
0x90: {  	s2 =	sld [smem:$0x3FD0];
	(tm) =	ssettm $0x1  }
0x91: {  	s18 =	sld [smem:$0x3FFB];
	_ =	sdelay $0x3  }
0x92: {  	_ =	strace s18  }
0x93: {  	s3 =	sld [smem:$0x3FFC];
	_ =	sdelay $0x3  }
0x94: {  	_ =	strace s3  }
0x95: {  	s3 =	sld [smem:$0x3FFD];
	_ =	sdelay $0x3  }
0x96: {  	_ =	strace s3  }
0x97: {  	_ =	strace $0x8FFFFFFF  }
0x98: {  	s19 =	sld [smem:$0x3FDB];
	_ =	sdelay $0x1  }
0x99: {  	s4 =	simm.s32 $_scs_section_size  }
0x9a: {  	s5 =	simm.s32 $_size__tile_overlayer_lowered;
	s6 =	simm.s32 $_tile_overlayer_lowered  }
0x9b: {  	s22 =	simm.s32 $0x1BFF;
	s21 =	sshll.u32 s6, $0x1;
	s3 =	sadd.s32 s4, s19  }
0x9c: {  	s7 =	simm.s32 $0x0;
	s20 =	sshll.u32 s5, $0x1;
	s5 =	sadd.s32 s21, s3  }
0x9d: {  	[timem:s7], [sflag:s22] =	dma.local [hbm:s5], s20  }
0x9e: {  	_ =	swait.ge [sflag:s22], s20  }
0x9f: {  	s4 =	ssub.s32 $0x0, s20;
	[sflag:s22] =	ssyncset.done $0x0  }
0xa0: {  	[sflag:s22] =	ssyncadd.s32 s4;
	_ =	sdelay $0x1  }
0xa1: {  	s23 =	simm.s32 $0x1B8B  }
0xa2: {  	_ =	swait.ge [sflag:s23], $0x1  }
0xa3: {  	[sflag:s23] =	ssyncset.done $0x0  }
0xa4: {  	s25 =	simm.s32 $0x1B8E;
	s24 =	sld [smem:$0x3FFE];
	[sflag:s23] =	ssyncadd.s32 $0xFFFFFFFF  }
0xa5: {  	s26 =	simm.s32 $execute0_lowered;
	[smem:$0x3FD2] =	sst s25  }
0xa6: {  	s5 =	sshll.u32 s26, $0x1;
	_ =	strace $0x80000046;
	[dreg:$0x1] =	wrdreg $0xFFFFFFFF  }
0xa7: {  	s28 =	simm.s32 $_size_execute0_lowered;
	s3 =	sadd.s32 s3, s5;
	[dreg:$0x0] =	wrdreg $0x0  }
0xa8: {  	s5 =	sshll.u32 s28, $0x1;
	[dreg:$0x2] =	wrdreg s3  }
0xa9: {  	[dreg:$0x3] =	wrdreg s5  }
0xaa: {  	[dreg:$0x4] =	wrdreg $0xC0  }
0xab: {  	_ =	task [dreg:s7], $0x5FFFF  }
0xac: {  	[dreg:$0x1] =	wrdreg $0xFFFFFFFF  }
0xad: {  	[dreg:$0x0] =	wrdreg $0x60  }
0xae: {  	[dreg:$0x2] =	wrdreg s24  }
0xaf: {  	[dreg:$0x3] =	wrdreg s2  }
0xb0: {  	[dreg:$0x4] =	wrdreg $0x9  }
0xb1: {  	_ =	task.clear_ibuf [dreg:s7], $0x5FFFF;
	_ =	strace $0x90000046  }
0xb2: {  	s29 =	simm.s32 $0x9;
	_ =	strace $0x80000048  }
0xb3: {  	_ =	swait.ge [sflag:s29], $0x1  }
0xb4: {  	[sflag:s29] =	ssyncadd.s32 $0xFFFFFFFF  }
0xb5: {  	_ =	strace $0x90000048  }
0xb6: {  	_ =	sfence  }
0xb7: {  	s30 =	sld [smem:$0x0];
	_ =	sdelay $0x2  }
0xb8: {  	s31 =	sshll.u32 s1, $0xD;
	s1 =	sshrl.u32 s1, $0x2  }
0xb9: {  	s3 =	sand.u32 $0x4000, s31;
	s1 =	sadd.s32 s1, s30  }
0xba: {  	s0 =	sor.u32 s3, s0;
	s1 =	sshll.u32 s1, $0x11  }
0xbb: {  	s0 =	sor.u32 s1, s0  }
0xbc: {  	s0 =	sadd.s32 $0x8F2B, s0  }
0xbd: {  	[sflag:s0] =	ssyncadd.remote.s32 $0x1  }
0xbe: {  	_ =	sfence.sel $0xFFFF  }
0xbf: {  	[dreg:$0x0] =	wrdreg $0xFFFFFFFF;
	(pc) =	sbr.abs _section_cstart, $3  }
0xc0: {  	[dreg:$0x1] =	wrdreg $0xFFFFFFFF  }
0xc1: {  	_ =	task.clear_ibuf [dreg:s7], $0x2FFFF;
	_ =	strace $0x9FFFFFFF  }
0xc2: {  	(tm) =	ssettm $0x7FFFFFFF  }
0xc3: {  	_ =	shalt  }
tec
execute0_lowered:
.L_overlay_start_1:
0x0: {  	(tag) =	ssettag $0x1  }
0x1: {  	s3 =	simm.s32 $0x0;
	v45 =	vlaneseq.u32  }
0x2: {  	[smem:$0x7FF] =	sst s3;
	v47 =	vor.u32 $0x80, v45  }
0x3: {  	s0 =	rddreg [dreg:$0x0];
	v49 =	vor.u32 $0x1880, v45;
	_ =	strace $0x80000047;
	[tilespmem:$0x1FEB0] =	vst v47  }
0x4: {  	v50 =	vor.u32 $0x90, v45;
	[tilespmem:$0x1FEC0] =	vst v49  }
0x5: {  	v51 =	vor.u32 $0x1890, v45;
	[tilespmem:$0x1FED0] =	vst v50  }
0x6: {  	v52 =	vor.u32 $0xA0, v45;
	[tilespmem:$0x1FEE0] =	vst v51  }
0x7: {  	v53 =	vor.u32 $0x18A0, v45;
	[tilespmem:$0x1FEF0] =	vst v52  }
0x8: {  	v54 =	vor.u32 $0xB0, v45;
	[tilespmem:$0x1FF00] =	vst v53  }
0x9: {  	v55 =	vor.u32 $0x18B0, v45;
	[tilespmem:$0x1FF10] =	vst v54  }
0xa: {  	v56 =	vor.u32 $0xC0, v45;
	[tilespmem:$0x1FF20] =	vst v55  }
0xb: {  	v57 =	vor.u32 $0x18C0, v45;
	[tilespmem:$0x1FF30] =	vst v56  }
0xc: {  	v58 =	vor.u32 $0xD0, v45;
	[tilespmem:$0x1FF40] =	vst v57  }
0xd: {  	v59 =	vor.u32 $0x18D0, v45;
	[tilespmem:$0x1FF50] =	vst v58  }
0xe: {  	v60 =	vor.u32 $0xE0, v45;
	[tilespmem:$0x1FF60] =	vst v59  }
0xf: {  	s1 =	srdreg.scid;
	v61 =	vor.u32 $0x18E0, v45;
	[tilespmem:$0x1FF70] =	vst v60  }
0x10: {  	s2 =	stileid.u32;
	s11 =	simm.s32 $0x2;
	s12 =	simm.s32 $0x4000;
	v62 =	vor.u32 $0xF0, v45;
	[tilespmem:$0x1FF80] =	vst v61  }
0x11: {  	s13 =	simm.s32 $0x7000;
	s14 =	simm.s32 $0x20;
	s15 =	simm.s32 $0x600;
	v63 =	vor.u32 $0x18F0, v45;
	[tilespmem:$0x1FF90] =	vst v62  }
0x12: {  	s16 =	simm.s32 $0x8800;
	s22 =	simm.s32 $0xA600;
	s23 =	simm.s32 $0x4C00;
	v17 =	vor.u32 $0x1860, v45;
	[tilespmem:$0x1FFA0] =	vst v63  }
0x13: {  	s24 =	simm.s32 $0x9400;
	s28 =	simm.s32 $0x5200;
	s29 =	simm.s32 $0x9A00;
	v15 =	vor.u32 $0x1850, v45;
	[tilespmem:$0x1FFB0] =	vst v17  }
0x14: {  	s30 =	simm.s32 $0x6A00;
	s31 =	simm.s32 $0xB200;
	s1 =	sand.u32 $0x1, s1;
	v11 =	vor.u32 $0x1840, v45;
	[tilespmem:$0x1FFC0] =	vst v15  }
0x15: {  	s2 =	sshll.u32 s2, $0x1;
	s4 =	sadd.s32 $0x5610E00, s0;
	s5 =	sadd.s32 $0x5763E00, s0;
	v13 =	vor.u32 $0x1870, v45;
	[tilespmem:$0x1FFD0] =	vst v11  }
0x16: {  	v0 =	vmul.u32 $0x4, v45;
	s6 =	sadd.s32 $0x58B6E00, s0;
	v48 =	vor.u32 $0x1830, v45;
	s2 =	sor.u32 s1, s2;
	s1 =	ssub.s32 $0x2, s1;
	[tilespmem:$0x1FFE0] =	vst v13  }
0x17: {  	v5 =	vor.u32 $0x1800, v45;
	[tilespmem:$0x1FFF0] =	vst v48;
	s7 =	sshll.u32 s2, $0xB;
	s25 =	sshrl.u32 s1, $0x1;
	s8 =	sshll.u32 s2, $0xC  }
0x18: {  	v6 =	vor.u32 $0x10, v45;
	v7 =	vor.u32 $0x1810, v45;
	v1 =	vor.u32 $0x1, v0;
	[tilespmem:$0x1FE90] =	vst v0;
	s9 =	sadd.s32 s7, s0;
	s7 =	sadd.s32 $0x54BDE00, s0;
	s0 =	ssub.s32 s1, s25  }
0x19: {  	v8 =	vor.u32 $0x20, v45;
	v9 =	vor.u32 $0x1820, v45;
	v46 =	vor.u32 $0x2, v0;
	[tilespmem:$0x1FE70] =	vst v1;
	s25 =	simm.s32 $0x6400;
	s1 =	simm.s32 $0xB800;
	s26 =	sadd.s32 $0x200A00, s9  }
0x1a: {  	v10 =	vor.u32 $0x30, v45;
	v12 =	vor.u32 $0x40, v45;
	v0 =	vor.u32 $0x3, v0;
	[tilespmem:$0x1FE80] =	vst v46;
	s0 =	smax.u32 s0, $0x1;
	s9 =	simm.s32 $0x0;
	[dreg:$0x3] =	wrdreg s26  }
0x1b: {  	v14 =	vor.u32 $0x50, v45;
	v16 =	vor.u32 $0x60, v45;
	v18 =	vor.u32 $0x70, v45;
	[tilespmem:$0x1FEA0] =	vst v0;
	[dreg:$0x4] =	wrdreg s0;
	s26 =	simm.s32 $0xAC00;
	s0 =	simm.s32 $0x1  }
.LBB2_1:
0x1c: {  	[dreg:$0x5] =	wrdreg s9  }
0x1d: {  	s2 =	rddreg [dreg:$0x3]  }
0x1e: {  	[tilespmem:s3], [sflag:$0x2] =	stream.linear.gather [hbm4b:s2+s3], $0x4000, $0x38;
	[tilespmem:$0xBE00] =	vst v63  }
0x1f: {  	_ =	swait.ge [sflag:s11], $0x4000  }
0x20: {  	[sflag:s11] =	ssyncset.done $0x0  }
0x21: {  	s10 =	simm.s32 $0x0;
	[sflag:s11] =	ssyncadd.s32 $0xFFFFC000  }
.LBB2_2:
0x22: {  	v0 =	vld [tilespmem:$0x1FE90];
	_ =	sdelay $0x3  }
0x23: {  	s2 =	sshll.u32 s10, $0x6  }
0x24: {  	v1 =	vor.u32 s2, v0;
	v0 =	vld [tilespmem:$0x1FE70];
	_ =	sdelay $0x4  }
0x25: {  	v2 =	vor.u32 s2, v0;
	v0 =	vld [tilespmem:$0x1FE80];
	_ =	sdelay $0x4  }
0x26: {  	v3 =	vor.u32 s2, v0;
	_ =	sdelay $0x2  }
0x27: {  	v2 =	vld.idx.msk [tilespmem:v2+s3+$0x0], $0xffff  }
0x28: {  	v1 =	vld.idx.msk [tilespmem:v1+s3+$0x0], $0xffff  }
0x29: {  	v3 =	vld.idx.msk [tilespmem:v3+s3+$0x0], $0xffff;
	_ =	sdelay $0x2  }
0x2a: {  	v2 =	vadd.f32 $1.000000000e+00, v2  }
0x2b: {  	v1 =	vadd.f32 $1.000000000e+00, v1  }
0x2c: {  	v50 =	vmul.f32 $5.000000000e-01, v2;
	v3 =	vadd.f32 $1.000000000e+00, v3  }
0x2d: {  	v37 =	vmul.f32 $5.000000000e-01, v1  }
0x2e: {  	v39 =	vmov v11;
	v2 =	vmul.f32 $3.200000000e+01, v50;
	v11 =	vmul.f32 $5.000000000e-01, v3  }
0x2f: {  	v1 =	vmul.f32 $3.200000000e+01, v37  }
0x30: {  	v20 =	vtrunc.f32 v2;
	v3 =	vmul.f32 $3.200000000e+01, v11  }
0x31: {  	v4 =	vtrunc.f32 v1;
	v19 =	vcvt.f32.s32 v20  }
0x32: {  	v0 =	vcvt.f32.s32 v4;
	v21 =	vtrunc.f32 v3  }
0x33: {  	v4 =	vcvt.s32.f32 v19;
	v22 =	vcvt.f32.s32 v21;
	_ =	sdelay $0x1  }
0x34: {  	v23 =	vsub.f32 v2, v4;
	v2 =	vmul.u32 $0x21, v19;
	v20 =	vcvt.s32.f32 v22;
	_ =	sdelay $0x1  }
0x35: {  	[tilespmem:$0x1FD40] =	vst v0;
	v21 =	vcvt.s32.f32 v0;
	v24 =	vsub.f32 v3, v20;
	v3 =	vadd.s32 v0, v2;
	v0 =	vld [tilespmem:$0x1FEA0]  }
0x36: {  	[tilespmem:$0x1FD20] =	vst v19  }
0x37: {  	[tilespmem:$0x1FD80] =	vst v23;
	v19 =	vsub.f32 v1, v21;
	v21 =	vsub.f32 $1.000000000e+00, v23  }
0x38: {  	[tilespmem:$0x1FD30] =	vst v22  }
0x39: {  	v1 =	vmul.u32 $0x441, v22;
	[tilespmem:$0x1FD70] =	vst v21  }
0x3a: {  	[tilespmem:$0x1FDB0] =	vst v19;
	v20 =	vsub.f32 $1.000000000e+00, v24;
	v2 =	vor.u32 s2, v0  }
0x3b: {  	[tilespmem:$0x1FD50] =	vst v3;
	v1 =	vadd.s32 v1, v3  }
0x3c: {  	v3 =	vmul.f32 v20, v21;
	[tilespmem:$0x1FD60] =	vst v20;
	v20 =	vmul.f32 v20, v23;
	v0 =	vsub.f32 $1.000000000e+00, v19  }
0x3d: {  	v1 =	vshll.u32 v1, $0x1;
	[tilespmem:$0x1FD90] =	vst v24;
	v21 =	vmul.f32 v24, v21;
	v23 =	vmul.f32 v24, v23  }
0x3e: {  	v35 =	vor.u32 $0x1, v1;
	v24 =	vmul.f32 v3, v0;
	v26 =	vmul.f32 v20, v0;
	[tilespmem:$0x1FDA0] =	vst v0  }
0x3f: {  	v28 =	vmul.f32 v21, v0;
	v30 =	vmul.f32 v23, v0;
	v0 =	vld.idx.msk [tilespmem:v2+s3+$0x0], $0xffff;
	[tilespmem:v45+s12+$0x0] =	vst.idx.msk $0xffff, v1  }
0x40: {  	v32 =	vmul.f32 $6.400000000e+01, v37;
	v2 =	vmul.f32 $6.400000000e+01, v50;
	[tilespmem:v5+s12+$0x0] =	vst.idx.msk $0xffff, v35  }
0x41: {  	v4 =	vadd.s32 $0x2, v1;
	v3 =	vmul.f32 v3, v19;
	v20 =	vmul.f32 v20, v19;
	[tilespmem:v45+s13+$0x0] =	vst.idx.msk $0xffff, v24  }
0x42: {  	v40 =	vadd.s32 $0x3, v1;
	v21 =	vmul.f32 v21, v19;
	v43 =	vtrunc.f32 v2;
	[tilespmem:v6+s12+$0x0] =	vst.idx.msk $0xffff, v4  }
0x43: {  	v23 =	vmul.f32 v23, v19;
	v19 =	vcvt.f32.s32 v43;
	[tilespmem:v7+s12+$0x0] =	vst.idx.msk $0xffff, v40  }
0x44: {  	[tilespmem:$0x1FDC0] =	vst v0  }
0x45: {  	v42 =	vtrunc.f32 v32;
	v34 =	vmul.f32 $6.400000000e+01, v11;
	[tilespmem:$0x1FDD0] =	vst v19  }
0x46: {  	v22 =	vadd.s32 $0x42, v1;
	v0 =	vcvt.f32.s32 v42;
	[tilespmem:v6+s13+$0x0] =	vst.idx.msk $0xffff, v3  }
0x47: {  	v44 =	vtrunc.f32 v34;
	v59 =	vcvt.s32.f32 v19;
	v61 =	vmul.u32 $0x41, v19;
	[tilespmem:v8+s12+$0x0] =	vst.idx.msk $0xffff, v22  }
0x48: {  	v36 =	vcvt.f32.s32 v44;
	v58 =	vadd.s32 $0x43, v1;
	[tilespmem:$0x1FDF0] =	vst v0  }
0x49: {  	v19 =	vsub.f32 v2, v59;
	v2 =	vadd.s32 v0, v61;
	[tilespmem:v9+s12+$0x0] =	vst.idx.msk $0xffff, v58  }
0x4a: {  	v60 =	vcvt.s32.f32 v36;
	[tilespmem:$0x1FE00] =	vst v2  }
0x4b: {  	v25 =	vadd.s32 $0x44, v1;
	v46 =	vcvt.s32.f32 v0;
	[tilespmem:v8+s13+$0x0] =	vst.idx.msk $0xffff, v26  }
0x4c: {  	v38 =	vsub.f32 v34, v60;
	v24 =	vadd.s32 $0x45, v1;
	[tilespmem:v10+s12+$0x0] =	vst.idx.msk $0xffff, v25  }
0x4d: {  	v49 =	vmul.u32 $0x1081, v36;
	v0 =	vsub.f32 v32, v46;
	[tilespmem:v48+s12+$0x0] =	vst.idx.msk $0xffff, v24  }
0x4e: {  	v63 =	vsub.f32 $1.000000000e+00, v38;
	v62 =	vsub.f32 $1.000000000e+00, v19;
	[tilespmem:v10+s13+$0x0] =	vst.idx.msk $0xffff, v20  }
0x4f: {  	v27 =	vadd.s32 $0x882, v1;
	v4 =	vadd.s32 $0x883, v1;
	v22 =	vadd.s32 v49, v2;
	[tilespmem:$0x1FE60] =	vst v0  }
0x50: {  	v35 =	vmul.f32 v63, v19;
	v2 =	vsub.f32 $1.000000000e+00, v0;
	v25 =	vmul.f32 v63, v62;
	[tilespmem:v12+s12+$0x0] =	vst.idx.msk $0xffff, v27  }
0x51: {  	v41 =	vmul.f32 v38, v19;
	v40 =	vmul.f32 v38, v62;
	[tilespmem:v39+s12+$0x0] =	vst.idx.msk $0xffff, v4  }
0x52: {  	v29 =	vadd.s32 $0x884, v1;
	v53 =	vmul.f32 v25, v2;
	v25 =	vmul.f32 v25, v0;
	[tilespmem:v12+s13+$0x0] =	vst.idx.msk $0xffff, v28  }
0x53: {  	v43 =	vadd.s32 $0x885, v1;
	v54 =	vmul.f32 v35, v2;
	v35 =	vmul.f32 v35, v0;
	[tilespmem:v14+s12+$0x0] =	vst.idx.msk $0xffff, v29  }
0x54: {  	v44 =	vmul.f32 v40, v0;
	v4 =	vmul.f32 v41, v0;
	v0 =	vld [tilespmem:$0x1FEB0];
	[tilespmem:v15+s12+$0x0] =	vst.idx.msk $0xffff, v43  }
0x55: {  	v31 =	vadd.s32 $0x8C4, v1;
	v49 =	vld [tilespmem:$0x1FEC0];
	[tilespmem:v14+s13+$0x0] =	vst.idx.msk $0xffff, v21  }
0x56: {  	v3 =	vadd.s32 $0x8C5, v1;
	[tilespmem:v16+s12+$0x0] =	vst.idx.msk $0xffff, v31  }
0x57: {  	[tilespmem:v17+s12+$0x0] =	vst.idx.msk $0xffff, v3  }
0x58: {  	v33 =	vadd.s32 $0x8C6, v1;
	[tilespmem:v16+s13+$0x0] =	vst.idx.msk $0xffff, v30  }
0x59: {  	v1 =	vadd.s32 $0x8C7, v1;
	[tilespmem:v18+s12+$0x0] =	vst.idx.msk $0xffff, v33  }
0x5a: {  	v22 =	vshll.u32 v22, $0x1;
	[tilespmem:v13+s12+$0x0] =	vst.idx.msk $0xffff, v1  }
0x5b: {  	v26 =	vadd.s32 $0x118C2, v22;
	[tilespmem:v18+s13+$0x0] =	vst.idx.msk $0xffff, v23  }
0x5c: {  	v29 =	vadd.s32 $0x118C3, v22;
	[tilespmem:v0+s12+$0x0] =	vst.idx.msk $0xffff, v26  }
0x5d: {  	[tilespmem:v49+s12+$0x0] =	vst.idx.msk $0xffff, v29  }
0x5e: {  	[tilespmem:v0+s13+$0x0] =	vst.idx.msk $0xffff, v53;
	v0 =	vld [tilespmem:$0x1FED0]  }
0x5f: {  	v52 =	vld [tilespmem:$0x1FEE0];
	_ =	sdelay $0x1  }
0x60: {  	s20 =	simm.s32 $0x80  }
0x61: {  	s2 =	scvt.s32.f32 s20;
	_ =	sdelay $0x1  }
0x62: {  	v58 =	vmul.f32 s2, v50  }
0x63: {  	[tilespmem:$0x1FE10] =	vst v63;
	v59 =	vmul.f32 s2, v37;
	v32 =	vadd.s32 $0x118C4, v22  }
0x64: {  	v55 =	vmul.f32 s2, v11;
	v60 =	vtrunc.f32 v58;
	v43 =	vadd.s32 $0x118C5, v22;
	[tilespmem:v0+s12+$0x0] =	vst.idx.msk $0xffff, v32  }
0x65: {  	v60 =	vcvt.f32.s32 v60;
	v63 =	vtrunc.f32 v59;
	[tilespmem:v52+s12+$0x0] =	vst.idx.msk $0xffff, v43  }
0x66: {  	v61 =	vtrunc.f32 v55;
	v63 =	vcvt.f32.s32 v63;
	[tilespmem:v0+s13+$0x0] =	vst.idx.msk $0xffff, v25;
	v0 =	vld [tilespmem:$0x1FEF0]  }
0x67: {  	v28 =	vmul.f32 v41, v2;
	v41 =	vcvt.s32.f32 v60;
	v60 =	vmul.u32 $0x9E3779B1, v60;
	v52 =	vld [tilespmem:$0x1FF00]  }
0x68: {  	v61 =	vcvt.f32.s32 v61  }
0x69: {  	[tilespmem:$0x1FE40] =	vst v38;
	v34 =	vadd.s32 $0x11944, v22;
	v38 =	vsub.f32 v58, v41;
	v46 =	vxor.u32 v63, v60  }
0x6a: {  	v58 =	vadd.s32 $0x1, v63;
	v30 =	vcvt.s32.f32 v61;
	v61 =	vmul.u32 $0x30025795, v61  }
0x6b: {  	v21 =	vadd.s32 $0x11945, v22;
	v47 =	vxor.u32 v60, v58;
	v1 =	vcvt.s32.f32 v63  }
0x6c: {  	v60 =	vadd.s32 $0x9E3779B1, v60;
	v30 =	vsub.f32 v55, v30;
	v55 =	vxor.u32 v61, v46  }
0x6d: {  	v42 =	vxor.u32 v61, v47;
	v26 =	vsub.f32 v59, v1;
	v1 =	vshll.u32 v55, $0x1  }
0x6e: {  	s9 =	simm.s32 $0x97A44;
	v58 =	vxor.u32 v58, v60;
	v55 =	vshll.u32 v42, $0x1;
	v1 =	vand.u32 $0xFFFFE, v1;
	[tilespmem:v0+s12+$0x0] =	vst.idx.msk $0xffff, v34  }
0x6f: {  	v41 =	vxor.u32 v61, v58;
	v53 =	vadd.s32 s9, v1;
	v1 =	vand.u32 $0xFFFFE, v55;
	[tilespmem:v52+s12+$0x0] =	vst.idx.msk $0xffff, v21  }
0x70: {  	v43 =	vadd.s32 s9, v1;
	v1 =	vxor.u32 v63, v60;
	v63 =	vshll.u32 v41, $0x1;
	[tilespmem:v0+s13+$0x0] =	vst.idx.msk $0xffff, v54;
	v0 =	vld [tilespmem:$0x1FF10]  }
0x71: {  	v49 =	vand.u32 $0xFFFFE, v63;
	v63 =	vld [tilespmem:$0x1FF20];
	_ =	sdelay $0x4  }
0x72: {  	v24 =	vadd.s32 $0x11946, v22;
	v57 =	vmul.f32 v40, v2  }
0x73: {  	[tilespmem:$0x1FE50] =	vst v2;
	v31 =	vadd.s32 $0x11947, v22;
	v23 =	vsub.f32 $1.000000000e+00, v38;
	v42 =	vadd.s32 $0x30025795, v61  }
0x74: {  	v2 =	vsub.f32 $1.000000000e+00, v30;
	v40 =	vxor.u32 v61, v1;
	v1 =	vxor.u32 v42, v1;
	[tilespmem:v0+s12+$0x0] =	vst.idx.msk $0xffff, v24  }
0x75: {  	v1 =	vshll.u32 v1, $0x1;
	[tilespmem:v63+s12+$0x0] =	vst.idx.msk $0xffff, v31  }
0x76: {  	v47 =	vxor.u32 v42, v47;
	v29 =	vmul.f32 v2, v23;
	v1 =	vand.u32 $0xFFFFE, v1;
	[tilespmem:v0+s13+$0x0] =	vst.idx.msk $0xffff, v35;
	v0 =	vld [tilespmem:$0x1FF30]  }
0x77: {  	v31 =	vshll.u32 v47, $0x1;
	v47 =	vadd.s32 s9, v1;
	v1 =	vmul.f32 v23, v30;
	v23 =	vld [tilespmem:$0x1FF40];
	_ =	sdelay $0x5  }
0x78: {  	v51 =	vadd.s32 $0x139C4, v22;
	[tilespmem:$0x1FE20] =	vst v62  }
0x79: {  	v62 =	vadd.s32 $0x139C5, v22;
	[tilespmem:v0+s12+$0x0] =	vst.idx.msk $0xffff, v51  }
0x7a: {  	[tilespmem:v23+s12+$0x0] =	vst.idx.msk $0xffff, v62  }
0x7b: {  	[tilespmem:v0+s13+$0x0] =	vst.idx.msk $0xffff, v57;
	v0 =	vld [tilespmem:$0x1FF50];
	_ =	sdelay $0x6  }
0x7c: {  	v27 =	vadd.s32 $0x139C6, v22  }
0x7d: {  	[tilespmem:v0+s12+$0x0] =	vst.idx.msk $0xffff, v27;
	v27 =	vmul.f32 v30, v38;
	v30 =	vld [tilespmem:$0x1FF60];
	_ =	sdelay $0x6  }
0x7e: {  	v3 =	vadd.s32 $0x139C7, v22  }
0x7f: {  	[tilespmem:v30+s12+$0x0] =	vst.idx.msk $0xffff, v3  }
0x80: {  	[tilespmem:v0+s13+$0x0] =	vst.idx.msk $0xffff, v44;
	v0 =	vld [tilespmem:$0x1FF70]  }
0x81: {  	v3 =	vld [tilespmem:$0x1FF80];
	_ =	sdelay $0x1  }
0x82: {  	v56 =	vadd.s32 $0x13A46, v22;
	v20 =	vadd.s32 $0x13A48, v22;
	v59 =	vsub.f32 $1.000000000e+00, v26  }
0x83: {  	v33 =	vadd.s32 $0x13A47, v22;
	v22 =	vadd.s32 $0x13A49, v22;
	v2 =	vmul.f32 v2, v38  }
0x84: {  	s21 =	simm.s32 $0x100;
	v55 =	vor.u32 $0x1, v53;
	v32 =	vmul.f32 v29, v26;
	v29 =	vmul.f32 v29, v59  }
0x85: {  	v41 =	vor.u32 s21, v39;
	v25 =	vor.u32 $0x1, v43;
	v60 =	vshll.u32 v40, $0x1  }
0x86: {  	v61 =	vadd.s32 s9, v49;
	v60 =	vand.u32 $0xFFFFE, v60;
	v21 =	vxor.u32 v42, v46  }
0x87: {  	v46 =	vadd.s32 s9, v60;
	v60 =	vor.u32 s21, v5;
	v21 =	vshll.u32 v21, $0x1;
	[tilespmem:v0+s12+$0x0] =	vst.idx.msk $0xffff, v56  }
0x88: {  	v52 =	vor.u32 s21, v7;
	v54 =	vor.u32 $0x1, v46;
	v21 =	vand.u32 $0xFFFFE, v21;
	[tilespmem:v3+s12+$0x0] =	vst.idx.msk $0xffff, v33  }
0x89: {  	v21 =	vadd.s32 s9, v21;
	v24 =	vor.u32 $0x1, v61;
	v63 =	vor.u32 s21, v12;
	[tilespmem:v0+s13+$0x0] =	vst.idx.msk $0xffff, v28;
	v0 =	vld [tilespmem:$0x1FF90]  }
0x8a: {  	v49 =	vld [tilespmem:$0x1FFA0];
	v35 =	vmul.f32 v2, v59;
	v31 =	vand.u32 $0xFFFFE, v31;
	v2 =	vmul.f32 v2, v26  }
0x8b: {  	s17 =	simm.s32 $0x100;
	v34 =	vmul.f32 v1, v59;
	v40 =	vadd.s32 s9, v31;
	v51 =	vor.u32 $0x1, v47  }
0x8c: {  	s17 =	scvt.s32.f32 s17;
	v23 =	vxor.u32 v42, v58;
	v58 =	vor.u32 s21, v16;
	v62 =	vor.u32 s21, v17  }
0x8d: {  	v42 =	vor.u32 s21, v48;
	v23 =	vshll.u32 v23, $0x1;
	v57 =	vmul.f32 v1, v26  }
0x8e: {  	v23 =	vand.u32 $0xFFFFE, v23;
	v59 =	vmul.f32 v27, v59;
	v44 =	vmul.f32 s17, v11  }
0x8f: {  	v3 =	vmul.f32 v27, v26;
	v26 =	vmul.f32 s17, v50;
	v27 =	vor.u32 s21, v45  }
0x90: {  	[tilespmem:$0x1FDE0] =	vst v36;
	v1 =	vor.u32 s21, v18;
	v23 =	vadd.s32 s9, v23;
	v39 =	vtrunc.f32 v44  }
0x91: {  	v38 =	vor.u32 s21, v13;
	v28 =	vmul.f32 s17, v37;
	[tilespmem:v0+s12+$0x0] =	vst.idx.msk $0xffff, v20;
	v20 =	vtrunc.f32 v26  }
0x92: {  	v33 =	vcvt.f32.s32 v39;
	[tilespmem:v49+s12+$0x0] =	vst.idx.msk $0xffff, v22;
	v20 =	vcvt.f32.s32 v20;
	v49 =	vor.u32 s21, v6  }
0x93: {  	v30 =	vor.u32 s21, v15;
	v56 =	vor.u32 s21, v14;
	v22 =	vtrunc.f32 v28;
	[tilespmem:v0+s13+$0x0] =	vst.idx.msk $0xffff, v4  }
0x94: {  	v15 =	vmovc v50;
	v4 =	vcvt.s32.f32 v33;
	v33 =	vmul.u32 $0x30025795, v33;
	[tilespmem:v27+s12+$0x0] =	vst.idx.msk $0xffff, v53;
	v50 =	vcvt.s32.f32 v20  }
0x95: {  	v36 =	vmovc v13;
	v22 =	vcvt.f32.s32 v22;
	v53 =	vor.u32 s21, v10;
	v20 =	vmul.u32 $0x9E3779B1, v20;
	[tilespmem:v60+s12+$0x0] =	vst.idx.msk $0xffff, v55  }
0x96: {  	v13 =	vmovc v48;
	v55 =	vor.u32 s21, v9;
	v60 =	vor.u32 s21, v8;
	[tilespmem:v27+s13+$0x0] =	vst.idx.msk $0xffff, v29;
	v39 =	vsub.f32 v26, v50  }
0x97: {  	v48 =	vsub.f32 v44, v4;
	v26 =	vcvt.s32.f32 v22;
	v4 =	vxor.u32 v22, v20;
	[tilespmem:v49+s12+$0x0] =	vst.idx.msk $0xffff, v43  }
0x98: {  	v27 =	vadd.s32 $0x1, v22;
	[tilespmem:v52+s12+$0x0] =	vst.idx.msk $0xffff, v25;
	v25 =	vxor.u32 v33, v4;
	v52 =	vsub.f32 $1.000000000e+00, v39  }
0x99: {  	[tilespmem:$0x1FE30] =	vst v19;
	v44 =	vsub.f32 v28, v26;
	v26 =	vsub.f32 $1.000000000e+00, v48;
	v25 =	vshll.u32 v25, $0x1  }
0x9a: {  	s2 =	simm.s32 $0x197A44;
	v0 =	vmovc v37;
	v37 =	vor.u32 $0x1, v40;
	v43 =	vxor.u32 v20, v27;
	[tilespmem:v49+s13+$0x0] =	vst.idx.msk $0xffff, v32;
	v25 =	vand.u32 $0xFFFFE, v25  }
0x9b: {  	v28 =	vxor.u32 v33, v43;
	[tilespmem:v60+s12+$0x0] =	vst.idx.msk $0xffff, v46;
	v31 =	vmul.f32 v26, v52;
	v29 =	vadd.s32 s2, v25  }
0x9c: {  	[tilespmem:v55+s12+$0x0] =	vst.idx.msk $0xffff, v54;
	v25 =	vshll.u32 v28, $0x1;
	v28 =	vadd.s32 $0x9E3779B1, v20;
	v55 =	vmul.f32 v26, v39  }
0x9d: {  	[tilespmem:v60+s13+$0x0] =	vst.idx.msk $0xffff, v35;
	v60 =	vsub.f32 $1.000000000e+00, v44;
	v25 =	vand.u32 $0xFFFFE, v25;
	v20 =	vmul.f32 v31, v44  }
0x9e: {  	v22 =	vxor.u32 v22, v28;
	v54 =	vxor.u32 v27, v28;
	v32 =	vor.u32 $0x1, v29;
	[tilespmem:v53+s12+$0x0] =	vst.idx.msk $0xffff, v61  }
0x9f: {  	v27 =	vadd.s32 s2, v25;
	v25 =	vxor.u32 v33, v54;
	v35 =	vmul.f32 v55, v44;
	[tilespmem:v42+s12+$0x0] =	vst.idx.msk $0xffff, v24  }
0xa0: {  	v31 =	vmul.f32 v31, v60;
	v28 =	vor.u32 $0x1, v27;
	v24 =	vxor.u32 v33, v22;
	[tilespmem:v53+s13+$0x0] =	vst.idx.msk $0xffff, v2  }
0xa1: {  	v25 =	vshll.u32 v25, $0x1;
	v2 =	vor.u32 $0x1, v21;
	v24 =	vshll.u32 v24, $0x1;
	[tilespmem:v63+s12+$0x0] =	vst.idx.msk $0xffff, v21  }
0xa2: {  	v25 =	vand.u32 $0xFFFFE, v25;
	v21 =	vadd.s32 $0x30025795, v33;
	v24 =	vand.u32 $0xFFFFE, v24;
	[tilespmem:v41+s12+$0x0] =	vst.idx.msk $0xffff, v2  }
0xa3: {  	v2 =	vxor.u32 v21, v4;
	v33 =	vadd.s32 s2, v24;
	v4 =	vxor.u32 v21, v43;
	[tilespmem:v63+s13+$0x0] =	vst.idx.msk $0xffff, v34  }
0xa4: {  	v24 =	vadd.s32 s2, v25;
	v22 =	vxor.u32 v21, v22;
	v43 =	vmul.f32 v55, v60;
	[tilespmem:v56+s12+$0x0] =	vst.idx.msk $0xffff, v40  }
0xa5: {  	v34 =	vor.u32 $0x1, v33;
	v25 =	vor.u32 $0x1, v24;
	v2 =	vshll.u32 v2, $0x1;
	[tilespmem:v30+s12+$0x0] =	vst.idx.msk $0xffff, v37  }
0xa6: {  	v4 =	vshll.u32 v4, $0x1;
	v22 =	vshll.u32 v22, $0x1;
	v2 =	vand.u32 $0xFFFFE, v2;
	[tilespmem:v56+s13+$0x0] =	vst.idx.msk $0xffff, v57  }
0xa7: {  	v61 =	vand.u32 $0xFFFFE, v4;
	v26 =	vadd.s32 s2, v2;
	v2 =	vand.u32 $0xFFFFE, v22;
	[tilespmem:v58+s12+$0x0] =	vst.idx.msk $0xffff, v47  }
0xa8: {  	v22 =	vxor.u32 v21, v54;
	v4 =	vadd.s32 s2, v2;
	v2 =	vmul.f32 v52, v48;
	[tilespmem:v62+s12+$0x0] =	vst.idx.msk $0xffff, v51  }
0xa9: {  	v63 =	vshll.u32 v22, $0x1;
	v56 =	vmul.f32 v48, v39;
	v21 =	vor.u32 $0x1, v4;
	[tilespmem:v58+s13+$0x0] =	vst.idx.msk $0xffff, v59  }
0xaa: {  	s9 =	simm.s32 $0x180;
	v30 =	vmul.f32 v2, v60;
	v22 =	vmul.f32 v2, v44;
	v2 =	vor.u32 $0x1, v23;
	[tilespmem:v1+s12+$0x0] =	vst.idx.msk $0xffff, v23  }
0xab: {  	s18 =	simm.s32 $0x4;
	s17 =	simm.s32 $0x297A44;
	v46 =	vand.u32 $0xFFFFE, v63;
	v51 =	vor.u32 s9, v18;
	v23 =	vor.u32 s9, v36;
	[tilespmem:v38+s12+$0x0] =	vst.idx.msk $0xffff, v2  }
.LBB2_3:
0xac: {  	v49 =	vor.u32 s9, v45  }
0xad: {  	s20 =	sshll.u32 s14, s18;
	v36 =	vld [tilespmem:$0x1FFB0];
	v37 =	vor.u32 s9, v5  }
0xae: {  	v53 =	vor.u32 s9, v16;
	v38 =	vor.u32 s9, v12;
	v40 =	vor.u32 s9, v14;
	s20 =	scvt.s32.f32 s20  }
0xaf: {  	v2 =	vld [tilespmem:$0x1FFC0];
	[tilespmem:v1+s13+$0x0] =	vst.idx.msk $0xffff, v3;
	v1 =	vmovc v51;
	v41 =	vor.u32 s9, v13;
	v51 =	vmul.f32 v56, v60;
	v60 =	vor.u32 s9, v6  }
0xb0: {  	v3 =	vld [tilespmem:$0x1FFD0];
	v47 =	vor.u32 s9, v10;
	v62 =	vor.u32 s9, v7;
	v42 =	vmul.f32 s20, v15  }
0xb1: {  	v52 =	vor.u32 s9, v9;
	v57 =	vor.u32 s9, v8;
	v48 =	vmul.f32 s20, v0;
	[tilespmem:v49+s12+$0x0] =	vst.idx.msk $0xffff, v29  }
0xb2: {  	v58 =	vor.u32 s9, v36;
	v36 =	vmul.f32 s20, v11;
	v54 =	vtrunc.f32 v42;
	[tilespmem:v37+s12+$0x0] =	vst.idx.msk $0xffff, v32  }
0xb3: {  	v61 =	vadd.s32 s2, v61;
	v59 =	vtrunc.f32 v48;
	v54 =	vcvt.f32.s32 v54;
	[tilespmem:v49+s13+$0x0] =	vst.idx.msk $0xffff, v31  }
0xb4: {  	v2 =	vor.u32 s9, v2;
	v59 =	vcvt.f32.s32 v59;
	v55 =	vtrunc.f32 v36;
	[tilespmem:v60+s12+$0x0] =	vst.idx.msk $0xffff, v27  }
0xb5: {  	v39 =	vor.u32 s9, v3;
	v55 =	vcvt.f32.s32 v55;
	v63 =	vcvt.s32.f32 v54;
	[tilespmem:v62+s12+$0x0] =	vst.idx.msk $0xffff, v28  }
0xb6: {  	v3 =	vmul.f32 v56, v44;
	v54 =	vmul.u32 $0x9E3779B1, v54;
	v29 =	vcvt.s32.f32 v59;
	[tilespmem:v60+s13+$0x0] =	vst.idx.msk $0xffff, v20  }
0xb7: {  	v50 =	vcvt.s32.f32 v55;
	v55 =	vmul.u32 $0x30025795, v55;
	v42 =	vsub.f32 v42, v63;
	[tilespmem:v57+s12+$0x0] =	vst.idx.msk $0xffff, v33  }
0xb8: {  	v56 =	vor.u32 $0x1, v61;
	v63 =	vxor.u32 v59, v54;
	v44 =	vsub.f32 v48, v29;
	[tilespmem:v52+s12+$0x0] =	vst.idx.msk $0xffff, v34  }
0xb9: {  	v50 =	vsub.f32 v36, v50;
	v36 =	vadd.s32 $0x1, v59;
	v31 =	vxor.u32 v55, v63;
	[tilespmem:v57+s13+$0x0] =	vst.idx.msk $0xffff, v43  }
0xba: {  	v49 =	vsub.f32 $1.000000000e+00, v42;
	v60 =	vsub.f32 $1.000000000e+00, v44;
	v27 =	vshll.u32 v31, $0x1;
	[tilespmem:v47+s12+$0x0] =	vst.idx.msk $0xffff, v24  }
0xbb: {  	s19 =	smov.u32 s17;
	v52 =	vadd.s32 $0x30025795, v55;
	v48 =	vxor.u32 v54, v36;
	v27 =	vand.u32 $0xFFFFE, v27;
	[tilespmem:v41+s12+$0x0] =	vst.idx.msk $0xffff, v25  }
0xbc: {  	v37 =	vsub.f32 $1.000000000e+00, v50;
	v28 =	vxor.u32 v55, v48;
	v29 =	vadd.s32 s19, v27;
	[tilespmem:v47+s13+$0x0] =	vst.idx.msk $0xffff, v35  }
0xbd: {  	v20 =	vshll.u32 v28, $0x1;
	v28 =	vadd.s32 $0x9E3779B1, v54;
	v25 =	vor.u32 $0x1, v26;
	[tilespmem:v38+s12+$0x0] =	vst.idx.msk $0xffff, v26  }
0xbe: {  	v31 =	vmul.f32 v37, v49;
	v27 =	vand.u32 $0xFFFFE, v20;
	v59 =	vxor.u32 v59, v28;
	[tilespmem:v39+s12+$0x0] =	vst.idx.msk $0xffff, v25  }
0xbf: {  	v32 =	vor.u32 $0x1, v29;
	v36 =	vxor.u32 v36, v28;
	v37 =	vmul.f32 v37, v42;
	[tilespmem:v38+s13+$0x0] =	vst.idx.msk $0xffff, v30  }
0xc0: {  	v27 =	vadd.s32 s19, v27;
	v24 =	vxor.u32 v55, v59;
	v26 =	vxor.u32 v52, v48;
	[tilespmem:v40+s12+$0x0] =	vst.idx.msk $0xffff, v61  }
0xc1: {  	v62 =	vxor.u32 v55, v36;
	v57 =	vshll.u32 v26, $0x1;
	v26 =	vxor.u32 v52, v59;
	[tilespmem:v2+s12+$0x0] =	vst.idx.msk $0xffff, v56  }
0xc2: {  	v55 =	vxor.u32 v52, v63;
	v63 =	vadd.s32 s2, v46;
	v59 =	vshll.u32 v26, $0x1;
	[tilespmem:v40+s13+$0x0] =	vst.idx.msk $0xffff, v22  }
0xc3: {  	v20 =	vmul.f32 v31, v44;
	v31 =	vmul.f32 v31, v60;
	v2 =	vand.u32 $0xFFFFE, v59;
	[tilespmem:v53+s12+$0x0] =	vst.idx.msk $0xffff, v4  }
0xc4: {  	v28 =	vor.u32 $0x1, v27;
	v4 =	vadd.s32 s19, v2;
	v2 =	vxor.u32 v52, v36;
	[tilespmem:v58+s12+$0x0] =	vst.idx.msk $0xffff, v21  }
0xc5: {  	v24 =	vshll.u32 v24, $0x1;
	v33 =	vshll.u32 v62, $0x1;
	v2 =	vshll.u32 v2, $0x1;
	[tilespmem:v53+s13+$0x0] =	vst.idx.msk $0xffff, v51  }
0xc6: {  	v43 =	vmul.f32 v37, v60;
	v46 =	vand.u32 $0xFFFFE, v2;
	v2 =	vor.u32 $0x1, v63;
	[tilespmem:v1+s12+$0x0] =	vst.idx.msk $0xffff, v63  }
0xc7: {  	p0 =	sne.s32 s17, $0x997A44;
	v35 =	vmul.f32 v37, v44;
	v24 =	vand.u32 $0xFFFFE, v24;
	v54 =	vand.u32 $0xFFFFE, v33;
	[tilespmem:v23+s12+$0x0] =	vst.idx.msk $0xffff, v2;
	v2 =	vld [tilespmem:$0x1FFE0]  }
.Ltmp0:
0xc8: {  	v30 =	vshll.u32 v55, $0x1;
	v33 =	vadd.s32 s19, v24;
	v24 =	vadd.s32 s19, v54;
	(pc) =	sbr.rel @p0 .LBB2_3-.Ltmp0, $4  }
0xc9: {  	v30 =	vand.u32 $0xFFFFE, v30;
	v61 =	vand.u32 $0xFFFFE, v57;
	v22 =	vmul.f32 v49, v50  }
0xca: {  	v34 =	vor.u32 $0x1, v33;
	v25 =	vor.u32 $0x1, v24;
	v26 =	vadd.s32 s19, v30  }
0xcb: {  	s9 =	sadd.s32 $0x80, s9;
	v56 =	vmul.f32 v50, v42;
	v21 =	vor.u32 $0x1, v4;
	v30 =	vmul.f32 v22, v60  }
0xcc: {  	s17 =	sadd.s32 $0x100000, s17;
	s18 =	sadd.s32 $0x1, s18;
	s2 =	smov.u32 s19;
	v22 =	vmul.f32 v22, v44;
	v51 =	vor.u32 s9, v18;
	v23 =	vor.u32 s9, v2  }
0xcd: {  	v2 =	vld [tilespmem:$0x1FDC0];
	_ =	sdelay $0x4  }
0xce: {  	v2 =	vadd.f32 v2, v2;
	_ =	sdelay $0x1  }
0xcf: {  	v2 =	vadd.f32 $-1.000000000e+00, v2;
	_ =	sdelay $0x1  }
0xd0: {  	v2 =	vmul.f32 $8.999999760e-01, v2  }
0xd1: {  	[tilespmem:$0x1FA80] =	vst v11;
	v11 =	vld [tilespmem:$0x1FFC0]  }
0xd2: {  	v2 =	vadd.f32 $1.000000000e+00, v2;
	_ =	sdelay $0x1  }
0xd3: {  	v38 =	vmul.f32 $5.000000000e-01, v2;
	_ =	sdelay $0x1  }
0xd4: {  	v36 =	vor.u32 s9, v11;
	v11 =	vld [tilespmem:$0x1FFD0];
	v2 =	vmul.f32 $3.200000000e+01, v38;
	_ =	sdelay $0x1  }
0xd5: {  	[tilespmem:v1+s13+$0x0] =	vst.idx.msk $0xffff, v3;
	v1 =	vld [tilespmem:$0x1FD50];
	v41 =	vtrunc.f32 v2  }
0xd6: {  	v63 =	vmul.f32 v56, v44;
	v44 =	vor.u32 s9, v45;
	v41 =	vcvt.f32.s32 v41;
	_ =	sdelay $0x1  }
0xd7: {  	v42 =	vor.u32 s9, v11;
	v11 =	vmul.u32 $0x441, v41  }
0xd8: {  	v55 =	vor.u32 s9, v5  }
0xd9: {  	v47 =	vcvt.s32.f32 v41;
	v1 =	vadd.s32 v1, v11  }
0xda: {  	[tilespmem:v44+s12+$0x0] =	vst.idx.msk $0xffff, v29;
	v62 =	vshll.u32 v1, $0x1  }
0xdb: {  	v17 =	vsub.f32 v2, v47;
	v2 =	vor.u32 s9, v6;
	[tilespmem:$0x1FA90] =	vst v11;
	v11 =	vld [tilespmem:$0x1FD70];
	v3 =	vadd.s32 $0x44, v62  }
0xdc: {  	[tilespmem:$0x1FB00] =	vst v3;
	v3 =	vld [tilespmem:$0x1FD80]  }
0xdd: {  	[tilespmem:v55+s12+$0x0] =	vst.idx.msk $0xffff, v32  }
0xde: {  	[tilespmem:v44+s13+$0x0] =	vst.idx.msk $0xffff, v31;
	v47 =	vsub.f32 $1.000000000e+00, v17;
	v1 =	vadd.s32 $0x42, v62  }
0xdf: {  	v57 =	vadd.s32 s2, v61;
	[tilespmem:$0x1FAF0] =	vst v1  }
0xe0: {  	v1 =	vmul.f32 v47, v11;
	v61 =	vmul.f32 v17, v11;
	[tilespmem:v2+s12+$0x0] =	vst.idx.msk $0xffff, v27;
	v11 =	vadd.s32 $0x882, v62  }
0xe1: {  	[tilespmem:$0x1FB20] =	vst v11;
	v11 =	vld [tilespmem:$0x1FDA0];
	v32 =	vmul.f32 v47, v3;
	v27 =	vmul.f32 v17, v3;
	v3 =	vadd.s32 $0x884, v62  }
0xe2: {  	v41 =	vor.u32 s9, v7;
	[tilespmem:$0x1FB40] =	vst v3;
	v3 =	vld [tilespmem:$0x1FDB0];
	_ =	sdelay $0x4  }
0xe3: {  	[tilespmem:v41+s12+$0x0] =	vst.idx.msk $0xffff, v28;
	v44 =	vmul.f32 v1, v11;
	v41 =	vmul.f32 v1, v3;
	v1 =	vadd.s32 $0x8C4, v62  }
0xe4: {  	[tilespmem:$0x1FB60] =	vst v1;
	v1 =	vmul.f32 v32, v3;
	_ =	sdelay $0x1  }
0xe5: {  	[tilespmem:$0x1FB10] =	vst v1;
	v1 =	vmul.f32 v61, v11;
	_ =	sdelay $0x1  }
0xe6: {  	[tilespmem:$0x1FB30] =	vst v1;
	v1 =	vadd.s32 $0x8C6, v62  }
0xe7: {  	[tilespmem:$0x1FB90] =	vst v1;
	v1 =	vmul.f32 v61, v3  }
0xe8: {  	[tilespmem:$0x1FAB0] =	vst v17  }
0xe9: {  	v49 =	vmul.f32 v56, v60;
	v56 =	vor.u32 s9, v8;
	[tilespmem:$0x1FB50] =	vst v1;
	v1 =	vmul.f32 v27, v11  }
0xea: {  	v54 =	vor.u32 s9, v9;
	[tilespmem:$0x1FAA0] =	vst v47  }
0xeb: {  	[tilespmem:$0x1FB80] =	vst v1;
	v1 =	vmul.f32 v27, v3;
	v27 =	vmul.f32 $6.400000000e+01, v38  }
0xec: {  	v53 =	vor.u32 s9, v10;
	[tilespmem:v2+s13+$0x0] =	vst.idx.msk $0xffff, v20  }
0xed: {  	v52 =	vor.u32 s9, v13;
	[tilespmem:$0x1FBB0] =	vst v1;
	v1 =	vtrunc.f32 v27  }
0xee: {  	[tilespmem:v56+s12+$0x0] =	vst.idx.msk $0xffff, v33;
	v1 =	vcvt.f32.s32 v1  }
0xef: {  	[tilespmem:v54+s12+$0x0] =	vst.idx.msk $0xffff, v34  }
0xf0: {  	v40 =	vor.u32 s9, v12;
	[tilespmem:v56+s13+$0x0] =	vst.idx.msk $0xffff, v43;
	v2 =	vcvt.s32.f32 v1  }
0xf1: {  	[tilespmem:v53+s12+$0x0] =	vst.idx.msk $0xffff, v24  }
0xf2: {  	v47 =	vmul.f32 v32, v11;
	[tilespmem:v52+s12+$0x0] =	vst.idx.msk $0xffff, v25;
	v11 =	vsub.f32 v27, v2;
	v2 =	vadd.s32 $0x8C5, v62  }
0xf3: {  	[tilespmem:$0x1FB70] =	vst v2;
	v2 =	vld [tilespmem:$0x1FE00]  }
0xf4: {  	[tilespmem:v53+s13+$0x0] =	vst.idx.msk $0xffff, v35  }
0xf5: {  	v48 =	vor.u32 s9, v14;
	v37 =	vadd.s32 s2, v46;
	v46 =	vor.u32 $0x1, v26;
	[tilespmem:v40+s12+$0x0] =	vst.idx.msk $0xffff, v26  }
0xf6: {  	[tilespmem:v42+s12+$0x0] =	vst.idx.msk $0xffff, v46;
	v1 =	vmul.u32 $0x1081, v1  }
0xf7: {  	[tilespmem:v40+s13+$0x0] =	vst.idx.msk $0xffff, v30  }
0xf8: {  	[tilespmem:$0x1FAC0] =	vst v1;
	v30 =	vadd.s32 v2, v1;
	v1 =	vadd.s32 $0x8C7, v62  }
0xf9: {  	v19 =	vld [tilespmem:$0x1FFB0];
	[tilespmem:$0x1FBA0] =	vst v1;
	v1 =	vshll.u32 v30, $0x1  }
0xfa: {  	v39 =	vor.u32 s9, v16;
	[tilespmem:v48+s12+$0x0] =	vst.idx.msk $0xffff, v57;
	v3 =	vadd.s32 $0x118C4, v1  }
0xfb: {  	v58 =	vor.u32 $0x1, v57;
	[tilespmem:$0x1FBE0] =	vst v3;
	v3 =	vld [tilespmem:$0x1FE30]  }
0xfc: {  	[tilespmem:v36+s12+$0x0] =	vst.idx.msk $0xffff, v58  }
0xfd: {  	[tilespmem:v48+s13+$0x0] =	vst.idx.msk $0xffff, v22;
	v2 =	vadd.s32 $0x118C2, v1  }
0xfe: {  	v50 =	vor.u32 s9, v19;
	v17 =	vsub.f32 $1.000000000e+00, v11;
	[tilespmem:$0x1FBC0] =	vst v2;
	v2 =	vld [tilespmem:$0x1FE20]  }
0xff: {  	[tilespmem:v39+s12+$0x0] =	vst.idx.msk $0xffff, v4;
	v4 =	vadd.s32 $0x11944, v1  }
0x100: {  	[tilespmem:$0x1FC00] =	vst v4;
	v40 =	vmul.f32 v17, v3;
	v4 =	vmul.f32 v11, v3;
	v3 =	vld [tilespmem:$0x1FE50];
	_ =	sdelay $0x2  }
0x101: {  	[tilespmem:v50+s12+$0x0] =	vst.idx.msk $0xffff, v21;
	v34 =	vmul.f32 v17, v2  }
0x102: {  	[tilespmem:v39+s13+$0x0] =	vst.idx.msk $0xffff, v49  }
0x103: {  	[tilespmem:$0x1FAE0] =	vst v11;
	v2 =	vmul.f32 v11, v2;
	v11 =	vmul.f32 v34, v3  }
0x104: {  	v54 =	vor.u32 $0x600, v45;
	[tilespmem:v51+s12+$0x0] =	vst.idx.msk $0xffff, v37  }
0x105: {  	v56 =	vor.u32 $0x1E00, v45;
	[tilespmem:$0x1FBD0] =	vst v11;
	v11 =	vadd.s32 $0x11946, v1  }
0x106: {  	v59 =	vor.u32 $0x1, v37;
	[tilespmem:$0x1FC20] =	vst v11;
	v11 =	vld [tilespmem:$0x1FE60]  }
0x107: {  	[tilespmem:v23+s12+$0x0] =	vst.idx.msk $0xffff, v59  }
0x108: {  	[tilespmem:v51+s13+$0x0] =	vst.idx.msk $0xffff, v63  }
0x109: {  	v43 =	vor.u32 $0x1, v62;
	[tilespmem:v54+s12+$0x0] =	vst.idx.msk $0xffff, v62  }
0x10a: {  	[tilespmem:v56+s12+$0x0] =	vst.idx.msk $0xffff, v43  }
0x10b: {  	[tilespmem:$0x1FAD0] =	vst v17;
	v21 =	vadd.s32 $0x139C6, v1;
	v17 =	vmul.f32 v34, v11  }
0x10c: {  	s19 =	simm.s32 $0x80;
	[tilespmem:$0x1FC60] =	vst v21;
	v21 =	vmul.f32 v2, v3;
	v2 =	vmul.f32 v2, v11  }
0x10d: {  	s2 =	scvt.s32.f32 s19;
	[tilespmem:$0x1FBF0] =	vst v17  }
0x10e: {  	v17 =	vmul.f32 v40, v3;
	[tilespmem:$0x1FC70] =	vst v2;
	v2 =	vadd.s32 $0x13A46, v1  }
0x10f: {  	v20 =	vmul.f32 s2, v15;
	[tilespmem:$0x1FC80] =	vst v2  }
0x110: {  	v33 =	vor.u32 $0x610, v45;
	v2 =	vmul.f32 v4, v3;
	[tilespmem:$0x1FC10] =	vst v17;
	v17 =	vadd.s32 $0x139C4, v1  }
0x111: {  	v28 =	vor.u32 $0x1E10, v45;
	[tilespmem:$0x1FC40] =	vst v17  }
0x112: {  	v3 =	vadd.s32 $0x13A48, v1;
	v17 =	vmul.f32 v40, v11;
	[tilespmem:$0x1FC90] =	vst v2;
	v2 =	vtrunc.f32 v20  }
0x113: {  	v52 =	vor.u32 $0x620, v45;
	[tilespmem:$0x1FCA0] =	vst v3;
	v3 =	vcvt.f32.s32 v2;
	v2 =	vmul.f32 v4, v11;
	v11 =	vld [tilespmem:$0x1FAF0]  }
0x114: {  	v55 =	vadd.s32 $0x2, v62;
	[tilespmem:v54+s13+$0x0] =	vst.idx.msk $0xffff, v44  }
0x115: {  	v29 =	vadd.s32 $0x3, v62;
	[tilespmem:v33+s12+$0x0] =	vst.idx.msk $0xffff, v55  }
0x116: {  	v35 =	vor.u32 $0x1E20, v45;
	[tilespmem:v28+s12+$0x0] =	vst.idx.msk $0xffff, v29  }
0x117: {  	[tilespmem:v33+s13+$0x0] =	vst.idx.msk $0xffff, v41  }
0x118: {  	v53 =	vor.u32 $0x630, v45;
	[tilespmem:v52+s12+$0x0] =	vst.idx.msk $0xffff, v11;
	v11 =	vld [tilespmem:$0x1FB00];
	_ =	sdelay $0x1  }
0x119: {  	v31 =	vadd.s32 $0x43, v62;
	v43 =	vmul.f32 s2, v38  }
0x11a: {  	[tilespmem:v35+s12+$0x0] =	vst.idx.msk $0xffff, v31  }
0x11b: {  	v26 =	vor.u32 $0x1E30, v45;
	v59 =	vmul.f32 s2, v0;
	v49 =	vtrunc.f32 v43;
	[tilespmem:v52+s13+$0x0] =	vst.idx.msk $0xffff, v47  }
0x11c: {  	v24 =	vor.u32 $0x640, v45;
	v4 =	vcvt.f32.s32 v49;
	[tilespmem:v53+s12+$0x0] =	vst.idx.msk $0xffff, v11;
	v11 =	vld [tilespmem:$0x1FB10]  }
0x11d: {  	v32 =	vadd.s32 $0x45, v62;
	v42 =	vadd.s32 $0x883, v62;
	v28 =	vtrunc.f32 v59  }
0x11e: {  	v46 =	vor.u32 $0x1E40, v45;
	v28 =	vcvt.f32.s32 v28;
	v29 =	vcvt.s32.f32 v4  }
0x11f: {  	[tilespmem:$0x1FCC0] =	vst v2;
	v2 =	vcvt.s32.f32 v3;
	v3 =	vmul.u32 $0x9E3779B1, v3;
	v4 =	vmul.u32 $0x30025795, v4  }
0x120: {  	v61 =	vadd.s32 $0x885, v62;
	v31 =	vsub.f32 v43, v29;
	v29 =	vcvt.s32.f32 v28;
	[tilespmem:v26+s12+$0x0] =	vst.idx.msk $0xffff, v32  }
0x121: {  	v56 =	vadd.s32 $0x1, v28;
	v50 =	vxor.u32 v28, v3;
	v62 =	vadd.s32 $0x30025795, v4;
	[tilespmem:v53+s13+$0x0] =	vst.idx.msk $0xffff, v11;
	v11 =	vld [tilespmem:$0x1FB20]  }
0x122: {  	v26 =	vsub.f32 v59, v29;
	v29 =	vadd.s32 $0x9E3779B1, v3;
	v3 =	vxor.u32 v3, v56  }
0x123: {  	[tilespmem:$0x1FC50] =	vst v21;
	v44 =	vxor.u32 v4, v3;
	v21 =	vxor.u32 v62, v3;
	v3 =	vld [tilespmem:$0x1FB30];
	_ =	sdelay $0x2  }
0x124: {  	[tilespmem:v24+s12+$0x0] =	vst.idx.msk $0xffff, v11  }
0x125: {  	[tilespmem:v46+s12+$0x0] =	vst.idx.msk $0xffff, v42  }
0x126: {  	v25 =	vor.u32 $0x650, v45;
	[tilespmem:v24+s13+$0x0] =	vst.idx.msk $0xffff, v3;
	v3 =	vld [tilespmem:$0x1FB40]  }
0x127: {  	v60 =	vor.u32 $0x1E50, v45;
	v54 =	vadd.s32 $0x118C3, v1;
	v37 =	vadd.s32 $0x118C5, v1  }
0x128: {  	v63 =	vadd.s32 $0x11945, v1;
	v30 =	vadd.s32 $0x11947, v1;
	v39 =	vadd.s32 $0x139C5, v1  }
0x129: {  	v40 =	vadd.s32 $0x139C7, v1;
	v49 =	vadd.s32 $0x13A47, v1;
	v1 =	vadd.s32 $0x13A49, v1  }
0x12a: {  	[tilespmem:$0x1FCB0] =	vst v1;
	v1 =	vld [tilespmem:$0x1FB50]  }
0x12b: {  	v57 =	vor.u32 $0x660, v45;
	[tilespmem:v25+s12+$0x0] =	vst.idx.msk $0xffff, v3;
	v3 =	vld [tilespmem:$0x1FB60];
	_ =	sdelay $0x2  }
0x12c: {  	[tilespmem:v60+s12+$0x0] =	vst.idx.msk $0xffff, v61  }
0x12d: {  	[tilespmem:v25+s13+$0x0] =	vst.idx.msk $0xffff, v1  }
0x12e: {  	v58 =	vor.u32 $0x1E60, v45;
	[tilespmem:v57+s12+$0x0] =	vst.idx.msk $0xffff, v3;
	v3 =	vld [tilespmem:$0x1FB70];
	_ =	sdelay $0x4  }
0x12f: {  	[tilespmem:v58+s12+$0x0] =	vst.idx.msk $0xffff, v3;
	v3 =	vld [tilespmem:$0x1FB80]  }
0x130: {  	v27 =	vor.u32 $0x670, v45;
	v11 =	vld [tilespmem:$0x1FB90];
	_ =	sdelay $0x3  }
0x131: {  	[tilespmem:v57+s13+$0x0] =	vst.idx.msk $0xffff, v3  }
0x132: {  	v48 =	vor.u32 $0x1E70, v45;
	[tilespmem:v27+s12+$0x0] =	vst.idx.msk $0xffff, v11;
	v11 =	vld [tilespmem:$0x1FBA0];
	_ =	sdelay $0x1  }
0x133: {  	v2 =	vsub.f32 v20, v2;
	v28 =	vxor.u32 v28, v29;
	v29 =	vxor.u32 v56, v29  }
0x134: {  	v43 =	vxor.u32 v4, v28;
	v35 =	vxor.u32 v62, v28;
	v28 =	vsub.f32 $1.000000000e+00, v31  }
0x135: {  	v59 =	vxor.u32 v4, v50;
	v4 =	vxor.u32 v4, v29  }
0x136: {  	v51 =	vor.u32 $0x680, v45;
	v4 =	vshll.u32 v4, $0x1;
	v57 =	vmul.f32 v28, v2;
	[tilespmem:v48+s12+$0x0] =	vst.idx.msk $0xffff, v11;
	v11 =	vld [tilespmem:$0x1FBB0]  }
0x137: {  	v52 =	vxor.u32 v62, v29;
	v24 =	vxor.u32 v62, v50;
	v62 =	vand.u32 $0xFFFFE, v4;
	v4 =	vld [tilespmem:$0x1FBC0]  }
0x138: {  	v60 =	vmul.f32 v31, v2;
	v1 =	vsub.f32 $1.000000000e+00, v2;
	v2 =	vmul.f32 v57, v26  }
0x139: {  	v43 =	vshll.u32 v43, $0x1  }
0x13a: {  	s20 =	simm.s32 $0x97A44;
	v55 =	vor.u32 $0x1E80, v45;
	v43 =	vand.u32 $0xFFFFE, v43;
	[tilespmem:$0x1FCD0] =	vst v2;
	v2 =	vshll.u32 v24, $0x1  }
0x13b: {  	v48 =	vadd.s32 s20, v43;
	v43 =	vand.u32 $0xFFFFE, v2;
	v2 =	vshll.u32 v35, $0x1;
	[tilespmem:v27+s13+$0x0] =	vst.idx.msk $0xffff, v11  }
0x13c: {  	v2 =	vand.u32 $0xFFFFE, v2;
	[tilespmem:v51+s12+$0x0] =	vst.idx.msk $0xffff, v4;
	v4 =	vld [tilespmem:$0x1FBD0]  }
0x13d: {  	v22 =	vor.u32 $0x690, v45;
	[tilespmem:$0x1FCF0] =	vst v2;
	v2 =	vld [tilespmem:$0x1FBE0];
	_ =	sdelay $0x1  }
0x13e: {  	v36 =	vsub.f32 $1.000000000e+00, v26;
	v58 =	vmul.f32 v28, v1;
	v1 =	vmul.f32 v1, v31;
	v11 =	vld [tilespmem:$0x1FFE0]  }
0x13f: {  	[tilespmem:v55+s12+$0x0] =	vst.idx.msk $0xffff, v54  }
0x140: {  	[tilespmem:v51+s13+$0x0] =	vst.idx.msk $0xffff, v4;
	v4 =	vmul.f32 v1, v36;
	v1 =	vmul.f32 v1, v26  }
0x141: {  	v33 =	vor.u32 $0x1E90, v45;
	[tilespmem:v22+s12+$0x0] =	vst.idx.msk $0xffff, v2  }
0x142: {  	s17 =	simm.s32 $0x700;
	v44 =	vshll.u32 v44, $0x1;
	v2 =	vshll.u32 v52, $0x1;
	[tilespmem:$0x1FD10] =	vst v1;
	v1 =	vshll.u32 v21, $0x1  }
0x143: {  	[tilespmem:$0x1FCE0] =	vst v4;
	v21 =	vadd.s32 s17, v11;
	v4 =	vand.u32 $0xFFFFE, v1;
	v1 =	vand.u32 $0xFFFFE, v2;
	v2 =	vld [tilespmem:$0x1FBF0]  }
0x144: {  	v41 =	vor.u32 $0x6A0, v45;
	v3 =	vand.u32 $0xFFFFE, v44;
	[tilespmem:$0x1FD00] =	vst v21;
	v21 =	vld [tilespmem:$0x1FC00]  }
0x145: {  	v23 =	vadd.s32 s20, v3;
	v3 =	vld [tilespmem:$0x1FFD0];
	_ =	sdelay $0x1  }
0x146: {  	[tilespmem:v33+s12+$0x0] =	vst.idx.msk $0xffff, v37  }
0x147: {  	v47 =	vor.u32 $0x1EA0, v45;
	[tilespmem:v22+s13+$0x0] =	vst.idx.msk $0xffff, v2  }
0x148: {  	[tilespmem:v41+s12+$0x0] =	vst.idx.msk $0xffff, v21;
	v21 =	vld [tilespmem:$0x1FC10]  }
0x149: {  	v20 =	vor.u32 $0x6B0, v45;
	v22 =	vadd.s32 s17, v3;
	v3 =	vld [tilespmem:$0x1FC20];
	_ =	sdelay $0x2  }
0x14a: {  	v50 =	vld [tilespmem:$0x1FFC0];
	[tilespmem:v47+s12+$0x0] =	vst.idx.msk $0xffff, v63  }
0x14b: {  	[tilespmem:v41+s13+$0x0] =	vst.idx.msk $0xffff, v21  }
0x14c: {  	[tilespmem:v20+s12+$0x0] =	vst.idx.msk $0xffff, v3;
	v3 =	vld [tilespmem:$0x1FFF0];
	_ =	sdelay $0x1  }
0x14d: {  	v56 =	vmul.f32 v58, v36  }
0x14e: {  	v51 =	vmul.f32 v58, v26;
	v58 =	vadd.s32 s20, v4;
	v4 =	vadd.s32 s17, v50  }
0x14f: {  	[tilespmem:$0x1FC30] =	vst v17;
	v42 =	vor.u32 $0x1EB0, v45;
	v4 =	vand.u32 $0x3F80, v4  }
0x150: {  	v52 =	vor.u32 v14, v4;
	v4 =	vadd.s32 s17, v3;
	v3 =	vld [tilespmem:$0x1FC30];
	_ =	sdelay $0x3  }
0x151: {  	[tilespmem:v42+s12+$0x0] =	vst.idx.msk $0xffff, v30  }
0x152: {  	v46 =	vor.u32 $0x6C0, v45;
	[tilespmem:v20+s13+$0x0] =	vst.idx.msk $0xffff, v3;
	v3 =	vld [tilespmem:$0x1FC40];
	_ =	sdelay $0x3  }
0x153: {  	v34 =	vor.u32 $0x1EC0, v45  }
0x154: {  	[tilespmem:v46+s12+$0x0] =	vst.idx.msk $0xffff, v3;
	v3 =	vld [tilespmem:$0x1FC50];
	_ =	sdelay $0x3  }
0x155: {  	[tilespmem:v34+s12+$0x0] =	vst.idx.msk $0xffff, v39  }
0x156: {  	v53 =	vor.u32 $0x6D0, v45;
	[tilespmem:v46+s13+$0x0] =	vst.idx.msk $0xffff, v3;
	v3 =	vld [tilespmem:$0x1FC60];
	_ =	sdelay $0x3  }
0x157: {  	v32 =	vor.u32 $0x1ED0, v45  }
0x158: {  	[tilespmem:v53+s12+$0x0] =	vst.idx.msk $0xffff, v3;
	v3 =	vld [tilespmem:$0x1FC70];
	_ =	sdelay $0x2  }
0x159: {  	s21 =	simm.s32 $0x100  }
0x15a: {  	s2 =	scvt.s32.f32 s21;
	[tilespmem:v32+s12+$0x0] =	vst.idx.msk $0xffff, v40  }
0x15b: {  	v29 =	vor.u32 $0x6E0, v45;
	[tilespmem:v53+s13+$0x0] =	vst.idx.msk $0xffff, v3;
	v3 =	vld [tilespmem:$0x1FC80]  }
0x15c: {  	v25 =	vshll.u32 v59, $0x1;
	v27 =	vmul.f32 s2, v38  }
0x15d: {  	v61 =	vor.u32 $0x1EE0, v45;
	v59 =	vand.u32 $0xFFFFE, v25;
	v25 =	vor.u32 $0x6F0, v45  }
0x15e: {  	v17 =	vmovc v38;
	v38 =	vtrunc.f32 v27;
	v22 =	vand.u32 $0x3F80, v22;
	v20 =	vmul.f32 s2, v15  }
0x15f: {  	v44 =	vor.u32 $0x1EF0, v45;
	v33 =	vcvt.f32.s32 v38;
	v42 =	vor.u32 v12, v22  }
0x160: {  	v22 =	vmul.f32 s2, v0;
	v4 =	vand.u32 $0x3F80, v4;
	v47 =	vtrunc.f32 v20;
	[tilespmem:v29+s12+$0x0] =	vst.idx.msk $0xffff, v3;
	v3 =	vld [tilespmem:$0x1FC90]  }
0x161: {  	v2 =	vmul.f32 v60, v26;
	v35 =	vor.u32 v10, v4;
	v4 =	vcvt.f32.s32 v47  }
0x162: {  	v47 =	vadd.s32 s17, v5;
	v39 =	vadd.s32 s17, v7;
	v46 =	vtrunc.f32 v22  }
0x163: {  	v34 =	vand.u32 $0x3F80, v39;
	v39 =	vcvt.s32.f32 v33;
	v46 =	vcvt.f32.s32 v46  }
0x164: {  	v47 =	vand.u32 $0x3F80, v47;
	v32 =	vcvt.s32.f32 v4;
	v4 =	vmul.u32 $0x9E3779B1, v4;
	[tilespmem:v61+s12+$0x0] =	vst.idx.msk $0xffff, v49  }
0x165: {  	v26 =	vld [tilespmem:$0x1FCA0];
	v39 =	vsub.f32 v27, v39;
	v27 =	vcvt.s32.f32 v46;
	[tilespmem:v29+s13+$0x0] =	vst.idx.msk $0xffff, v3;
	v29 =	vadd.s32 $0x1, v46  }
0x166: {  	v53 =	vadd.s32 $0x9E3779B1, v4;
	v49 =	vxor.u32 v46, v4;
	v40 =	vxor.u32 v4, v29;
	v4 =	vld [tilespmem:$0x1FCB0]  }
0x167: {  	v31 =	vadd.s32 s17, v9;
	v28 =	vsub.f32 v22, v27;
	v27 =	vor.u32 v45, v47;
	v47 =	vld [tilespmem:$0x1FCC0]  }
0x168: {  	v24 =	vor.u32 s17, v45;
	v32 =	vsub.f32 v20, v32;
	v20 =	vmul.u32 $0x30025795, v33  }
0x169: {  	v57 =	vmul.f32 v57, v36;
	v54 =	vor.u32 $0x1, v48;
	v41 =	vor.u32 s17, v10  }
0x16a: {  	v61 =	vsub.f32 $1.000000000e+00, v32;
	v22 =	vxor.u32 v20, v49;
	v3 =	vsub.f32 $1.000000000e+00, v39;
	[tilespmem:v25+s12+$0x0] =	vst.idx.msk $0xffff, v26  }
0x16b: {  	v21 =	vor.u32 s17, v6;
	v34 =	vor.u32 v6, v34;
	v22 =	vshll.u32 v22, $0x1;
	[tilespmem:v44+s12+$0x0] =	vst.idx.msk $0xffff, v4  }
0x16c: {  	v26 =	vmul.f32 v3, v61;
	v44 =	vmul.f32 v3, v32;
	v3 =	vadd.s32 s20, v59;
	[tilespmem:v25+s13+$0x0] =	vst.idx.msk $0xffff, v47  }
0x16d: {  	v33 =	vand.u32 $0xFFFFE, v22;
	v22 =	vxor.u32 v20, v40;
	[tilespmem:v24+s12+$0x0] =	vst.idx.msk $0xffff, v3;
	v3 =	vor.u32 $0x1, v3  }
0x16e: {  	v30 =	vor.u32 s17, v8;
	v22 =	vshll.u32 v22, $0x1;
	v25 =	vand.u32 $0x3F80, v31;
	[tilespmem:v27+s12+$0x0] =	vst.idx.msk $0xffff, v3  }
0x16f: {  	v47 =	vand.u32 $0xFFFFE, v22;
	v22 =	vxor.u32 v46, v53;
	[tilespmem:v24+s13+$0x0] =	vst.idx.msk $0xffff, v56;
	v56 =	vor.u32 v8, v25  }
0x170: {  	v31 =	vadd.s32 $0x30025795, v20;
	v24 =	vxor.u32 v20, v22;
	[tilespmem:v21+s12+$0x0] =	vst.idx.msk $0xffff, v23;
	v23 =	vor.u32 $0x1, v23  }
0x171: {  	v59 =	vxor.u32 v31, v40;
	v3 =	vxor.u32 v29, v53;
	v24 =	vshll.u32 v24, $0x1;
	[tilespmem:v34+s12+$0x0] =	vst.idx.msk $0xffff, v23  }
0x172: {  	s2 =	simm.s32 $0x197A44;
	v20 =	vxor.u32 v20, v3;
	v22 =	vxor.u32 v31, v22;
	v23 =	vand.u32 $0xFFFFE, v24;
	[tilespmem:v21+s13+$0x0] =	vst.idx.msk $0xffff, v51  }
0x173: {  	v25 =	vadd.s32 s2, v23;
	v23 =	vxor.u32 v31, v49;
	v31 =	vxor.u32 v31, v3;
	v3 =	vld [tilespmem:$0x1FCD0];
	[tilespmem:v30+s12+$0x0] =	vst.idx.msk $0xffff, v48  }
0x174: {  	v63 =	vor.u32 s17, v12;
	[tilespmem:v56+s12+$0x0] =	vst.idx.msk $0xffff, v54  }
0x175: {  	v4 =	vsub.f32 $1.000000000e+00, v28;
	v24 =	vadd.s32 s20, v62;
	[tilespmem:v30+s13+$0x0] =	vst.idx.msk $0xffff, v57  }
0x176: {  	v37 =	vor.u32 s17, v14;
	v38 =	vadd.s32 s20, v43;
	v49 =	vor.u32 $0x1, v24;
	v57 =	vld [tilespmem:$0x1FCE0];
	[tilespmem:v41+s12+$0x0] =	vst.idx.msk $0xffff, v24  }
0x177: {  	s9 =	simm.s32 $0x780;
	v27 =	vmul.f32 v26, v4;
	v26 =	vmul.f32 v26, v28;
	v34 =	vshll.u32 v59, $0x1;
	[tilespmem:v35+s12+$0x0] =	vst.idx.msk $0xffff, v49  }
0x178: {  	v22 =	vshll.u32 v22, $0x1;
	v53 =	vand.u32 $0xFFFFE, v34;
	v34 =	vadd.s32 s9, v11;
	v11 =	vld [tilespmem:$0x1FD00];
	[tilespmem:v41+s13+$0x0] =	vst.idx.msk $0xffff, v3  }
0x179: {  	v21 =	vmul.f32 v44, v28;
	v51 =	vor.u32 $0x1, v38;
	v31 =	vshll.u32 v31, $0x1;
	[tilespmem:v63+s12+$0x0] =	vst.idx.msk $0xffff, v38  }
0x17a: {  	v48 =	vmul.f32 v61, v39;
	v31 =	vand.u32 $0xFFFFE, v31;
	v24 =	vmul.f32 v39, v32;
	[tilespmem:v42+s12+$0x0] =	vst.idx.msk $0xffff, v51  }
0x17b: {  	v46 =	vadd.s32 s2, v31;
	v32 =	vand.u32 $0xFFFFE, v22;
	v22 =	vmul.f32 v44, v4;
	[tilespmem:v63+s13+$0x0] =	vst.idx.msk $0xffff, v57  }
0x17c: {  	v31 =	vld [tilespmem:$0x1FCF0];
	v3 =	vmul.f32 v48, v28;
	v44 =	vmul.f32 v24, v28;
	v28 =	vor.u32 $0x1, v58;
	[tilespmem:v37+s12+$0x0] =	vst.idx.msk $0xffff, v58  }
0x17d: {  	v55 =	vadd.s32 s17, v19;
	v43 =	vadd.s32 s9, v19;
	[tilespmem:v52+s12+$0x0] =	vst.idx.msk $0xffff, v28;
	v28 =	vand.u32 $0x3F80, v11;
	v11 =	vld [tilespmem:$0x1FD10]  }
0x17e: {  	v20 =	vshll.u32 v20, $0x1;
	v59 =	vor.u32 s17, v16;
	v56 =	vand.u32 $0x3F80, v55  }
0x17f: {  	v1 =	vadd.s32 s20, v1;
	v20 =	vand.u32 $0xFFFFE, v20;
	v62 =	vor.u32 v16, v56  }
0x180: {  	v29 =	vor.u32 $0x1, v25;
	v23 =	vshll.u32 v23, $0x1;
	v54 =	vor.u32 $0x1, v1  }
0x181: {  	v30 =	vand.u32 $0xFFFFE, v23;
	v23 =	vmul.f32 v48, v4;
	v56 =	vor.u32 s17, v18  }
0x182: {  	v35 =	vadd.s32 s2, v53;
	v53 =	vmul.f32 v60, v36;
	v61 =	vadd.s32 s20, v31;
	[tilespmem:v37+s13+$0x0] =	vst.idx.msk $0xffff, v11  }
0x183: {  	v19 =	vmovc v7;
	v7 =	vmovc v9;
	v51 =	vor.u32 s9, v45;
	v31 =	vor.u32 s9, v14;
	v63 =	vor.u32 $0x1, v61;
	[tilespmem:v59+s12+$0x0] =	vst.idx.msk $0xffff, v61  }
0x184: {  	s18 =	simm.s32 $0x800;
	s19 =	simm.s32 $0x4;
	v9 =	vmovc v0;
	s17 =	simm.s32 $0x197A44;
	v58 =	vadd.s32 s9, v50;
	v57 =	vor.u32 v18, v28;
	v28 =	vor.u32 s9, v12;
	[tilespmem:v62+s12+$0x0] =	vst.idx.msk $0xffff, v63  }
.LBB2_5:
0x185: {  	v0 =	vld [tilespmem:$0x1FFD0];
	_ =	sdelay $0x1  }
0x186: {  	s21 =	sshll.u32 s14, s19;
	v36 =	vadd.s32 s2, v47;
	v39 =	vand.u32 $0x3F80, v58;
	v40 =	vadd.s32 s9, v7  }
0x187: {  	v41 =	vadd.s32 s9, v13;
	v50 =	vadd.s32 s9, v19;
	v62 =	vadd.s32 s9, v5;
	s21 =	scvt.s32.f32 s21  }
0x188: {  	[tilespmem:v59+s13+$0x0] =	vst.idx.msk $0xffff, v53;
	v53 =	vor.u32 v14, v39;
	v39 =	vor.u32 s9, v8;
	v41 =	vand.u32 $0x3F80, v41  }
0x189: {  	v50 =	vand.u32 $0x3F80, v50;
	v42 =	vmul.f32 s21, v15;
	v37 =	vadd.s32 s9, v0  }
0x18a: {  	v41 =	vor.u32 v10, v41;
	v61 =	vmul.f32 s21, v17;
	v37 =	vand.u32 $0x3F80, v37  }
0x18b: {  	[tilespmem:v56+s12+$0x0] =	vst.idx.msk $0xffff, v1;
	v1 =	vmovc v46;
	v48 =	vtrunc.f32 v42;
	v46 =	vor.u32 v12, v37;
	v37 =	vmul.f32 s21, v9  }
0x18c: {  	[tilespmem:v57+s12+$0x0] =	vst.idx.msk $0xffff, v54;
	v54 =	vand.u32 $0x3F80, v62;
	v49 =	vtrunc.f32 v61;
	v48 =	vcvt.f32.s32 v48  }
0x18d: {  	v50 =	vor.u32 v6, v50;
	v49 =	vcvt.f32.s32 v49;
	v52 =	vtrunc.f32 v37  }
0x18e: {  	[tilespmem:v56+s13+$0x0] =	vst.idx.msk $0xffff, v2;
	v2 =	vmovc v44;
	v44 =	vor.u32 s9, v6;
	v55 =	vcvt.s32.f32 v48;
	v52 =	vcvt.f32.s32 v52  }
0x18f: {  	v54 =	vor.u32 v45, v54;
	v63 =	vcvt.s32.f32 v49;
	v48 =	vmul.u32 $0x9E3779B1, v48  }
0x190: {  	v49 =	vmul.u32 $0x30025795, v49;
	v42 =	vsub.f32 v42, v55;
	v38 =	vcvt.s32.f32 v52  }
0x191: {  	v55 =	vsub.f32 v61, v63;
	v57 =	vadd.s32 $0x9E3779B1, v48;
	v56 =	vxor.u32 v52, v48  }
0x192: {  	v59 =	vadd.s32 $0x1, v52;
	v37 =	vsub.f32 v37, v38;
	v38 =	vxor.u32 v49, v56  }
0x193: {  	v60 =	vsub.f32 $1.000000000e+00, v42;
	v47 =	vshll.u32 v38, $0x1;
	v38 =	vadd.s32 s17, v33  }
0x194: {  	v61 =	vsub.f32 $1.000000000e+00, v55;
	v52 =	vxor.u32 v52, v57;
	[tilespmem:v51+s12+$0x0] =	vst.idx.msk $0xffff, v38;
	v38 =	vor.u32 $0x1, v38  }
0x195: {  	v48 =	vxor.u32 v48, v59;
	v57 =	vxor.u32 v59, v57;
	[tilespmem:v54+s12+$0x0] =	vst.idx.msk $0xffff, v38;
	v38 =	vand.u32 $0x3F80, v40  }
0x196: {  	v58 =	vor.u32 s9, v10;
	v62 =	vmul.f32 v61, v60;
	[tilespmem:v51+s13+$0x0] =	vst.idx.msk $0xffff, v27;
	v38 =	vor.u32 v8, v38  }
0x197: {  	v63 =	vxor.u32 v49, v48;
	v0 =	vsub.f32 $1.000000000e+00, v37;
	[tilespmem:v44+s12+$0x0] =	vst.idx.msk $0xffff, v36;
	v36 =	vor.u32 $0x1, v36  }
0x198: {  	v59 =	vxor.u32 v49, v52;
	v63 =	vshll.u32 v63, $0x1;
	v47 =	vand.u32 $0xFFFFE, v47;
	[tilespmem:v50+s12+$0x0] =	vst.idx.msk $0xffff, v36  }
0x199: {  	v33 =	vmovc v47;
	v47 =	vand.u32 $0xFFFFE, v63;
	v40 =	vshll.u32 v59, $0x1;
	v63 =	vmul.f32 v62, v0;
	[tilespmem:v44+s13+$0x0] =	vst.idx.msk $0xffff, v26  }
0x19a: {  	s2 =	sadd.s32 $0x100000, s2;
	v61 =	vmul.f32 v61, v42;
	v42 =	vmul.f32 v55, v42;
	v40 =	vand.u32 $0xFFFFE, v40;
	[tilespmem:v39+s12+$0x0] =	vst.idx.msk $0xffff, v25  }
0x19b: {  	v54 =	vadd.s32 $0x30025795, v49;
	v49 =	vxor.u32 v49, v57;
	v59 =	vadd.s32 s2, v40;
	v27 =	vmovc v63;
	[tilespmem:v38+s12+$0x0] =	vst.idx.msk $0xffff, v29  }
0x19c: {  	v63 =	vor.u32 $0x1, v59;
	v25 =	vmovc v59;
	v59 =	vmul.f32 v60, v55;
	v60 =	vadd.s32 s17, v20;
	[tilespmem:v39+s13+$0x0] =	vst.idx.msk $0xffff, v22  }
0x19d: {  	v49 =	vshll.u32 v49, $0x1;
	v26 =	vxor.u32 v54, v56;
	v22 =	vor.u32 $0x1, v60;
	[tilespmem:v58+s12+$0x0] =	vst.idx.msk $0xffff, v60  }
0x19e: {  	v48 =	vxor.u32 v54, v48;
	v40 =	vand.u32 $0xFFFFE, v49;
	v26 =	vshll.u32 v26, $0x1;
	[tilespmem:v41+s12+$0x0] =	vst.idx.msk $0xffff, v22  }
0x19f: {  	v11 =	vld [tilespmem:$0x1FFE0];
	v56 =	vadd.s32 s17, v30;
	v30 =	vand.u32 $0xFFFFE, v26;
	v26 =	vxor.u32 v54, v52;
	[tilespmem:v58+s13+$0x0] =	vst.idx.msk $0xffff, v21  }
0x1a0: {  	v49 =	vmul.f32 v61, v37;
	v51 =	vor.u32 $0x1, v56;
	v29 =	vmovc v63;
	v26 =	vshll.u32 v26, $0x1;
	[tilespmem:v28+s12+$0x0] =	vst.idx.msk $0xffff, v56  }
0x1a1: {  	v63 =	vmul.f32 v59, v0;
	v36 =	vmul.f32 v59, v37;
	v59 =	vshll.u32 v48, $0x1;
	[tilespmem:v46+s12+$0x0] =	vst.idx.msk $0xffff, v51  }
0x1a2: {  	v52 =	vand.u32 $0xFFFFE, v26;
	v60 =	vxor.u32 v54, v57;
	v22 =	vmul.f32 v61, v0;
	[tilespmem:v28+s13+$0x0] =	vst.idx.msk $0xffff, v23  }
0x1a3: {  	s20 =	smov.u32 s18;
	v41 =	vand.u32 $0xFFFFE, v59;
	v59 =	vor.u32 s9, v16;
	v28 =	vor.u32 $0x1, v35;
	[tilespmem:v31+s12+$0x0] =	vst.idx.msk $0xffff, v35  }
0x1a4: {  	v61 =	vand.u32 $0x3F80, v43;
	[tilespmem:v53+s12+$0x0] =	vst.idx.msk $0xffff, v28;
	v28 =	vand.u32 $0x3F80, v34;
	v34 =	vadd.s32 s20, v11;
	v11 =	vld [tilespmem:$0x1FFB0]  }
0x1a5: {  	p0 =	sne.s32 s18, $0xB80;
	v44 =	vshll.u32 v60, $0x1;
	v39 =	vor.u32 v16, v61;
	v53 =	vmul.f32 v24, v4;
	v4 =	vmovc v0;
	v0 =	vld [tilespmem:$0x1FFC0]  }
.Ltmp1:
0x1a6: {  	v26 =	vmul.f32 v62, v37;
	v62 =	vadd.s32 s17, v32;
	v44 =	vand.u32 $0xFFFFE, v44;
	(pc) =	sbr.rel @p0 .LBB2_5-.Ltmp1, $4  }
0x1a7: {  	v20 =	vmovc v40;
	v54 =	vor.u32 $0x1, v1;
	v32 =	vmovc v52;
	v56 =	vor.u32 s9, v18;
	s9 =	smov.u32 s20;
	v46 =	vadd.s32 s2, v44  }
0x1a8: {  	v44 =	vmul.f32 v42, v37;
	v51 =	vor.u32 s9, v45;
	v23 =	vmovc v63;
	v63 =	vor.u32 $0x1, v62;
	[tilespmem:v31+s13+$0x0] =	vst.idx.msk $0xffff, v3  }
0x1a9: {  	v21 =	vmovc v49;
	v35 =	vadd.s32 s2, v41;
	v57 =	vor.u32 v18, v28;
	v31 =	vor.u32 s9, v14;
	[tilespmem:v59+s12+$0x0] =	vst.idx.msk $0xffff, v62  }
0x1aa: {  	s18 =	sadd.s32 $0x80, s18;
	s19 =	sadd.s32 $0x1, s19;
	s17 =	smov.u32 s2;
	v24 =	vmovc v42;
	v3 =	vmovc v36;
	v28 =	vor.u32 s9, v12;
	[tilespmem:v39+s12+$0x0] =	vst.idx.msk $0xffff, v63;
	v43 =	vadd.s32 s9, v11;
	v58 =	vadd.s32 s9, v0  }
0x1ab: {  	_ = 	snop  }
0x1ac: {  	[tilespmem:$0x1F860] =	vst v9;
	v9 =	vld [tilespmem:$0x1FFD0];
	_ =	sdelay $0x2  }
0x1ad: {  	[tilespmem:v59+s13+$0x0] =	vst.idx.msk $0xffff, v53  }
0x1ae: {  	[tilespmem:v56+s12+$0x0] =	vst.idx.msk $0xffff, v1  }
0x1af: {  	[tilespmem:v57+s12+$0x0] =	vst.idx.msk $0xffff, v54;
	v36 =	vadd.s32 s9, v9;
	v9 =	vld [tilespmem:$0x1FD30]  }
0x1b0: {  	v48 =	vadd.s32 s9, v5;
	v33 =	vadd.s32 s17, v33;
	[tilespmem:v56+s13+$0x0] =	vst.idx.msk $0xffff, v2;
	v2 =	vand.u32 $0x3F80, v43  }
0x1b1: {  	v48 =	vand.u32 $0x3F80, v48;
	v49 =	vor.u32 $0x1, v33;
	[tilespmem:v51+s12+$0x0] =	vst.idx.msk $0xffff, v33;
	v33 =	vor.u32 v16, v2;
	v2 =	vld [tilespmem:$0x1FD20]  }
0x1b2: {  	v48 =	vor.u32 v45, v48  }
0x1b3: {  	v0 =	vadd.s32 s2, v47;
	v63 =	vadd.s32 s9, v19  }
0x1b4: {  	v42 =	vor.u32 s9, v6;
	v47 =	vand.u32 $0x3F80, v63;
	v9 =	vmul.u32 $0x21, v9  }
0x1b5: {  	v47 =	vor.u32 v6, v47  }
0x1b6: {  	[tilespmem:$0x1F870] =	vst v9;
	v2 =	vadd.s32 v2, v9;
	v9 =	vld [tilespmem:$0x1FA90]  }
0x1b7: {  	v38 =	vadd.s32 s9, v7;
	v40 =	vor.u32 s9, v8;
	[tilespmem:v48+s12+$0x0] =	vst.idx.msk $0xffff, v49  }
0x1b8: {  	v50 =	vadd.s32 s17, v30;
	v30 =	vand.u32 $0x3F80, v34;
	v38 =	vand.u32 $0x3F80, v38;
	[tilespmem:v51+s13+$0x0] =	vst.idx.msk $0xffff, v27  }
0x1b9: {  	v1 =	vor.u32 $0x1, v0;
	v49 =	vor.u32 v18, v30;
	v30 =	vmul.f32 v24, v4;
	v4 =	vld [tilespmem:$0x1FD60];
	[tilespmem:v42+s12+$0x0] =	vst.idx.msk $0xffff, v0  }
0x1ba: {  	v38 =	vor.u32 v8, v38;
	[tilespmem:v47+s12+$0x0] =	vst.idx.msk $0xffff, v1;
	v1 =	vld [tilespmem:$0x1FD90]  }
0x1bb: {  	v41 =	vadd.s32 s9, v13;
	v2 =	vadd.s32 v9, v2;
	v9 =	vld [tilespmem:$0x1FAA0]  }
0x1bc: {  	v39 =	vor.u32 s9, v10;
	v41 =	vand.u32 $0x3F80, v41  }
0x1bd: {  	v41 =	vor.u32 v10, v41;
	[tilespmem:v42+s13+$0x0] =	vst.idx.msk $0xffff, v26  }
0x1be: {  	v36 =	vand.u32 $0x3F80, v36;
	[tilespmem:v40+s12+$0x0] =	vst.idx.msk $0xffff, v25  }
0x1bf: {  	v36 =	vor.u32 v12, v36;
	[tilespmem:v38+s12+$0x0] =	vst.idx.msk $0xffff, v29  }
0x1c0: {  	v20 =	vadd.s32 s17, v20;
	[tilespmem:v40+s13+$0x0] =	vst.idx.msk $0xffff, v22;
	v27 =	vmul.f32 v9, v4;
	v24 =	vmul.f32 v9, v1;
	v9 =	vld [tilespmem:$0x1FAB0]  }
0x1c1: {  	v52 =	vor.u32 $0x1, v20;
	[tilespmem:v39+s12+$0x0] =	vst.idx.msk $0xffff, v20  }
0x1c2: {  	[tilespmem:v41+s12+$0x0] =	vst.idx.msk $0xffff, v52  }
0x1c3: {  	v37 =	vand.u32 $0x3F80, v58;
	[tilespmem:v39+s13+$0x0] =	vst.idx.msk $0xffff, v21  }
0x1c4: {  	v37 =	vor.u32 v14, v37;
	v53 =	vor.u32 $0x1, v50;
	v59 =	vshll.u32 v2, $0x1;
	[tilespmem:v28+s12+$0x0] =	vst.idx.msk $0xffff, v50  }
0x1c5: {  	v0 =	vadd.s32 $0x884, v59;
	[tilespmem:v36+s12+$0x0] =	vst.idx.msk $0xffff, v53;
	v11 =	vmul.f32 v9, v4;
	v9 =	vmul.f32 v9, v1;
	v1 =	vld [tilespmem:$0x1FD80]  }
0x1c6: {  	[tilespmem:$0x1F910] =	vst v0  }
0x1c7: {  	v0 =	vadd.s32 $0x8C4, v59;
	[tilespmem:v28+s13+$0x0] =	vst.idx.msk $0xffff, v23  }
0x1c8: {  	[tilespmem:$0x1F930] =	vst v0;
	v4 =	vld [tilespmem:$0x1FD70]  }
0x1c9: {  	v57 =	vor.u32 $0x1, v35;
	[tilespmem:v31+s12+$0x0] =	vst.idx.msk $0xffff, v35  }
0x1ca: {  	[tilespmem:v37+s12+$0x0] =	vst.idx.msk $0xffff, v57;
	v0 =	vmul.f32 v11, v1  }
0x1cb: {  	v54 =	vor.u32 s9, v16;
	[tilespmem:v31+s13+$0x0] =	vst.idx.msk $0xffff, v3  }
0x1cc: {  	[tilespmem:$0x1F920] =	vst v0;
	v0 =	vadd.s32 $0x8C6, v59  }
0x1cd: {  	[tilespmem:$0x1F950] =	vst v0;
	v0 =	vmul.f32 v9, v4  }
0x1ce: {  	v34 =	vor.u32 s9, v18;
	[tilespmem:$0x1F880] =	vst v27;
	v63 =	vmul.f32 v27, v1  }
0x1cf: {  	v43 =	vadd.s32 s17, v32;
	v60 =	vmul.f32 v24, v1;
	[tilespmem:$0x1F940] =	vst v0;
	v0 =	vmul.f32 v9, v1;
	v1 =	vld [tilespmem:$0x1FDE0]  }
0x1d0: {  	v48 =	vor.u32 $0x1, v43;
	[tilespmem:v54+s12+$0x0] =	vst.idx.msk $0xffff, v43  }
0x1d1: {  	v26 =	vld [tilespmem:$0x1FE10];
	[tilespmem:v33+s12+$0x0] =	vst.idx.msk $0xffff, v48  }
0x1d2: {  	[tilespmem:v54+s13+$0x0] =	vst.idx.msk $0xffff, v30;
	v25 =	vmul.f32 v27, v4;
	v27 =	vld [tilespmem:$0x1FAD0]  }
0x1d3: {  	[tilespmem:$0x1F8B0] =	vst v9;
	v9 =	vld [tilespmem:$0x1FE40]  }
0x1d4: {  	v32 =	vor.u32 $0x1, v46;
	[tilespmem:v34+s12+$0x0] =	vst.idx.msk $0xffff, v46;
	v2 =	vmul.u32 $0x41, v1;
	v1 =	vld [tilespmem:$0x1FDD0]  }
0x1d5: {  	[tilespmem:v49+s12+$0x0] =	vst.idx.msk $0xffff, v32  }
0x1d6: {  	[tilespmem:$0x1F980] =	vst v0;
	v0 =	vadd.s32 $0x8C7, v59  }
0x1d7: {  	v20 =	vor.u32 $0xC00, v45;
	[tilespmem:$0x1F960] =	vst v0;
	v0 =	vor.u32 $0x2470, v45  }
0x1d8: {  	v55 =	vor.u32 $0x2400, v45;
	[tilespmem:$0x1F970] =	vst v0  }
0x1d9: {  	v0 =	vmul.f32 v27, v26;
	[tilespmem:$0x1F8C0] =	vst v2;
	v43 =	vadd.s32 v1, v2;
	v2 =	vmul.f32 v27, v9;
	v27 =	vld [tilespmem:$0x1FAE0]  }
0x1da: {  	[tilespmem:$0x1F8A0] =	vst v11;
	v1 =	vld [tilespmem:$0x1FAC0]  }
0x1db: {  	v39 =	vor.u32 $0xC10, v45;
	[tilespmem:v34+s13+$0x0] =	vst.idx.msk $0xffff, v44  }
0x1dc: {  	v58 =	vor.u32 $0x2410, v45;
	v41 =	vor.u32 $0x1, v59;
	[tilespmem:v20+s12+$0x0] =	vst.idx.msk $0xffff, v59  }
0x1dd: {  	v30 =	vld [tilespmem:$0x1FE20];
	[tilespmem:v55+s12+$0x0] =	vst.idx.msk $0xffff, v41  }
0x1de: {  	v50 =	vor.u32 $0xC20, v45;
	v61 =	vadd.s32 $0x2, v59;
	v40 =	vmul.f32 v11, v4;
	v11 =	vld [tilespmem:$0x1FA80];
	[tilespmem:v20+s13+$0x0] =	vst.idx.msk $0xffff, v25  }
0x1df: {  	[tilespmem:$0x1F890] =	vst v24;
	v26 =	vmul.f32 v27, v26;
	v33 =	vadd.s32 v1, v43;
	v1 =	vmul.f32 v27, v9;
	v27 =	vld [tilespmem:$0x1FE30]  }
0x1e0: {  	s18 =	simm.s32 $0x80;
	v56 =	vadd.s32 $0x3, v59;
	v38 =	vmul.f32 v24, v4;
	v4 =	vor.u32 $0x2420, v45;
	[tilespmem:v39+s12+$0x0] =	vst.idx.msk $0xffff, v61  }
0x1e1: {  	s2 =	scvt.s32.f32 s18;
	[tilespmem:v58+s12+$0x0] =	vst.idx.msk $0xffff, v56  }
0x1e2: {  	v47 =	vadd.s32 $0x42, v59;
	[tilespmem:v39+s13+$0x0] =	vst.idx.msk $0xffff, v63  }
0x1e3: {  	v31 =	vmul.f32 s2, v11;
	[tilespmem:v50+s12+$0x0] =	vst.idx.msk $0xffff, v47  }
0x1e4: {  	v51 =	vadd.s32 $0x43, v59;
	[tilespmem:$0x1F8D0] =	vst v0;
	v9 =	vmul.f32 v0, v30;
	v0 =	vmul.f32 v0, v27  }
0x1e5: {  	[tilespmem:v4+s12+$0x0] =	vst.idx.msk $0xffff, v51  }
0x1e6: {  	v48 =	vtrunc.f32 v31;
	[tilespmem:$0x1F9A0] =	vst v0;
	v0 =	vmul.f32 v2, v30  }
0x1e7: {  	v54 =	vcvt.f32.s32 v48;
	[tilespmem:$0x1F8E0] =	vst v2;
	v2 =	vmul.f32 v2, v27  }
0x1e8: {  	v22 =	vor.u32 $0x2440, v45;
	v42 =	vadd.s32 $0x44, v59;
	[tilespmem:$0x1F9B0] =	vst v0  }
0x1e9: {  	v62 =	vadd.s32 $0x882, v59;
	v0 =	vcvt.s32.f32 v54;
	[tilespmem:$0x1F9C0] =	vst v2;
	v2 =	vmul.f32 v26, v30  }
0x1ea: {  	v36 =	vor.u32 $0xC30, v45;
	v52 =	vadd.s32 $0x45, v59;
	v53 =	vor.u32 $0x2430, v45;
	[tilespmem:v50+s13+$0x0] =	vst.idx.msk $0xffff, v38  }
0x1eb: {  	v46 =	vmul.f32 s2, v17;
	[tilespmem:$0x1F9D0] =	vst v2;
	v2 =	vsub.f32 v31, v0;
	v0 =	vmul.f32 v26, v27  }
0x1ec: {  	v21 =	vadd.s32 $0x883, v59;
	v20 =	vmul.f32 v1, v30;
	[tilespmem:$0x1F900] =	vst v1;
	v1 =	vmul.f32 v1, v27  }
0x1ed: {  	v28 =	vor.u32 $0xC40, v45;
	v31 =	vtrunc.f32 v46;
	[tilespmem:$0x1F9F0] =	vst v0;
	v0 =	vmul.f32 s2, v15  }
0x1ee: {  	v35 =	vor.u32 $0xC50, v45;
	v33 =	vshll.u32 v33, $0x1;
	[tilespmem:$0x1FA10] =	vst v20;
	v41 =	vcvt.f32.s32 v31  }
0x1ef: {  	v37 =	vadd.s32 $0x8C5, v59;
	[tilespmem:$0x1FA30] =	vst v1;
	v1 =	vadd.s32 $0x139C6, v33;
	v20 =	vtrunc.f32 v0  }
0x1f0: {  	[tilespmem:$0x1F9E0] =	vst v1;
	v1 =	vadd.s32 $0x13A46, v33;
	v55 =	vcvt.s32.f32 v41;
	v32 =	vcvt.f32.s32 v20  }
0x1f1: {  	[tilespmem:$0x1FA00] =	vst v1;
	v1 =	vadd.s32 $0x13A48, v33;
	v54 =	vmul.u32 $0x9E3779B1, v54;
	v4 =	vmul.u32 $0x30025795, v41  }
0x1f2: {  	v24 =	vadd.s32 $0x885, v59;
	[tilespmem:$0x1FA20] =	vst v1;
	v1 =	vsub.f32 v46, v55;
	v56 =	vcvt.s32.f32 v32  }
0x1f3: {  	[tilespmem:v36+s12+$0x0] =	vst.idx.msk $0xffff, v42;
	v46 =	vadd.s32 $0x30025795, v4;
	v41 =	vxor.u32 v32, v54;
	v59 =	vadd.s32 $0x1, v32  }
0x1f4: {  	[tilespmem:v53+s12+$0x0] =	vst.idx.msk $0xffff, v52;
	v50 =	vxor.u32 v54, v59;
	v38 =	vsub.f32 v0, v56;
	v0 =	vadd.s32 $0x9E3779B1, v54  }
0x1f5: {  	[tilespmem:v36+s13+$0x0] =	vst.idx.msk $0xffff, v60;
	v32 =	vxor.u32 v32, v0;
	v0 =	vxor.u32 v59, v0;
	v59 =	vsub.f32 $1.000000000e+00, v2  }
0x1f6: {  	[tilespmem:v28+s12+$0x0] =	vst.idx.msk $0xffff, v62;
	v20 =	vld [tilespmem:$0x1F910];
	v58 =	vxor.u32 v4, v32;
	v54 =	vxor.u32 v46, v32;
	v32 =	vsub.f32 $1.000000000e+00, v1  }
0x1f7: {  	v23 =	vor.u32 $0x2450, v45;
	[tilespmem:v22+s12+$0x0] =	vst.idx.msk $0xffff, v21;
	v60 =	vmul.f32 v59, v1  }
0x1f8: {  	[tilespmem:v28+s13+$0x0] =	vst.idx.msk $0xffff, v40;
	v40 =	vmul.f32 v32, v59;
	v59 =	vmul.f32 v1, v2;
	v1 =	vld [tilespmem:$0x1F920];
	_ =	sdelay $0x2  }
0x1f9: {  	[tilespmem:v35+s12+$0x0] =	vst.idx.msk $0xffff, v20  }
0x1fa: {  	[tilespmem:v23+s12+$0x0] =	vst.idx.msk $0xffff, v24  }
0x1fb: {  	v57 =	vor.u32 $0xC60, v45;
	[tilespmem:v35+s13+$0x0] =	vst.idx.msk $0xffff, v1;
	v1 =	vld [tilespmem:$0x1F930]  }
0x1fc: {  	v29 =	vor.u32 $0x2460, v45  }
0x1fd: {  	v31 =	vld [tilespmem:$0x1F940];
	_ =	sdelay $0x1  }
0x1fe: {  	v43 =	vld [tilespmem:$0x1F970];
	v51 =	vxor.u32 v4, v41  }
0x1ff: {  	v3 =	vor.u32 $0xC70, v45;
	v41 =	vxor.u32 v46, v41;
	[tilespmem:v57+s12+$0x0] =	vst.idx.msk $0xffff, v1;
	v1 =	vshll.u32 v51, $0x1  }
0x200: {  	v36 =	vxor.u32 v46, v50;
	v21 =	vxor.u32 v46, v0;
	[tilespmem:v29+s12+$0x0] =	vst.idx.msk $0xffff, v37;
	v46 =	vand.u32 $0xFFFFE, v1;
	v1 =	vld [tilespmem:$0x1F950]  }
0x201: {  	[tilespmem:v57+s13+$0x0] =	vst.idx.msk $0xffff, v31;
	v31 =	vld [tilespmem:$0x1F960]  }
0x202: {  	v56 =	vld [tilespmem:$0x1F980]  }
0x203: {  	v39 =	vor.u32 $0xC80, v45  }
0x204: {  	[tilespmem:$0x1F990] =	vst v9  }
0x205: {  	v63 =	vor.u32 $0x2480, v45;
	v9 =	vadd.s32 $0x118C2, v33;
	[tilespmem:v3+s12+$0x0] =	vst.idx.msk $0xffff, v1  }
0x206: {  	v42 =	vxor.u32 v4, v50;
	v4 =	vxor.u32 v4, v0;
	v1 =	vshll.u32 v58, $0x1;
	[tilespmem:v43+s12+$0x0] =	vst.idx.msk $0xffff, v31  }
0x207: {  	s19 =	simm.s32 $0x97A44;
	v62 =	vmul.f32 v32, v2;
	v1 =	vand.u32 $0xFFFFE, v1;
	[tilespmem:v3+s13+$0x0] =	vst.idx.msk $0xffff, v56;
	v3 =	vshll.u32 v4, $0x1  }
0x208: {  	v29 =	vshll.u32 v42, $0x1;
	v42 =	vadd.s32 s19, v1;
	[tilespmem:v39+s12+$0x0] =	vst.idx.msk $0xffff, v9;
	v1 =	vand.u32 $0xFFFFE, v3  }
0x209: {  	v47 =	vadd.s32 $0x118C3, v33;
	v3 =	vmul.f32 v62, v38;
	[tilespmem:$0x1FA40] =	vst v1  }
0x20a: {  	v1 =	vshll.u32 v41, $0x1;
	[tilespmem:v63+s12+$0x0] =	vst.idx.msk $0xffff, v47  }
0x20b: {  	[tilespmem:$0x1FA50] =	vst v3;
	v47 =	vand.u32 $0xFFFFE, v1;
	v1 =	vshll.u32 v54, $0x1;
	v3 =	vld [tilespmem:$0x1F990]  }
0x20c: {  	v1 =	vand.u32 $0xFFFFE, v1  }
0x20d: {  	[tilespmem:$0x1FA60] =	vst v1;
	v1 =	vmul.f32 v60, v38;
	_ =	sdelay $0x1  }
0x20e: {  	v52 =	vor.u32 $0xC90, v45;
	[tilespmem:$0x1FA70] =	vst v1  }
0x20f: {  	v50 =	vor.u32 $0x2490, v45;
	v1 =	vshll.u32 v36, $0x1;
	[tilespmem:v39+s13+$0x0] =	vst.idx.msk $0xffff, v3;
	v3 =	vshll.u32 v21, $0x1  }
0x210: {  	v21 =	vand.u32 $0xFFFFE, v1;
	v1 =	vand.u32 $0xFFFFE, v3;
	v3 =	vld [tilespmem:$0x1F9A0]  }
0x211: {  	v22 =	vor.u32 $0xCA0, v45  }
0x212: {  	v28 =	vor.u32 $0x24A0, v45;
	v48 =	vadd.s32 $0x118C4, v33  }
0x213: {  	v53 =	vadd.s32 $0x118C5, v33;
	[tilespmem:v52+s12+$0x0] =	vst.idx.msk $0xffff, v48  }
0x214: {  	[tilespmem:v50+s12+$0x0] =	vst.idx.msk $0xffff, v53  }
0x215: {  	v34 =	vadd.s32 $0x11944, v33;
	[tilespmem:v52+s13+$0x0] =	vst.idx.msk $0xffff, v3  }
0x216: {  	v0 =	vadd.s32 $0x11945, v33;
	[tilespmem:v22+s12+$0x0] =	vst.idx.msk $0xffff, v34  }
0x217: {  	[tilespmem:v28+s12+$0x0] =	vst.idx.msk $0xffff, v0;
	v0 =	vld [tilespmem:$0x1F9B0];
	_ =	sdelay $0x4  }
0x218: {  	[tilespmem:v22+s13+$0x0] =	vst.idx.msk $0xffff, v0;
	v0 =	vld [tilespmem:$0x1FFD0];
	_ =	sdelay $0x2  }
0x219: {  	v41 =	vld [tilespmem:$0x1FFC0]  }
0x21a: {  	s20 =	simm.s32 $0xD00  }
0x21b: {  	v28 =	vadd.s32 s20, v0;
	v0 =	vld [tilespmem:$0x1FFF0];
	_ =	sdelay $0x2  }
0x21c: {  	v61 =	vor.u32 $0xCB0, v45;
	v3 =	vadd.s32 s20, v41  }
0x21d: {  	v23 =	vor.u32 $0x24B0, v45;
	v3 =	vand.u32 $0x3F80, v3  }
0x21e: {  	v52 =	vor.u32 v14, v3;
	v3 =	vadd.s32 s20, v0;
	v0 =	vld [tilespmem:$0x1F9C0];
	_ =	sdelay $0x1  }
0x21f: {  	v44 =	vadd.s32 $0x11946, v33  }
0x220: {  	v20 =	vadd.s32 $0x11947, v33;
	v51 =	vor.u32 $0xCC0, v45;
	[tilespmem:v61+s12+$0x0] =	vst.idx.msk $0xffff, v44  }
0x221: {  	v2 =	vor.u32 $0x24C0, v45;
	[tilespmem:v23+s12+$0x0] =	vst.idx.msk $0xffff, v20  }
0x222: {  	[tilespmem:v61+s13+$0x0] =	vst.idx.msk $0xffff, v0;
	v0 =	vld [tilespmem:$0x1F9D0];
	_ =	sdelay $0x1  }
0x223: {  	v49 =	vadd.s32 $0x139C4, v33  }
0x224: {  	v25 =	vadd.s32 $0x139C5, v33;
	[tilespmem:v51+s12+$0x0] =	vst.idx.msk $0xffff, v49  }
0x225: {  	[tilespmem:v2+s12+$0x0] =	vst.idx.msk $0xffff, v25  }
0x226: {  	v37 =	vor.u32 $0xCD0, v45;
	[tilespmem:v51+s13+$0x0] =	vst.idx.msk $0xffff, v0;
	v0 =	vld [tilespmem:$0x1F9E0];
	_ =	sdelay $0x3  }
0x227: {  	v24 =	vor.u32 $0x24D0, v45  }
0x228: {  	[tilespmem:v37+s12+$0x0] =	vst.idx.msk $0xffff, v0;
	v0 =	vld [tilespmem:$0x1F9F0];
	_ =	sdelay $0x2  }
0x229: {  	s21 =	simm.s32 $0x100;
	v27 =	vadd.s32 $0x139C7, v33  }
0x22a: {  	s9 =	scvt.s32.f32 s21;
	v30 =	vadd.s32 $0x13A47, v33;
	v55 =	vadd.s32 $0x13A49, v33;
	[tilespmem:v24+s12+$0x0] =	vst.idx.msk $0xffff, v27  }
0x22b: {  	v33 =	vsub.f32 $1.000000000e+00, v38;
	v29 =	vand.u32 $0xFFFFE, v29;
	v57 =	vor.u32 $0xCE0, v45;
	[tilespmem:v37+s13+$0x0] =	vst.idx.msk $0xffff, v0;
	v0 =	vld [tilespmem:$0x1FA00]  }
0x22c: {  	v32 =	vor.u32 $0xCF0, v45;
	v22 =	vadd.s32 s19, v29;
	v29 =	vmul.f32 s9, v17  }
0x22d: {  	v58 =	vor.u32 $0x24E0, v45;
	v31 =	vor.u32 $0x24F0, v45;
	v50 =	vmul.f32 v62, v33  }
0x22e: {  	v62 =	vadd.s32 s20, v5;
	v3 =	vand.u32 $0x3F80, v3;
	v25 =	vtrunc.f32 v29  }
0x22f: {  	v61 =	vor.u32 v10, v3;
	v3 =	vcvt.f32.s32 v25;
	v25 =	vadd.s32 s20, v19  }
0x230: {  	v23 =	vand.u32 $0x3F80, v28;
	v28 =	vmul.f32 s9, v11;
	v25 =	vand.u32 $0x3F80, v25;
	[tilespmem:v57+s12+$0x0] =	vst.idx.msk $0xffff, v0;
	v0 =	vld [tilespmem:$0x1FA10]  }
0x231: {  	v4 =	vmul.f32 v40, v33;
	v51 =	vand.u32 $0x3F80, v62;
	v62 =	vor.u32 v6, v25;
	v25 =	vld [tilespmem:$0x1FA20]  }
0x232: {  	v53 =	vor.u32 v12, v23;
	v23 =	vmul.f32 s9, v15;
	v2 =	vtrunc.f32 v28  }
0x233: {  	[tilespmem:$0x1F8F0] =	vst v26;
	v40 =	vmul.f32 v40, v38;
	v35 =	vadd.s32 s19, v21;
	v2 =	vcvt.f32.s32 v2  }
0x234: {  	v21 =	vor.u32 s20, v45;
	v43 =	vtrunc.f32 v23;
	v26 =	vcvt.s32.f32 v3;
	[tilespmem:v58+s12+$0x0] =	vst.idx.msk $0xffff, v30  }
0x235: {  	v48 =	vadd.s32 s19, v1;
	v24 =	vcvt.s32.f32 v2;
	v37 =	vcvt.f32.s32 v43;
	[tilespmem:v57+s13+$0x0] =	vst.idx.msk $0xffff, v0  }
0x236: {  	v1 =	vmul.f32 v59, v38;
	v26 =	vsub.f32 v29, v26;
	v2 =	vmul.u32 $0x9E3779B1, v2;
	[tilespmem:v32+s12+$0x0] =	vst.idx.msk $0xffff, v25  }
0x237: {  	v28 =	vsub.f32 v28, v24;
	v24 =	vmul.u32 $0x30025795, v3;
	v3 =	vcvt.s32.f32 v37;
	[tilespmem:v31+s12+$0x0] =	vst.idx.msk $0xffff, v55;
	v31 =	vld [tilespmem:$0x1FA30]  }
0x238: {  	v38 =	vadd.s32 s20, v7;
	v29 =	vadd.s32 $0x9E3779B1, v2;
	v43 =	vsub.f32 $1.000000000e+00, v26  }
0x239: {  	v57 =	vadd.s32 $0x1, v37;
	v0 =	vsub.f32 v23, v3;
	v23 =	vor.u32 v45, v51  }
0x23a: {  	v30 =	vxor.u32 v37, v2;
	v58 =	vsub.f32 $1.000000000e+00, v28;
	v2 =	vxor.u32 v2, v57  }
0x23b: {  	v20 =	vor.u32 s20, v8;
	v49 =	vor.u32 s20, v6;
	v27 =	vxor.u32 v24, v2  }
0x23c: {  	v51 =	vmul.f32 v43, v58;
	v27 =	vshll.u32 v27, $0x1;
	[tilespmem:v32+s13+$0x0] =	vst.idx.msk $0xffff, v31;
	v31 =	vadd.s32 s19, v46  }
0x23d: {  	v32 =	vmul.f32 v43, v28;
	v43 =	vand.u32 $0xFFFFE, v27;
	[tilespmem:v21+s12+$0x0] =	vst.idx.msk $0xffff, v31;
	v27 =	vor.u32 $0x1, v31  }
0x23e: {  	v3 =	vxor.u32 v24, v30;
	v37 =	vxor.u32 v37, v29;
	[tilespmem:v23+s12+$0x0] =	vst.idx.msk $0xffff, v27;
	v27 =	vand.u32 $0x3F80, v38  }
0x23f: {  	v46 =	vadd.s32 $0x30025795, v24;
	v23 =	vxor.u32 v57, v29;
	[tilespmem:v21+s13+$0x0] =	vst.idx.msk $0xffff, v4;
	v57 =	vor.u32 v8, v27  }
0x240: {  	v4 =	vxor.u32 v24, v37;
	v21 =	vxor.u32 v24, v23;
	v24 =	vld [tilespmem:$0x1FA40];
	[tilespmem:v49+s12+$0x0] =	vst.idx.msk $0xffff, v22;
	v22 =	vor.u32 $0x1, v22  }
0x241: {  	v44 =	vor.u32 s20, v10;
	v4 =	vshll.u32 v4, $0x1;
	[tilespmem:v62+s12+$0x0] =	vst.idx.msk $0xffff, v22  }
0x242: {  	s9 =	simm.s32 $0x197A44;
	v4 =	vand.u32 $0xFFFFE, v4;
	[tilespmem:v49+s13+$0x0] =	vst.idx.msk $0xffff, v40  }
0x243: {  	v56 =	vor.u32 $0x1, v42;
	v27 =	vadd.s32 s9, v4;
	v4 =	vxor.u32 v46, v30;
	[tilespmem:v20+s12+$0x0] =	vst.idx.msk $0xffff, v42  }
0x244: {  	v4 =	vshll.u32 v4, $0x1;
	[tilespmem:v57+s12+$0x0] =	vst.idx.msk $0xffff, v56  }
0x245: {  	v36 =	vld [tilespmem:$0x1FFB0];
	v30 =	vadd.s32 s19, v24;
	v24 =	vand.u32 $0xFFFFE, v4;
	v4 =	vxor.u32 v46, v37;
	[tilespmem:v20+s13+$0x0] =	vst.idx.msk $0xffff, v50  }
0x246: {  	v20 =	vor.u32 $0x1, v30;
	v4 =	vshll.u32 v4, $0x1;
	[tilespmem:v44+s12+$0x0] =	vst.idx.msk $0xffff, v30  }
0x247: {  	v62 =	vmul.f32 v58, v26;
	[tilespmem:v61+s12+$0x0] =	vst.idx.msk $0xffff, v20;
	v20 =	vmul.f32 v26, v28;
	v26 =	vand.u32 $0xFFFFE, v4;
	v4 =	vld [tilespmem:$0x1FA50]  }
0x248: {  	v34 =	vor.u32 s20, v12  }
0x249: {  	v63 =	vmul.f32 v60, v33;
	v54 =	vor.u32 s20, v14  }
0x24a: {  	v39 =	vadd.s32 s20, v36;
	v3 =	vshll.u32 v3, $0x1;
	v2 =	vxor.u32 v46, v2  }
0x24b: {  	v25 =	vand.u32 $0xFFFFE, v3;
	v3 =	vsub.f32 $1.000000000e+00, v0;
	v2 =	vshll.u32 v2, $0x1  }
0x24c: {  	v2 =	vand.u32 $0xFFFFE, v2;
	v22 =	vadd.s32 s19, v47;
	v46 =	vxor.u32 v46, v23;
	[tilespmem:v44+s13+$0x0] =	vst.idx.msk $0xffff, v4  }
0x24d: {  	v9 =	vld [tilespmem:$0x1FFE0];
	v21 =	vshll.u32 v21, $0x1;
	v47 =	vshll.u32 v46, $0x1;
	v28 =	vor.u32 $0x1, v22;
	[tilespmem:v34+s12+$0x0] =	vst.idx.msk $0xffff, v22  }
0x24e: {  	v49 =	vand.u32 $0xFFFFE, v21;
	v21 =	vmul.f32 v32, v0;
	[tilespmem:v53+s12+$0x0] =	vst.idx.msk $0xffff, v28;
	v28 =	vand.u32 $0xFFFFE, v47  }
0x24f: {  	v30 =	vmul.f32 v51, v0;
	v4 =	vmul.f32 v62, v0;
	[tilespmem:v34+s13+$0x0] =	vst.idx.msk $0xffff, v63;
	v46 =	vadd.s32 s9, v28;
	v28 =	vld [tilespmem:$0x1FA60]  }
0x250: {  	v44 =	vmul.f32 v20, v0;
	v0 =	vor.u32 $0x1, v35;
	[tilespmem:v54+s12+$0x0] =	vst.idx.msk $0xffff, v35;
	v35 =	vadd.s32 s9, v2;
	v2 =	vld [tilespmem:$0x1FA70]  }
0x251: {  	v23 =	vmul.f32 v62, v3;
	v50 =	vand.u32 $0x3F80, v39;
	v62 =	vor.u32 s20, v16  }
0x252: {  	v60 =	vadd.s32 s20, v9;
	v29 =	vmul.f32 v51, v3;
	v57 =	vor.u32 v16, v50  }
0x253: {  	s2 =	simm.s32 $0xD80;
	v31 =	vor.u32 $0x1, v27;
	v61 =	vor.u32 s20, v18;
	v22 =	vmul.f32 v32, v3  }
0x254: {  	v32 =	vor.u32 s2, v12;
	v47 =	vmul.f32 v59, v33;
	v33 =	vor.u32 s2, v14;
	[tilespmem:v52+s12+$0x0] =	vst.idx.msk $0xffff, v0  }
0x255: {  	v59 =	vor.u32 $0x1, v48;
	v0 =	vand.u32 $0x3F80, v60;
	v51 =	vadd.s32 s19, v28;
	[tilespmem:v54+s13+$0x0] =	vst.idx.msk $0xffff, v2  }
0x256: {  	v34 =	vadd.s32 s2, v36;
	v63 =	vor.u32 v18, v0;
	v58 =	vor.u32 $0x1, v51;
	[tilespmem:v62+s12+$0x0] =	vst.idx.msk $0xffff, v51  }
0x257: {  	s18 =	simm.s32 $0xE00;
	s17 =	simm.s32 $0x197A44;
	v28 =	vadd.s32 s2, v9;
	s19 =	simm.s32 $0x4;
	v9 =	vmovc v7;
	v54 =	vor.u32 s2, v45;
	[tilespmem:v57+s12+$0x0] =	vst.idx.msk $0xffff, v58;
	v57 =	vadd.s32 s2, v41  }
.LBB2_7:
0x258: {  	v2 =	vld [tilespmem:$0x1FFD0]  }
0x259: {  	s21 =	sshll.u32 s14, s19;
	v0 =	vadd.s32 s9, v43;
	v36 =	vand.u32 $0x3F80, v57  }
0x25a: {  	v37 =	vadd.s32 s2, v9;
	v57 =	vor.u32 s2, v10;
	v38 =	vadd.s32 s2, v13;
	s21 =	scvt.s32.f32 s21  }
0x25b: {  	v41 =	vor.u32 s2, v6;
	v60 =	vadd.s32 s2, v19;
	v51 =	vadd.s32 s2, v5  }
0x25c: {  	[tilespmem:v62+s13+$0x0] =	vst.idx.msk $0xffff, v47;
	v47 =	vor.u32 v14, v36;
	v39 =	vmul.f32 s21, v11;
	v40 =	vmul.f32 s21, v17  }
0x25d: {  	v36 =	vor.u32 s2, v8;
	v38 =	vand.u32 $0x3F80, v38;
	[tilespmem:v61+s12+$0x0] =	vst.idx.msk $0xffff, v48;
	v2 =	vadd.s32 s2, v2  }
0x25e: {  	[tilespmem:v63+s12+$0x0] =	vst.idx.msk $0xffff, v59;
	v42 =	vtrunc.f32 v39;
	v59 =	vtrunc.f32 v40;
	v2 =	vand.u32 $0x3F80, v2  }
0x25f: {  	v48 =	vmovc v46;
	v42 =	vcvt.f32.s32 v42;
	v46 =	vor.u32 v12, v2;
	v2 =	vmul.f32 s21, v15  }
0x260: {  	v51 =	vand.u32 $0x3F80, v51;
	v37 =	vand.u32 $0x3F80, v37;
	v43 =	vcvt.f32.s32 v59  }
0x261: {  	v38 =	vor.u32 v10, v38;
	v52 =	vcvt.s32.f32 v42;
	v50 =	vtrunc.f32 v2  }
0x262: {  	v53 =	vcvt.s32.f32 v43;
	v42 =	vmul.u32 $0x9E3779B1, v42;
	v50 =	vcvt.f32.s32 v50  }
0x263: {  	v51 =	vor.u32 v45, v51;
	[tilespmem:v61+s13+$0x0] =	vst.idx.msk $0xffff, v1;
	v39 =	vsub.f32 v39, v52;
	v52 =	vmul.u32 $0x30025795, v43  }
0x264: {  	v1 =	vmovc v44;
	v44 =	vand.u32 $0x3F80, v60;
	v40 =	vsub.f32 v40, v53;
	v53 =	vxor.u32 v50, v42  }
0x265: {  	v37 =	vor.u32 v8, v37;
	v44 =	vor.u32 v6, v44;
	v62 =	vxor.u32 v52, v53  }
0x266: {  	v55 =	vadd.s32 $0x9E3779B1, v42;
	v43 =	vshll.u32 v62, $0x1;
	v62 =	vadd.s32 s17, v25  }
0x267: {  	v61 =	vcvt.s32.f32 v50;
	v56 =	vadd.s32 $0x1, v50;
	[tilespmem:v54+s12+$0x0] =	vst.idx.msk $0xffff, v62;
	v62 =	vor.u32 $0x1, v62  }
0x268: {  	v58 =	vsub.f32 $1.000000000e+00, v39;
	v50 =	vxor.u32 v50, v55;
	v42 =	vxor.u32 v42, v56;
	[tilespmem:v51+s12+$0x0] =	vst.idx.msk $0xffff, v62  }
0x269: {  	v59 =	vsub.f32 $1.000000000e+00, v40;
	v55 =	vxor.u32 v56, v55;
	v2 =	vsub.f32 v2, v61;
	[tilespmem:v54+s13+$0x0] =	vst.idx.msk $0xffff, v29  }
0x26a: {  	v63 =	vxor.u32 v52, v50;
	v56 =	vadd.s32 $0x30025795, v52;
	[tilespmem:v41+s12+$0x0] =	vst.idx.msk $0xffff, v0;
	v0 =	vor.u32 $0x1, v0  }
0x26b: {  	v60 =	vmul.f32 v59, v58;
	v61 =	vxor.u32 v52, v42;
	v45 =	vsub.f32 $1.000000000e+00, v2;
	[tilespmem:v44+s12+$0x0] =	vst.idx.msk $0xffff, v0  }
0x26c: {  	v43 =	vand.u32 $0xFFFFE, v43;
	v61 =	vshll.u32 v61, $0x1;
	v51 =	vshll.u32 v63, $0x1;
	[tilespmem:v41+s13+$0x0] =	vst.idx.msk $0xffff, v30  }
0x26d: {  	s9 =	sadd.s32 $0x100000, s9;
	v25 =	vmovc v43;
	v43 =	vand.u32 $0xFFFFE, v61;
	v51 =	vand.u32 $0xFFFFE, v51;
	v61 =	vmul.f32 v60, v45;
	[tilespmem:v36+s12+$0x0] =	vst.idx.msk $0xffff, v27  }
0x26e: {  	v0 =	vadd.s32 s9, v51;
	v30 =	vxor.u32 v56, v53;
	[tilespmem:v37+s12+$0x0] =	vst.idx.msk $0xffff, v31  }
0x26f: {  	v29 =	vmovc v61;
	v61 =	vor.u32 $0x1, v0;
	v27 =	vmovc v0;
	v0 =	vshll.u32 v30, $0x1;
	v30 =	vadd.s32 s17, v49;
	[tilespmem:v36+s13+$0x0] =	vst.idx.msk $0xffff, v22  }
0x270: {  	v22 =	vor.u32 $0x1, v30;
	[tilespmem:v57+s12+$0x0] =	vst.idx.msk $0xffff, v30  }
0x271: {  	v59 =	vmul.f32 v59, v39;
	v52 =	vxor.u32 v52, v55;
	[tilespmem:v38+s12+$0x0] =	vst.idx.msk $0xffff, v22  }
0x272: {  	v52 =	vshll.u32 v52, $0x1;
	v62 =	vadd.s32 s17, v24;
	v63 =	vmul.f32 v58, v40;
	[tilespmem:v57+s13+$0x0] =	vst.idx.msk $0xffff, v21  }
0x273: {  	v24 =	vand.u32 $0xFFFFE, v0;
	v0 =	vxor.u32 v56, v50;
	v50 =	vor.u32 $0x1, v62;
	[tilespmem:v32+s12+$0x0] =	vst.idx.msk $0xffff, v62  }
0x274: {  	v39 =	vmul.f32 v40, v39;
	v44 =	vand.u32 $0xFFFFE, v52;
	[tilespmem:v46+s12+$0x0] =	vst.idx.msk $0xffff, v50  }
0x275: {  	v51 =	vmul.f32 v59, v2;
	v53 =	vmul.f32 v63, v2;
	v49 =	vmov v44;
	[tilespmem:v32+s13+$0x0] =	vst.idx.msk $0xffff, v23  }
0x276: {  	v44 =	vmul.f32 v39, v2;
	v30 =	vmul.f32 v60, v2;
	v2 =	vor.u32 $0x1, v35;
	[tilespmem:v33+s12+$0x0] =	vst.idx.msk $0xffff, v35  }
0x277: {  	v7 =	vmov v5;
	v5 =	vlaneseq.u32;
	[tilespmem:v47+s12+$0x0] =	vst.idx.msk $0xffff, v2;
	v2 =	vld [tilespmem:$0x1FFE0]  }
0x278: {  	v34 =	vand.u32 $0x3F80, v34;
	v42 =	vxor.u32 v56, v42;
	v0 =	vshll.u32 v0, $0x1  }
0x279: {  	v54 =	vshll.u32 v42, $0x1;
	v56 =	vxor.u32 v56, v55;
	v0 =	vand.u32 $0xFFFFE, v0  }
0x27a: {  	v22 =	vmul.f32 v59, v45;
	v59 =	vadd.s32 s17, v26;
	v26 =	vmovc v0;
	v0 =	vand.u32 $0x3F80, v28  }
0x27b: {  	s20 =	smov.u32 s18;
	v36 =	vmul.f32 v63, v45;
	v63 =	vor.u32 v18, v0;
	v0 =	vld [tilespmem:$0x1FFC0];
	v62 =	vor.u32 s2, v16  }
0x27c: {  	p0 =	sne.s32 s18, $0x1180;
	v42 =	vshll.u32 v56, $0x1;
	v50 =	vor.u32 v16, v34;
	v28 =	vadd.s32 s20, v2;
	v2 =	vld [tilespmem:$0x1FFB0]  }
.Ltmp2:
0x27d: {  	v31 =	vmov v61;
	v61 =	vor.u32 s2, v18;
	v58 =	vand.u32 $0xFFFFE, v42;
	(pc) =	sbr.rel @p0 .LBB2_7-.Ltmp2, $4  }
0x27e: {  	v38 =	vand.u32 $0xFFFFE, v54;
	v21 =	vmovc v51;
	v51 =	vor.u32 $0x1, v59;
	s2 =	smov.u32 s20;
	v46 =	vadd.s32 s9, v58  }
0x27f: {  	v54 =	vor.u32 s2, v5;
	v5 =	vmovc v7;
	v32 =	vor.u32 s2, v12;
	v35 =	vadd.s32 s9, v38;
	[tilespmem:v33+s13+$0x0] =	vst.idx.msk $0xffff, v4  }
0x280: {  	v23 =	vmovc v36;
	v47 =	vmul.f32 v20, v3;
	v3 =	vmovc v45;
	v45 =	vlaneseq.u32;
	v57 =	vadd.s32 s2, v0;
	[tilespmem:v62+s12+$0x0] =	vst.idx.msk $0xffff, v59  }
0x281: {  	s18 =	sadd.s32 $0x80, s18;
	s19 =	sadd.s32 $0x1, s19;
	s17 =	smov.u32 s9;
	v20 =	vmovc v39;
	v4 =	vmovc v53;
	v33 =	vor.u32 s2, v14;
	v59 =	vor.u32 $0x1, v48;
	[tilespmem:v50+s12+$0x0] =	vst.idx.msk $0xffff, v51;
	v34 =	vadd.s32 s2, v2  }
0x282: {  	v2 =	vld [tilespmem:$0x1FFD0];
	_ =	sdelay $0x4  }
0x283: {  	v39 =	vadd.s32 s2, v5;
	v2 =	vadd.s32 s2, v2  }
0x284: {  	v39 =	vand.u32 $0x3F80, v39;
	v2 =	vand.u32 $0x3F80, v2  }
0x285: {  	[tilespmem:v62+s13+$0x0] =	vst.idx.msk $0xffff, v47;
	v42 =	vor.u32 v12, v2;
	v2 =	vor.u32 v45, v39  }
0x286: {  	v36 =	vand.u32 $0x3F80, v57;
	v57 =	vadd.s32 s2, v19;
	[tilespmem:v61+s12+$0x0] =	vst.idx.msk $0xffff, v48  }
0x287: {  	v0 =	vadd.s32 s9, v43;
	v56 =	vor.u32 s2, v6;
	v43 =	vand.u32 $0x3F80, v57;
	[tilespmem:v63+s12+$0x0] =	vst.idx.msk $0xffff, v59  }
0x288: {  	v25 =	vadd.s32 s17, v25;
	[tilespmem:v61+s13+$0x0] =	vst.idx.msk $0xffff, v1;
	v1 =	vor.u32 v6, v43  }
0x289: {  	v58 =	vor.u32 $0x1, v25;
	[tilespmem:v54+s12+$0x0] =	vst.idx.msk $0xffff, v25  }
0x28a: {  	[tilespmem:v2+s12+$0x0] =	vst.idx.msk $0xffff, v58  }
0x28b: {  	v5 =	vld [tilespmem:$0x1FD40];
	[tilespmem:v54+s13+$0x0] =	vst.idx.msk $0xffff, v29  }
0x28c: {  	v47 =	vadd.s32 s17, v26;
	v26 =	vld [tilespmem:$0x1F870];
	v2 =	vor.u32 $0x1, v0;
	[tilespmem:v56+s12+$0x0] =	vst.idx.msk $0xffff, v0  }
0x28d: {  	[tilespmem:v1+s12+$0x0] =	vst.idx.msk $0xffff, v2;
	v2 =	vld [tilespmem:$0x1FA90];
	_ =	sdelay $0x1  }
0x28e: {  	v37 =	vadd.s32 s2, v9  }
0x28f: {  	v40 =	vor.u32 s2, v8;
	v37 =	vand.u32 $0x3F80, v37  }
0x290: {  	v25 =	vor.u32 v8, v37;
	v26 =	vadd.s32 v5, v26;
	v5 =	vld [tilespmem:$0x1F880];
	v1 =	vand.u32 $0x3F80, v28  }
0x291: {  	[tilespmem:v56+s13+$0x0] =	vst.idx.msk $0xffff, v30;
	v30 =	vor.u32 v18, v1;
	v1 =	vld [tilespmem:$0x1FDB0];
	v2 =	vadd.s32 v2, v26  }
0x292: {  	v39 =	vshll.u32 v2, $0x1;
	v2 =	vld [tilespmem:$0x1FDA0];
	_ =	sdelay $0x2  }
0x293: {  	[tilespmem:v40+s12+$0x0] =	vst.idx.msk $0xffff, v27  }
0x294: {  	[tilespmem:v25+s12+$0x0] =	vst.idx.msk $0xffff, v31  }
0x295: {  	[tilespmem:v40+s13+$0x0] =	vst.idx.msk $0xffff, v22;
	v50 =	vmul.f32 v5, v1;
	v40 =	vmul.f32 v5, v2;
	v5 =	vld [tilespmem:$0x1F890];
	_ =	sdelay $0x2  }
0x296: {  	v41 =	vadd.s32 s2, v13  }
0x297: {  	v38 =	vor.u32 s2, v10;
	v41 =	vand.u32 $0x3F80, v41  }
0x298: {  	v37 =	vmul.f32 v5, v2;
	v57 =	vmul.f32 v5, v1;
	v5 =	vadd.s32 $0x8C6, v39  }
0x299: {  	v41 =	vor.u32 v10, v41;
	[tilespmem:$0x1F700] =	vst v5;
	v5 =	vld [tilespmem:$0x1F8A0];
	_ =	sdelay $0x2  }
0x29a: {  	v59 =	vadd.s32 s17, v49  }
0x29b: {  	v60 =	vor.u32 $0x1, v59;
	[tilespmem:v38+s12+$0x0] =	vst.idx.msk $0xffff, v59  }
0x29c: {  	[tilespmem:v41+s12+$0x0] =	vst.idx.msk $0xffff, v60;
	v41 =	vmul.f32 v5, v2;
	v58 =	vmul.f32 v5, v1;
	v5 =	vld [tilespmem:$0x1F8B0];
	_ =	sdelay $0x4  }
0x29d: {  	v24 =	vadd.s32 s17, v24;
	[tilespmem:v38+s13+$0x0] =	vst.idx.msk $0xffff, v21;
	v1 =	vmul.f32 v5, v1  }
0x29e: {  	[tilespmem:v32+s12+$0x0] =	vst.idx.msk $0xffff, v24;
	v2 =	vmul.f32 v5, v2  }
0x29f: {  	v36 =	vor.u32 v14, v36;
	[tilespmem:$0x1F710] =	vst v1;
	v1 =	vld [tilespmem:$0x1FDF0]  }
0x2a0: {  	v61 =	vor.u32 $0x1, v24;
	[tilespmem:$0x1F6F0] =	vst v2;
	v2 =	vld [tilespmem:$0x1F8C0]  }
0x2a1: {  	[tilespmem:v42+s12+$0x0] =	vst.idx.msk $0xffff, v61  }
0x2a2: {  	[tilespmem:v32+s13+$0x0] =	vst.idx.msk $0xffff, v23  }
0x2a3: {  	v48 =	vor.u32 $0x1, v35;
	[tilespmem:v33+s12+$0x0] =	vst.idx.msk $0xffff, v35  }
0x2a4: {  	[tilespmem:v36+s12+$0x0] =	vst.idx.msk $0xffff, v48  }
0x2a5: {  	v34 =	vand.u32 $0x3F80, v34;
	v29 =	vor.u32 s2, v16;
	[tilespmem:v33+s13+$0x0] =	vst.idx.msk $0xffff, v4;
	v4 =	vadd.s32 v1, v2;
	v1 =	vld [tilespmem:$0x1FAC0]  }
0x2a6: {  	v0 =	vor.u32 v16, v34;
	_ =	sdelay $0x3  }
0x2a7: {  	v3 =	vmul.f32 v20, v3;
	v49 =	vor.u32 $0x1, v47;
	[tilespmem:v29+s12+$0x0] =	vst.idx.msk $0xffff, v47;
	v4 =	vadd.s32 v1, v4  }
0x2a8: {  	[tilespmem:v0+s12+$0x0] =	vst.idx.msk $0xffff, v49;
	v0 =	vshll.u32 v4, $0x1  }
0x2a9: {  	[tilespmem:v29+s13+$0x0] =	vst.idx.msk $0xffff, v3;
	v1 =	vadd.s32 $0x118C2, v0  }
0x2aa: {  	[tilespmem:$0x1F720] =	vst v1;
	v1 =	vadd.s32 $0x118C4, v0  }
0x2ab: {  	[tilespmem:$0x1F730] =	vst v1;
	v1 =	vadd.s32 $0x11944, v0  }
0x2ac: {  	v3 =	vld [tilespmem:$0x1F8D0];
	[tilespmem:$0x1F750] =	vst v1;
	v1 =	vadd.s32 $0x11946, v0  }
0x2ad: {  	v2 =	vld [tilespmem:$0x1FE50];
	[tilespmem:$0x1F770] =	vst v1;
	v1 =	vadd.s32 $0x139C4, v0  }
0x2ae: {  	v28 =	vor.u32 s2, v18;
	[tilespmem:$0x1F790] =	vst v1;
	v1 =	vld [tilespmem:$0x1FE60];
	_ =	sdelay $0x4  }
0x2af: {  	v20 =	vor.u32 $0x1, v46;
	[tilespmem:v28+s12+$0x0] =	vst.idx.msk $0xffff, v46;
	v46 =	vmul.f32 v3, v2;
	v3 =	vmul.f32 v3, v1  }
0x2b0: {  	v15 =	vlaneseq.u32  }
0x2b1: {  	v38 =	vor.u32 $0x1200, v15;
	[tilespmem:$0x1F740] =	vst v3;
	v3 =	vadd.s32 $0x139C6, v0  }
0x2b2: {  	v53 =	vor.u32 $0x2A00, v15;
	[tilespmem:$0x1F7B0] =	vst v3;
	v3 =	vld [tilespmem:$0x1F8E0];
	_ =	sdelay $0x1  }
0x2b3: {  	[tilespmem:v30+s12+$0x0] =	vst.idx.msk $0xffff, v20  }
0x2b4: {  	[tilespmem:v28+s13+$0x0] =	vst.idx.msk $0xffff, v44  }
0x2b5: {  	v56 =	vor.u32 $0x1210, v15;
	v52 =	vor.u32 $0x1, v39;
	[tilespmem:v38+s12+$0x0] =	vst.idx.msk $0xffff, v39  }
0x2b6: {  	v59 =	vor.u32 $0x2A10, v15;
	[tilespmem:v53+s12+$0x0] =	vst.idx.msk $0xffff, v52;
	v4 =	vmul.f32 v3, v2;
	v3 =	vmul.f32 v3, v1  }
0x2b7: {  	[tilespmem:v38+s13+$0x0] =	vst.idx.msk $0xffff, v40  }
0x2b8: {  	v60 =	vor.u32 $0x1220, v15;
	[tilespmem:$0x1F780] =	vst v3;
	v3 =	vadd.s32 $0x13A46, v0  }
0x2b9: {  	v27 =	vadd.s32 $0x2, v39;
	[tilespmem:$0x1F7D0] =	vst v3;
	v3 =	vld [tilespmem:$0x1F8F0]  }
0x2ba: {  	v42 =	vadd.s32 $0x3, v39;
	v61 =	vor.u32 $0x2A20, v15;
	[tilespmem:v56+s12+$0x0] =	vst.idx.msk $0xffff, v27  }
0x2bb: {  	[tilespmem:v59+s12+$0x0] =	vst.idx.msk $0xffff, v42  }
0x2bc: {  	v31 =	vadd.s32 $0x42, v39;
	[tilespmem:v56+s13+$0x0] =	vst.idx.msk $0xffff, v50  }
0x2bd: {  	v62 =	vor.u32 $0x1230, v15;
	[tilespmem:v60+s12+$0x0] =	vst.idx.msk $0xffff, v31  }
0x2be: {  	v32 =	vadd.s32 $0x43, v39;
	[tilespmem:$0x1F760] =	vst v4;
	v4 =	vmul.f32 v3, v2;
	v3 =	vmul.f32 v3, v1  }
0x2bf: {  	v22 =	vor.u32 $0x2A30, v15;
	[tilespmem:v61+s12+$0x0] =	vst.idx.msk $0xffff, v32  }
0x2c0: {  	s18 =	simm.s32 $0x80;
	[tilespmem:$0x1F7C0] =	vst v3;
	v3 =	vadd.s32 $0x13A48, v0  }
0x2c1: {  	s2 =	scvt.s32.f32 s18;
	v21 =	vor.u32 $0x1240, v15;
	[tilespmem:$0x1F800] =	vst v3;
	v3 =	vld [tilespmem:$0x1F900]  }
0x2c2: {  	v51 =	vadd.s32 $0x44, v39;
	v23 =	vor.u32 $0x2A40, v15;
	[tilespmem:v60+s13+$0x0] =	vst.idx.msk $0xffff, v37  }
0x2c3: {  	v35 =	vadd.s32 $0x45, v39;
	v31 =	vmul.f32 s2, v11;
	[tilespmem:v62+s12+$0x0] =	vst.idx.msk $0xffff, v51  }
0x2c4: {  	v63 =	vld [tilespmem:$0x1F860];
	v45 =	vor.u32 $0x1250, v15;
	v25 =	vor.u32 $0x2A60, v15;
	v54 =	vadd.s32 $0x882, v39;
	[tilespmem:v22+s12+$0x0] =	vst.idx.msk $0xffff, v35  }
0x2c5: {  	v55 =	vadd.s32 $0x884, v39;
	v26 =	vadd.s32 $0x8C4, v39;
	v51 =	vtrunc.f32 v31;
	[tilespmem:v62+s13+$0x0] =	vst.idx.msk $0xffff, v57  }
0x2c6: {  	v36 =	vadd.s32 $0x883, v39;
	v35 =	vcvt.f32.s32 v51;
	[tilespmem:v21+s12+$0x0] =	vst.idx.msk $0xffff, v54;
	v1 =	vmul.f32 v3, v1  }
0x2c7: {  	v24 =	vor.u32 $0x2A50, v15;
	v48 =	vor.u32 $0x1260, v15;
	[tilespmem:v23+s12+$0x0] =	vst.idx.msk $0xffff, v36;
	v2 =	vmul.f32 v3, v2  }
0x2c8: {  	v54 =	vcvt.s32.f32 v35;
	v40 =	vadd.s32 $0x118C3, v0;
	[tilespmem:$0x1F820] =	vst v1;
	v1 =	vmul.f32 s2, v17  }
0x2c9: {  	v59 =	vadd.s32 $0x11945, v0;
	v44 =	vadd.s32 $0x11947, v0;
	[tilespmem:$0x1F7F0] =	vst v2;
	v2 =	vmul.f32 s2, v63  }
0x2ca: {  	[tilespmem:v21+s13+$0x0] =	vst.idx.msk $0xffff, v41;
	v52 =	vadd.s32 $0x139C5, v0;
	v37 =	vadd.s32 $0x139C7, v0;
	v60 =	vtrunc.f32 v1  }
0x2cb: {  	[tilespmem:v45+s12+$0x0] =	vst.idx.msk $0xffff, v55;
	v22 =	vadd.s32 $0x13A47, v0;
	v62 =	vtrunc.f32 v2;
	v51 =	vcvt.f32.s32 v60  }
0x2cc: {  	[tilespmem:$0x1F7A0] =	vst v4;
	v4 =	vadd.s32 $0x118C5, v0;
	v0 =	vadd.s32 $0x13A49, v0;
	v62 =	vcvt.f32.s32 v62  }
0x2cd: {  	v33 =	vadd.s32 $0x885, v39;
	v35 =	vmul.u32 $0x9E3779B1, v35;
	[tilespmem:$0x1F810] =	vst v0;
	v0 =	vcvt.s32.f32 v51  }
0x2ce: {  	v34 =	vadd.s32 $0x8C5, v39;
	v21 =	vsub.f32 v31, v54;
	[tilespmem:v24+s12+$0x0] =	vst.idx.msk $0xffff, v33;
	v31 =	vcvt.s32.f32 v62  }
0x2cf: {  	[tilespmem:v45+s13+$0x0] =	vst.idx.msk $0xffff, v58;
	v41 =	vxor.u32 v62, v35;
	v0 =	vsub.f32 v1, v0;
	v1 =	vmul.u32 $0x30025795, v51  }
0x2d0: {  	[tilespmem:v48+s12+$0x0] =	vst.idx.msk $0xffff, v26;
	v51 =	vadd.s32 $0x9E3779B1, v35;
	v31 =	vsub.f32 v2, v31;
	v2 =	vadd.s32 $0x1, v62  }
0x2d1: {  	[tilespmem:v25+s12+$0x0] =	vst.idx.msk $0xffff, v34;
	v26 =	vxor.u32 v35, v2;
	v62 =	vxor.u32 v62, v51;
	v25 =	vadd.s32 $0x30025795, v1  }
0x2d2: {  	v2 =	vxor.u32 v2, v51;
	v51 =	vxor.u32 v1, v26;
	v45 =	vxor.u32 v25, v26;
	v26 =	vld [tilespmem:$0x1F6F0]  }
0x2d3: {  	v43 =	vadd.s32 $0x8C7, v39;
	v49 =	vor.u32 $0x1270, v15;
	v29 =	vor.u32 $0x2A70, v15;
	v54 =	vld [tilespmem:$0x1F700]  }
0x2d4: {  	v39 =	vor.u32 $0x1280, v15;
	v38 =	vor.u32 $0x2A80, v15;
	v23 =	vsub.f32 $1.000000000e+00, v21  }
0x2d5: {  	v33 =	vsub.f32 $1.000000000e+00, v0;
	v57 =	vxor.u32 v1, v41;
	v24 =	vxor.u32 v1, v62  }
0x2d6: {  	v1 =	vxor.u32 v1, v2;
	v58 =	vshll.u32 v57, $0x1;
	v41 =	vxor.u32 v25, v41  }
0x2d7: {  	v2 =	vxor.u32 v25, v2;
	v24 =	vshll.u32 v24, $0x1;
	v1 =	vshll.u32 v1, $0x1;
	[tilespmem:v48+s13+$0x0] =	vst.idx.msk $0xffff, v26  }
0x2d8: {  	v55 =	vmul.f32 v33, v23;
	v57 =	vand.u32 $0xFFFFE, v58;
	v58 =	vxor.u32 v25, v62;
	[tilespmem:v49+s12+$0x0] =	vst.idx.msk $0xffff, v54  }
0x2d9: {  	v25 =	vshll.u32 v51, $0x1;
	v24 =	vand.u32 $0xFFFFE, v24;
	v36 =	vand.u32 $0xFFFFE, v1;
	[tilespmem:v29+s12+$0x0] =	vst.idx.msk $0xffff, v43;
	v29 =	vld [tilespmem:$0x1F710]  }
0x2da: {  	s19 =	simm.s32 $0x97A44;
	v1 =	vmul.f32 v23, v0;
	v23 =	vld [tilespmem:$0x1F720];
	v51 =	vmul.f32 v0, v21;
	v0 =	vshll.u32 v41, $0x1  }
0x2db: {  	v54 =	vadd.s32 s19, v24;
	v24 =	vand.u32 $0xFFFFE, v0;
	v0 =	vshll.u32 v58, $0x1  }
0x2dc: {  	v0 =	vand.u32 $0xFFFFE, v0  }
0x2dd: {  	v27 =	vor.u32 $0x1290, v15;
	[tilespmem:$0x1F830] =	vst v0;
	v0 =	vld [tilespmem:$0x1F730]  }
0x2de: {  	[tilespmem:v49+s13+$0x0] =	vst.idx.msk $0xffff, v29  }
0x2df: {  	[tilespmem:v39+s12+$0x0] =	vst.idx.msk $0xffff, v23  }
0x2e0: {  	[tilespmem:v38+s12+$0x0] =	vst.idx.msk $0xffff, v40  }
0x2e1: {  	[tilespmem:v39+s13+$0x0] =	vst.idx.msk $0xffff, v46  }
0x2e2: {  	[tilespmem:v27+s12+$0x0] =	vst.idx.msk $0xffff, v0;
	v0 =	vmul.f32 v1, v31  }
0x2e3: {  	v3 =	vor.u32 $0x2A90, v15;
	v48 =	vmul.f32 v33, v21;
	v33 =	vld [tilespmem:$0x1FFE0]  }
0x2e4: {  	[tilespmem:$0x1F850] =	vst v0;
	v0 =	vld [tilespmem:$0x1F740];
	_ =	sdelay $0x3  }
0x2e5: {  	s20 =	simm.s32 $0x1300;
	[tilespmem:v3+s12+$0x0] =	vst.idx.msk $0xffff, v4  }
0x2e6: {  	[tilespmem:v27+s13+$0x0] =	vst.idx.msk $0xffff, v0;
	v0 =	vadd.s32 s20, v33  }
0x2e7: {  	v42 =	vor.u32 $0x12A0, v15;
	[tilespmem:$0x1F840] =	vst v0;
	v0 =	vld [tilespmem:$0x1F750];
	_ =	sdelay $0x3  }
0x2e8: {  	v20 =	vor.u32 $0x2AA0, v15  }
0x2e9: {  	[tilespmem:v42+s12+$0x0] =	vst.idx.msk $0xffff, v0;
	v0 =	vld [tilespmem:$0x1F760];
	_ =	sdelay $0x3  }
0x2ea: {  	[tilespmem:v20+s12+$0x0] =	vst.idx.msk $0xffff, v59  }
0x2eb: {  	[tilespmem:v42+s13+$0x0] =	vst.idx.msk $0xffff, v0;
	v0 =	vld [tilespmem:$0x1FFD0];
	_ =	sdelay $0x3  }
0x2ec: {  	v25 =	vand.u32 $0xFFFFE, v25  }
0x2ed: {  	v56 =	vor.u32 $0x12B0, v15;
	v20 =	vadd.s32 s19, v25;
	v25 =	vadd.s32 s20, v0;
	v0 =	vld [tilespmem:$0x1F770];
	_ =	sdelay $0x2  }
0x2ee: {  	v49 =	vld [tilespmem:$0x1FFC0]  }
0x2ef: {  	v26 =	vsub.f32 $1.000000000e+00, v31  }
0x2f0: {  	[tilespmem:v56+s12+$0x0] =	vst.idx.msk $0xffff, v0;
	v0 =	vld [tilespmem:$0x1FFF0]  }
0x2f1: {  	v41 =	vmul.f32 v1, v26;
	v1 =	vshll.u32 v45, $0x1  }
0x2f2: {  	v3 =	vand.u32 $0xFFFFE, v1  }
0x2f3: {  	v46 =	vadd.s32 s19, v3;
	v3 =	vadd.s32 s20, v49  }
0x2f4: {  	v28 =	vor.u32 $0x2AB0, v15;
	v3 =	vand.u32 $0x3F80, v3  }
0x2f5: {  	v38 =	vor.u32 v14, v3;
	v3 =	vadd.s32 s20, v0;
	v0 =	vld [tilespmem:$0x1F780];
	_ =	sdelay $0x3  }
0x2f6: {  	[tilespmem:v28+s12+$0x0] =	vst.idx.msk $0xffff, v44  }
0x2f7: {  	v47 =	vor.u32 $0x12C0, v15;
	[tilespmem:v56+s13+$0x0] =	vst.idx.msk $0xffff, v0;
	v0 =	vld [tilespmem:$0x1F790];
	_ =	sdelay $0x3  }
0x2f8: {  	v53 =	vor.u32 $0x2AC0, v15  }
0x2f9: {  	[tilespmem:v47+s12+$0x0] =	vst.idx.msk $0xffff, v0;
	v0 =	vld [tilespmem:$0x1F7A0];
	_ =	sdelay $0x3  }
0x2fa: {  	[tilespmem:v53+s12+$0x0] =	vst.idx.msk $0xffff, v52  }
0x2fb: {  	v32 =	vor.u32 $0x12D0, v15;
	[tilespmem:v47+s13+$0x0] =	vst.idx.msk $0xffff, v0;
	v0 =	vld [tilespmem:$0x1F7B0];
	_ =	sdelay $0x3  }
0x2fc: {  	v50 =	vor.u32 $0x2AD0, v15  }
0x2fd: {  	[tilespmem:v32+s12+$0x0] =	vst.idx.msk $0xffff, v0;
	v0 =	vld [tilespmem:$0x1F7C0];
	_ =	sdelay $0x3  }
0x2fe: {  	[tilespmem:v50+s12+$0x0] =	vst.idx.msk $0xffff, v37  }
0x2ff: {  	v30 =	vor.u32 $0x12E0, v15;
	[tilespmem:v32+s13+$0x0] =	vst.idx.msk $0xffff, v0;
	v0 =	vld [tilespmem:$0x1F7D0];
	_ =	sdelay $0x1  }
0x300: {  	s21 =	simm.s32 $0x100  }
0x301: {  	s9 =	scvt.s32.f32 s21;
	v60 =	vor.u32 $0x2AE0, v15;
	v2 =	vshll.u32 v2, $0x1  }
0x302: {  	[tilespmem:$0x1F7E0] =	vst v22;
	v21 =	vmul.f32 v55, v31;
	v62 =	vmul.f32 v48, v31;
	v1 =	vand.u32 $0xFFFFE, v2  }
0x303: {  	v2 =	vadd.s32 s19, v1;
	v1 =	vmul.f32 v51, v31;
	v31 =	vmul.f32 s9, v17;
	[tilespmem:v30+s12+$0x0] =	vst.idx.msk $0xffff, v0;
	v0 =	vld [tilespmem:$0x1F7E0]  }
0x304: {  	v29 =	vmul.f32 s9, v11  }
0x305: {  	v61 =	vor.u32 $0x12F0, v15;
	v58 =	vtrunc.f32 v31  }
0x306: {  	v39 =	vcvt.f32.s32 v58;
	v59 =	vtrunc.f32 v29;
	v25 =	vand.u32 $0x3F80, v25  }
0x307: {  	v44 =	vor.u32 v12, v25;
	v25 =	vmul.f32 s9, v63;
	v3 =	vand.u32 $0x3F80, v3  }
0x308: {  	v52 =	vor.u32 v10, v3;
	v3 =	vcvt.f32.s32 v59;
	v59 =	vadd.s32 s20, v19;
	[tilespmem:v60+s12+$0x0] =	vst.idx.msk $0xffff, v0;
	v0 =	vld [tilespmem:$0x1F7F0]  }
0x309: {  	v40 =	vand.u32 $0x3F80, v59;
	v59 =	vcvt.s32.f32 v39;
	v47 =	vtrunc.f32 v25  }
0x30a: {  	v53 =	vadd.s32 s20, v7;
	v58 =	vcvt.s32.f32 v3;
	v32 =	vcvt.f32.s32 v47  }
0x30b: {  	v22 =	vor.u32 $0x2AF0, v15;
	v53 =	vand.u32 $0x3F80, v53;
	v3 =	vmul.u32 $0x9E3779B1, v3  }
0x30c: {  	v37 =	vsub.f32 v29, v58;
	v50 =	vsub.f32 v31, v59;
	v29 =	vcvt.s32.f32 v32  }
0x30d: {  	v59 =	vadd.s32 $0x9E3779B1, v3;
	v58 =	vxor.u32 v32, v3;
	[tilespmem:v30+s13+$0x0] =	vst.idx.msk $0xffff, v0;
	v30 =	vadd.s32 $0x1, v32;
	v0 =	vld [tilespmem:$0x1F800]  }
0x30e: {  	v5 =	vsub.f32 v25, v29;
	v29 =	vor.u32 v15, v53;
	v53 =	vxor.u32 v3, v30;
	v3 =	vld [tilespmem:$0x1F810]  }
0x30f: {  	v31 =	vmul.u32 $0x30025795, v39;
	_ =	sdelay $0x1  }
0x310: {  	v25 =	vxor.u32 v31, v58  }
0x311: {  	v25 =	vshll.u32 v25, $0x1;
	[tilespmem:v61+s12+$0x0] =	vst.idx.msk $0xffff, v0  }
0x312: {  	[tilespmem:v22+s12+$0x0] =	vst.idx.msk $0xffff, v3;
	v3 =	vand.u32 $0xFFFFE, v25;
	v25 =	vld [tilespmem:$0x1F820]  }
0x313: {  	v4 =	vor.u32 s20, v15  }
0x314: {  	v34 =	vmul.f32 v55, v26  }
0x315: {  	v47 =	vor.u32 v6, v40;
	v40 =	vsub.f32 $1.000000000e+00, v50;
	v60 =	vsub.f32 $1.000000000e+00, v37  }
0x316: {  	v27 =	vadd.s32 s20, v9;
	v56 =	vor.u32 s20, v6;
	v22 =	vxor.u32 v31, v53  }
0x317: {  	v0 =	vmul.f32 v40, v60;
	v22 =	vshll.u32 v22, $0x1;
	[tilespmem:v61+s13+$0x0] =	vst.idx.msk $0xffff, v25;
	v25 =	vadd.s32 s19, v57  }
0x318: {  	v61 =	vmul.f32 v40, v37;
	v40 =	vand.u32 $0xFFFFE, v22;
	[tilespmem:v4+s12+$0x0] =	vst.idx.msk $0xffff, v25;
	v22 =	vor.u32 $0x1, v25  }
0x319: {  	v28 =	vor.u32 s20, v8;
	[tilespmem:v29+s12+$0x0] =	vst.idx.msk $0xffff, v22;
	v22 =	vand.u32 $0x3F80, v27  }
0x31a: {  	[tilespmem:v4+s13+$0x0] =	vst.idx.msk $0xffff, v34;
	v34 =	vor.u32 v8, v22  }
0x31b: {  	[tilespmem:v56+s12+$0x0] =	vst.idx.msk $0xffff, v20;
	v20 =	vor.u32 $0x1, v20  }
0x31c: {  	v43 =	vmul.f32 v48, v26;
	v42 =	vor.u32 s20, v10;
	[tilespmem:v47+s12+$0x0] =	vst.idx.msk $0xffff, v20  }
0x31d: {  	v48 =	vor.u32 s20, v12;
	v23 =	vor.u32 $0x1, v54;
	v39 =	vsub.f32 $1.000000000e+00, v5;
	[tilespmem:v56+s13+$0x0] =	vst.idx.msk $0xffff, v21  }
0x31e: {  	v32 =	vxor.u32 v32, v59;
	v30 =	vxor.u32 v30, v59;
	v59 =	vadd.s32 s19, v24;
	[tilespmem:v28+s12+$0x0] =	vst.idx.msk $0xffff, v54  }
0x31f: {  	v29 =	vmul.f32 v0, v39;
	v27 =	vadd.s32 $0x30025795, v31;
	v22 =	vxor.u32 v31, v30;
	[tilespmem:v34+s12+$0x0] =	vst.idx.msk $0xffff, v23  }
0x320: {  	v4 =	vxor.u32 v31, v32;
	v20 =	vshll.u32 v22, $0x1;
	v23 =	vadd.s32 s19, v36;
	[tilespmem:v28+s13+$0x0] =	vst.idx.msk $0xffff, v43  }
0x321: {  	v21 =	vand.u32 $0xFFFFE, v20;
	v20 =	vxor.u32 v27, v58;
	v28 =	vor.u32 $0x1, v23;
	[tilespmem:v42+s12+$0x0] =	vst.idx.msk $0xffff, v23  }
0x322: {  	v57 =	vxor.u32 v27, v53;
	v56 =	vxor.u32 v27, v30;
	v20 =	vshll.u32 v20, $0x1;
	[tilespmem:v52+s12+$0x0] =	vst.idx.msk $0xffff, v28  }
0x323: {  	v24 =	vand.u32 $0xFFFFE, v20;
	v20 =	vxor.u32 v27, v32;
	v32 =	vmul.f32 v0, v5;
	[tilespmem:v42+s13+$0x0] =	vst.idx.msk $0xffff, v62  }
0x324: {  	v0 =	vshll.u32 v57, $0x1;
	v57 =	vshll.u32 v56, $0x1;
	v28 =	vor.u32 $0x1, v59;
	[tilespmem:v48+s12+$0x0] =	vst.idx.msk $0xffff, v59  }
0x325: {  	s9 =	simm.s32 $0x197A44;
	[tilespmem:v44+s12+$0x0] =	vst.idx.msk $0xffff, v28;
	v28 =	vand.u32 $0xFFFFE, v57  }
0x326: {  	v45 =	vor.u32 s20, v14;
	v44 =	vadd.s32 s9, v28;
	v28 =	vld [tilespmem:$0x1F830]  }
0x327: {  	v35 =	vld [tilespmem:$0x1FFB0];
	v4 =	vshll.u32 v4, $0x1  }
0x328: {  	v4 =	vand.u32 $0xFFFFE, v4;
	v54 =	vmul.f32 v60, v50  }
0x329: {  	v25 =	vadd.s32 s9, v4;
	v23 =	vmul.f32 v50, v37  }
0x32a: {  	v4 =	vmul.f32 v61, v5;
	v27 =	vmul.f32 v54, v5;
	v0 =	vand.u32 $0xFFFFE, v0;
	[tilespmem:v48+s13+$0x0] =	vst.idx.msk $0xffff, v41  }
0x32b: {  	v42 =	vmul.f32 v23, v5;
	v5 =	vmovc v7;
	v7 =	vld [tilespmem:$0x1F840];
	[tilespmem:v45+s12+$0x0] =	vst.idx.msk $0xffff, v46;
	v59 =	vadd.s32 s19, v28;
	v28 =	vor.u32 $0x1, v46  }
0x32c: {  	v55 =	vadd.s32 s20, v35;
	[tilespmem:v38+s12+$0x0] =	vst.idx.msk $0xffff, v28;
	v28 =	vadd.s32 s9, v0;
	v0 =	vld [tilespmem:$0x1F850]  }
0x32d: {  	s2 =	simm.s32 $0x1380;
	v47 =	vor.u32 s20, v16;
	v58 =	vand.u32 $0x3F80, v55  }
0x32e: {  	v33 =	vadd.s32 s2, v33;
	v30 =	vmul.f32 v61, v39;
	v60 =	vor.u32 v16, v58  }
0x32f: {  	v22 =	vor.u32 $0x1, v25;
	v34 =	vadd.s32 s2, v35;
	v35 =	vor.u32 s2, v12  }
0x330: {  	v20 =	vshll.u32 v20, $0x1;
	v31 =	vmul.f32 v54, v39;
	v43 =	vor.u32 s2, v15  }
0x331: {  	v20 =	vand.u32 $0xFFFFE, v20;
	v41 =	vadd.s32 s2, v49;
	v62 =	vand.u32 $0x3F80, v7;
	[tilespmem:v45+s13+$0x0] =	vst.idx.msk $0xffff, v0  }
0x332: {  	v49 =	vor.u32 $0x1, v2;
	v48 =	vor.u32 v18, v62;
	v61 =	vor.u32 $0x1, v59;
	[tilespmem:v47+s12+$0x0] =	vst.idx.msk $0xffff, v59  }
0x333: {  	s17 =	simm.s32 $0x197A44;
	s18 =	simm.s32 $0x1400;
	v7 =	vmovc v19;
	v46 =	vor.u32 s20, v18;
	s19 =	simm.s32 $0x4;
	v45 =	vmul.f32 v51, v26;
	v26 =	vor.u32 s2, v14;
	[tilespmem:v60+s12+$0x0] =	vst.idx.msk $0xffff, v61  }
.LBB2_9:
0x334: {  	v0 =	vadd.s32 s9, v40  }
0x335: {  	v37 =	vand.u32 $0x3F80, v41;
	v38 =	vadd.s32 s2, v9;
	v59 =	vadd.s32 s2, v13  }
0x336: {  	s21 =	sshll.u32 s14, s19;
	v52 =	vadd.s32 s2, v5;
	v34 =	vand.u32 $0x3F80, v34;
	[tilespmem:v47+s13+$0x0] =	vst.idx.msk $0xffff, v45;
	v45 =	vor.u32 s2, v10  }
0x337: {  	v15 =	vld [tilespmem:$0x1FFD0];
	s21 =	scvt.s32.f32 s21;
	v41 =	vor.u32 v14, v37;
	v37 =	vor.u32 s2, v8;
	v40 =	vand.u32 $0x3F80, v59  }
0x338: {  	v59 =	vadd.s32 s2, v7;
	v52 =	vand.u32 $0x3F80, v52;
	v38 =	vand.u32 $0x3F80, v38  }
0x339: {  	[tilespmem:v46+s12+$0x0] =	vst.idx.msk $0xffff, v2;
	v50 =	vor.u32 v10, v40;
	v38 =	vor.u32 v8, v38;
	v60 =	vmul.f32 s21, v11  }
0x33a: {  	[tilespmem:v48+s12+$0x0] =	vst.idx.msk $0xffff, v49;
	v61 =	vmul.f32 s21, v17;
	v62 =	vmul.f32 s21, v63;
	v49 =	vand.u32 $0x3F80, v59  }
0x33b: {  	[tilespmem:v46+s13+$0x0] =	vst.idx.msk $0xffff, v1;
	v1 =	vmovc v42;
	v42 =	vor.u32 s2, v6;
	v49 =	vor.u32 v6, v49;
	v55 =	vtrunc.f32 v60  }
0x33c: {  	v36 =	vadd.s32 s2, v15;
	v56 =	vtrunc.f32 v61;
	v51 =	vtrunc.f32 v62  }
0x33d: {  	v15 =	vlaneseq.u32;
	v57 =	vcvt.f32.s32 v55;
	v58 =	vcvt.f32.s32 v56  }
0x33e: {  	v36 =	vand.u32 $0x3F80, v36;
	v51 =	vcvt.f32.s32 v51;
	v52 =	vor.u32 v15, v52  }
0x33f: {  	v2 =	vmovc v44;
	v44 =	vor.u32 v12, v36;
	v53 =	vcvt.s32.f32 v57;
	v54 =	vcvt.s32.f32 v58  }
0x340: {  	v40 =	vmul.u32 $0x9E3779B1, v57;
	v46 =	vmul.u32 $0x30025795, v58;
	v56 =	vadd.s32 $0x1, v51  }
0x341: {  	v47 =	vsub.f32 v60, v53;
	v48 =	vsub.f32 v61, v54;
	v60 =	vcvt.s32.f32 v51  }
0x342: {  	v54 =	vxor.u32 v51, v40;
	v55 =	vadd.s32 $0x9E3779B1, v40;
	v59 =	vxor.u32 v40, v56  }
0x343: {  	v61 =	vxor.u32 v46, v54;
	v51 =	vxor.u32 v51, v55;
	v55 =	vxor.u32 v56, v55  }
0x344: {  	v56 =	vadd.s32 $0x30025795, v46;
	v57 =	vsub.f32 $1.000000000e+00, v47;
	v58 =	vsub.f32 $1.000000000e+00, v48  }
0x345: {  	v36 =	vsub.f32 v62, v60;
	v53 =	vshll.u32 v61, $0x1;
	v62 =	vadd.s32 s17, v3  }
0x346: {  	v40 =	vand.u32 $0xFFFFE, v53;
	v53 =	vxor.u32 v46, v59;
	[tilespmem:v43+s12+$0x0] =	vst.idx.msk $0xffff, v62;
	v62 =	vor.u32 $0x1, v62  }
0x347: {  	v60 =	vmul.f32 v58, v57;
	v61 =	vsub.f32 $1.000000000e+00, v36;
	v58 =	vmul.f32 v58, v47;
	[tilespmem:v52+s12+$0x0] =	vst.idx.msk $0xffff, v62  }
0x348: {  	v53 =	vshll.u32 v53, $0x1;
	v62 =	vxor.u32 v46, v51;
	v46 =	vxor.u32 v46, v55;
	[tilespmem:v43+s13+$0x0] =	vst.idx.msk $0xffff, v29  }
0x349: {  	v3 =	vmovc v40;
	v57 =	vmul.f32 v57, v48;
	v40 =	vand.u32 $0xFFFFE, v53;
	[tilespmem:v42+s12+$0x0] =	vst.idx.msk $0xffff, v0;
	v0 =	vor.u32 $0x1, v0  }
0x34a: {  	v52 =	vshll.u32 v62, $0x1;
	v46 =	vshll.u32 v46, $0x1;
	v53 =	vmul.f32 v60, v61;
	[tilespmem:v49+s12+$0x0] =	vst.idx.msk $0xffff, v0  }
0x34b: {  	s9 =	sadd.s32 $0x100000, s9;
	v43 =	vand.u32 $0xFFFFE, v52;
	v52 =	vxor.u32 v56, v59;
	v59 =	vxor.u32 v56, v54;
	[tilespmem:v42+s13+$0x0] =	vst.idx.msk $0xffff, v32  }
0x34c: {  	v54 =	vxor.u32 v56, v55;
	v0 =	vadd.s32 s9, v43;
	v43 =	vand.u32 $0xFFFFE, v46;
	[tilespmem:v37+s12+$0x0] =	vst.idx.msk $0xffff, v25  }
0x34d: {  	v46 =	vmul.f32 v58, v36;
	v49 =	vadd.s32 s17, v24;
	v62 =	vor.u32 $0x1, v0;
	[tilespmem:v38+s12+$0x0] =	vst.idx.msk $0xffff, v22  }
0x34e: {  	v32 =	vmul.f32 v60, v36;
	v25 =	vmovc v0;
	v0 =	vshll.u32 v59, $0x1;
	v59 =	vadd.s32 s17, v21;
	[tilespmem:v37+s13+$0x0] =	vst.idx.msk $0xffff, v30  }
0x34f: {  	v29 =	vmovc v53;
	v24 =	vand.u32 $0xFFFFE, v0;
	v0 =	vxor.u32 v56, v51;
	v30 =	vor.u32 $0x1, v59;
	[tilespmem:v45+s12+$0x0] =	vst.idx.msk $0xffff, v59  }
0x350: {  	v19 =	vld [tilespmem:$0x1FFE0];
	v53 =	vshll.u32 v52, $0x1;
	v21 =	vmovc v43;
	v43 =	vmul.f32 v57, v36;
	v0 =	vshll.u32 v0, $0x1;
	[tilespmem:v50+s12+$0x0] =	vst.idx.msk $0xffff, v30  }
0x351: {  	v22 =	vmovc v62;
	v62 =	vor.u32 $0x1, v49;
	v37 =	vmul.f32 v57, v61;
	v0 =	vand.u32 $0xFFFFE, v0;
	[tilespmem:v45+s13+$0x0] =	vst.idx.msk $0xffff, v4  }
0x352: {  	v30 =	vmul.f32 v58, v61;
	v58 =	vadd.s32 s17, v20;
	v20 =	vmovc v0;
	v0 =	vand.u32 $0x3F80, v33;
	[tilespmem:v35+s12+$0x0] =	vst.idx.msk $0xffff, v49  }
0x353: {  	v57 =	vmul.f32 v48, v47;
	v47 =	vor.u32 s2, v16;
	v48 =	vor.u32 v18, v0;
	v0 =	vld [tilespmem:$0x1FFC0];
	[tilespmem:v44+s12+$0x0] =	vst.idx.msk $0xffff, v62  }
0x354: {  	p0 =	sne.s32 s18, $0x1780;
	s20 =	smov.u32 s18;
	v55 =	vand.u32 $0xFFFFE, v53;
	v56 =	vshll.u32 v54, $0x1;
	v59 =	vor.u32 v16, v34;
	v62 =	vld [tilespmem:$0x1FFB0];
	[tilespmem:v35+s13+$0x0] =	vst.idx.msk $0xffff, v31  }
.Ltmp3:
0x355: {  	v42 =	vand.u32 $0xFFFFE, v56;
	v33 =	vadd.s32 s20, v19;
	[tilespmem:v26+s12+$0x0] =	vst.idx.msk $0xffff, v28;
	v28 =	vor.u32 $0x1, v28;
	(pc) =	sbr.rel @p0 .LBB2_9-.Ltmp3, $4  }
0x356: {  	v4 =	vmovc v46;
	v60 =	vor.u32 $0x1, v58;
	v46 =	vor.u32 s2, v18;
	v45 =	vmul.f32 v23, v39;
	[tilespmem:v41+s12+$0x0] =	vst.idx.msk $0xffff, v28  }
0x357: {  	s2 =	smov.u32 s20;
	v49 =	vor.u32 $0x1, v2;
	v44 =	vadd.s32 s9, v42;
	v42 =	vmul.f32 v57, v36;
	[tilespmem:v26+s13+$0x0] =	vst.idx.msk $0xffff, v27  }
0x358: {  	v39 =	vmovc v61;
	v23 =	vmovc v57;
	v35 =	vor.u32 s2, v12;
	v28 =	vadd.s32 s9, v55;
	v41 =	vadd.s32 s2, v0;
	[tilespmem:v47+s12+$0x0] =	vst.idx.msk $0xffff, v58  }
0x359: {  	s18 =	sadd.s32 $0x80, s18;
	s19 =	sadd.s32 $0x1, s19;
	s17 =	smov.u32 s9;
	v31 =	vmovc v37;
	v27 =	vmovc v43;
	v43 =	vor.u32 s2, v15;
	v26 =	vor.u32 s2, v14;
	v34 =	vadd.s32 s2, v62;
	[tilespmem:v59+s12+$0x0] =	vst.idx.msk $0xffff, v60  }
0x35a: {  	_ =	sdelay $0x1  }
0x35b: {  	v0 =	vadd.s32 s2, v5  }
0x35c: {  	v38 =	vlaneseq.u32;
	v0 =	vand.u32 $0x3F80, v0  }
0x35d: {  	[tilespmem:v47+s13+$0x0] =	vst.idx.msk $0xffff, v45;
	v0 =	vor.u32 v38, v0  }
0x35e: {  	[tilespmem:v46+s12+$0x0] =	vst.idx.msk $0xffff, v2;
	v2 =	vadd.s32 s2, v7  }
0x35f: {  	v36 =	vor.u32 s2, v6;
	[tilespmem:v48+s12+$0x0] =	vst.idx.msk $0xffff, v49;
	v2 =	vand.u32 $0x3F80, v2  }
0x360: {  	[tilespmem:v46+s13+$0x0] =	vst.idx.msk $0xffff, v1;
	v1 =	vor.u32 v6, v2;
	v2 =	vadd.s32 s17, v3  }
0x361: {  	v3 =	vadd.s32 s2, v9;
	[tilespmem:v43+s12+$0x0] =	vst.idx.msk $0xffff, v2;
	v2 =	vor.u32 $0x1, v2  }
0x362: {  	v37 =	vor.u32 s2, v8;
	v11 =	vld [tilespmem:$0x1FFD0];
	[tilespmem:v0+s12+$0x0] =	vst.idx.msk $0xffff, v2;
	v0 =	vand.u32 $0x3F80, v3  }
0x363: {  	v2 =	vadd.s32 s9, v40;
	[tilespmem:v43+s13+$0x0] =	vst.idx.msk $0xffff, v29;
	v0 =	vor.u32 v8, v0  }
0x364: {  	v3 =	vadd.s32 s2, v13;
	[tilespmem:v36+s12+$0x0] =	vst.idx.msk $0xffff, v2;
	v2 =	vor.u32 $0x1, v2  }
0x365: {  	v29 =	vor.u32 s2, v10;
	v3 =	vand.u32 $0x3F80, v3;
	[tilespmem:v1+s12+$0x0] =	vst.idx.msk $0xffff, v2  }
0x366: {  	v1 =	vor.u32 v10, v3;
	[tilespmem:v36+s13+$0x0] =	vst.idx.msk $0xffff, v32  }
0x367: {  	v2 =	vadd.s32 s2, v11;
	[tilespmem:v37+s12+$0x0] =	vst.idx.msk $0xffff, v25  }
0x368: {  	v2 =	vand.u32 $0x3F80, v2;
	[tilespmem:v0+s12+$0x0] =	vst.idx.msk $0xffff, v22  }
0x369: {  	v0 =	vor.u32 v12, v2;
	v2 =	vadd.s32 s17, v21;
	[tilespmem:v37+s13+$0x0] =	vst.idx.msk $0xffff, v30  }
0x36a: {  	v3 =	vor.u32 $0x1, v2;
	[tilespmem:v29+s12+$0x0] =	vst.idx.msk $0xffff, v2  }
0x36b: {  	v2 =	vand.u32 $0x3F80, v41;
	[tilespmem:v1+s12+$0x0] =	vst.idx.msk $0xffff, v3  }
0x36c: {  	v1 =	vor.u32 v14, v2;
	v2 =	vadd.s32 s17, v24;
	[tilespmem:v29+s13+$0x0] =	vst.idx.msk $0xffff, v4  }
0x36d: {  	v3 =	vor.u32 $0x1, v2;
	[tilespmem:v35+s12+$0x0] =	vst.idx.msk $0xffff, v2  }
0x36e: {  	v2 =	vand.u32 $0x3F80, v34;
	[tilespmem:v0+s12+$0x0] =	vst.idx.msk $0xffff, v3;
	v0 =	vor.u32 s2, v16  }
0x36f: {  	v2 =	vor.u32 v16, v2;
	[tilespmem:v35+s13+$0x0] =	vst.idx.msk $0xffff, v31  }
0x370: {  	v3 =	vor.u32 $0x1, v28;
	[tilespmem:v26+s12+$0x0] =	vst.idx.msk $0xffff, v28  }
0x371: {  	[tilespmem:v1+s12+$0x0] =	vst.idx.msk $0xffff, v3;
	v1 =	vor.u32 s2, v18;
	v3 =	vand.u32 $0x3F80, v33  }
0x372: {  	v4 =	vadd.s32 s17, v20;
	[tilespmem:v26+s13+$0x0] =	vst.idx.msk $0xffff, v27;
	v3 =	vor.u32 v18, v3  }
0x373: {  	v21 =	vmul.f32 v23, v39;
	v20 =	vor.u32 $0x1, v4;
	[tilespmem:v0+s12+$0x0] =	vst.idx.msk $0xffff, v4  }
0x374: {  	[tilespmem:v2+s12+$0x0] =	vst.idx.msk $0xffff, v20  }
0x375: {  	[tilespmem:v0+s13+$0x0] =	vst.idx.msk $0xffff, v21  }
0x376: {  	v0 =	vor.u32 $0x1, v44;
	[tilespmem:v1+s12+$0x0] =	vst.idx.msk $0xffff, v44  }
0x377: {  	[tilespmem:v3+s12+$0x0] =	vst.idx.msk $0xffff, v0  }
0x378: {  	[tilespmem:v1+s13+$0x0] =	vst.idx.msk $0xffff, v42  }
0x379: {  	[tilespmem:s16], [sflag:$0x1] =	stream.indirect.gather [hbm4b:s4+s15], $0x1, s12, s15, $0xb8;
	[tilespmem:$0xBE00] =	vst v63  }
0x37a: {  	s18 =	simm.s32 $0xA000;
	s17 =	simm.s32 $0x5800  }
0x37b: {  	[tilespmem:s18], [sflag:$0x1] =	stream.indirect.gather [hbm4b:s4+s15], $0x1, s17, s15, $0xb8;
	[tilespmem:$0xBE00] =	vst v63  }
0x37c: {  	s19 =	simm.s32 $0x4600;
	s20 =	simm.s32 $0x8E00  }
0x37d: {  	[tilespmem:s20], [sflag:$0x1] =	stream.indirect.gather [hbm4b:s5+s15], $0x1, s19, s15, $0xb8;
	[tilespmem:$0xBE00] =	vst v63  }
0x37e: {  	s21 =	simm.s32 $0x5E00  }
0x37f: {  	[tilespmem:s22], [sflag:$0x1] =	stream.indirect.gather [hbm4b:s5+s15], $0x1, s21, s15, $0xb8;
	[tilespmem:$0xBE00] =	vst v63  }
0x380: {  	_ = 	snop  }
0x381: {  	[tilespmem:s24], [sflag:$0x1] =	stream.indirect.gather [hbm4b:s6+s15], $0x1, s23, s15, $0xb8;
	[tilespmem:$0xBE00] =	vst v63  }
0x382: {  	_ = 	snop  }
0x383: {  	[tilespmem:s26], [sflag:$0x1] =	stream.indirect.gather [hbm4b:s6+s15], $0x1, s25, s15, $0xb8;
	[tilespmem:$0xBE00] =	vst v63  }
0x384: {  	_ = 	snop  }
0x385: {  	[tilespmem:s29], [sflag:$0x1] =	stream.indirect.gather [hbm4b:s7+s15], $0x1, s28, s15, $0xb8;
	[tilespmem:$0xBE00] =	vst v63  }
0x386: {  	_ = 	snop  }
0x387: {  	[tilespmem:s31], [sflag:$0x1] =	stream.indirect.gather [hbm4b:s7+s15], $0x1, s30, s15, $0xb8;
	[tilespmem:$0xBE00] =	vst v63  }
0x388: {  	_ =	swait.ge [sflag:s0], $0x600  }
0x389: {  	[sflag:s0] =	ssyncset.done $0x0  }
0x38a: {  	[sflag:s0] =	ssyncadd.s32 $0xFFFFFA00  }
0x38b: {  	_ =	swait.ge [sflag:s0], $0x600  }
0x38c: {  	[sflag:s0] =	ssyncset.done $0x0  }
0x38d: {  	[sflag:s0] =	ssyncadd.s32 $0xFFFFFA00  }
0x38e: {  	_ =	swait.ge [sflag:s0], $0x600  }
0x38f: {  	[sflag:s0] =	ssyncset.done $0x0  }
0x390: {  	[sflag:s0] =	ssyncadd.s32 $0xFFFFFA00  }
0x391: {  	_ =	swait.ge [sflag:s0], $0x600  }
0x392: {  	[sflag:s0] =	ssyncset.done $0x0  }
0x393: {  	[sflag:s0] =	ssyncadd.s32 $0xFFFFFA00  }
0x394: {  	_ =	swait.ge [sflag:s0], $0x600  }
0x395: {  	[sflag:s0] =	ssyncset.done $0x0  }
0x396: {  	[sflag:s0] =	ssyncadd.s32 $0xFFFFFA00  }
0x397: {  	_ =	swait.ge [sflag:s0], $0x600  }
0x398: {  	[sflag:s0] =	ssyncset.done $0x0  }
0x399: {  	[sflag:s0] =	ssyncadd.s32 $0xFFFFFA00  }
0x39a: {  	_ =	swait.ge [sflag:s0], $0x600  }
0x39b: {  	s9 =	simm.s32 $0x0;
	[sflag:s0] =	ssyncset.done $0x0  }
0x39c: {  	v0 =	vor.u32 s9, v18;
	[sflag:s0] =	ssyncadd.s32 $0xFFFFFA00  }
0x39d: {  	v1 =	vor.u32 s9, v16;
	_ =	swait.ge [sflag:s0], $0x600  }
0x39e: {  	v2 =	vor.u32 s9, v14;
	v15 =	vld [tilespmem:$0x1FFC0]  }
0x39f: {  	v3 =	vor.u32 s9, v12;
	[sflag:s0] =	ssyncset.done $0x0;
	v17 =	vld [tilespmem:$0x1FFB0]  }
0x3a0: {  	v48 =	vmov v13;
	v57 =	vadd.s32 s9, v13;
	v4 =	vor.u32 s9, v10;
	v13 =	vld [tilespmem:$0x1FFE0];
	[sflag:s0] =	ssyncadd.s32 $0xFFFFFA00  }
0x3a1: {  	v20 =	vor.u32 s9, v8;
	v21 =	vld.idx.msk [tilespmem:v0+s16+$0x0], $0xffff  }
0x3a2: {  	v22 =	vor.u32 s9, v6;
	v23 =	vld.idx.msk [tilespmem:v1+s16+$0x0], $0xffff  }
0x3a3: {  	v25 =	vadd.s32 s9, v5;
	v24 =	vor.u32 s9, v38;
	v26 =	vld.idx.msk [tilespmem:v2+s16+$0x0], $0xffff  }
0x3a4: {  	v25 =	vand.u32 $0x3F80, v25;
	v27 =	vld.idx.msk [tilespmem:v3+s16+$0x0], $0xffff  }
0x3a5: {  	v25 =	vor.u32 v38, v25;
	v28 =	vadd.s32 s9, v7;
	v29 =	vld.idx.msk [tilespmem:v4+s16+$0x0], $0xffff  }
0x3a6: {  	v28 =	vand.u32 $0x3F80, v28;
	v30 =	vld.idx.msk [tilespmem:v20+s16+$0x0], $0xffff  }
0x3a7: {  	v55 =	vadd.s32 s9, v9;
	v28 =	vor.u32 v6, v28;
	v31 =	vld.idx.msk [tilespmem:v22+s16+$0x0], $0xffff  }
0x3a8: {  	v32 =	vand.u32 $0x3F80, v55;
	v56 =	vld.idx.msk [tilespmem:v24+s16+$0x0], $0xffff  }
0x3a9: {  	v32 =	vor.u32 v8, v32;
	v24 =	vld.idx.msk [tilespmem:v24+s13+$0x0], $0xffff  }
0x3aa: {  	v34 =	vand.u32 $0x3F80, v57;
	v25 =	vld.idx.msk [tilespmem:v25+s16+$0x0], $0xffff  }
0x3ab: {  	v58 =	vadd.s32 s9, v11;
	v34 =	vor.u32 v10, v34;
	v22 =	vld.idx.msk [tilespmem:v22+s13+$0x0], $0xffff  }
0x3ac: {  	v35 =	vand.u32 $0x3F80, v58;
	v28 =	vld.idx.msk [tilespmem:v28+s16+$0x0], $0xffff  }
0x3ad: {  	v35 =	vor.u32 v12, v35;
	v20 =	vld.idx.msk [tilespmem:v20+s13+$0x0], $0xffff;
	v59 =	vadd.s32 s9, v15  }
0x3ae: {  	v32 =	vld.idx.msk [tilespmem:v32+s16+$0x0], $0xffff;
	v60 =	vadd.s32 s9, v17;
	v36 =	vand.u32 $0x3F80, v59;
	v33 =	vmul.f32 v56, v24  }
0x3af: {  	v4 =	vld.idx.msk [tilespmem:v4+s13+$0x0], $0xffff;
	v61 =	vadd.s32 s9, v13;
	v36 =	vor.u32 v14, v36;
	v24 =	vmul.f32 v25, v24  }
0x3b0: {  	v34 =	vld.idx.msk [tilespmem:v34+s16+$0x0], $0xffff;
	v25 =	vand.u32 $0x3F80, v60;
	v31 =	vmul.f32 v31, v22;
	v33 =	vadd.f32 $0.0e+00, v33  }
0x3b1: {  	v3 =	vld.idx.msk [tilespmem:v3+s13+$0x0], $0xffff;
	v22 =	vmul.f32 v28, v22;
	v25 =	vor.u32 v16, v25;
	v24 =	vadd.f32 $0.0e+00, v24  }
0x3b2: {  	v62 =	vand.u32 $0x3F80, v61;
	v28 =	vld.idx.msk [tilespmem:v35+s16+$0x0], $0xffff;
	v30 =	vmul.f32 v30, v20;
	v31 =	vadd.f32 v31, v33  }
0x3b3: {  	v2 =	vld.idx.msk [tilespmem:v2+s13+$0x0], $0xffff;
	v63 =	vor.u32 v18, v62;
	v20 =	vmul.f32 v32, v20;
	v22 =	vadd.f32 v22, v24  }
0x3b4: {  	v29 =	vmul.f32 v29, v4;
	v24 =	vld.idx.msk [tilespmem:v36+s16+$0x0], $0xffff;
	v30 =	vadd.f32 v30, v31  }
0x3b5: {  	v4 =	vmul.f32 v34, v4;
	v31 =	vld.idx.msk [tilespmem:v1+s13+$0x0], $0xffff;
	v1 =	vadd.f32 v20, v22  }
0x3b6: {  	v20 =	vld.idx.msk [tilespmem:v25+s16+$0x0], $0xffff;
	v25 =	vmul.f32 v27, v3;
	v22 =	vadd.f32 v29, v30  }
0x3b7: {  	v0 =	vld.idx.msk [tilespmem:v0+s13+$0x0], $0xffff;
	v3 =	vmul.f32 v28, v3;
	v4 =	vadd.f32 v4, v1  }
0x3b8: {  	v27 =	vld.idx.msk [tilespmem:v63+s16+$0x0], $0xffff;
	v1 =	vmul.u32 $0x60, v38;
	v22 =	vadd.f32 v25, v22;
	v25 =	vmul.f32 v26, v2  }
0x3b9: {  	v3 =	vadd.f32 v3, v4;
	v2 =	vmul.f32 v24, v2  }
0x3ba: {  	v24 =	vadd.s32 s9, v1;
	v4 =	vadd.f32 v25, v22;
	v22 =	vmul.f32 v23, v31  }
0x3bb: {  	v20 =	vmul.f32 v20, v31;
	v3 =	vadd.f32 v2, v3;
	v2 =	vor.u32 $0x1, v1  }
0x3bc: {  	s2 =	simm.s32 $0x80;
	v23 =	vmul.f32 v21, v0;
	v25 =	vadd.s32 s9, v2;
	v22 =	vadd.f32 v22, v4  }
0x3bd: {  	v0 =	vmul.f32 v27, v0;
	v4 =	vor.u32 s2, v18;
	v3 =	vadd.f32 v20, v3  }
0x3be: {  	v21 =	vor.u32 s2, v16;
	v20 =	vadd.f32 v23, v22  }
0x3bf: {  	v23 =	vor.u32 s2, v14;
	v0 =	vadd.f32 v0, v3  }
0x3c0: {  	[tilespmem:v24+s1+$0x0] =	vst.idx.msk $0xffff, v20;
	v24 =	vor.u32 s2, v12  }
0x3c1: {  	[tilespmem:v25+s1+$0x0] =	vst.idx.msk $0xffff, v0;
	v25 =	vor.u32 s2, v10  }
0x3c2: {  	v26 =	vor.u32 s2, v8;
	v3 =	vld.idx.msk [tilespmem:v4+s16+$0x0], $0xffff  }
0x3c3: {  	v27 =	vor.u32 s2, v6;
	v20 =	vld.idx.msk [tilespmem:v21+s16+$0x0], $0xffff  }
0x3c4: {  	v45 =	vlaneseq.u32;
	s17 =	simm.s32 $0x100;
	v28 =	vor.u32 s2, v38;
	v29 =	vadd.s32 s2, v5;
	v22 =	vld.idx.msk [tilespmem:v23+s16+$0x0], $0xffff  }
.LBB2_11:
0x3c5: {  	p0 =	sne.s32 s17, $0x1780;
	v0 =	vand.u32 $0x3F80, v29;
	v29 =	vld.idx.msk [tilespmem:v24+s16+$0x0], $0xffff  }
0x3c6: {  	v30 =	vadd.s32 s2, v7;
	v0 =	vor.u32 v45, v0;
	v31 =	vld.idx.msk [tilespmem:v25+s16+$0x0], $0xffff  }
0x3c7: {  	v30 =	vand.u32 $0x3F80, v30;
	v32 =	vld.idx.msk [tilespmem:v26+s16+$0x0], $0xffff  }
0x3c8: {  	v34 =	vadd.s32 s2, v9;
	v30 =	vor.u32 v6, v30;
	v33 =	vld.idx.msk [tilespmem:v27+s16+$0x0], $0xffff  }
0x3c9: {  	v34 =	vand.u32 $0x3F80, v34;
	v35 =	vld.idx.msk [tilespmem:v28+s16+$0x0], $0xffff  }
0x3ca: {  	v36 =	vadd.s32 s2, v48;
	v34 =	vor.u32 v8, v34;
	v28 =	vld.idx.msk [tilespmem:v28+s13+$0x0], $0xffff  }
0x3cb: {  	v36 =	vand.u32 $0x3F80, v36;
	v0 =	vld.idx.msk [tilespmem:v0+s16+$0x0], $0xffff  }
0x3cc: {  	v37 =	vadd.s32 s2, v11;
	v36 =	vor.u32 v10, v36;
	v27 =	vld.idx.msk [tilespmem:v27+s13+$0x0], $0xffff  }
0x3cd: {  	v37 =	vand.u32 $0x3F80, v37;
	v30 =	vld.idx.msk [tilespmem:v30+s16+$0x0], $0xffff  }
0x3ce: {  	v38 =	vadd.s32 s2, v15;
	v37 =	vor.u32 v12, v37;
	v26 =	vld.idx.msk [tilespmem:v26+s13+$0x0], $0xffff  }
0x3cf: {  	v38 =	vand.u32 $0x3F80, v38;
	v34 =	vld.idx.msk [tilespmem:v34+s16+$0x0], $0xffff  }
0x3d0: {  	v39 =	vadd.s32 s2, v17;
	v38 =	vor.u32 v14, v38;
	v35 =	vmul.f32 v35, v28;
	v25 =	vld.idx.msk [tilespmem:v25+s13+$0x0], $0xffff  }
0x3d1: {  	v0 =	vmul.f32 v0, v28;
	v28 =	vld.idx.msk [tilespmem:v36+s16+$0x0], $0xffff;
	v36 =	vand.u32 $0x3F80, v39;
	v39 =	vadd.s32 s2, v13;
	s2 =	smov.u32 s17  }
0x3d2: {  	v35 =	vadd.f32 $0.0e+00, v35;
	v33 =	vmul.f32 v33, v27;
	v24 =	vld.idx.msk [tilespmem:v24+s13+$0x0], $0xffff;
	v36 =	vor.u32 v16, v36  }
0x3d3: {  	v0 =	vadd.f32 $0.0e+00, v0;
	v27 =	vmul.f32 v30, v27;
	v30 =	vld.idx.msk [tilespmem:v37+s16+$0x0], $0xffff;
	v37 =	vand.u32 $0x3F80, v39  }
0x3d4: {  	v33 =	vadd.f32 v33, v35;
	v32 =	vmul.f32 v32, v26;
	v23 =	vld.idx.msk [tilespmem:v23+s13+$0x0], $0xffff;
	v35 =	vor.u32 v18, v37  }
0x3d5: {  	v0 =	vadd.f32 v27, v0;
	v26 =	vmul.f32 v34, v26;
	v27 =	vld.idx.msk [tilespmem:v38+s16+$0x0], $0xffff  }
0x3d6: {  	v32 =	vadd.f32 v32, v33;
	v31 =	vmul.f32 v31, v25;
	v21 =	vld.idx.msk [tilespmem:v21+s13+$0x0], $0xffff  }
0x3d7: {  	v0 =	vadd.f32 v26, v0;
	v25 =	vmul.f32 v28, v25;
	v26 =	vld.idx.msk [tilespmem:v36+s16+$0x0], $0xffff  }
0x3d8: {  	v28 =	vadd.f32 v31, v32;
	v29 =	vmul.f32 v29, v24;
	v31 =	vld.idx.msk [tilespmem:v4+s13+$0x0], $0xffff  }
0x3d9: {  	v0 =	vadd.f32 v25, v0;
	v4 =	vmul.f32 v30, v24;
	v24 =	vld.idx.msk [tilespmem:v35+s16+$0x0], $0xffff  }
0x3da: {  	v25 =	vadd.f32 v29, v28;
	v22 =	vmul.f32 v22, v23  }
0x3db: {  	s9 =	sadd.s32 $0x2, s9;
	v0 =	vadd.f32 v4, v0;
	v4 =	vmul.f32 v27, v23  }
0x3dc: {  	v22 =	vadd.f32 v22, v25;
	v20 =	vmul.f32 v20, v21;
	v25 =	vadd.s32 s9, v1  }
0x3dd: {  	v0 =	vadd.f32 v4, v0;
	v21 =	vmul.f32 v26, v21  }
0x3de: {  	v20 =	vadd.f32 v20, v22;
	v3 =	vmul.f32 v3, v31;
	v22 =	vadd.s32 s9, v2  }
0x3df: {  	v4 =	vor.u32 s17, v18;
	v0 =	vadd.f32 v21, v0;
	v24 =	vmul.f32 v24, v31  }
0x3e0: {  	v21 =	vor.u32 s17, v16;
	v3 =	vadd.f32 v3, v20  }
0x3e1: {  	v23 =	vor.u32 s17, v14;
	v0 =	vadd.f32 v24, v0  }
.Ltmp4:
0x3e2: {  	v24 =	vor.u32 s17, v12;
	[tilespmem:v25+s1+$0x0] =	vst.idx.msk $0xffff, v3;
	(pc) =	sbr.rel @p0 .LBB2_11-.Ltmp4, $4  }
0x3e3: {  	v25 =	vor.u32 s17, v10;
	[tilespmem:v22+s1+$0x0] =	vst.idx.msk $0xffff, v0  }
0x3e4: {  	v26 =	vor.u32 s17, v8;
	v3 =	vld.idx.msk [tilespmem:v4+s16+$0x0], $0xffff  }
0x3e5: {  	v27 =	vor.u32 s17, v6;
	v20 =	vld.idx.msk [tilespmem:v21+s16+$0x0], $0xffff  }
0x3e6: {  	v28 =	vor.u32 s2, v45;
	v29 =	vadd.s32 s2, v5;
	s17 =	sadd.s32 $0x80, s17;
	v22 =	vld.idx.msk [tilespmem:v23+s16+$0x0], $0xffff  }
0x3e7: {  	_ =	sdelay $0x3  }
0x3e8: {  	v0 =	vand.u32 $0x3F80, v29;
	v49 =	vld.idx.msk [tilespmem:v24+s16+$0x0], $0xffff  }
0x3e9: {  	v30 =	vadd.s32 s2, v7;
	v31 =	vld.idx.msk [tilespmem:v25+s16+$0x0], $0xffff;
	v0 =	vor.u32 v45, v0  }
0x3ea: {  	v32 =	vld.idx.msk [tilespmem:v26+s16+$0x0], $0xffff;
	v30 =	vand.u32 $0x3F80, v30  }
0x3eb: {  	v33 =	vld.idx.msk [tilespmem:v27+s16+$0x0], $0xffff;
	v34 =	vadd.s32 s2, v9;
	v30 =	vor.u32 v6, v30  }
0x3ec: {  	v35 =	vld.idx.msk [tilespmem:v28+s16+$0x0], $0xffff;
	v34 =	vand.u32 $0x3F80, v34  }
0x3ed: {  	v50 =	vld.idx.msk [tilespmem:v28+s13+$0x0], $0xffff;
	v36 =	vadd.s32 s2, v48;
	v34 =	vor.u32 v8, v34  }
0x3ee: {  	v36 =	vand.u32 $0x3F80, v36;
	v0 =	vld.idx.msk [tilespmem:v0+s16+$0x0], $0xffff  }
0x3ef: {  	v51 =	vld.idx.msk [tilespmem:v27+s13+$0x0], $0xffff;
	v37 =	vadd.s32 s2, v11;
	v36 =	vor.u32 v10, v36  }
0x3f0: {  	v37 =	vand.u32 $0x3F80, v37;
	v30 =	vld.idx.msk [tilespmem:v30+s16+$0x0], $0xffff  }
0x3f1: {  	v52 =	vld.idx.msk [tilespmem:v26+s13+$0x0], $0xffff;
	v38 =	vadd.s32 s2, v15;
	v37 =	vor.u32 v12, v37  }
0x3f2: {  	v39 =	vadd.s32 s2, v17;
	v38 =	vand.u32 $0x3F80, v38;
	v35 =	vmul.f32 v35, v50;
	v34 =	vld.idx.msk [tilespmem:v34+s16+$0x0], $0xffff  }
0x3f3: {  	v53 =	vld.idx.msk [tilespmem:v25+s13+$0x0], $0xffff;
	v55 =	vadd.s32 s2, v13;
	v38 =	vor.u32 v14, v38;
	v0 =	vmul.f32 v0, v50  }
0x3f4: {  	v54 =	vand.u32 $0x3F80, v39;
	v33 =	vmul.f32 v33, v51;
	v36 =	vld.idx.msk [tilespmem:v36+s16+$0x0], $0xffff;
	v35 =	vadd.f32 $0.0e+00, v35  }
0x3f5: {  	v56 =	vld.idx.msk [tilespmem:v24+s13+$0x0], $0xffff;
	v28 =	vor.u32 v16, v54;
	v27 =	vmul.f32 v30, v51;
	v0 =	vadd.f32 $0.0e+00, v0  }
0x3f6: {  	v58 =	vand.u32 $0x3F80, v55;
	v32 =	vmul.f32 v32, v52;
	v57 =	vld.idx.msk [tilespmem:v37+s16+$0x0], $0xffff;
	v33 =	vadd.f32 v33, v35  }
0x3f7: {  	v23 =	vld.idx.msk [tilespmem:v23+s13+$0x0], $0xffff;
	v59 =	vor.u32 v18, v58;
	v26 =	vmul.f32 v34, v52;
	v0 =	vadd.f32 v27, v0  }
0x3f8: {  	v31 =	vmul.f32 v31, v53;
	v60 =	vld.idx.msk [tilespmem:v38+s16+$0x0], $0xffff;
	v32 =	vadd.f32 v32, v33  }
0x3f9: {  	v21 =	vld.idx.msk [tilespmem:v21+s13+$0x0], $0xffff;
	v25 =	vmul.f32 v36, v53;
	v0 =	vadd.f32 v26, v0  }
0x3fa: {  	v29 =	vmul.f32 v49, v56;
	v61 =	vld.idx.msk [tilespmem:v28+s16+$0x0], $0xffff;
	v62 =	vadd.f32 v31, v32  }
0x3fb: {  	v4 =	vld.idx.msk [tilespmem:v4+s13+$0x0], $0xffff;
	v24 =	vmul.f32 v57, v56;
	v0 =	vadd.f32 v25, v0  }
0x3fc: {  	v22 =	vmul.f32 v22, v23;
	v63 =	vld.idx.msk [tilespmem:v59+s16+$0x0], $0xffff;
	v28 =	vadd.f32 v29, v62  }
0x3fd: {  	v23 =	vmul.f32 v60, v23;
	v0 =	vadd.f32 v24, v0  }
0x3fe: {  	s19 =	sadd.s32 $0x2, s9;
	v20 =	vmul.f32 v20, v21;
	v22 =	vadd.f32 v22, v28  }
0x3ff: {  	v1 =	vadd.s32 s19, v1;
	v21 =	vmul.f32 v61, v21;
	v0 =	vadd.f32 v23, v0  }
0x400: {  	v2 =	vadd.s32 s19, v2;
	v3 =	vmul.f32 v3, v4;
	v20 =	vadd.f32 v20, v22  }
0x401: {  	s20 =	sshll.u32 s10, $0x4;
	v4 =	vmul.f32 v63, v4;
	v0 =	vadd.f32 v21, v0  }
0x402: {  	s2 =	sadd.s32 s8, s20;
	v3 =	vadd.f32 v3, v20  }
0x403: {  	s10 =	sadd.s32 $0x1, s10;
	s2 =	smul.u32 $0xC, s2;
	v0 =	vadd.f32 v4, v0  }
0x404: {  	s21 =	rddreg [dreg:$0x1];
	p0 =	sne.s32 s10, $0x100;
	[tilespmem:v1+s1+$0x0] =	vst.idx.msk $0xffff, v3  }
.Ltmp5:
0x405: {  	s2 =	sadd.s32 s21, s2;
	[tilespmem:v2+s1+$0x0] =	vst.idx.msk $0xffff, v0;
	(pc) =	sbr.rel @p0 .LBB2_2-.Ltmp5, $4  }
0x406: {  	[hbm4b:s2+s3] =	stream.linear.scatter [tilespmem:s1], [sflag:$0x2], $0x600, $0x38;
	[tilespmem:$0xBE00] =	vst v63  }
0x407: {  	_ =	swait.ge [sflag:s11], $0x600  }
0x408: {  	[sflag:s11] =	ssyncset.done $0x0  }
0x409: {  	[sflag:s11] =	ssyncadd.s32 $0xFFFFFA00  }
0x40a: {  	s9 =	rddreg [dreg:$0x5]  }
0x40b: {  	s2 =	rddreg [dreg:$0x4];
	s9 =	sadd.s32 $0x1, s9  }
0x40c: {  	p0 =	sne.s32 s9, s2  }
.Ltmp6:
0x40d: {  	_ = 	snop;
	(pc) =	sbr.rel @p0 .LBB2_1-.Ltmp6, $1  }
0x40e: {  	_ =	sdelay $0x3  }
0x40f: {  	_ =	sfence.sel $0x180000  }
0x410: {  	[bflag:$0x0] =	sbarrier.arrive $0xFFFF  }
0x411: {  	_ =	strace $0x90000047  }
0x412: {  	s0 =	stileid.u32;
	[bflag:$0x2] =	sbarrier.arrive $0xFFFF  }
0x413: {  	p0 =	sne.s32 s0, $0x0;
	s0 =	rddreg [dreg:$0x2]  }
0x414: {  	s0 =	sadd.s32 @!p0 $0x100000, s0  }
0x415: {  	[sflag:s0] =	ssyncadd.tile.s32 @!p0 $0x1;
	_ =	shalt  }
.Lfunc_end2:
_tile_overlayer_lowered:
.L_overlay_start_2:
0x416: {  	(tag) =	ssettag $0x2  }
0x417: {  	s0 =	rddreg [dreg:$0x0];
	s2 =	stileid.u32  }
0x418: {  	s1 =	rddreg [dreg:$0x1];
	p0 =	sne.s32 s2, $0x0  }
0x419: {  	s3 =	rddreg [dreg:$0x2];
	[bflag:$0x3] =	sbarrier.arrive $0xFFFF;
	s2 =	simm.s32 @!p0 $0x1C02  }
0x41a: {  	[timem:s3], [sflag:s2] =	dma.local @!p0 [hbm:s0], s1  }
0x41b: {  	s0 =	simm.s32 @!p0 $0x2  }
0x41c: {  	_ =	swait.ge @!p0 [sflag:s0], s1  }
0x41d: {  	s1 =	ssub.s32 @!p0 $0x0, s1;
	[sflag:s0] =	ssyncset.done @!p0 $0x0  }
0x41e: {  	[sflag:s0] =	ssyncadd.s32 @!p0 s1  }
0x41f: {  	[bflag:$0x3] =	sbarrier.arrive $0xFFFF  }
0x420: {  	_ =	shalt  }

// kernel: sparse-core-data-format-call.cloned.1.call-start
scs
called_computation_lowered:
.L_overlay_start_0:
0x0: {  	s2 =	sld [smem:$0x3FD9]  }
0x1: {  	s3 =	sld [smem:$0x3FFE];
	_ =	sdelay $0x1  }
0x2: {  	s1 =	srdreg.scid  }
0x3: {  	s0 =	sand.u32 $0x1, s1  }
0x4: {  	s18 =	sshll.u32 s0, $0xA;
	s2 =	sadd.s32 s3, s2  }
0x5: {  	s2 =	sadd.s32 s2, s18  }
0x6: {  	[smem:$0x3FC3] =	sst s2  }
0x7: {  	_ = 	snop  }
0x8: {  	s2 =	sld [smem:$0x3FD0];
	(tm) =	ssettm $0x1  }
0x9: {  	s19 =	sld [smem:$0x3FFB];
	_ =	sdelay $0x3  }
0xa: {  	_ =	strace s19  }
0xb: {  	s3 =	sld [smem:$0x3FFC];
	_ =	sdelay $0x3  }
0xc: {  	_ =	strace s3  }
0xd: {  	s3 =	sld [smem:$0x3FFD];
	_ =	sdelay $0x3  }
0xe: {  	_ =	strace s3  }
0xf: {  	_ =	strace $0x8FFFFFFF  }
0x10: {  	s20 =	sld [smem:$0x3FDB];
	_ =	sdelay $0x1  }
0x11: {  	s4 =	simm.s32 $_scs_section_size  }
0x12: {  	s5 =	simm.s32 $_size__tile_overlayer_lowered;
	s6 =	simm.s32 $_tile_overlayer_lowered  }
0x13: {  	s23 =	simm.s32 $0x1BFF;
	s22 =	sshll.u32 s6, $0x1;
	s3 =	sadd.s32 s4, s20  }
0x14: {  	s7 =	simm.s32 $0x0;
	s21 =	sshll.u32 s5, $0x1;
	s5 =	sadd.s32 s22, s3  }
0x15: {  	[timem:s7], [sflag:s23] =	dma.local [hbm:s5], s21  }
0x16: {  	_ =	swait.ge [sflag:s23], s21  }
0x17: {  	s4 =	ssub.s32 $0x0, s21;
	[sflag:s23] =	ssyncset.done $0x0  }
0x18: {  	[sflag:s23] =	ssyncadd.s32 s4;
	_ =	sdelay $0x1  }
0x19: {  	s24 =	simm.s32 $0x1B8B  }
0x1a: {  	_ =	swait.ge [sflag:s24], $0x1  }
0x1b: {  	[sflag:s24] =	ssyncset.done $0x0  }
0x1c: {  	s26 =	simm.s32 $0x1B8E;
	s25 =	sld [smem:$0x3FFE];
	[sflag:s24] =	ssyncadd.s32 $0xFFFFFFFF  }
0x1d: {  	s27 =	simm.s32 $execute0_lowered;
	[smem:$0x3FD2] =	sst s26  }
0x1e: {  	s5 =	sshll.u32 s27, $0x1;
	_ =	strace $0x80000049;
	[dreg:$0x1] =	wrdreg $0xFFFFFFFF  }
0x1f: {  	s28 =	simm.s32 $_size_execute0_lowered;
	s3 =	sadd.s32 s3, s5;
	[dreg:$0x0] =	wrdreg $0x0  }
0x20: {  	s5 =	sshll.u32 s28, $0x1;
	[dreg:$0x2] =	wrdreg s3  }
0x21: {  	[dreg:$0x3] =	wrdreg s5  }
0x22: {  	[dreg:$0x4] =	wrdreg $0xC0  }
0x23: {  	_ =	task [dreg:s7], $0x5FFFF  }
0x24: {  	[dreg:$0x1] =	wrdreg $0xFFFFFFFF  }
0x25: {  	[dreg:$0x0] =	wrdreg $0x60  }
0x26: {  	[dreg:$0x2] =	wrdreg s25  }
0x27: {  	[dreg:$0x3] =	wrdreg s2  }
0x28: {  	[dreg:$0x4] =	wrdreg $0x9  }
0x29: {  	_ =	task.clear_ibuf [dreg:s7], $0x5FFFF;
	_ =	strace $0x90000049  }
0x2a: {  	s29 =	simm.s32 $0x9;
	_ =	strace $0x8000004B  }
0x2b: {  	_ =	swait.ge [sflag:s29], $0x1  }
0x2c: {  	[sflag:s29] =	ssyncadd.s32 $0xFFFFFFFF  }
0x2d: {  	_ =	strace $0x9000004B  }
0x2e: {  	_ =	sfence  }
0x2f: {  	s30 =	sld [smem:$0x0];
	_ =	sdelay $0x2  }
0x30: {  	s31 =	sshll.u32 s1, $0xD;
	s1 =	sshrl.u32 s1, $0x2  }
0x31: {  	s3 =	sand.u32 $0x4000, s31;
	s1 =	sadd.s32 s1, s30  }
0x32: {  	s0 =	sor.u32 s3, s0;
	s1 =	sshll.u32 s1, $0x11  }
0x33: {  	s0 =	sor.u32 s1, s0  }
0x34: {  	s0 =	sadd.s32 $0x8F2B, s0  }
0x35: {  	[sflag:s0] =	ssyncadd.remote.s32 $0x1  }
0x36: {  	_ =	sfence.sel $0xFFFF  }
0x37: {  	[dreg:$0x0] =	wrdreg $0xFFFFFFFF;
	(pc) =	sbr.abs _section_cstart, $3  }
0x38: {  	[dreg:$0x1] =	wrdreg $0xFFFFFFFF  }
0x39: {  	_ =	task.clear_ibuf [dreg:s7], $0x2FFFF;
	_ =	strace $0x9FFFFFFF  }
0x3a: {  	(tm) =	ssettm $0x7FFFFFFF  }
0x3b: {  	_ =	shalt  }
tec
execute0_lowered:
.L_overlay_start_1:
0x0: {  	(tag) =	ssettag $0x1  }
0x1: {  	s0 =	srdreg.scid  }
0x2: {  	s5 =	rddreg [dreg:$0x0];
	s1 =	sshll.u32 s0, $0x4  }
0x3: {  	s2 =	rddreg [dreg:$0x1];
	s0 =	stileid.u32;
	s1 =	sand.u32 $0x10, s1  }
0x4: {  	s4 =	simm.s32 $0x1;
	s8 =	simm.s32 $0x2;
	s1 =	sor.u32 s0, s1  }
0x5: {  	s12 =	simm.s32 $0x0;
	s9 =	simm.s32 $0x0;
	s3 =	sshll.u32 s1, $0x7  }
0x6: {  	s11 =	simm.s32 $0x0;
	s5 =	sadd.s32 $0xA00, s5;
	s6 =	ssub.s32 $0x20000, s3  }
.Ltmp0:
0x7: {  	s1 =	rddreg [dreg:$0x2];
	s7 =	sand.u32 $0xF80, s6;
	(pc) =	sbr.rel .LBB1_1-.Ltmp0, $4  }
0x8: {  	_ =	strace $0x8000004A;
	p0 =	sne.s32 s7, $0x0;
	s7 =	simm.s32 $0x1  }
0x9: {  	[sflag:s4] =	ssyncpa.u1 $0x0;
	s6 =	sshrl.u32 s6, $0xC;
	s7 =	simm.s32 @!p0 $0x0  }
0xa: {  	s10 =	smov.u32 s3;
	[sflag:s8] =	ssyncpa.u1 $0x0;
	s6 =	sadd.s32 s7, s6  }
0xb: {  	s8 =	simm.s32 $0x100000;
	p0 =	por $0x0, $0x0;
	s7 =	sadd.s32 $0x1, s6  }
.LBB1_4:
0xc: {  	v5 =	vld [tilespmem:s14+$0xFFFFFFD0];
	[tilespmem:s16+$0x2040 ss:$0x81] =	vst.msk $0xffff, v3  }
0xd: {  	s18 =	sshll.u32 s9, $0x3;
	v58 =	vld [tilespmem:s14+$0xFFFFFFE0];
	[tilespmem:s16+$0x2850 ss:$0x81] =	vst.msk $0xffff, v4  }
0xe: {  	s17 =	sshra.s32 s17, $0x2;
	v59 =	vld [tilespmem:s14+$0xFFFFFFF0];
	[tilespmem:s16+$0x3060 ss:$0x81] =	vst.msk $0xffff, v2;
	p1 =	sgt.s32 s9, $0x1FF80;
	s19 =	sshrl.u32 s18, $0x11  }
0xf: {  	v60 =	vld [tilespmem:s14+$0x0];
	[tilespmem:s16+$0x0 ss:$0x81] =	vst.msk $0xffff, v1;
	s27 =	sshra.s32 s9, $0x1F;
	s15 =	sadd.s32 s17, s15;
	s20 =	smul.u32 $0x2AAB, s19  }
0x10: {  	v61 =	vld [tilespmem:s14+$0x10];
	s28 =	sand.u32 $0x78, s9;
	s30 =	sand.u32 $0x7, s9;
	s17 =	smov.u32 s9;
	[tilespmem:s15+$0x3870 ss:$0x81] =	vst.msk $0xffff, v0  }
0x11: {  	v62 =	vld [tilespmem:s14+$0x20];
	s17 =	simm.s32 @!p1 $0x1FF80;
	s26 =	sshrl.u32 s20, $0x14;
	s20 =	sand.u32 s27, s9;
	[tilespmem:s15+$0x810 ss:$0x81] =	vst.msk $0xffff, v5  }
0x12: {  	v63 =	vld [tilespmem:s14+$0xFFFFFFC0];
	s18 =	sand.u32 $0x1FC00, s18;
	s16 =	smul.u32 $0x60, s26;
	s17 =	ssub.s32 s17, s20;
	[tilespmem:s15+$0x1020 ss:$0x81] =	vst.msk $0xffff, v58  }
0x13: {  	s14 =	sor.u32 s28, s18;
	s18 =	sshll.u32 s30, $0x12;
	[tilespmem:s15+$0x1830 ss:$0x81] =	vst.msk $0xffff, v59;
	s29 =	ssub.s32 $0x20000, s17  }
0x14: {  	s14 =	sshrl.u32 s14, $0x3;
	[tilespmem:s15+$0x2040 ss:$0x81] =	vst.msk $0xffff, v60;
	s16 =	ssub.s32 s19, s16;
	s19 =	smul.u32 $0x180, s29  }
0x15: {  	s14 =	sadd.s32 s2, s14;
	[tilespmem:s15+$0x2850 ss:$0x81] =	vst.msk $0xffff, v61;
	s17 =	sadd.s32 $0xFFFE0080, s17;
	s16 =	sand.u32 $0xFFFF, s16  }
0x16: {  	[tilespmem:s15+$0x3060 ss:$0x81] =	vst.msk $0xffff, v62;
	p1 =	sgt.s32 s17, $0x7F;
	s17 =	sshrl.u32 s19, $0x2;
	s16 =	sshll.u32 s16, $0xE  }
0x17: {  	s31 =	sor.u32 $0x400, s18;
	[tilespmem:s15+$0x0 ss:$0x81] =	vst.msk $0xffff, v63;
	s17 =	simm.s32 @p1 $0x0;
	s14 =	sadd.s32 s16, s14  }
0x18: {  	[hbm4b:s14+s31] =	stream.strided.scatter [tilespmem:s13], [sflag:$0x2], s17, s8, s31, $0x20;
	[tilespmem:$0x10100] =	vst v63  }
.LBB1_5:
0x19: {  	p1 =	slt.u32 s11, $0x2  }
0x1a: {  	p2 =	sgt.s32 @!p1 s12, $0x1FF80  }
0x1b: {  	s13 =	smov.u32 s12;
	s14 =	sshra.s32 @!p1 s12, $0x1F;
	p2 =	por !p2, p1  }
0x1c: {  	s12 =	sand.u32 @!p1 s14, s12;
	s13 =	simm.s32 @p2 $0x1FF80  }
0x1d: {  	s12 =	ssub.s32 @!p1 s13, s12  }
0x1e: {  	s13 =	ssub.s32 @!p1 $0x20000, s12  }
0x1f: {  	s12 =	sadd.s32 @!p1 $0xFFFE0080, s12;
	s13 =	smul.u32 @!p1 $0x180, s13  }
0x20: {  	p2 =	sgt.s32 @!p1 s12, $0x7F  }
0x21: {  	s14 =	sadd.s32 $0x1000, s10;
	p2 =	por !p2, p1;
	s12 =	sshrl.u32 @!p1 s13, $0x2  }
0x22: {  	s12 =	simm.s32 @!p2 $0x0;
	p2 =	sgt.s32 s14, $0x1FFFF  }
0x23: {  	s14 =	smov.u32 @p2 s3;
	p2 =	sne.s32 s11, s7  }
.Ltmp1:
0x24: {  	_ = 	snop;
	(pc) =	sbr.rel @!p2 .LBB1_6-.Ltmp1, $4  }
0x25: {  	s13 =	simm.s32 @!p1 $0x2  }
0x26: {  	p0 =	por !p0, !p0;
	_ =	swait.ge @!p1 [sflag:s13], s12;
	s15 =	ssub.s32 @!p1 $0x0, s12  }
0x27: {  	s12 =	smov.u32 s9;
	s11 =	sadd.s32 $0x1, s11;
	[sflag:s13] =	ssyncset.done @!p1 $0x0  }
0x28: {  	s9 =	smov.u32 s10;
	s10 =	smov.u32 s14;
	[sflag:s13] =	ssyncadd.s32 @!p1 s15  }
.LBB1_1:
0x29: {  	p1 =	sge.u32 s11, s6  }
0x2a: {  	s13 =	sxor.u32 @!p1 $0xFFFFFFFF, s11;
	s14 =	sshll.u32 @!p1 s10, $0x4  }
0x2b: {  	s31 =	sadd.s32 $0xFFFFFFFF, s11;
	s13 =	sshll.u32 @!p1 s13, $0xE;
	s14 =	sand.u32 @!p1 $0x1FFFF0, s14  }
0x2c: {  	s15 =	simm.s32 @!p1 $0x0;
	s13 =	sand.u32 @!p1 $0x4000, s13;
	s14 =	sadd.s32 @!p1 s5, s14  }
0x2d: {  	[tilespmem:s13], [sflag:$0x1] =	stream.linear.gather @!p1 [hbm4b:s14+s15], $0x4000, $0x38;
	[tilespmem:$0x10100] =	vst v63  }
0x2e: {  	p1 =	sge.u32 s31, s6  }
.Ltmp2:
0x2f: {  	_ = 	snop;
	(pc) =	sbr.rel @p1 .LBB1_5-.Ltmp2, $1  }
0x30: {  	_ =	sdelay $0x3  }
0x31: {  	s13 =	simm.s32 $0x1  }
0x32: {  	_ =	swait.ge [sflag:s4], $0x4000;
	s13 =	simm.s32 @!p0 $0x0  }
0x33: {  	[sflag:s4] =	ssyncset.done $0x0;
	s14 =	sshll.u32 s13, $0xE  }
0x34: {  	[sflag:s4] =	ssyncadd.s32 $0xFFFFC000;
	s14 =	sor.u32 $0x40, s14  }
0x35: {  	s13 =	smul.u32 $0x10200, s13;
	v0 =	vld [tilespmem:s14+$0x30]  }
0x36: {  	v1 =	vld [tilespmem:s14+$0xFFFFFFD0]  }
0x37: {  	s13 =	sshrl.u32 s13, $0x2;
	v5 =	vld [tilespmem:s14+$0xFFFFFFE0]  }
0x38: {  	v6 =	vld [tilespmem:s14+$0xFFFFFFF0];
	s15 =	sor.u32 $0x8000, s13  }
0x39: {  	s31 =	sand.u32 $0x1, s11;
	v3 =	vld [tilespmem:s14+$0x0];
	s16 =	sadd.s32 $0x0, s15  }
0x3a: {  	v4 =	vld [tilespmem:s14+$0x10];
	s13 =	smul.u32 $0x10200, s31;
	[tilespmem:s16+$0x3870 ss:$0x81] =	vst.msk $0xffff, v0  }
0x3b: {  	v2 =	vld [tilespmem:s14+$0x20];
	[tilespmem:s16+$0x810 ss:$0x81] =	vst.msk $0xffff, v1  }
0x3c: {  	s13 =	sshrl.u32 s13, $0x2;
	v1 =	vld [tilespmem:s14+$0xFFFFFFC0];
	[tilespmem:s16+$0x1020 ss:$0x81] =	vst.msk $0xffff, v5;
	s14 =	sadd.s32 $0x80, s14  }
0x3d: {  	s17 =	simm.s32 $0x4;
	s18 =	simm.s32 $0x8;
	s13 =	sor.u32 $0x8000, s13;
	[tilespmem:s16+$0x1830 ss:$0x81] =	vst.msk $0xffff, v6;
	v0 =	vld [tilespmem:s14+$0x30]  }
.LBB1_3:
0x3e: {  	p1 =	sne.s32 s18, $0x1FC;
	v5 =	vld [tilespmem:s14+$0xFFFFFFD0];
	[tilespmem:s16+$0x2040 ss:$0x81] =	vst.msk $0xffff, v3  }
0x3f: {  	v6 =	vld [tilespmem:s14+$0xFFFFFFE0];
	[tilespmem:s16+$0x2850 ss:$0x81] =	vst.msk $0xffff, v4  }
0x40: {  	s19 =	sshra.s32 s17, $0x2;
	s17 =	smov.u32 s18;
	v7 =	vld [tilespmem:s14+$0xFFFFFFF0];
	[tilespmem:s16+$0x3060 ss:$0x81] =	vst.msk $0xffff, v2  }
.Ltmp3:
0x41: {  	v3 =	vld [tilespmem:s14+$0x0];
	[tilespmem:s16+$0x0 ss:$0x81] =	vst.msk $0xffff, v1;
	s16 =	sadd.s32 s19, s15;
	(pc) =	sbr.rel @p1 .LBB1_3-.Ltmp3, $4  }
0x42: {  	v4 =	vld [tilespmem:s14+$0x10];
	[tilespmem:s16+$0x3870 ss:$0x81] =	vst.msk $0xffff, v0  }
0x43: {  	[tilespmem:s16+$0x810 ss:$0x81] =	vst.msk $0xffff, v5;
	v2 =	vld [tilespmem:s14+$0x20]  }
0x44: {  	v1 =	vld [tilespmem:s14+$0xFFFFFFC0];
	[tilespmem:s16+$0x1020 ss:$0x81] =	vst.msk $0xffff, v6;
	s14 =	sadd.s32 $0x80, s14  }
0x45: {  	s18 =	sadd.s32 $0x4, s18;
	v0 =	vld [tilespmem:s14+$0x30];
	[tilespmem:s16+$0x1830 ss:$0x81] =	vst.msk $0xffff, v7  }
.Ltmp4:
0x46: {  	_ = 	snop;
	(pc) =	sbr.rel .LBB1_4-.Ltmp4, $1  }
0x47: {  	_ =	sdelay $0x3  }
.LBB1_6:
0x48: {  	_ =	sfence.sel $0x180000  }
0x49: {  	s2 =	simm.s32 $0x1;
	[bflag:$0x0] =	sbarrier.arrive $0xFFFF  }
0x4a: {  	s31 =	simm.s32 $0x2;
	[sflag:s2] =	ssyncpa.u1 $0x1  }
0x4b: {  	[sflag:s31] =	ssyncpa.u1 $0x1  }
0x4c: {  	p0 =	sne.s32 s0, $0x0;
	_ =	strace $0x9000004A  }
0x4d: {  	s0 =	sadd.s32 @!p0 $0x100000, s1;
	[bflag:$0x2] =	sbarrier.arrive $0xFFFF  }
0x4e: {  	[sflag:s0] =	ssyncadd.tile.s32 @!p0 $0x1;
	_ =	shalt  }
.Lfunc_end1:
_tile_overlayer_lowered:
.L_overlay_start_2:
0x4f: {  	(tag) =	ssettag $0x2  }
0x50: {  	s0 =	rddreg [dreg:$0x0];
	s2 =	stileid.u32  }
0x51: {  	s1 =	rddreg [dreg:$0x1];
	p0 =	sne.s32 s2, $0x0  }
0x52: {  	s3 =	rddreg [dreg:$0x2];
	[bflag:$0x3] =	sbarrier.arrive $0xFFFF;
	s2 =	simm.s32 @!p0 $0x1C01  }
0x53: {  	[timem:s3], [sflag:s2] =	dma.local @!p0 [hbm:s0], s1  }
0x54: {  	s0 =	simm.s32 @!p0 $0x1  }
0x55: {  	_ =	swait.ge @!p0 [sflag:s0], s1  }
0x56: {  	s1 =	ssub.s32 @!p0 $0x0, s1;
	[sflag:s0] =	ssyncset.done @!p0 $0x0  }
0x57: {  	[sflag:s0] =	ssyncadd.s32 @!p0 s1  }
0x58: {  	[bflag:$0x3] =	sbarrier.arrive $0xFFFF  }
0x59: {  	_ =	shalt  }

</sc_bundles>
